<compile_context>
chip_gen: v7x
topology: tpu7x:2x2x1
jax: 0.10.2.dev20260603
libtpu: 0.0.44.dev20260713+nightly
codegen_flags: <defaults>
</compile_context>

<pallas_src>
import functools

import jax
import jax.numpy as jnp
from jax import lax
from jax.experimental import pallas as pl
from jax.experimental.pallas import tpu as pltpu
from jax.experimental.pallas import tpu_sc as plsc

N_NODES = 10000
D_IN = 128
H1 = 8
C1 = 8
D_H = H1 * C1
D_OUT = 128
NC = 2
NS = 16
L = 16
NW = NC * NS
R = 10048
KE = 128
W_SRC1 = 80
W_DST = 16
W_ACC1 = 80
W_SRC2 = 80
W_ACC2 = 80
_EPS = 1e-16


def _vperm(x, idx):
    dn = lax.GatherDimensionNumbers(
        offset_dims=(), collapsed_slice_dims=(0,), start_index_map=(0,))
    return lax.gather(x, idx[:, None], dn, (1,),
                      mode=lax.GatherScatterMode.PROMISE_IN_BOUNDS)


def _edge_body(layer, n_chunks, st_hbm, dt_hbm, si_hbm, di_hbm, z_hbm, parts,
               si_all, di_all, srows0, drows0, srows1, drows1,
               srows2, drows2, msg, accum, sem0, sem1, sem2):
    c = lax.axis_index("c")
    s = lax.axis_index("s")
    wid = s * NC + c
    rpt = R // NS
    r0 = s * rpt
    pltpu.sync_copy(z_hbm.at[pl.ds(r0, rpt)], accum.at[pl.ds(r0, rpt)])
    pltpu.sync_copy(si_hbm.at[wid], si_all)
    pltpu.sync_copy(di_hbm.at[wid], di_all)
    plsc.subcore_barrier()
    iota = lax.iota(jnp.int32, L)
    bufs = ((srows0, drows0, sem0), (srows1, drows1, sem1),
            (srows2, drows2, sem2))

    def fetch(it, b):
        sr, dr, sem = bufs[b]
        pltpu.async_copy(st_hbm.at[si_all.at[it]], sr, sem)
        pltpu.async_copy(dt_hbm.at[di_all.at[it]], dr, sem)

    def process(it, b):
        sr, dr, sem = bufs[b]
        pltpu.make_async_copy(st_hbm.at[si_all.at[it]], sr, sem).wait()
        pltpu.make_async_copy(dt_hbm.at[di_all.at[it]], dr, sem).wait()

        def one_edge(i):
            dv = dr[i, :]
            av = sr[i, pl.ds(D_H, L)]
            z = av + dv
            w = jnp.exp(jnp.maximum(z, 0.2 * z))
            if layer == 1:
                wb = _vperm(w, iota & 7)
            else:
                wb = _vperm(w, iota & 0)
            for v in range(4):
                msg[i, pl.ds(v * L, L)] = wb * sr[i, pl.ds(v * L, L)]
            msg[i, pl.ds(D_H, L)] = w

        def edge(i, ecarry):
            for u in range(4):
                one_edge(4 * i + u)
            return ecarry

        lax.fori_loop(0, KE // 4, edge, 0)
        pltpu.sync_copy(msg, accum.at[di_all.at[it]], add=True)

    fetch(0, 0)
    fetch(1, 1)

    def group(g, carry):
        it0 = 3 * g
        for b in range(3):
            nxt = it0 + b + 2

            @pl.when(nxt < n_chunks)
            def _():
                fetch(nxt, (b + 2) % 3)

            process(it0 + b, b)
        return carry

    lax.fori_loop(0, n_chunks // 3, group, 0)
    plsc.subcore_barrier()
    pltpu.sync_copy(accum.at[pl.ds(r0, rpt)], parts.at[c, pl.ds(r0, rpt)])


def _make_edge_kernel(layer, n_chunks, w_src, w_acc):
    mesh = plsc.VectorSubcoreMesh(core_axis_name="c", subcore_axis_name="s",
                                  num_cores=NC, num_subcores=NS)
    scratch = [
        pltpu.VMEM((n_chunks, KE), jnp.int32),
        pltpu.VMEM((n_chunks, KE), jnp.int32),
        pltpu.VMEM((KE, w_src), jnp.float32),
        pltpu.VMEM((KE, W_DST), jnp.float32),
        pltpu.VMEM((KE, w_src), jnp.float32),
        pltpu.VMEM((KE, W_DST), jnp.float32),
        pltpu.VMEM((KE, w_src), jnp.float32),
        pltpu.VMEM((KE, W_DST), jnp.float32),
        pltpu.VMEM((KE, w_acc), jnp.float32),
        pltpu.VMEM_SHARED((R, w_acc), jnp.float32),
        pltpu.SemaphoreType.DMA,
        pltpu.SemaphoreType.DMA,
        pltpu.SemaphoreType.DMA,
    ]
    return pl.kernel(
        functools.partial(_edge_body, layer, n_chunks),
        out_type=jax.ShapeDtypeStruct((NC, R, w_acc), jnp.float32),
        mesh=mesh,
        scratch_types=scratch,
        compiler_params=pltpu.CompilerParams(use_tc_tiling_on_sc=False),
    )


def _prep1(x_ref, ws_ref, wd_ref, st_ref, dt_ref):
    xv = x_ref[...]
    st_ref[...] = jnp.dot(xv, ws_ref[...], preferred_element_type=jnp.float32)
    dt_ref[...] = jnp.dot(xv, wd_ref[...], preferred_element_type=jnp.float32)


def _prep2(p_ref, b1_ref, bsel_ref, ws_ref, wd_ref, st_ref, dt_ref):
    acc = p_ref[0] + p_ref[1]
    den = jnp.dot(acc[:, D_H:], bsel_ref[...],
                  preferred_element_type=jnp.float32)
    h = jnp.maximum(acc[:, :D_H] / (den + _EPS) + b1_ref[...], 0.0)
    st_ref[...] = jnp.dot(h, ws_ref[...], preferred_element_type=jnp.float32)
    dt_ref[...] = jnp.dot(h, wd_ref[...], preferred_element_type=jnp.float32)


def _fin(p_ref, b2_ref, bsel_ref, w2_ref, o_ref):
    acc = p_ref[0] + p_ref[1]
    den = jnp.dot(acc[:, D_H:], bsel_ref[...],
                  preferred_element_type=jnp.float32)
    h = acc[:, :D_H] / (den + _EPS)
    o_ref[...] = jnp.dot(h, w2_ref[...],
                         preferred_element_type=jnp.float32) + b2_ref[...]


@jax.jit
def kernel(x, edge_index, W1, att_src1, att_dst1, b1, W2, att_src2, att_dst2,
           b2):
    e = edge_index.shape[1]
    e_tot = e + N_NODES
    n_chunks = -(-e_tot // (NW * KE))
    n_chunks += (-n_chunks) % 3
    ep = NW * KE * n_chunks

    loop = jnp.arange(N_NODES, dtype=jnp.int32)
    pad_ids = jnp.full((ep - e_tot,), N_NODES, jnp.int32)
    src_p = jnp.concatenate(
        [edge_index[0].astype(jnp.int32), loop, pad_ids]
    ).reshape(NW, n_chunks, KE)
    dst_p = jnp.concatenate(
        [edge_index[1].astype(jnp.int32), loop, pad_ids]
    ).reshape(NW, n_chunks, KE)
    x_p = jnp.pad(x, ((0, R - N_NODES), (0, 0)))

    eye = jnp.eye(H1, dtype=jnp.float32)
    ms = (att_src1[:, :, None] * eye[:, None, :]).reshape(D_H, H1)
    md = (att_dst1[:, :, None] * eye[:, None, :]).reshape(D_H, H1)
    w1p = W1.reshape(D_IN, H1, C1).transpose(0, 2, 1).reshape(D_IN, D_H)
    b1p = b1.reshape(H1, C1).T.reshape(D_H)
    w2p = W2.reshape(H1, C1, D_OUT).transpose(1, 0, 2).reshape(D_H, D_OUT)
    w1s = jnp.concatenate(
        [w1p, W1 @ ms, jnp.zeros((D_IN, W_SRC1 - D_H - H1), jnp.float32)], 1)
    w1d = jnp.concatenate(
        [W1 @ md, jnp.zeros((D_IN, W_DST - H1), jnp.float32)], 1)
    w2s = jnp.concatenate(
        [jnp.eye(D_H, dtype=jnp.float32), w2p @ att_src2.reshape(D_OUT, 1),
         jnp.zeros((D_H, W_SRC2 - D_H - 1), jnp.float32)], 1)
    w2d = jnp.concatenate(
        [w2p @ att_dst2.reshape(D_OUT, 1),
         jnp.zeros((D_H, W_DST - 1), jnp.float32)], 1)
    bsel1 = jnp.concatenate(
        [jnp.tile(eye, (1, C1)),
         jnp.zeros((W_ACC1 - D_H - H1, D_H), jnp.float32)], 0)
    bsel2 = jnp.zeros((W_ACC2 - D_H, D_H), jnp.float32).at[0, :].set(1.0)

    st1, dt1 = pl.pallas_call(
        _prep1,
        out_shape=(jax.ShapeDtypeStruct((R, W_SRC1), jnp.float32),
                   jax.ShapeDtypeStruct((R, W_DST), jnp.float32)),
    )(x_p, w1s, w1d)

    z1 = jnp.zeros((R, W_ACC1), jnp.float32)
    parts1 = _make_edge_kernel(1, n_chunks, W_SRC1, W_ACC1)(
        st1, dt1, src_p, dst_p, z1)

    st2, dt2 = pl.pallas_call(
        _prep2,
        out_shape=(jax.ShapeDtypeStruct((R, W_SRC2), jnp.float32),
                   jax.ShapeDtypeStruct((R, W_DST), jnp.float32)),
    )(parts1, b1p.reshape(1, D_H), bsel1, w2s, w2d)

    z2 = jnp.zeros((R, W_ACC2), jnp.float32)
    parts2 = _make_edge_kernel(2, n_chunks, W_SRC2, W_ACC2)(
        st2, dt2, src_p, dst_p, z2)

    out = pl.pallas_call(
        _fin,
        out_shape=jax.ShapeDtypeStruct((R, D_OUT), jnp.float32),
    )(parts2, b2.reshape(1, D_OUT), bsel2, w2p)
    return out[:N_NODES]

# --- scband reference (transcript-rebuilt; emitter-appended) ---
"""Pipeline reference for scband-gat-27925877358910 (READ-ONLY COPY).

The authoritative reference and input builder live on the scoring server;
editing this copy changes nothing except your own understanding.
"""

import jax, jax.numpy as jnp
import numpy as np

N = 10000
E = 320000
D_IN = 128
H1 = 8
C1 = 8
D_OUT = 128


def _gat_layer(x, W, att_src, att_dst, b, src, dst, heads, out_c, concat):
    n = x.shape[0]
    h = (x @ W).reshape(n, heads, out_c)
    a_src = jnp.sum(h * att_src, axis=-1)
    a_dst = jnp.sum(h * att_dst, axis=-1)
    e = jax.nn.leaky_relu(a_src[src] + a_dst[dst], 0.2)
    e_max = jax.ops.segment_max(e, dst, num_segments=n)
    e_max = jnp.where(jnp.isfinite(e_max), e_max, 0.0)
    ex = jnp.exp(e - e_max[dst])
    denom = jax.ops.segment_sum(ex, dst, num_segments=n)
    alpha = ex / (denom[dst] + 1e-16)
    msg = h[src] * alpha[:, :, None]
    out = jax.ops.segment_sum(msg, dst, num_segments=n)
    if concat:
        out = out.reshape(n, heads * out_c)
    else:
        out = jnp.mean(out, axis=1)
    return out + b


def setup_inputs(seed: int = 0):
    key = jax.random.key(seed)
    ks = jax.random.split(key, 10)
    x = jax.random.normal(ks[0], (N, D_IN), dtype=jnp.float32)
    edge_index = jax.random.randint(ks[1], (2, E), 0, N, dtype=jnp.int32)
    g1 = (2.0 / (D_IN + H1 * C1)) ** 0.5
    W1 = jax.random.normal(ks[2], (D_IN, H1 * C1), dtype=jnp.float32) * g1
    att_src1 = jax.random.normal(ks[3], (H1, C1), dtype=jnp.float32) * 0.1
    att_dst1 = jax.random.normal(ks[4], (H1, C1), dtype=jnp.float32) * 0.1
    b1 = jnp.zeros((H1 * C1,), dtype=jnp.float32)
    g2 = (2.0 / (H1 * C1 + D_OUT)) ** 0.5
    W2 = jax.random.normal(ks[5], (H1 * C1, D_OUT), dtype=jnp.float32) * g2
    att_src2 = jax.random.normal(ks[6], (1, D_OUT), dtype=jnp.float32) * 0.1
    att_dst2 = jax.random.normal(ks[7], (1, D_OUT), dtype=jnp.float32) * 0.1
    b2 = jnp.zeros((D_OUT,), dtype=jnp.float32)
    return {"x": x, "edge_index": edge_index, "W1": W1, "att_src1": att_src1, "att_dst1": att_dst1, "b1": b1, "W2": W2, "att_src2": att_src2, "att_dst2": att_dst2, "b2": b2}


def reference(x, edge_index, W1, att_src1, att_dst1, b1, W2, att_src2, att_dst2, b2):
    n = x.shape[0]
    loop = jnp.arange(n, dtype=edge_index.dtype)
    src = jnp.concatenate([edge_index[0], loop])
    dst = jnp.concatenate([edge_index[1], loop])
    h = _gat_layer(x, W1, att_src1, att_dst1, b1, src, dst, H1, C1, True)
    h = jax.nn.relu(h)
    # dropout p=0.6 is identity in eval mode
    out = _gat_layer(h, W2, att_src2, att_dst2, b2, src, dst, 1, D_OUT, False)
    return out

if __name__ == "__main__":
    import jax
    _d = setup_inputs()
    print(jax.jit(kernel)(*tuple(_d.values())))

</pallas_src>

<mosaic_0001>
#map = affine_map<(d0, d1) -> (0, 0)>
#map1 = affine_map<(d0, d1) -> (0, 0, 0)>
module attributes {stable_mosaic.version = 14 : i64} {
  func.func @_edge_body(%arg0: i32, %arg1: i32, %arg2: memref<10048x80xf32, #tpu.memory_space<hbm>>, %arg3: memref<10048x16xf32, #tpu.memory_space<hbm>>, %arg4: memref<32x81x128xi32, #tpu.memory_space<hbm>>, %arg5: memref<32x81x128xi32, #tpu.memory_space<hbm>>, %arg6: memref<10048x80xf32, #tpu.memory_space<hbm>>, %arg7: memref<2x10048x80xf32, #tpu.memory_space<hbm>>, %arg8: memref<81x128xi32, #tpu.memory_space<vmem>>, %arg9: memref<81x128xi32, #tpu.memory_space<vmem>>, %arg10: memref<128x80xf32, #tpu.memory_space<vmem>>, %arg11: memref<128x16xf32, #tpu.memory_space<vmem>>, %arg12: memref<128x80xf32, #tpu.memory_space<vmem>>, %arg13: memref<128x16xf32, #tpu.memory_space<vmem>>, %arg14: memref<128x80xf32, #tpu.memory_space<vmem>>, %arg15: memref<128x16xf32, #tpu.memory_space<vmem>>, %arg16: memref<128x80xf32, #tpu.memory_space<vmem>>, %arg17: memref<10048x80xf32, #tpu.memory_space<vmem_shared>>, %arg18: memref<!tpu.dma_semaphore, #tpu.memory_space<semaphore_mem>>, %arg19: memref<!tpu.dma_semaphore, #tpu.memory_space<semaphore_mem>>, %arg20: memref<!tpu.dma_semaphore, #tpu.memory_space<semaphore_mem>>) attributes {dimension_semantics = [#tpu.dimension_semantics<core_parallel>, #tpu.dimension_semantics<subcore_parallel>], iteration_bounds = array<i64: 2, 16>, scalar_prefetch = 0 : i64, scratch_operands = 13 : i64, tpu.core_type = #tpu.core_type<sc_vector_subcore>, window_params = [{transform_indices = #map}, {transform_indices = #map}, {transform_indices = #map1}, {transform_indices = #map1}, {transform_indices = #map}, {transform_indices = #map1}]} {
    %mul3A = arith.constant 2 : i32
    %mul3A_0 = arith.muli %arg1, %mul3A : i32
    %add3A = arith.addi %mul3A_0, %arg0 : i32
    %mul3A_1 = arith.constant 628 : i32
    %mul3A_2 = arith.muli %arg1, %mul3A_1 : i32
    "tpu.region"() ({
      %run_scoped3A = tpu.sem_alloc : memref<!tpu.dma_semaphore, #tpu.memory_space<semaphore_mem>>
      %dma_start3A_36 = arith.constant 0 : i32
      %dma_start3A_37 = tpu.memref_slice %arg17[%mul3A_2, %dma_start3A_36] : memref<10048x80xf32, #tpu.memory_space<vmem_shared>> -> memref<628x80xf32, #tpu.memory_space<vmem_shared>>
      %dma_start3A_38 = arith.constant 0 : i32
      %dma_start3A_39 = tpu.memref_slice %arg6[%mul3A_2, %dma_start3A_38] : memref<10048x80xf32, #tpu.memory_space<hbm>> -> memref<628x80xf32, #tpu.memory_space<hbm>>
      tpu.enqueue_dma source(%dma_start3A_39 : memref<628x80xf32, #tpu.memory_space<hbm>>) target(%dma_start3A_37 : memref<628x80xf32, #tpu.memory_space<vmem_shared>>) target_semaphore(%run_scoped3A : memref<!tpu.dma_semaphore, #tpu.memory_space<semaphore_mem>>)
      %dma_wait3A = arith.constant 0 : i32
      %dma_wait3A_40 = tpu.memref_slice %arg17[%mul3A_2, %dma_wait3A] : memref<10048x80xf32, #tpu.memory_space<vmem_shared>> -> memref<628x80xf32, #tpu.memory_space<vmem_shared>>
      %dma_wait3A_41 = arith.constant 0 : i32
      %dma_wait3A_42 = tpu.memref_slice %arg6[%mul3A_2, %dma_wait3A_41] : memref<10048x80xf32, #tpu.memory_space<hbm>> -> memref<628x80xf32, #tpu.memory_space<hbm>>
      tpu.wait_dma2 semaphore(%run_scoped3A : memref<!tpu.dma_semaphore, #tpu.memory_space<semaphore_mem>>) src(%dma_wait3A_42 : memref<628x80xf32, #tpu.memory_space<hbm>>) dst(%dma_wait3A_40 : memref<628x80xf32, #tpu.memory_space<vmem_shared>>)
      tpu.yield
    }) : () -> ()
    "tpu.region"() ({
      %run_scoped3A = tpu.sem_alloc : memref<!tpu.dma_semaphore, #tpu.memory_space<semaphore_mem>>
      %dma_start3A_36 = arith.constant 0 : i32
      %dma_start3A_37 = arith.constant 0 : i32
      %dma_start3A_38 = tpu.memref_slice %arg4[%add3A, %dma_start3A_36, %dma_start3A_37] : memref<32x81x128xi32, #tpu.memory_space<hbm>> -> memref<1x81x128xi32, #tpu.memory_space<hbm>>
      %dma_start3A_39 = tpu.memref_squeeze %dma_start3A_38 : memref<1x81x128xi32, #tpu.memory_space<hbm>> -> memref<81x128xi32, #tpu.memory_space<hbm>>
      %dma_start3A_40 = arith.constant 0 : i32
      %dma_start3A_41 = arith.constant 0 : i32
      %dma_start3A_42 = tpu.memref_slice %arg4[%add3A, %dma_start3A_40, %dma_start3A_41] : memref<32x81x128xi32, #tpu.memory_space<hbm>> -> memref<1x81x128xi32, #tpu.memory_space<hbm>>
      %dma_start3A_43 = tpu.memref_squeeze %dma_start3A_42 : memref<1x81x128xi32, #tpu.memory_space<hbm>> -> memref<81x128xi32, #tpu.memory_space<hbm>>
      tpu.enqueue_dma source(%dma_start3A_43 : memref<81x128xi32, #tpu.memory_space<hbm>>) target(%arg8 : memref<81x128xi32, #tpu.memory_space<vmem>>) target_semaphore(%run_scoped3A : memref<!tpu.dma_semaphore, #tpu.memory_space<semaphore_mem>>)
      %dma_wait3A = arith.constant 0 : i32
      %dma_wait3A_44 = arith.constant 0 : i32
      %dma_wait3A_45 = tpu.memref_slice %arg4[%add3A, %dma_wait3A, %dma_wait3A_44] : memref<32x81x128xi32, #tpu.memory_space<hbm>> -> memref<1x81x128xi32, #tpu.memory_space<hbm>>
      %dma_wait3A_46 = tpu.memref_squeeze %dma_wait3A_45 : memref<1x81x128xi32, #tpu.memory_space<hbm>> -> memref<81x128xi32, #tpu.memory_space<hbm>>
      %dma_wait3A_47 = arith.constant 0 : i32
      %dma_wait3A_48 = arith.constant 0 : i32
      %dma_wait3A_49 = tpu.memref_slice %arg4[%add3A, %dma_wait3A_47, %dma_wait3A_48] : memref<32x81x128xi32, #tpu.memory_space<hbm>> -> memref<1x81x128xi32, #tpu.memory_space<hbm>>
      %dma_wait3A_50 = tpu.memref_squeeze %dma_wait3A_49 : memref<1x81x128xi32, #tpu.memory_space<hbm>> -> memref<81x128xi32, #tpu.memory_space<hbm>>
      tpu.wait_dma2 semaphore(%run_scoped3A : memref<!tpu.dma_semaphore, #tpu.memory_space<semaphore_mem>>) src(%dma_wait3A_50 : memref<81x128xi32, #tpu.memory_space<hbm>>) dst(%arg8 : memref<81x128xi32, #tpu.memory_space<vmem>>)
      tpu.yield
    }) : () -> ()
    "tpu.region"() ({
      %run_scoped3A = tpu.sem_alloc : memref<!tpu.dma_semaphore, #tpu.memory_space<semaphore_mem>>
      %dma_start3A_36 = arith.constant 0 : i32
      %dma_start3A_37 = arith.constant 0 : i32
      %dma_start3A_38 = tpu.memref_slice %arg5[%add3A, %dma_start3A_36, %dma_start3A_37] : memref<32x81x128xi32, #tpu.memory_space<hbm>> -> memref<1x81x128xi32, #tpu.memory_space<hbm>>
      %dma_start3A_39 = tpu.memref_squeeze %dma_start3A_38 : memref<1x81x128xi32, #tpu.memory_space<hbm>> -> memref<81x128xi32, #tpu.memory_space<hbm>>
      %dma_start3A_40 = arith.constant 0 : i32
      %dma_start3A_41 = arith.constant 0 : i32
      %dma_start3A_42 = tpu.memref_slice %arg5[%add3A, %dma_start3A_40, %dma_start3A_41] : memref<32x81x128xi32, #tpu.memory_space<hbm>> -> memref<1x81x128xi32, #tpu.memory_space<hbm>>
      %dma_start3A_43 = tpu.memref_squeeze %dma_start3A_42 : memref<1x81x128xi32, #tpu.memory_space<hbm>> -> memref<81x128xi32, #tpu.memory_space<hbm>>
      tpu.enqueue_dma source(%dma_start3A_43 : memref<81x128xi32, #tpu.memory_space<hbm>>) target(%arg9 : memref<81x128xi32, #tpu.memory_space<vmem>>) target_semaphore(%run_scoped3A : memref<!tpu.dma_semaphore, #tpu.memory_space<semaphore_mem>>)
      %dma_wait3A = arith.constant 0 : i32
      %dma_wait3A_44 = arith.constant 0 : i32
      %dma_wait3A_45 = tpu.memref_slice %arg5[%add3A, %dma_wait3A, %dma_wait3A_44] : memref<32x81x128xi32, #tpu.memory_space<hbm>> -> memref<1x81x128xi32, #tpu.memory_space<hbm>>
      %dma_wait3A_46 = tpu.memref_squeeze %dma_wait3A_45 : memref<1x81x128xi32, #tpu.memory_space<hbm>> -> memref<81x128xi32, #tpu.memory_space<hbm>>
      %dma_wait3A_47 = arith.constant 0 : i32
      %dma_wait3A_48 = arith.constant 0 : i32
      %dma_wait3A_49 = tpu.memref_slice %arg5[%add3A, %dma_wait3A_47, %dma_wait3A_48] : memref<32x81x128xi32, #tpu.memory_space<hbm>> -> memref<1x81x128xi32, #tpu.memory_space<hbm>>
      %dma_wait3A_50 = tpu.memref_squeeze %dma_wait3A_49 : memref<1x81x128xi32, #tpu.memory_space<hbm>> -> memref<81x128xi32, #tpu.memory_space<hbm>>
      tpu.wait_dma2 semaphore(%run_scoped3A : memref<!tpu.dma_semaphore, #tpu.memory_space<semaphore_mem>>) src(%dma_wait3A_50 : memref<81x128xi32, #tpu.memory_space<hbm>>) dst(%arg9 : memref<81x128xi32, #tpu.memory_space<vmem>>)
      tpu.yield
    }) : () -> ()
    %barrier3A = arith.constant 0 : index
    tpu.barrier barrier_id(%barrier3A)
    %iota3A = tpu.iota {dimensions = array<i32: 0>} : vector<16xi32>
    %dma_start3A = arith.constant 0 : i32
    %dma_start3A_3 = arith.constant 0 : i32
    %dma_start3A_4 = tpu.memref_slice %arg8[%dma_start3A, %dma_start3A_3] : memref<81x128xi32, #tpu.memory_space<vmem>> -> memref<1x128xi32, #tpu.memory_space<vmem>>
    %dma_start3A_5 = tpu.memref_squeeze %dma_start3A_4 : memref<1x128xi32, #tpu.memory_space<vmem>> -> memref<128xi32, #tpu.memory_space<vmem>>
    %dma_start3A_6 = arith.constant 0 : i32
    %dma_start3A_7 = arith.constant 0 : i32
    %dma_start3A_8 = tpu.memref_slice %arg2[%dma_start3A_6, %dma_start3A_7] : memref<10048x80xf32, #tpu.memory_space<hbm>> -> memref<10048x80xf32, #tpu.memory_space<hbm>>
    tpu.enqueue_indirect_dma source(%dma_start3A_8 : memref<10048x80xf32, #tpu.memory_space<hbm>>) target(%arg10 : memref<128x80xf32, #tpu.memory_space<vmem>>) offsets(%dma_start3A_5 : memref<128xi32, #tpu.memory_space<vmem>>) semaphore(%arg18 : memref<!tpu.dma_semaphore, #tpu.memory_space<semaphore_mem>>)
    %dma_start3A_9 = arith.constant 0 : i32
    %dma_start3A_10 = arith.constant 0 : i32
    %dma_start3A_11 = tpu.memref_slice %arg9[%dma_start3A_9, %dma_start3A_10] : memref<81x128xi32, #tpu.memory_space<vmem>> -> memref<1x128xi32, #tpu.memory_space<vmem>>
    %dma_start3A_12 = tpu.memref_squeeze %dma_start3A_11 : memref<1x128xi32, #tpu.memory_space<vmem>> -> memref<128xi32, #tpu.memory_space<vmem>>
    %dma_start3A_13 = arith.constant 0 : i32
    %dma_start3A_14 = arith.constant 0 : i32
    %dma_start3A_15 = tpu.memref_slice %arg3[%dma_start3A_13, %dma_start3A_14] : memref<10048x16xf32, #tpu.memory_space<hbm>> -> memref<10048x16xf32, #tpu.memory_space<hbm>>
    tpu.enqueue_indirect_dma source(%dma_start3A_15 : memref<10048x16xf32, #tpu.memory_space<hbm>>) target(%arg11 : memref<128x16xf32, #tpu.memory_space<vmem>>) offsets(%dma_start3A_12 : memref<128xi32, #tpu.memory_space<vmem>>) semaphore(%arg18 : memref<!tpu.dma_semaphore, #tpu.memory_space<semaphore_mem>>)
    %dma_start3A_16 = arith.constant 1 : i32
    %dma_start3A_17 = arith.constant 0 : i32
    %dma_start3A_18 = tpu.memref_slice %arg8[%dma_start3A_16, %dma_start3A_17] : memref<81x128xi32, #tpu.memory_space<vmem>> -> memref<1x128xi32, #tpu.memory_space<vmem>>
    %dma_start3A_19 = tpu.memref_squeeze %dma_start3A_18 : memref<1x128xi32, #tpu.memory_space<vmem>> -> memref<128xi32, #tpu.memory_space<vmem>>
    %dma_start3A_20 = arith.constant 0 : i32
    %dma_start3A_21 = arith.constant 0 : i32
    %dma_start3A_22 = tpu.memref_slice %arg2[%dma_start3A_20, %dma_start3A_21] : memref<10048x80xf32, #tpu.memory_space<hbm>> -> memref<10048x80xf32, #tpu.memory_space<hbm>>
    tpu.enqueue_indirect_dma source(%dma_start3A_22 : memref<10048x80xf32, #tpu.memory_space<hbm>>) target(%arg12 : memref<128x80xf32, #tpu.memory_space<vmem>>) offsets(%dma_start3A_19 : memref<128xi32, #tpu.memory_space<vmem>>) semaphore(%arg19 : memref<!tpu.dma_semaphore, #tpu.memory_space<semaphore_mem>>)
    %dma_start3A_23 = arith.constant 1 : i32
    %dma_start3A_24 = arith.constant 0 : i32
    %dma_start3A_25 = tpu.memref_slice %arg9[%dma_start3A_23, %dma_start3A_24] : memref<81x128xi32, #tpu.memory_space<vmem>> -> memref<1x128xi32, #tpu.memory_space<vmem>>
    %dma_start3A_26 = tpu.memref_squeeze %dma_start3A_25 : memref<1x128xi32, #tpu.memory_space<vmem>> -> memref<128xi32, #tpu.memory_space<vmem>>
    %dma_start3A_27 = arith.constant 0 : i32
    %dma_start3A_28 = arith.constant 0 : i32
    %dma_start3A_29 = tpu.memref_slice %arg3[%dma_start3A_27, %dma_start3A_28] : memref<10048x16xf32, #tpu.memory_space<hbm>> -> memref<10048x16xf32, #tpu.memory_space<hbm>>
    tpu.enqueue_indirect_dma source(%dma_start3A_29 : memref<10048x16xf32, #tpu.memory_space<hbm>>) target(%arg13 : memref<128x16xf32, #tpu.memory_space<vmem>>) offsets(%dma_start3A_26 : memref<128xi32, #tpu.memory_space<vmem>>) semaphore(%arg19 : memref<!tpu.dma_semaphore, #tpu.memory_space<semaphore_mem>>)
    %scan3A = arith.constant 0 : i32
    %scan3A_30 = arith.constant 0 : i32
    %scan3A_31 = arith.constant 27 : i32
    %scan3A_32 = arith.addi %scan3A_30, %scan3A_31 : i32
    %scan3A_33 = arith.constant 1 : i32
    scf.for %scan3A_36 = %scan3A_30 to %scan3A_32 step %scan3A_33  : i32 {
      %mul3A_37 = arith.constant 3 : i32
      %mul3A_38 = arith.muli %mul3A_37, %scan3A_36 : i32
      %add3A_39 = arith.constant 0 : i32
      %add3A_40 = arith.addi %mul3A_38, %add3A_39 : i32
      %add3A_41 = arith.constant 2 : i32
      %add3A_42 = arith.addi %add3A_40, %add3A_41 : i32
      %lt3A = arith.constant 81 : i32
      %lt3A_43 = arith.cmpi slt, %add3A_42, %lt3A : i32
      %convert_element_type3A = arith.extui %lt3A_43 : i1 to i32
      %cond3A = arith.constant 0 : i32
      %cond3A_44 = arith.cmpi ne, %convert_element_type3A, %cond3A : i32
      scf.if %cond3A_44 {
        %dma_start3A_122 = arith.constant 0 : i32
        %dma_start3A_123 = tpu.memref_slice %arg8[%add3A_42, %dma_start3A_122] : memref<81x128xi32, #tpu.memory_space<vmem>> -> memref<1x128xi32, #tpu.memory_space<vmem>>
        %dma_start3A_124 = tpu.memref_squeeze %dma_start3A_123 : memref<1x128xi32, #tpu.memory_space<vmem>> -> memref<128xi32, #tpu.memory_space<vmem>>
        %dma_start3A_125 = arith.constant 0 : i32
        %dma_start3A_126 = arith.constant 0 : i32
        %dma_start3A_127 = tpu.memref_slice %arg2[%dma_start3A_125, %dma_start3A_126] : memref<10048x80xf32, #tpu.memory_space<hbm>> -> memref<10048x80xf32, #tpu.memory_space<hbm>>
        tpu.enqueue_indirect_dma source(%dma_start3A_127 : memref<10048x80xf32, #tpu.memory_space<hbm>>) target(%arg14 : memref<128x80xf32, #tpu.memory_space<vmem>>) offsets(%dma_start3A_124 : memref<128xi32, #tpu.memory_space<vmem>>) semaphore(%arg20 : memref<!tpu.dma_semaphore, #tpu.memory_space<semaphore_mem>>)
        %dma_start3A_128 = arith.constant 0 : i32
        %dma_start3A_129 = tpu.memref_slice %arg9[%add3A_42, %dma_start3A_128] : memref<81x128xi32, #tpu.memory_space<vmem>> -> memref<1x128xi32, #tpu.memory_space<vmem>>
        %dma_start3A_130 = tpu.memref_squeeze %dma_start3A_129 : memref<1x128xi32, #tpu.memory_space<vmem>> -> memref<128xi32, #tpu.memory_space<vmem>>
        %dma_start3A_131 = arith.constant 0 : i32
        %dma_start3A_132 = arith.constant 0 : i32
        %dma_start3A_133 = tpu.memref_slice %arg3[%dma_start3A_131, %dma_start3A_132] : memref<10048x16xf32, #tpu.memory_space<hbm>> -> memref<10048x16xf32, #tpu.memory_space<hbm>>
        tpu.enqueue_indirect_dma source(%dma_start3A_133 : memref<10048x16xf32, #tpu.memory_space<hbm>>) target(%arg15 : memref<128x16xf32, #tpu.memory_space<vmem>>) offsets(%dma_start3A_130 : memref<128xi32, #tpu.memory_space<vmem>>) semaphore(%arg20 : memref<!tpu.dma_semaphore, #tpu.memory_space<semaphore_mem>>)
      } else {
      }
      %add3A_45 = arith.constant 0 : i32
      %add3A_46 = arith.addi %mul3A_38, %add3A_45 : i32
      %dma_wait3A = arith.constant 0 : i32
      %dma_wait3A_47 = tpu.memref_slice %arg8[%add3A_46, %dma_wait3A] : memref<81x128xi32, #tpu.memory_space<vmem>> -> memref<1x128xi32, #tpu.memory_space<vmem>>
      %dma_wait3A_48 = tpu.memref_squeeze %dma_wait3A_47 : memref<1x128xi32, #tpu.memory_space<vmem>> -> memref<128xi32, #tpu.memory_space<vmem>>
      %dma_wait3A_49 = arith.constant 0 : i32
      %dma_wait3A_50 = arith.constant 0 : i32
      %dma_wait3A_51 = tpu.memref_slice %arg2[%dma_wait3A_49, %dma_wait3A_50] : memref<10048x80xf32, #tpu.memory_space<hbm>> -> memref<10048x80xf32, #tpu.memory_space<hbm>>
      tpu.wait_indirect_dma semaphore(%arg18 : memref<!tpu.dma_semaphore, #tpu.memory_space<semaphore_mem>>) src(%dma_wait3A_51 : memref<10048x80xf32, #tpu.memory_space<hbm>>) dst(%arg10 : memref<128x80xf32, #tpu.memory_space<vmem>>)
      %dma_wait3A_52 = arith.constant 0 : i32
      %dma_wait3A_53 = tpu.memref_slice %arg9[%add3A_46, %dma_wait3A_52] : memref<81x128xi32, #tpu.memory_space<vmem>> -> memref<1x128xi32, #tpu.memory_space<vmem>>
      %dma_wait3A_54 = tpu.memref_squeeze %dma_wait3A_53 : memref<1x128xi32, #tpu.memory_space<vmem>> -> memref<128xi32, #tpu.memory_space<vmem>>
      %dma_wait3A_55 = arith.constant 0 : i32
      %dma_wait3A_56 = arith.constant 0 : i32
      %dma_wait3A_57 = tpu.memref_slice %arg3[%dma_wait3A_55, %dma_wait3A_56] : memref<10048x16xf32, #tpu.memory_space<hbm>> -> memref<10048x16xf32, #tpu.memory_space<hbm>>
      tpu.wait_indirect_dma semaphore(%arg18 : memref<!tpu.dma_semaphore, #tpu.memory_space<semaphore_mem>>) src(%dma_wait3A_57 : memref<10048x16xf32, #tpu.memory_space<hbm>>) dst(%arg11 : memref<128x16xf32, #tpu.memory_space<vmem>>)
      %scan3A_58 = arith.constant 0 : i32
      %scan3A_59 = arith.constant 0 : i32
      %scan3A_60 = arith.constant 32 : i32
      %scan3A_61 = arith.addi %scan3A_59, %scan3A_60 : i32
      %scan3A_62 = arith.constant 1 : i32
      scf.for %scan3A_122 = %scan3A_59 to %scan3A_61 step %scan3A_62  : i32 {
        %mul3A_123 = arith.constant 4 : i32
        %mul3A_124 = arith.muli %mul3A_123, %scan3A_122 : i32
        %add3A_125 = arith.constant 0 : i32
        %add3A_126 = arith.addi %mul3A_124, %add3A_125 : i32
        %get3A = arith.index_cast %add3A_126 : i32 to index
        %get3A_127 = arith.constant 0 : index
        %get3A_128 = tpu.vector_load %arg11[%get3A, %get3A_127] {strides = array<i32>} : memref<128x16xf32, #tpu.memory_space<vmem>>, vector<1x16xf32>,
        %get3A_129 = vector.shape_cast %get3A_128 : vector<1x16xf32> to vector<16xf32>
        %get3A_130 = arith.index_cast %add3A_126 : i32 to index
        %get3A_131 = arith.constant 64 : index
        %get3A_132 = tpu.vector_load %arg10[%get3A_130, %get3A_131] {strides = array<i32>} : memref<128x80xf32, #tpu.memory_space<vmem>>, vector<1x16xf32>,
        %get3A_133 = vector.shape_cast %get3A_132 : vector<1x16xf32> to vector<16xf32>
        %add3A_134 = arith.addf %get3A_133, %get3A_129 : vector<16xf32>
        %mul3A_135 = arith.constant 2.000000e-01 : f32
        %mul3A_136 = vector.broadcast %mul3A_135 : f32 to vector<16xf32>
        %mul3A_137 = arith.mulf %mul3A_136, %add3A_134 : vector<16xf32>
        %max3A = arith.maximumf %add3A_134, %mul3A_137 : vector<16xf32>
        %exp3A = math.exp %max3A : vector<16xf32>
        %and3A = arith.constant 7 : i32
        %and3A_138 = vector.broadcast %and3A : i32 to vector<16xi32>
        %and3A_139 = arith.andi %iota3A, %and3A_138 : vector<16xi32>
        %broadcast_in_dim3A = vector.shape_cast %and3A_139 : vector<16xi32> to vector<16x1xi32>
        %gather3A = vector.shape_cast %broadcast_in_dim3A : vector<16x1xi32> to vector<16xi32>
        %gather3A_140 = tpu.dynamic_gather %exp3A[%gather3A] in [0] : vector<16xf32>, vector<16xi32> -> vector<16xf32>
        %get3A_141 = arith.index_cast %add3A_126 : i32 to index
        %get3A_142 = arith.constant 0 : index
        %get3A_143 = tpu.vector_load %arg10[%get3A_141, %get3A_142] {strides = array<i32>} : memref<128x80xf32, #tpu.memory_space<vmem>>, vector<1x16xf32>,
        %get3A_144 = vector.shape_cast %get3A_143 : vector<1x16xf32> to vector<16xf32>
        %mul3A_145 = arith.mulf %gather3A_140, %get3A_144 : vector<16xf32>
        %swap3A = arith.index_cast %add3A_126 : i32 to index
        %swap3A_146 = arith.constant 0 : index
        %swap3A_147 = tpu.vector_load %arg16[%swap3A, %swap3A_146] {strides = array<i32>} : memref<128x80xf32, #tpu.memory_space<vmem>>, vector<1x16xf32>,
        %swap3A_148 = vector.shape_cast %swap3A_147 : vector<1x16xf32> to vector<16xf32>
        %swap3A_149 = vector.shape_cast %mul3A_145 : vector<16xf32> to vector<1x16xf32>
        tpu.vector_store %arg16[%swap3A, %swap3A_146], %swap3A_149 {strides = array<i32>} : memref<128x80xf32, #tpu.memory_space<vmem>>, vector<1x16xf32>,
        %get3A_150 = arith.index_cast %add3A_126 : i32 to index
        %get3A_151 = arith.constant 16 : index
        %get3A_152 = tpu.vector_load %arg10[%get3A_150, %get3A_151] {strides = array<i32>} : memref<128x80xf32, #tpu.memory_space<vmem>>, vector<1x16xf32>,
        %get3A_153 = vector.shape_cast %get3A_152 : vector<1x16xf32> to vector<16xf32>
        %mul3A_154 = arith.mulf %gather3A_140, %get3A_153 : vector<16xf32>
        %swap3A_155 = arith.index_cast %add3A_126 : i32 to index
        %swap3A_156 = arith.constant 16 : index
        %swap3A_157 = tpu.vector_load %arg16[%swap3A_155, %swap3A_156] {strides = array<i32>} : memref<128x80xf32, #tpu.memory_space<vmem>>, vector<1x16xf32>,
        %swap3A_158 = vector.shape_cast %swap3A_157 : vector<1x16xf32> to vector<16xf32>
        %swap3A_159 = vector.shape_cast %mul3A_154 : vector<16xf32> to vector<1x16xf32>
        tpu.vector_store %arg16[%swap3A_155, %swap3A_156], %swap3A_159 {strides = array<i32>} : memref<128x80xf32, #tpu.memory_space<vmem>>, vector<1x16xf32>,
        %get3A_160 = arith.index_cast %add3A_126 : i32 to index
        %get3A_161 = arith.constant 32 : index
        %get3A_162 = tpu.vector_load %arg10[%get3A_160, %get3A_161] {strides = array<i32>} : memref<128x80xf32, #tpu.memory_space<vmem>>, vector<1x16xf32>,
        %get3A_163 = vector.shape_cast %get3A_162 : vector<1x16xf32> to vector<16xf32>
        %mul3A_164 = arith.mulf %gather3A_140, %get3A_163 : vector<16xf32>
        %swap3A_165 = arith.index_cast %add3A_126 : i32 to index
        %swap3A_166 = arith.constant 32 : index
        %swap3A_167 = tpu.vector_load %arg16[%swap3A_165, %swap3A_166] {strides = array<i32>} : memref<128x80xf32, #tpu.memory_space<vmem>>, vector<1x16xf32>,
        %swap3A_168 = vector.shape_cast %swap3A_167 : vector<1x16xf32> to vector<16xf32>
        %swap3A_169 = vector.shape_cast %mul3A_164 : vector<16xf32> to vector<1x16xf32>
        tpu.vector_store %arg16[%swap3A_165, %swap3A_166], %swap3A_169 {strides = array<i32>} : memref<128x80xf32, #tpu.memory_space<vmem>>, vector<1x16xf32>,
        %get3A_170 = arith.index_cast %add3A_126 : i32 to index
        %get3A_171 = arith.constant 48 : index
        %get3A_172 = tpu.vector_load %arg10[%get3A_170, %get3A_171] {strides = array<i32>} : memref<128x80xf32, #tpu.memory_space<vmem>>, vector<1x16xf32>,
        %get3A_173 = vector.shape_cast %get3A_172 : vector<1x16xf32> to vector<16xf32>
        %mul3A_174 = arith.mulf %gather3A_140, %get3A_173 : vector<16xf32>
        %swap3A_175 = arith.index_cast %add3A_126 : i32 to index
        %swap3A_176 = arith.constant 48 : index
        %swap3A_177 = tpu.vector_load %arg16[%swap3A_175, %swap3A_176] {strides = array<i32>} : memref<128x80xf32, #tpu.memory_space<vmem>>, vector<1x16xf32>,
        %swap3A_178 = vector.shape_cast %swap3A_177 : vector<1x16xf32> to vector<16xf32>
        %swap3A_179 = vector.shape_cast %mul3A_174 : vector<16xf32> to vector<1x16xf32>
        tpu.vector_store %arg16[%swap3A_175, %swap3A_176], %swap3A_179 {strides = array<i32>} : memref<128x80xf32, #tpu.memory_space<vmem>>, vector<1x16xf32>,
        %swap3A_180 = arith.index_cast %add3A_126 : i32 to index
        %swap3A_181 = arith.constant 64 : index
        %swap3A_182 = tpu.vector_load %arg16[%swap3A_180, %swap3A_181] {strides = array<i32>} : memref<128x80xf32, #tpu.memory_space<vmem>>, vector<1x16xf32>,
        %swap3A_183 = vector.shape_cast %swap3A_182 : vector<1x16xf32> to vector<16xf32>
        %swap3A_184 = vector.shape_cast %exp3A : vector<16xf32> to vector<1x16xf32>
        tpu.vector_store %arg16[%swap3A_180, %swap3A_181], %swap3A_184 {strides = array<i32>} : memref<128x80xf32, #tpu.memory_space<vmem>>, vector<1x16xf32>,
        %mul3A_185 = arith.constant 4 : i32
        %mul3A_186 = arith.muli %mul3A_185, %scan3A_122 : i32
        %add3A_187 = arith.constant 1 : i32
        %add3A_188 = arith.addi %mul3A_186, %add3A_187 : i32
        %get3A_189 = arith.index_cast %add3A_188 : i32 to index
        %get3A_190 = arith.constant 0 : index
        %get3A_191 = tpu.vector_load %arg11[%get3A_189, %get3A_190] {strides = array<i32>} : memref<128x16xf32, #tpu.memory_space<vmem>>, vector<1x16xf32>,
        %get3A_192 = vector.shape_cast %get3A_191 : vector<1x16xf32> to vector<16xf32>
        %get3A_193 = arith.index_cast %add3A_188 : i32 to index
        %get3A_194 = arith.constant 64 : index
        %get3A_195 = tpu.vector_load %arg10[%get3A_193, %get3A_194] {strides = array<i32>} : memref<128x80xf32, #tpu.memory_space<vmem>>, vector<1x16xf32>,
        %get3A_196 = vector.shape_cast %get3A_195 : vector<1x16xf32> to vector<16xf32>
        %add3A_197 = arith.addf %get3A_196, %get3A_192 : vector<16xf32>
        %mul3A_198 = arith.constant 2.000000e-01 : f32
        %mul3A_199 = vector.broadcast %mul3A_198 : f32 to vector<16xf32>
        %mul3A_200 = arith.mulf %mul3A_199, %add3A_197 : vector<16xf32>
        %max3A_201 = arith.maximumf %add3A_197, %mul3A_200 : vector<16xf32>
        %exp3A_202 = math.exp %max3A_201 : vector<16xf32>
        %and3A_203 = arith.constant 7 : i32
        %and3A_204 = vector.broadcast %and3A_203 : i32 to vector<16xi32>
        %and3A_205 = arith.andi %iota3A, %and3A_204 : vector<16xi32>
        %broadcast_in_dim3A_206 = vector.shape_cast %and3A_205 : vector<16xi32> to vector<16x1xi32>
        %gather3A_207 = vector.shape_cast %broadcast_in_dim3A_206 : vector<16x1xi32> to vector<16xi32>
        %gather3A_208 = tpu.dynamic_gather %exp3A_202[%gather3A_207] in [0] : vector<16xf32>, vector<16xi32> -> vector<16xf32>
        %get3A_209 = arith.index_cast %add3A_188 : i32 to index
        %get3A_210 = arith.constant 0 : index
        %get3A_211 = tpu.vector_load %arg10[%get3A_209, %get3A_210] {strides = array<i32>} : memref<128x80xf32, #tpu.memory_space<vmem>>, vector<1x16xf32>,
        %get3A_212 = vector.shape_cast %get3A_211 : vector<1x16xf32> to vector<16xf32>
        %mul3A_213 = arith.mulf %gather3A_208, %get3A_212 : vector<16xf32>
        %swap3A_214 = arith.index_cast %add3A_188 : i32 to index
        %swap3A_215 = arith.constant 0 : index
        %swap3A_216 = tpu.vector_load %arg16[%swap3A_214, %swap3A_215] {strides = array<i32>} : memref<128x80xf32, #tpu.memory_space<vmem>>, vector<1x16xf32>,
        %swap3A_217 = vector.shape_cast %swap3A_216 : vector<1x16xf32> to vector<16xf32>
        %swap3A_218 = vector.shape_cast %mul3A_213 : vector<16xf32> to vector<1x16xf32>
        tpu.vector_store %arg16[%swap3A_214, %swap3A_215], %swap3A_218 {strides = array<i32>} : memref<128x80xf32, #tpu.memory_space<vmem>>, vector<1x16xf32>,
        %get3A_219 = arith.index_cast %add3A_188 : i32 to index
        %get3A_220 = arith.constant 16 : index
        %get3A_221 = tpu.vector_load %arg10[%get3A_219, %get3A_220] {strides = array<i32>} : memref<128x80xf32, #tpu.memory_space<vmem>>, vector<1x16xf32>,
        %get3A_222 = vector.shape_cast %get3A_221 : vector<1x16xf32> to vector<16xf32>
        %mul3A_223 = arith.mulf %gather3A_208, %get3A_222 : vector<16xf32>
        %swap3A_224 = arith.index_cast %add3A_188 : i32 to index
        %swap3A_225 = arith.constant 16 : index
        %swap3A_226 = tpu.vector_load %arg16[%swap3A_224, %swap3A_225] {strides = array<i32>} : memref<128x80xf32, #tpu.memory_space<vmem>>, vector<1x16xf32>,
        %swap3A_227 = vector.shape_cast %swap3A_226 : vector<1x16xf32> to vector<16xf32>
        %swap3A_228 = vector.shape_cast %mul3A_223 : vector<16xf32> to vector<1x16xf32>
        tpu.vector_store %arg16[%swap3A_224, %swap3A_225], %swap3A_228 {strides = array<i32>} : memref<128x80xf32, #tpu.memory_space<vmem>>, vector<1x16xf32>,
        %get3A_229 = arith.index_cast %add3A_188 : i32 to index
        %get3A_230 = arith.constant 32 : index
        %get3A_231 = tpu.vector_load %arg10[%get3A_229, %get3A_230] {strides = array<i32>} : memref<128x80xf32, #tpu.memory_space<vmem>>, vector<1x16xf32>,
        %get3A_232 = vector.shape_cast %get3A_231 : vector<1x16xf32> to vector<16xf32>
        %mul3A_233 = arith.mulf %gather3A_208, %get3A_232 : vector<16xf32>
        %swap3A_234 = arith.index_cast %add3A_188 : i32 to index
        %swap3A_235 = arith.constant 32 : index
        %swap3A_236 = tpu.vector_load %arg16[%swap3A_234, %swap3A_235] {strides = array<i32>} : memref<128x80xf32, #tpu.memory_space<vmem>>, vector<1x16xf32>,
        %swap3A_237 = vector.shape_cast %swap3A_236 : vector<1x16xf32> to vector<16xf32>
        %swap3A_238 = vector.shape_cast %mul3A_233 : vector<16xf32> to vector<1x16xf32>
        tpu.vector_store %arg16[%swap3A_234, %swap3A_235], %swap3A_238 {strides = array<i32>} : memref<128x80xf32, #tpu.memory_space<vmem>>, vector<1x16xf32>,
        %get3A_239 = arith.index_cast %add3A_188 : i32 to index
        %get3A_240 = arith.constant 48 : index
        %get3A_241 = tpu.vector_load %arg10[%get3A_239, %get3A_240] {strides = array<i32>} : memref<128x80xf32, #tpu.memory_space<vmem>>, vector<1x16xf32>,
        %get3A_242 = vector.shape_cast %get3A_241 : vector<1x16xf32> to vector<16xf32>
        %mul3A_243 = arith.mulf %gather3A_208, %get3A_242 : vector<16xf32>
        %swap3A_244 = arith.index_cast %add3A_188 : i32 to index
        %swap3A_245 = arith.constant 48 : index
        %swap3A_246 = tpu.vector_load %arg16[%swap3A_244, %swap3A_245] {strides = array<i32>} : memref<128x80xf32, #tpu.memory_space<vmem>>, vector<1x16xf32>,
        %swap3A_247 = vector.shape_cast %swap3A_246 : vector<1x16xf32> to vector<16xf32>
        %swap3A_248 = vector.shape_cast %mul3A_243 : vector<16xf32> to vector<1x16xf32>
        tpu.vector_store %arg16[%swap3A_244, %swap3A_245], %swap3A_248 {strides = array<i32>} : memref<128x80xf32, #tpu.memory_space<vmem>>, vector<1x16xf32>,
        %swap3A_249 = arith.index_cast %add3A_188 : i32 to index
        %swap3A_250 = arith.constant 64 : index
        %swap3A_251 = tpu.vector_load %arg16[%swap3A_249, %swap3A_250] {strides = array<i32>} : memref<128x80xf32, #tpu.memory_space<vmem>>, vector<1x16xf32>,
        %swap3A_252 = vector.shape_cast %swap3A_251 : vector<1x16xf32> to vector<16xf32>
        %swap3A_253 = vector.shape_cast %exp3A_202 : vector<16xf32> to vector<1x16xf32>
        tpu.vector_store %arg16[%swap3A_249, %swap3A_250], %swap3A_253 {strides = array<i32>} : memref<128x80xf32, #tpu.memory_space<vmem>>, vector<1x16xf32>,
        %mul3A_254 = arith.constant 4 : i32
        %mul3A_255 = arith.muli %mul3A_254, %scan3A_122 : i32
        %add3A_256 = arith.constant 2 : i32
        %add3A_257 = arith.addi %mul3A_255, %add3A_256 : i32
        %get3A_258 = arith.index_cast %add3A_257 : i32 to index
        %get3A_259 = arith.constant 0 : index
        %get3A_260 = tpu.vector_load %arg11[%get3A_258, %get3A_259] {strides = array<i32>} : memref<128x16xf32, #tpu.memory_space<vmem>>, vector<1x16xf32>,
        %get3A_261 = vector.shape_cast %get3A_260 : vector<1x16xf32> to vector<16xf32>
        %get3A_262 = arith.index_cast %add3A_257 : i32 to index
        %get3A_263 = arith.constant 64 : index
        %get3A_264 = tpu.vector_load %arg10[%get3A_262, %get3A_263] {strides = array<i32>} : memref<128x80xf32, #tpu.memory_space<vmem>>, vector<1x16xf32>,
        %get3A_265 = vector.shape_cast %get3A_264 : vector<1x16xf32> to vector<16xf32>
        %add3A_266 = arith.addf %get3A_265, %get3A_261 : vector<16xf32>
        %mul3A_267 = arith.constant 2.000000e-01 : f32
        %mul3A_268 = vector.broadcast %mul3A_267 : f32 to vector<16xf32>
        %mul3A_269 = arith.mulf %mul3A_268, %add3A_266 : vector<16xf32>
        %max3A_270 = arith.maximumf %add3A_266, %mul3A_269 : vector<16xf32>
        %exp3A_271 = math.exp %max3A_270 : vector<16xf32>
        %and3A_272 = arith.constant 7 : i32
        %and3A_273 = vector.broadcast %and3A_272 : i32 to vector<16xi32>
        %and3A_274 = arith.andi %iota3A, %and3A_273 : vector<16xi32>
        %broadcast_in_dim3A_275 = vector.shape_cast %and3A_274 : vector<16xi32> to vector<16x1xi32>
        %gather3A_276 = vector.shape_cast %broadcast_in_dim3A_275 : vector<16x1xi32> to vector<16xi32>
        %gather3A_277 = tpu.dynamic_gather %exp3A_271[%gather3A_276] in [0] : vector<16xf32>, vector<16xi32> -> vector<16xf32>
        %get3A_278 = arith.index_cast %add3A_257 : i32 to index
        %get3A_279 = arith.constant 0 : index
        %get3A_280 = tpu.vector_load %arg10[%get3A_278, %get3A_279] {strides = array<i32>} : memref<128x80xf32, #tpu.memory_space<vmem>>, vector<1x16xf32>,
        %get3A_281 = vector.shape_cast %get3A_280 : vector<1x16xf32> to vector<16xf32>
        %mul3A_282 = arith.mulf %gather3A_277, %get3A_281 : vector<16xf32>
        %swap3A_283 = arith.index_cast %add3A_257 : i32 to index
        %swap3A_284 = arith.constant 0 : index
        %swap3A_285 = tpu.vector_load %arg16[%swap3A_283, %swap3A_284] {strides = array<i32>} : memref<128x80xf32, #tpu.memory_space<vmem>>, vector<1x16xf32>,
        %swap3A_286 = vector.shape_cast %swap3A_285 : vector<1x16xf32> to vector<16xf32>
        %swap3A_287 = vector.shape_cast %mul3A_282 : vector<16xf32> to vector<1x16xf32>
        tpu.vector_store %arg16[%swap3A_283, %swap3A_284], %swap3A_287 {strides = array<i32>} : memref<128x80xf32, #tpu.memory_space<vmem>>, vector<1x16xf32>,
        %get3A_288 = arith.index_cast %add3A_257 : i32 to index
        %get3A_289 = arith.constant 16 : index
        %get3A_290 = tpu.vector_load %arg10[%get3A_288, %get3A_289] {strides = array<i32>} : memref<128x80xf32, #tpu.memory_space<vmem>>, vector<1x16xf32>,
        %get3A_291 = vector.shape_cast %get3A_290 : vector<1x16xf32> to vector<16xf32>
        %mul3A_292 = arith.mulf %gather3A_277, %get3A_291 : vector<16xf32>
        %swap3A_293 = arith.index_cast %add3A_257 : i32 to index
        %swap3A_294 = arith.constant 16 : index
        %swap3A_295 = tpu.vector_load %arg16[%swap3A_293, %swap3A_294] {strides = array<i32>} : memref<128x80xf32, #tpu.memory_space<vmem>>, vector<1x16xf32>,
        %swap3A_296 = vector.shape_cast %swap3A_295 : vector<1x16xf32> to vector<16xf32>
        %swap3A_297 = vector.shape_cast %mul3A_292 : vector<16xf32> to vector<1x16xf32>
        tpu.vector_store %arg16[%swap3A_293, %swap3A_294], %swap3A_297 {strides = array<i32>} : memref<128x80xf32, #tpu.memory_space<vmem>>, vector<1x16xf32>,
        %get3A_298 = arith.index_cast %add3A_257 : i32 to index
        %get3A_299 = arith.constant 32 : index
        %get3A_300 = tpu.vector_load %arg10[%get3A_298, %get3A_299] {strides = array<i32>} : memref<128x80xf32, #tpu.memory_space<vmem>>, vector<1x16xf32>,
        %get3A_301 = vector.shape_cast %get3A_300 : vector<1x16xf32> to vector<16xf32>
        %mul3A_302 = arith.mulf %gather3A_277, %get3A_301 : vector<16xf32>
        %swap3A_303 = arith.index_cast %add3A_257 : i32 to index
        %swap3A_304 = arith.constant 32 : index
        %swap3A_305 = tpu.vector_load %arg16[%swap3A_303, %swap3A_304] {strides = array<i32>} : memref<128x80xf32, #tpu.memory_space<vmem>>, vector<1x16xf32>,
        %swap3A_306 = vector.shape_cast %swap3A_305 : vector<1x16xf32> to vector<16xf32>
        %swap3A_307 = vector.shape_cast %mul3A_302 : vector<16xf32> to vector<1x16xf32>
        tpu.vector_store %arg16[%swap3A_303, %swap3A_304], %swap3A_307 {strides = array<i32>} : memref<128x80xf32, #tpu.memory_space<vmem>>, vector<1x16xf32>,
        %get3A_308 = arith.index_cast %add3A_257 : i32 to index
        %get3A_309 = arith.constant 48 : index
        %get3A_310 = tpu.vector_load %arg10[%get3A_308, %get3A_309] {strides = array<i32>} : memref<128x80xf32, #tpu.memory_space<vmem>>, vector<1x16xf32>,
        %get3A_311 = vector.shape_cast %get3A_310 : vector<1x16xf32> to vector<16xf32>
        %mul3A_312 = arith.mulf %gather3A_277, %get3A_311 : vector<16xf32>
        %swap3A_313 = arith.index_cast %add3A_257 : i32 to index
        %swap3A_314 = arith.constant 48 : index
        %swap3A_315 = tpu.vector_load %arg16[%swap3A_313, %swap3A_314] {strides = array<i32>} : memref<128x80xf32, #tpu.memory_space<vmem>>, vector<1x16xf32>,
        %swap3A_316 = vector.shape_cast %swap3A_315 : vector<1x16xf32> to vector<16xf32>
        %swap3A_317 = vector.shape_cast %mul3A_312 : vector<16xf32> to vector<1x16xf32>
        tpu.vector_store %arg16[%swap3A_313, %swap3A_314], %swap3A_317 {strides = array<i32>} : memref<128x80xf32, #tpu.memory_space<vmem>>, vector<1x16xf32>,
        %swap3A_318 = arith.index_cast %add3A_257 : i32 to index
        %swap3A_319 = arith.constant 64 : index
        %swap3A_320 = tpu.vector_load %arg16[%swap3A_318, %swap3A_319] {strides = array<i32>} : memref<128x80xf32, #tpu.memory_space<vmem>>, vector<1x16xf32>,
        %swap3A_321 = vector.shape_cast %swap3A_320 : vector<1x16xf32> to vector<16xf32>
        %swap3A_322 = vector.shape_cast %exp3A_271 : vector<16xf32> to vector<1x16xf32>
        tpu.vector_store %arg16[%swap3A_318, %swap3A_319], %swap3A_322 {strides = array<i32>} : memref<128x80xf32, #tpu.memory_space<vmem>>, vector<1x16xf32>,
        %mul3A_323 = arith.constant 4 : i32
        %mul3A_324 = arith.muli %mul3A_323, %scan3A_122 : i32
        %add3A_325 = arith.constant 3 : i32
        %add3A_326 = arith.addi %mul3A_324, %add3A_325 : i32
        %get3A_327 = arith.index_cast %add3A_326 : i32 to index
        %get3A_328 = arith.constant 0 : index
        %get3A_329 = tpu.vector_load %arg11[%get3A_327, %get3A_328] {strides = array<i32>} : memref<128x16xf32, #tpu.memory_space<vmem>>, vector<1x16xf32>,
        %get3A_330 = vector.shape_cast %get3A_329 : vector<1x16xf32> to vector<16xf32>
        %get3A_331 = arith.index_cast %add3A_326 : i32 to index
        %get3A_332 = arith.constant 64 : index
        %get3A_333 = tpu.vector_load %arg10[%get3A_331, %get3A_332] {strides = array<i32>} : memref<128x80xf32, #tpu.memory_space<vmem>>, vector<1x16xf32>,
        %get3A_334 = vector.shape_cast %get3A_333 : vector<1x16xf32> to vector<16xf32>
        %add3A_335 = arith.addf %get3A_334, %get3A_330 : vector<16xf32>
        %mul3A_336 = arith.constant 2.000000e-01 : f32
        %mul3A_337 = vector.broadcast %mul3A_336 : f32 to vector<16xf32>
        %mul3A_338 = arith.mulf %mul3A_337, %add3A_335 : vector<16xf32>
        %max3A_339 = arith.maximumf %add3A_335, %mul3A_338 : vector<16xf32>
        %exp3A_340 = math.exp %max3A_339 : vector<16xf32>
        %and3A_341 = arith.constant 7 : i32
        %and3A_342 = vector.broadcast %and3A_341 : i32 to vector<16xi32>
        %and3A_343 = arith.andi %iota3A, %and3A_342 : vector<16xi32>
        %broadcast_in_dim3A_344 = vector.shape_cast %and3A_343 : vector<16xi32> to vector<16x1xi32>
        %gather3A_345 = vector.shape_cast %broadcast_in_dim3A_344 : vector<16x1xi32> to vector<16xi32>
        %gather3A_346 = tpu.dynamic_gather %exp3A_340[%gather3A_345] in [0] : vector<16xf32>, vector<16xi32> -> vector<16xf32>
        %get3A_347 = arith.index_cast %add3A_326 : i32 to index
        %get3A_348 = arith.constant 0 : index
        %get3A_349 = tpu.vector_load %arg10[%get3A_347, %get3A_348] {strides = array<i32>} : memref<128x80xf32, #tpu.memory_space<vmem>>, vector<1x16xf32>,
        %get3A_350 = vector.shape_cast %get3A_349 : vector<1x16xf32> to vector<16xf32>
        %mul3A_351 = arith.mulf %gather3A_346, %get3A_350 : vector<16xf32>
        %swap3A_352 = arith.index_cast %add3A_326 : i32 to index
        %swap3A_353 = arith.constant 0 : index
        %swap3A_354 = tpu.vector_load %arg16[%swap3A_352, %swap3A_353] {strides = array<i32>} : memref<128x80xf32, #tpu.memory_space<vmem>>, vector<1x16xf32>,
        %swap3A_355 = vector.shape_cast %swap3A_354 : vector<1x16xf32> to vector<16xf32>
        %swap3A_356 = vector.shape_cast %mul3A_351 : vector<16xf32> to vector<1x16xf32>
        tpu.vector_store %arg16[%swap3A_352, %swap3A_353], %swap3A_356 {strides = array<i32>} : memref<128x80xf32, #tpu.memory_space<vmem>>, vector<1x16xf32>,
        %get3A_357 = arith.index_cast %add3A_326 : i32 to index
        %get3A_358 = arith.constant 16 : index
        %get3A_359 = tpu.vector_load %arg10[%get3A_357, %get3A_358] {strides = array<i32>} : memref<128x80xf32, #tpu.memory_space<vmem>>, vector<1x16xf32>,
        %get3A_360 = vector.shape_cast %get3A_359 : vector<1x16xf32> to vector<16xf32>
        %mul3A_361 = arith.mulf %gather3A_346, %get3A_360 : vector<16xf32>
        %swap3A_362 = arith.index_cast %add3A_326 : i32 to index
        %swap3A_363 = arith.constant 16 : index
        %swap3A_364 = tpu.vector_load %arg16[%swap3A_362, %swap3A_363] {strides = array<i32>} : memref<128x80xf32, #tpu.memory_space<vmem>>, vector<1x16xf32>,
        %swap3A_365 = vector.shape_cast %swap3A_364 : vector<1x16xf32> to vector<16xf32>
        %swap3A_366 = vector.shape_cast %mul3A_361 : vector<16xf32> to vector<1x16xf32>
        tpu.vector_store %arg16[%swap3A_362, %swap3A_363], %swap3A_366 {strides = array<i32>} : memref<128x80xf32, #tpu.memory_space<vmem>>, vector<1x16xf32>,
        %get3A_367 = arith.index_cast %add3A_326 : i32 to index
        %get3A_368 = arith.constant 32 : index
        %get3A_369 = tpu.vector_load %arg10[%get3A_367, %get3A_368] {strides = array<i32>} : memref<128x80xf32, #tpu.memory_space<vmem>>, vector<1x16xf32>,
        %get3A_370 = vector.shape_cast %get3A_369 : vector<1x16xf32> to vector<16xf32>
        %mul3A_371 = arith.mulf %gather3A_346, %get3A_370 : vector<16xf32>
        %swap3A_372 = arith.index_cast %add3A_326 : i32 to index
        %swap3A_373 = arith.constant 32 : index
        %swap3A_374 = tpu.vector_load %arg16[%swap3A_372, %swap3A_373] {strides = array<i32>} : memref<128x80xf32, #tpu.memory_space<vmem>>, vector<1x16xf32>,
        %swap3A_375 = vector.shape_cast %swap3A_374 : vector<1x16xf32> to vector<16xf32>
        %swap3A_376 = vector.shape_cast %mul3A_371 : vector<16xf32> to vector<1x16xf32>
        tpu.vector_store %arg16[%swap3A_372, %swap3A_373], %swap3A_376 {strides = array<i32>} : memref<128x80xf32, #tpu.memory_space<vmem>>, vector<1x16xf32>,
        %get3A_377 = arith.index_cast %add3A_326 : i32 to index
        %get3A_378 = arith.constant 48 : index
        %get3A_379 = tpu.vector_load %arg10[%get3A_377, %get3A_378] {strides = array<i32>} : memref<128x80xf32, #tpu.memory_space<vmem>>, vector<1x16xf32>,
        %get3A_380 = vector.shape_cast %get3A_379 : vector<1x16xf32> to vector<16xf32>
        %mul3A_381 = arith.mulf %gather3A_346, %get3A_380 : vector<16xf32>
        %swap3A_382 = arith.index_cast %add3A_326 : i32 to index
        %swap3A_383 = arith.constant 48 : index
        %swap3A_384 = tpu.vector_load %arg16[%swap3A_382, %swap3A_383] {strides = array<i32>} : memref<128x80xf32, #tpu.memory_space<vmem>>, vector<1x16xf32>,
        %swap3A_385 = vector.shape_cast %swap3A_384 : vector<1x16xf32> to vector<16xf32>
        %swap3A_386 = vector.shape_cast %mul3A_381 : vector<16xf32> to vector<1x16xf32>
        tpu.vector_store %arg16[%swap3A_382, %swap3A_383], %swap3A_386 {strides = array<i32>} : memref<128x80xf32, #tpu.memory_space<vmem>>, vector<1x16xf32>,
        %swap3A_387 = arith.index_cast %add3A_326 : i32 to index
        %swap3A_388 = arith.constant 64 : index
        %swap3A_389 = tpu.vector_load %arg16[%swap3A_387, %swap3A_388] {strides = array<i32>} : memref<128x80xf32, #tpu.memory_space<vmem>>, vector<1x16xf32>,
        %swap3A_390 = vector.shape_cast %swap3A_389 : vector<1x16xf32> to vector<16xf32>
        %swap3A_391 = vector.shape_cast %exp3A_340 : vector<16xf32> to vector<1x16xf32>
        tpu.vector_store %arg16[%swap3A_387, %swap3A_388], %swap3A_391 {strides = array<i32>} : memref<128x80xf32, #tpu.memory_space<vmem>>, vector<1x16xf32>,
      }
      %scan3A_63 = arith.constant 32 : i32
      "tpu.region"() ({
        %run_scoped3A = tpu.sem_alloc : memref<!tpu.dma_semaphore, #tpu.memory_space<semaphore_mem>>
        %dma_start3A_122 = arith.constant 0 : i32
        %dma_start3A_123 = tpu.memref_slice %arg9[%add3A_46, %dma_start3A_122] : memref<81x128xi32, #tpu.memory_space<vmem>> -> memref<1x128xi32, #tpu.memory_space<vmem>>
        %dma_start3A_124 = tpu.memref_squeeze %dma_start3A_123 : memref<1x128xi32, #tpu.memory_space<vmem>> -> memref<128xi32, #tpu.memory_space<vmem>>
        %dma_start3A_125 = arith.constant 0 : i32
        %dma_start3A_126 = arith.constant 0 : i32
        %dma_start3A_127 = tpu.memref_slice %arg17[%dma_start3A_125, %dma_start3A_126] : memref<10048x80xf32, #tpu.memory_space<vmem_shared>> -> memref<10048x80xf32, #tpu.memory_space<vmem_shared>>
        tpu.enqueue_indirect_dma source(%arg16 : memref<128x80xf32, #tpu.memory_space<vmem>>) target(%dma_start3A_127 : memref<10048x80xf32, #tpu.memory_space<vmem_shared>>) offsets(%dma_start3A_124 : memref<128xi32, #tpu.memory_space<vmem>>) semaphore(%run_scoped3A : memref<!tpu.dma_semaphore, #tpu.memory_space<semaphore_mem>>) {add = true}
        %dma_wait3A_128 = arith.constant 0 : i32
        %dma_wait3A_129 = tpu.memref_slice %arg9[%add3A_46, %dma_wait3A_128] : memref<81x128xi32, #tpu.memory_space<vmem>> -> memref<1x128xi32, #tpu.memory_space<vmem>>
        %dma_wait3A_130 = tpu.memref_squeeze %dma_wait3A_129 : memref<1x128xi32, #tpu.memory_space<vmem>> -> memref<128xi32, #tpu.memory_space<vmem>>
        %dma_wait3A_131 = arith.constant 0 : i32
        %dma_wait3A_132 = arith.constant 0 : i32
        %dma_wait3A_133 = tpu.memref_slice %arg17[%dma_wait3A_131, %dma_wait3A_132] : memref<10048x80xf32, #tpu.memory_space<vmem_shared>> -> memref<10048x80xf32, #tpu.memory_space<vmem_shared>>
        tpu.wait_indirect_dma semaphore(%run_scoped3A : memref<!tpu.dma_semaphore, #tpu.memory_space<semaphore_mem>>) src(%arg16 : memref<128x80xf32, #tpu.memory_space<vmem>>) dst(%dma_wait3A_133 : memref<10048x80xf32, #tpu.memory_space<vmem_shared>>)
        tpu.yield
      }) : () -> ()
      %add3A_64 = arith.constant 1 : i32
      %add3A_65 = arith.addi %mul3A_38, %add3A_64 : i32
      %add3A_66 = arith.constant 2 : i32
      %add3A_67 = arith.addi %add3A_65, %add3A_66 : i32
      %lt3A_68 = arith.constant 81 : i32
      %lt3A_69 = arith.cmpi slt, %add3A_67, %lt3A_68 : i32
      %convert_element_type3A_70 = arith.extui %lt3A_69 : i1 to i32
      %cond3A_71 = arith.constant 0 : i32
      %cond3A_72 = arith.cmpi ne, %convert_element_type3A_70, %cond3A_71 : i32
      scf.if %cond3A_72 {
        %dma_start3A_122 = arith.constant 0 : i32
        %dma_start3A_123 = tpu.memref_slice %arg8[%add3A_67, %dma_start3A_122] : memref<81x128xi32, #tpu.memory_space<vmem>> -> memref<1x128xi32, #tpu.memory_space<vmem>>
        %dma_start3A_124 = tpu.memref_squeeze %dma_start3A_123 : memref<1x128xi32, #tpu.memory_space<vmem>> -> memref<128xi32, #tpu.memory_space<vmem>>
        %dma_start3A_125 = arith.constant 0 : i32
        %dma_start3A_126 = arith.constant 0 : i32
        %dma_start3A_127 = tpu.memref_slice %arg2[%dma_start3A_125, %dma_start3A_126] : memref<10048x80xf32, #tpu.memory_space<hbm>> -> memref<10048x80xf32, #tpu.memory_space<hbm>>
        tpu.enqueue_indirect_dma source(%dma_start3A_127 : memref<10048x80xf32, #tpu.memory_space<hbm>>) target(%arg10 : memref<128x80xf32, #tpu.memory_space<vmem>>) offsets(%dma_start3A_124 : memref<128xi32, #tpu.memory_space<vmem>>) semaphore(%arg18 : memref<!tpu.dma_semaphore, #tpu.memory_space<semaphore_mem>>)
        %dma_start3A_128 = arith.constant 0 : i32
        %dma_start3A_129 = tpu.memref_slice %arg9[%add3A_67, %dma_start3A_128] : memref<81x128xi32, #tpu.memory_space<vmem>> -> memref<1x128xi32, #tpu.memory_space<vmem>>
        %dma_start3A_130 = tpu.memref_squeeze %dma_start3A_129 : memref<1x128xi32, #tpu.memory_space<vmem>> -> memref<128xi32, #tpu.memory_space<vmem>>
        %dma_start3A_131 = arith.constant 0 : i32
        %dma_start3A_132 = arith.constant 0 : i32
        %dma_start3A_133 = tpu.memref_slice %arg3[%dma_start3A_131, %dma_start3A_132] : memref<10048x16xf32, #tpu.memory_space<hbm>> -> memref<10048x16xf32, #tpu.memory_space<hbm>>
        tpu.enqueue_indirect_dma source(%dma_start3A_133 : memref<10048x16xf32, #tpu.memory_space<hbm>>) target(%arg11 : memref<128x16xf32, #tpu.memory_space<vmem>>) offsets(%dma_start3A_130 : memref<128xi32, #tpu.memory_space<vmem>>) semaphore(%arg18 : memref<!tpu.dma_semaphore, #tpu.memory_space<semaphore_mem>>)
      } else {
      }
      %add3A_73 = arith.constant 1 : i32
      %add3A_74 = arith.addi %mul3A_38, %add3A_73 : i32
      %dma_wait3A_75 = arith.constant 0 : i32
      %dma_wait3A_76 = tpu.memref_slice %arg8[%add3A_74, %dma_wait3A_75] : memref<81x128xi32, #tpu.memory_space<vmem>> -> memref<1x128xi32, #tpu.memory_space<vmem>>
      %dma_wait3A_77 = tpu.memref_squeeze %dma_wait3A_76 : memref<1x128xi32, #tpu.memory_space<vmem>> -> memref<128xi32, #tpu.memory_space<vmem>>
      %dma_wait3A_78 = arith.constant 0 : i32
      %dma_wait3A_79 = arith.constant 0 : i32
      %dma_wait3A_80 = tpu.memref_slice %arg2[%dma_wait3A_78, %dma_wait3A_79] : memref<10048x80xf32, #tpu.memory_space<hbm>> -> memref<10048x80xf32, #tpu.memory_space<hbm>>
      tpu.wait_indirect_dma semaphore(%arg19 : memref<!tpu.dma_semaphore, #tpu.memory_space<semaphore_mem>>) src(%dma_wait3A_80 : memref<10048x80xf32, #tpu.memory_space<hbm>>) dst(%arg12 : memref<128x80xf32, #tpu.memory_space<vmem>>)
      %dma_wait3A_81 = arith.constant 0 : i32
      %dma_wait3A_82 = tpu.memref_slice %arg9[%add3A_74, %dma_wait3A_81] : memref<81x128xi32, #tpu.memory_space<vmem>> -> memref<1x128xi32, #tpu.memory_space<vmem>>
      %dma_wait3A_83 = tpu.memref_squeeze %dma_wait3A_82 : memref<1x128xi32, #tpu.memory_space<vmem>> -> memref<128xi32, #tpu.memory_space<vmem>>
      %dma_wait3A_84 = arith.constant 0 : i32
      %dma_wait3A_85 = arith.constant 0 : i32
      %dma_wait3A_86 = tpu.memref_slice %arg3[%dma_wait3A_84, %dma_wait3A_85] : memref<10048x16xf32, #tpu.memory_space<hbm>> -> memref<10048x16xf32, #tpu.memory_space<hbm>>
      tpu.wait_indirect_dma semaphore(%arg19 : memref<!tpu.dma_semaphore, #tpu.memory_space<semaphore_mem>>) src(%dma_wait3A_86 : memref<10048x16xf32, #tpu.memory_space<hbm>>) dst(%arg13 : memref<128x16xf32, #tpu.memory_space<vmem>>)
      %scan3A_87 = arith.constant 0 : i32
      %scan3A_88 = arith.constant 0 : i32
      %scan3A_89 = arith.constant 32 : i32
      %scan3A_90 = arith.addi %scan3A_88, %scan3A_89 : i32
      %scan3A_91 = arith.constant 1 : i32
      scf.for %scan3A_122 = %scan3A_88 to %scan3A_90 step %scan3A_91  : i32 {
        %mul3A_123 = arith.constant 4 : i32
        %mul3A_124 = arith.muli %mul3A_123, %scan3A_122 : i32
        %add3A_125 = arith.constant 0 : i32
        %add3A_126 = arith.addi %mul3A_124, %add3A_125 : i32
        %get3A = arith.index_cast %add3A_126 : i32 to index
        %get3A_127 = arith.constant 0 : index
        %get3A_128 = tpu.vector_load %arg13[%get3A, %get3A_127] {strides = array<i32>} : memref<128x16xf32, #tpu.memory_space<vmem>>, vector<1x16xf32>,
        %get3A_129 = vector.shape_cast %get3A_128 : vector<1x16xf32> to vector<16xf32>
        %get3A_130 = arith.index_cast %add3A_126 : i32 to index
        %get3A_131 = arith.constant 64 : index
        %get3A_132 = tpu.vector_load %arg12[%get3A_130, %get3A_131] {strides = array<i32>} : memref<128x80xf32, #tpu.memory_space<vmem>>, vector<1x16xf32>,
        %get3A_133 = vector.shape_cast %get3A_132 : vector<1x16xf32> to vector<16xf32>
        %add3A_134 = arith.addf %get3A_133, %get3A_129 : vector<16xf32>
        %mul3A_135 = arith.constant 2.000000e-01 : f32
        %mul3A_136 = vector.broadcast %mul3A_135 : f32 to vector<16xf32>
        %mul3A_137 = arith.mulf %mul3A_136, %add3A_134 : vector<16xf32>
        %max3A = arith.maximumf %add3A_134, %mul3A_137 : vector<16xf32>
        %exp3A = math.exp %max3A : vector<16xf32>
        %and3A = arith.constant 7 : i32
        %and3A_138 = vector.broadcast %and3A : i32 to vector<16xi32>
        %and3A_139 = arith.andi %iota3A, %and3A_138 : vector<16xi32>
        %broadcast_in_dim3A = vector.shape_cast %and3A_139 : vector<16xi32> to vector<16x1xi32>
        %gather3A = vector.shape_cast %broadcast_in_dim3A : vector<16x1xi32> to vector<16xi32>
        %gather3A_140 = tpu.dynamic_gather %exp3A[%gather3A] in [0] : vector<16xf32>, vector<16xi32> -> vector<16xf32>
        %get3A_141 = arith.index_cast %add3A_126 : i32 to index
        %get3A_142 = arith.constant 0 : index
        %get3A_143 = tpu.vector_load %arg12[%get3A_141, %get3A_142] {strides = array<i32>} : memref<128x80xf32, #tpu.memory_space<vmem>>, vector<1x16xf32>,
        %get3A_144 = vector.shape_cast %get3A_143 : vector<1x16xf32> to vector<16xf32>
        %mul3A_145 = arith.mulf %gather3A_140, %get3A_144 : vector<16xf32>
        %swap3A = arith.index_cast %add3A_126 : i32 to index
        %swap3A_146 = arith.constant 0 : index
        %swap3A_147 = tpu.vector_load %arg16[%swap3A, %swap3A_146] {strides = array<i32>} : memref<128x80xf32, #tpu.memory_space<vmem>>, vector<1x16xf32>,
        %swap3A_148 = vector.shape_cast %swap3A_147 : vector<1x16xf32> to vector<16xf32>
        %swap3A_149 = vector.shape_cast %mul3A_145 : vector<16xf32> to vector<1x16xf32>
        tpu.vector_store %arg16[%swap3A, %swap3A_146], %swap3A_149 {strides = array<i32>} : memref<128x80xf32, #tpu.memory_space<vmem>>, vector<1x16xf32>,
        %get3A_150 = arith.index_cast %add3A_126 : i32 to index
        %get3A_151 = arith.constant 16 : index
        %get3A_152 = tpu.vector_load %arg12[%get3A_150, %get3A_151] {strides = array<i32>} : memref<128x80xf32, #tpu.memory_space<vmem>>, vector<1x16xf32>,
        %get3A_153 = vector.shape_cast %get3A_152 : vector<1x16xf32> to vector<16xf32>
        %mul3A_154 = arith.mulf %gather3A_140, %get3A_153 : vector<16xf32>
        %swap3A_155 = arith.index_cast %add3A_126 : i32 to index
        %swap3A_156 = arith.constant 16 : index
        %swap3A_157 = tpu.vector_load %arg16[%swap3A_155, %swap3A_156] {strides = array<i32>} : memref<128x80xf32, #tpu.memory_space<vmem>>, vector<1x16xf32>,
        %swap3A_158 = vector.shape_cast %swap3A_157 : vector<1x16xf32> to vector<16xf32>
        %swap3A_159 = vector.shape_cast %mul3A_154 : vector<16xf32> to vector<1x16xf32>
        tpu.vector_store %arg16[%swap3A_155, %swap3A_156], %swap3A_159 {strides = array<i32>} : memref<128x80xf32, #tpu.memory_space<vmem>>, vector<1x16xf32>,
        %get3A_160 = arith.index_cast %add3A_126 : i32 to index
        %get3A_161 = arith.constant 32 : index
        %get3A_162 = tpu.vector_load %arg12[%get3A_160, %get3A_161] {strides = array<i32>} : memref<128x80xf32, #tpu.memory_space<vmem>>, vector<1x16xf32>,
        %get3A_163 = vector.shape_cast %get3A_162 : vector<1x16xf32> to vector<16xf32>
        %mul3A_164 = arith.mulf %gather3A_140, %get3A_163 : vector<16xf32>
        %swap3A_165 = arith.index_cast %add3A_126 : i32 to index
        %swap3A_166 = arith.constant 32 : index
        %swap3A_167 = tpu.vector_load %arg16[%swap3A_165, %swap3A_166] {strides = array<i32>} : memref<128x80xf32, #tpu.memory_space<vmem>>, vector<1x16xf32>,
        %swap3A_168 = vector.shape_cast %swap3A_167 : vector<1x16xf32> to vector<16xf32>
        %swap3A_169 = vector.shape_cast %mul3A_164 : vector<16xf32> to vector<1x16xf32>
        tpu.vector_store %arg16[%swap3A_165, %swap3A_166], %swap3A_169 {strides = array<i32>} : memref<128x80xf32, #tpu.memory_space<vmem>>, vector<1x16xf32>,
        %get3A_170 = arith.index_cast %add3A_126 : i32 to index
        %get3A_171 = arith.constant 48 : index
        %get3A_172 = tpu.vector_load %arg12[%get3A_170, %get3A_171] {strides = array<i32>} : memref<128x80xf32, #tpu.memory_space<vmem>>, vector<1x16xf32>,
        %get3A_173 = vector.shape_cast %get3A_172 : vector<1x16xf32> to vector<16xf32>
        %mul3A_174 = arith.mulf %gather3A_140, %get3A_173 : vector<16xf32>
        %swap3A_175 = arith.index_cast %add3A_126 : i32 to index
        %swap3A_176 = arith.constant 48 : index
        %swap3A_177 = tpu.vector_load %arg16[%swap3A_175, %swap3A_176] {strides = array<i32>} : memref<128x80xf32, #tpu.memory_space<vmem>>, vector<1x16xf32>,
        %swap3A_178 = vector.shape_cast %swap3A_177 : vector<1x16xf32> to vector<16xf32>
        %swap3A_179 = vector.shape_cast %mul3A_174 : vector<16xf32> to vector<1x16xf32>
        tpu.vector_store %arg16[%swap3A_175, %swap3A_176], %swap3A_179 {strides = array<i32>} : memref<128x80xf32, #tpu.memory_space<vmem>>, vector<1x16xf32>,
        %swap3A_180 = arith.index_cast %add3A_126 : i32 to index
        %swap3A_181 = arith.constant 64 : index
        %swap3A_182 = tpu.vector_load %arg16[%swap3A_180, %swap3A_181] {strides = array<i32>} : memref<128x80xf32, #tpu.memory_space<vmem>>, vector<1x16xf32>,
        %swap3A_183 = vector.shape_cast %swap3A_182 : vector<1x16xf32> to vector<16xf32>
        %swap3A_184 = vector.shape_cast %exp3A : vector<16xf32> to vector<1x16xf32>
        tpu.vector_store %arg16[%swap3A_180, %swap3A_181], %swap3A_184 {strides = array<i32>} : memref<128x80xf32, #tpu.memory_space<vmem>>, vector<1x16xf32>,
        %mul3A_185 = arith.constant 4 : i32
        %mul3A_186 = arith.muli %mul3A_185, %scan3A_122 : i32
        %add3A_187 = arith.constant 1 : i32
        %add3A_188 = arith.addi %mul3A_186, %add3A_187 : i32
        %get3A_189 = arith.index_cast %add3A_188 : i32 to index
        %get3A_190 = arith.constant 0 : index
        %get3A_191 = tpu.vector_load %arg13[%get3A_189, %get3A_190] {strides = array<i32>} : memref<128x16xf32, #tpu.memory_space<vmem>>, vector<1x16xf32>,
        %get3A_192 = vector.shape_cast %get3A_191 : vector<1x16xf32> to vector<16xf32>
        %get3A_193 = arith.index_cast %add3A_188 : i32 to index
        %get3A_194 = arith.constant 64 : index
        %get3A_195 = tpu.vector_load %arg12[%get3A_193, %get3A_194] {strides = array<i32>} : memref<128x80xf32, #tpu.memory_space<vmem>>, vector<1x16xf32>,
        %get3A_196 = vector.shape_cast %get3A_195 : vector<1x16xf32> to vector<16xf32>
        %add3A_197 = arith.addf %get3A_196, %get3A_192 : vector<16xf32>
        %mul3A_198 = arith.constant 2.000000e-01 : f32
        %mul3A_199 = vector.broadcast %mul3A_198 : f32 to vector<16xf32>
        %mul3A_200 = arith.mulf %mul3A_199, %add3A_197 : vector<16xf32>
        %max3A_201 = arith.maximumf %add3A_197, %mul3A_200 : vector<16xf32>
        %exp3A_202 = math.exp %max3A_201 : vector<16xf32>
        %and3A_203 = arith.constant 7 : i32
        %and3A_204 = vector.broadcast %and3A_203 : i32 to vector<16xi32>
        %and3A_205 = arith.andi %iota3A, %and3A_204 : vector<16xi32>
        %broadcast_in_dim3A_206 = vector.shape_cast %and3A_205 : vector<16xi32> to vector<16x1xi32>
        %gather3A_207 = vector.shape_cast %broadcast_in_dim3A_206 : vector<16x1xi32> to vector<16xi32>
        %gather3A_208 = tpu.dynamic_gather %exp3A_202[%gather3A_207] in [0] : vector<16xf32>, vector<16xi32> -> vector<16xf32>
        %get3A_209 = arith.index_cast %add3A_188 : i32 to index
        %get3A_210 = arith.constant 0 : index
        %get3A_211 = tpu.vector_load %arg12[%get3A_209, %get3A_210] {strides = array<i32>} : memref<128x80xf32, #tpu.memory_space<vmem>>, vector<1x16xf32>,
        %get3A_212 = vector.shape_cast %get3A_211 : vector<1x16xf32> to vector<16xf32>
        %mul3A_213 = arith.mulf %gather3A_208, %get3A_212 : vector<16xf32>
        %swap3A_214 = arith.index_cast %add3A_188 : i32 to index
        %swap3A_215 = arith.constant 0 : index
        %swap3A_216 = tpu.vector_load %arg16[%swap3A_214, %swap3A_215] {strides = array<i32>} : memref<128x80xf32, #tpu.memory_space<vmem>>, vector<1x16xf32>,
        %swap3A_217 = vector.shape_cast %swap3A_216 : vector<1x16xf32> to vector<16xf32>
        %swap3A_218 = vector.shape_cast %mul3A_213 : vector<16xf32> to vector<1x16xf32>
        tpu.vector_store %arg16[%swap3A_214, %swap3A_215], %swap3A_218 {strides = array<i32>} : memref<128x80xf32, #tpu.memory_space<vmem>>, vector<1x16xf32>,
        %get3A_219 = arith.index_cast %add3A_188 : i32 to index
        %get3A_220 = arith.constant 16 : index
        %get3A_221 = tpu.vector_load %arg12[%get3A_219, %get3A_220] {strides = array<i32>} : memref<128x80xf32, #tpu.memory_space<vmem>>, vector<1x16xf32>,
        %get3A_222 = vector.shape_cast %get3A_221 : vector<1x16xf32> to vector<16xf32>
        %mul3A_223 = arith.mulf %gather3A_208, %get3A_222 : vector<16xf32>
        %swap3A_224 = arith.index_cast %add3A_188 : i32 to index
        %swap3A_225 = arith.constant 16 : index
        %swap3A_226 = tpu.vector_load %arg16[%swap3A_224, %swap3A_225] {strides = array<i32>} : memref<128x80xf32, #tpu.memory_space<vmem>>, vector<1x16xf32>,
        %swap3A_227 = vector.shape_cast %swap3A_226 : vector<1x16xf32> to vector<16xf32>
        %swap3A_228 = vector.shape_cast %mul3A_223 : vector<16xf32> to vector<1x16xf32>
        tpu.vector_store %arg16[%swap3A_224, %swap3A_225], %swap3A_228 {strides = array<i32>} : memref<128x80xf32, #tpu.memory_space<vmem>>, vector<1x16xf32>,
        %get3A_229 = arith.index_cast %add3A_188 : i32 to index
        %get3A_230 = arith.constant 32 : index
        %get3A_231 = tpu.vector_load %arg12[%get3A_229, %get3A_230] {strides = array<i32>} : memref<128x80xf32, #tpu.memory_space<vmem>>, vector<1x16xf32>,
        %get3A_232 = vector.shape_cast %get3A_231 : vector<1x16xf32> to vector<16xf32>
        %mul3A_233 = arith.mulf %gather3A_208, %get3A_232 : vector<16xf32>
        %swap3A_234 = arith.index_cast %add3A_188 : i32 to index
        %swap3A_235 = arith.constant 32 : index
        %swap3A_236 = tpu.vector_load %arg16[%swap3A_234, %swap3A_235] {strides = array<i32>} : memref<128x80xf32, #tpu.memory_space<vmem>>, vector<1x16xf32>,
        %swap3A_237 = vector.shape_cast %swap3A_236 : vector<1x16xf32> to vector<16xf32>
        %swap3A_238 = vector.shape_cast %mul3A_233 : vector<16xf32> to vector<1x16xf32>
        tpu.vector_store %arg16[%swap3A_234, %swap3A_235], %swap3A_238 {strides = array<i32>} : memref<128x80xf32, #tpu.memory_space<vmem>>, vector<1x16xf32>,
        %get3A_239 = arith.index_cast %add3A_188 : i32 to index
        %get3A_240 = arith.constant 48 : index
        %get3A_241 = tpu.vector_load %arg12[%get3A_239, %get3A_240] {strides = array<i32>} : memref<128x80xf32, #tpu.memory_space<vmem>>, vector<1x16xf32>,
        %get3A_242 = vector.shape_cast %get3A_241 : vector<1x16xf32> to vector<16xf32>
        %mul3A_243 = arith.mulf %gather3A_208, %get3A_242 : vector<16xf32>
        %swap3A_244 = arith.index_cast %add3A_188 : i32 to index
        %swap3A_245 = arith.constant 48 : index
        %swap3A_246 = tpu.vector_load %arg16[%swap3A_244, %swap3A_245] {strides = array<i32>} : memref<128x80xf32, #tpu.memory_space<vmem>>, vector<1x16xf32>,
        %swap3A_247 = vector.shape_cast %swap3A_246 : vector<1x16xf32> to vector<16xf32>
        %swap3A_248 = vector.shape_cast %mul3A_243 : vector<16xf32> to vector<1x16xf32>
        tpu.vector_store %arg16[%swap3A_244, %swap3A_245], %swap3A_248 {strides = array<i32>} : memref<128x80xf32, #tpu.memory_space<vmem>>, vector<1x16xf32>,
        %swap3A_249 = arith.index_cast %add3A_188 : i32 to index
        %swap3A_250 = arith.constant 64 : index
        %swap3A_251 = tpu.vector_load %arg16[%swap3A_249, %swap3A_250] {strides = array<i32>} : memref<128x80xf32, #tpu.memory_space<vmem>>, vector<1x16xf32>,
        %swap3A_252 = vector.shape_cast %swap3A_251 : vector<1x16xf32> to vector<16xf32>
        %swap3A_253 = vector.shape_cast %exp3A_202 : vector<16xf32> to vector<1x16xf32>
        tpu.vector_store %arg16[%swap3A_249, %swap3A_250], %swap3A_253 {strides = array<i32>} : memref<128x80xf32, #tpu.memory_space<vmem>>, vector<1x16xf32>,
        %mul3A_254 = arith.constant 4 : i32
        %mul3A_255 = arith.muli %mul3A_254, %scan3A_122 : i32
        %add3A_256 = arith.constant 2 : i32
        %add3A_257 = arith.addi %mul3A_255, %add3A_256 : i32
        %get3A_258 = arith.index_cast %add3A_257 : i32 to index
        %get3A_259 = arith.constant 0 : index
        %get3A_260 = tpu.vector_load %arg13[%get3A_258, %get3A_259] {strides = array<i32>} : memref<128x16xf32, #tpu.memory_space<vmem>>, vector<1x16xf32>,
        %get3A_261 = vector.shape_cast %get3A_260 : vector<1x16xf32> to vector<16xf32>
        %get3A_262 = arith.index_cast %add3A_257 : i32 to index
        %get3A_263 = arith.constant 64 : index
        %get3A_264 = tpu.vector_load %arg12[%get3A_262, %get3A_263] {strides = array<i32>} : memref<128x80xf32, #tpu.memory_space<vmem>>, vector<1x16xf32>,
        %get3A_265 = vector.shape_cast %get3A_264 : vector<1x16xf32> to vector<16xf32>
        %add3A_266 = arith.addf %get3A_265, %get3A_261 : vector<16xf32>
        %mul3A_267 = arith.constant 2.000000e-01 : f32
        %mul3A_268 = vector.broadcast %mul3A_267 : f32 to vector<16xf32>
        %mul3A_269 = arith.mulf %mul3A_268, %add3A_266 : vector<16xf32>
        %max3A_270 = arith.maximumf %add3A_266, %mul3A_269 : vector<16xf32>
        %exp3A_271 = math.exp %max3A_270 : vector<16xf32>
        %and3A_272 = arith.constant 7 : i32
        %and3A_273 = vector.broadcast %and3A_272 : i32 to vector<16xi32>
        %and3A_274 = arith.andi %iota3A, %and3A_273 : vector<16xi32>
        %broadcast_in_dim3A_275 = vector.shape_cast %and3A_274 : vector<16xi32> to vector<16x1xi32>
        %gather3A_276 = vector.shape_cast %broadcast_in_dim3A_275 : vector<16x1xi32> to vector<16xi32>
        %gather3A_277 = tpu.dynamic_gather %exp3A_271[%gather3A_276] in [0] : vector<16xf32>, vector<16xi32> -> vector<16xf32>
        %get3A_278 = arith.index_cast %add3A_257 : i32 to index
        %get3A_279 = arith.constant 0 : index
        %get3A_280 = tpu.vector_load %arg12[%get3A_278, %get3A_279] {strides = array<i32>} : memref<128x80xf32, #tpu.memory_space<vmem>>, vector<1x16xf32>,
        %get3A_281 = vector.shape_cast %get3A_280 : vector<1x16xf32> to vector<16xf32>
        %mul3A_282 = arith.mulf %gather3A_277, %get3A_281 : vector<16xf32>
        %swap3A_283 = arith.index_cast %add3A_257 : i32 to index
        %swap3A_284 = arith.constant 0 : index
        %swap3A_285 = tpu.vector_load %arg16[%swap3A_283, %swap3A_284] {strides = array<i32>} : memref<128x80xf32, #tpu.memory_space<vmem>>, vector<1x16xf32>,
        %swap3A_286 = vector.shape_cast %swap3A_285 : vector<1x16xf32> to vector<16xf32>
        %swap3A_287 = vector.shape_cast %mul3A_282 : vector<16xf32> to vector<1x16xf32>
        tpu.vector_store %arg16[%swap3A_283, %swap3A_284], %swap3A_287 {strides = array<i32>} : memref<128x80xf32, #tpu.memory_space<vmem>>, vector<1x16xf32>,
        %get3A_288 = arith.index_cast %add3A_257 : i32 to index
        %get3A_289 = arith.constant 16 : index
        %get3A_290 = tpu.vector_load %arg12[%get3A_288, %get3A_289] {strides = array<i32>} : memref<128x80xf32, #tpu.memory_space<vmem>>, vector<1x16xf32>,
        %get3A_291 = vector.shape_cast %get3A_290 : vector<1x16xf32> to vector<16xf32>
        %mul3A_292 = arith.mulf %gather3A_277, %get3A_291 : vector<16xf32>
        %swap3A_293 = arith.index_cast %add3A_257 : i32 to index
        %swap3A_294 = arith.constant 16 : index
        %swap3A_295 = tpu.vector_load %arg16[%swap3A_293, %swap3A_294] {strides = array<i32>} : memref<128x80xf32, #tpu.memory_space<vmem>>, vector<1x16xf32>,
        %swap3A_296 = vector.shape_cast %swap3A_295 : vector<1x16xf32> to vector<16xf32>
        %swap3A_297 = vector.shape_cast %mul3A_292 : vector<16xf32> to vector<1x16xf32>
        tpu.vector_store %arg16[%swap3A_293, %swap3A_294], %swap3A_297 {strides = array<i32>} : memref<128x80xf32, #tpu.memory_space<vmem>>, vector<1x16xf32>,
        %get3A_298 = arith.index_cast %add3A_257 : i32 to index
        %get3A_299 = arith.constant 32 : index
        %get3A_300 = tpu.vector_load %arg12[%get3A_298, %get3A_299] {strides = array<i32>} : memref<128x80xf32, #tpu.memory_space<vmem>>, vector<1x16xf32>,
        %get3A_301 = vector.shape_cast %get3A_300 : vector<1x16xf32> to vector<16xf32>
        %mul3A_302 = arith.mulf %gather3A_277, %get3A_301 : vector<16xf32>
        %swap3A_303 = arith.index_cast %add3A_257 : i32 to index
        %swap3A_304 = arith.constant 32 : index
        %swap3A_305 = tpu.vector_load %arg16[%swap3A_303, %swap3A_304] {strides = array<i32>} : memref<128x80xf32, #tpu.memory_space<vmem>>, vector<1x16xf32>,
        %swap3A_306 = vector.shape_cast %swap3A_305 : vector<1x16xf32> to vector<16xf32>
        %swap3A_307 = vector.shape_cast %mul3A_302 : vector<16xf32> to vector<1x16xf32>
        tpu.vector_store %arg16[%swap3A_303, %swap3A_304], %swap3A_307 {strides = array<i32>} : memref<128x80xf32, #tpu.memory_space<vmem>>, vector<1x16xf32>,
        %get3A_308 = arith.index_cast %add3A_257 : i32 to index
        %get3A_309 = arith.constant 48 : index
        %get3A_310 = tpu.vector_load %arg12[%get3A_308, %get3A_309] {strides = array<i32>} : memref<128x80xf32, #tpu.memory_space<vmem>>, vector<1x16xf32>,
        %get3A_311 = vector.shape_cast %get3A_310 : vector<1x16xf32> to vector<16xf32>
        %mul3A_312 = arith.mulf %gather3A_277, %get3A_311 : vector<16xf32>
        %swap3A_313 = arith.index_cast %add3A_257 : i32 to index
        %swap3A_314 = arith.constant 48 : index
        %swap3A_315 = tpu.vector_load %arg16[%swap3A_313, %swap3A_314] {strides = array<i32>} : memref<128x80xf32, #tpu.memory_space<vmem>>, vector<1x16xf32>,
        %swap3A_316 = vector.shape_cast %swap3A_315 : vector<1x16xf32> to vector<16xf32>
        %swap3A_317 = vector.shape_cast %mul3A_312 : vector<16xf32> to vector<1x16xf32>
        tpu.vector_store %arg16[%swap3A_313, %swap3A_314], %swap3A_317 {strides = array<i32>} : memref<128x80xf32, #tpu.memory_space<vmem>>, vector<1x16xf32>,
        %swap3A_318 = arith.index_cast %add3A_257 : i32 to index
        %swap3A_319 = arith.constant 64 : index
        %swap3A_320 = tpu.vector_load %arg16[%swap3A_318, %swap3A_319] {strides = array<i32>} : memref<128x80xf32, #tpu.memory_space<vmem>>, vector<1x16xf32>,
        %swap3A_321 = vector.shape_cast %swap3A_320 : vector<1x16xf32> to vector<16xf32>
        %swap3A_322 = vector.shape_cast %exp3A_271 : vector<16xf32> to vector<1x16xf32>
        tpu.vector_store %arg16[%swap3A_318, %swap3A_319], %swap3A_322 {strides = array<i32>} : memref<128x80xf32, #tpu.memory_space<vmem>>, vector<1x16xf32>,
        %mul3A_323 = arith.constant 4 : i32
        %mul3A_324 = arith.muli %mul3A_323, %scan3A_122 : i32
        %add3A_325 = arith.constant 3 : i32
        %add3A_326 = arith.addi %mul3A_324, %add3A_325 : i32
        %get3A_327 = arith.index_cast %add3A_326 : i32 to index
        %get3A_328 = arith.constant 0 : index
        %get3A_329 = tpu.vector_load %arg13[%get3A_327, %get3A_328] {strides = array<i32>} : memref<128x16xf32, #tpu.memory_space<vmem>>, vector<1x16xf32>,
        %get3A_330 = vector.shape_cast %get3A_329 : vector<1x16xf32> to vector<16xf32>
        %get3A_331 = arith.index_cast %add3A_326 : i32 to index
        %get3A_332 = arith.constant 64 : index
        %get3A_333 = tpu.vector_load %arg12[%get3A_331, %get3A_332] {strides = array<i32>} : memref<128x80xf32, #tpu.memory_space<vmem>>, vector<1x16xf32>,
        %get3A_334 = vector.shape_cast %get3A_333 : vector<1x16xf32> to vector<16xf32>
        %add3A_335 = arith.addf %get3A_334, %get3A_330 : vector<16xf32>
        %mul3A_336 = arith.constant 2.000000e-01 : f32
        %mul3A_337 = vector.broadcast %mul3A_336 : f32 to vector<16xf32>
        %mul3A_338 = arith.mulf %mul3A_337, %add3A_335 : vector<16xf32>
        %max3A_339 = arith.maximumf %add3A_335, %mul3A_338 : vector<16xf32>
        %exp3A_340 = math.exp %max3A_339 : vector<16xf32>
        %and3A_341 = arith.constant 7 : i32
        %and3A_342 = vector.broadcast %and3A_341 : i32 to vector<16xi32>
        %and3A_343 = arith.andi %iota3A, %and3A_342 : vector<16xi32>
        %broadcast_in_dim3A_344 = vector.shape_cast %and3A_343 : vector<16xi32> to vector<16x1xi32>
        %gather3A_345 = vector.shape_cast %broadcast_in_dim3A_344 : vector<16x1xi32> to vector<16xi32>
        %gather3A_346 = tpu.dynamic_gather %exp3A_340[%gather3A_345] in [0] : vector<16xf32>, vector<16xi32> -> vector<16xf32>
        %get3A_347 = arith.index_cast %add3A_326 : i32 to index
        %get3A_348 = arith.constant 0 : index
        %get3A_349 = tpu.vector_load %arg12[%get3A_347, %get3A_348] {strides = array<i32>} : memref<128x80xf32, #tpu.memory_space<vmem>>, vector<1x16xf32>,
        %get3A_350 = vector.shape_cast %get3A_349 : vector<1x16xf32> to vector<16xf32>
        %mul3A_351 = arith.mulf %gather3A_346, %get3A_350 : vector<16xf32>
        %swap3A_352 = arith.index_cast %add3A_326 : i32 to index
        %swap3A_353 = arith.constant 0 : index
        %swap3A_354 = tpu.vector_load %arg16[%swap3A_352, %swap3A_353] {strides = array<i32>} : memref<128x80xf32, #tpu.memory_space<vmem>>, vector<1x16xf32>,
        %swap3A_355 = vector.shape_cast %swap3A_354 : vector<1x16xf32> to vector<16xf32>
        %swap3A_356 = vector.shape_cast %mul3A_351 : vector<16xf32> to vector<1x16xf32>
        tpu.vector_store %arg16[%swap3A_352, %swap3A_353], %swap3A_356 {strides = array<i32>} : memref<128x80xf32, #tpu.memory_space<vmem>>, vector<1x16xf32>,
        %get3A_357 = arith.index_cast %add3A_326 : i32 to index
        %get3A_358 = arith.constant 16 : index
        %get3A_359 = tpu.vector_load %arg12[%get3A_357, %get3A_358] {strides = array<i32>} : memref<128x80xf32, #tpu.memory_space<vmem>>, vector<1x16xf32>,
        %get3A_360 = vector.shape_cast %get3A_359 : vector<1x16xf32> to vector<16xf32>
        %mul3A_361 = arith.mulf %gather3A_346, %get3A_360 : vector<16xf32>
        %swap3A_362 = arith.index_cast %add3A_326 : i32 to index
        %swap3A_363 = arith.constant 16 : index
        %swap3A_364 = tpu.vector_load %arg16[%swap3A_362, %swap3A_363] {strides = array<i32>} : memref<128x80xf32, #tpu.memory_space<vmem>>, vector<1x16xf32>,
        %swap3A_365 = vector.shape_cast %swap3A_364 : vector<1x16xf32> to vector<16xf32>
        %swap3A_366 = vector.shape_cast %mul3A_361 : vector<16xf32> to vector<1x16xf32>
        tpu.vector_store %arg16[%swap3A_362, %swap3A_363], %swap3A_366 {strides = array<i32>} : memref<128x80xf32, #tpu.memory_space<vmem>>, vector<1x16xf32>,
        %get3A_367 = arith.index_cast %add3A_326 : i32 to index
        %get3A_368 = arith.constant 32 : index
        %get3A_369 = tpu.vector_load %arg12[%get3A_367, %get3A_368] {strides = array<i32>} : memref<128x80xf32, #tpu.memory_space<vmem>>, vector<1x16xf32>,
        %get3A_370 = vector.shape_cast %get3A_369 : vector<1x16xf32> to vector<16xf32>
        %mul3A_371 = arith.mulf %gather3A_346, %get3A_370 : vector<16xf32>
        %swap3A_372 = arith.index_cast %add3A_326 : i32 to index
        %swap3A_373 = arith.constant 32 : index
        %swap3A_374 = tpu.vector_load %arg16[%swap3A_372, %swap3A_373] {strides = array<i32>} : memref<128x80xf32, #tpu.memory_space<vmem>>, vector<1x16xf32>,
        %swap3A_375 = vector.shape_cast %swap3A_374 : vector<1x16xf32> to vector<16xf32>
        %swap3A_376 = vector.shape_cast %mul3A_371 : vector<16xf32> to vector<1x16xf32>
        tpu.vector_store %arg16[%swap3A_372, %swap3A_373], %swap3A_376 {strides = array<i32>} : memref<128x80xf32, #tpu.memory_space<vmem>>, vector<1x16xf32>,
        %get3A_377 = arith.index_cast %add3A_326 : i32 to index
        %get3A_378 = arith.constant 48 : index
        %get3A_379 = tpu.vector_load %arg12[%get3A_377, %get3A_378] {strides = array<i32>} : memref<128x80xf32, #tpu.memory_space<vmem>>, vector<1x16xf32>,
        %get3A_380 = vector.shape_cast %get3A_379 : vector<1x16xf32> to vector<16xf32>
        %mul3A_381 = arith.mulf %gather3A_346, %get3A_380 : vector<16xf32>
        %swap3A_382 = arith.index_cast %add3A_326 : i32 to index
        %swap3A_383 = arith.constant 48 : index
        %swap3A_384 = tpu.vector_load %arg16[%swap3A_382, %swap3A_383] {strides = array<i32>} : memref<128x80xf32, #tpu.memory_space<vmem>>, vector<1x16xf32>,
        %swap3A_385 = vector.shape_cast %swap3A_384 : vector<1x16xf32> to vector<16xf32>
        %swap3A_386 = vector.shape_cast %mul3A_381 : vector<16xf32> to vector<1x16xf32>
        tpu.vector_store %arg16[%swap3A_382, %swap3A_383], %swap3A_386 {strides = array<i32>} : memref<128x80xf32, #tpu.memory_space<vmem>>, vector<1x16xf32>,
        %swap3A_387 = arith.index_cast %add3A_326 : i32 to index
        %swap3A_388 = arith.constant 64 : index
        %swap3A_389 = tpu.vector_load %arg16[%swap3A_387, %swap3A_388] {strides = array<i32>} : memref<128x80xf32, #tpu.memory_space<vmem>>, vector<1x16xf32>,
        %swap3A_390 = vector.shape_cast %swap3A_389 : vector<1x16xf32> to vector<16xf32>
        %swap3A_391 = vector.shape_cast %exp3A_340 : vector<16xf32> to vector<1x16xf32>
        tpu.vector_store %arg16[%swap3A_387, %swap3A_388], %swap3A_391 {strides = array<i32>} : memref<128x80xf32, #tpu.memory_space<vmem>>, vector<1x16xf32>,
      }
      %scan3A_92 = arith.constant 32 : i32
      "tpu.region"() ({
        %run_scoped3A = tpu.sem_alloc : memref<!tpu.dma_semaphore, #tpu.memory_space<semaphore_mem>>
        %dma_start3A_122 = arith.constant 0 : i32
        %dma_start3A_123 = tpu.memref_slice %arg9[%add3A_74, %dma_start3A_122] : memref<81x128xi32, #tpu.memory_space<vmem>> -> memref<1x128xi32, #tpu.memory_space<vmem>>
        %dma_start3A_124 = tpu.memref_squeeze %dma_start3A_123 : memref<1x128xi32, #tpu.memory_space<vmem>> -> memref<128xi32, #tpu.memory_space<vmem>>
        %dma_start3A_125 = arith.constant 0 : i32
        %dma_start3A_126 = arith.constant 0 : i32
        %dma_start3A_127 = tpu.memref_slice %arg17[%dma_start3A_125, %dma_start3A_126] : memref<10048x80xf32, #tpu.memory_space<vmem_shared>> -> memref<10048x80xf32, #tpu.memory_space<vmem_shared>>
        tpu.enqueue_indirect_dma source(%arg16 : memref<128x80xf32, #tpu.memory_space<vmem>>) target(%dma_start3A_127 : memref<10048x80xf32, #tpu.memory_space<vmem_shared>>) offsets(%dma_start3A_124 : memref<128xi32, #tpu.memory_space<vmem>>) semaphore(%run_scoped3A : memref<!tpu.dma_semaphore, #tpu.memory_space<semaphore_mem>>) {add = true}
        %dma_wait3A_128 = arith.constant 0 : i32
        %dma_wait3A_129 = tpu.memref_slice %arg9[%add3A_74, %dma_wait3A_128] : memref<81x128xi32, #tpu.memory_space<vmem>> -> memref<1x128xi32, #tpu.memory_space<vmem>>
        %dma_wait3A_130 = tpu.memref_squeeze %dma_wait3A_129 : memref<1x128xi32, #tpu.memory_space<vmem>> -> memref<128xi32, #tpu.memory_space<vmem>>
        %dma_wait3A_131 = arith.constant 0 : i32
        %dma_wait3A_132 = arith.constant 0 : i32
        %dma_wait3A_133 = tpu.memref_slice %arg17[%dma_wait3A_131, %dma_wait3A_132] : memref<10048x80xf32, #tpu.memory_space<vmem_shared>> -> memref<10048x80xf32, #tpu.memory_space<vmem_shared>>
        tpu.wait_indirect_dma semaphore(%run_scoped3A : memref<!tpu.dma_semaphore, #tpu.memory_space<semaphore_mem>>) src(%arg16 : memref<128x80xf32, #tpu.memory_space<vmem>>) dst(%dma_wait3A_133 : memref<10048x80xf32, #tpu.memory_space<vmem_shared>>)
        tpu.yield
      }) : () -> ()
      %add3A_93 = arith.constant 2 : i32
      %add3A_94 = arith.addi %mul3A_38, %add3A_93 : i32
      %add3A_95 = arith.constant 2 : i32
      %add3A_96 = arith.addi %add3A_94, %add3A_95 : i32
      %lt3A_97 = arith.constant 81 : i32
      %lt3A_98 = arith.cmpi slt, %add3A_96, %lt3A_97 : i32
      %convert_element_type3A_99 = arith.extui %lt3A_98 : i1 to i32
      %cond3A_100 = arith.constant 0 : i32
      %cond3A_101 = arith.cmpi ne, %convert_element_type3A_99, %cond3A_100 : i32
      scf.if %cond3A_101 {
        %dma_start3A_122 = arith.constant 0 : i32
        %dma_start3A_123 = tpu.memref_slice %arg8[%add3A_96, %dma_start3A_122] : memref<81x128xi32, #tpu.memory_space<vmem>> -> memref<1x128xi32, #tpu.memory_space<vmem>>
        %dma_start3A_124 = tpu.memref_squeeze %dma_start3A_123 : memref<1x128xi32, #tpu.memory_space<vmem>> -> memref<128xi32, #tpu.memory_space<vmem>>
        %dma_start3A_125 = arith.constant 0 : i32
        %dma_start3A_126 = arith.constant 0 : i32
        %dma_start3A_127 = tpu.memref_slice %arg2[%dma_start3A_125, %dma_start3A_126] : memref<10048x80xf32, #tpu.memory_space<hbm>> -> memref<10048x80xf32, #tpu.memory_space<hbm>>
        tpu.enqueue_indirect_dma source(%dma_start3A_127 : memref<10048x80xf32, #tpu.memory_space<hbm>>) target(%arg12 : memref<128x80xf32, #tpu.memory_space<vmem>>) offsets(%dma_start3A_124 : memref<128xi32, #tpu.memory_space<vmem>>) semaphore(%arg19 : memref<!tpu.dma_semaphore, #tpu.memory_space<semaphore_mem>>)
        %dma_start3A_128 = arith.constant 0 : i32
        %dma_start3A_129 = tpu.memref_slice %arg9[%add3A_96, %dma_start3A_128] : memref<81x128xi32, #tpu.memory_space<vmem>> -> memref<1x128xi32, #tpu.memory_space<vmem>>
        %dma_start3A_130 = tpu.memref_squeeze %dma_start3A_129 : memref<1x128xi32, #tpu.memory_space<vmem>> -> memref<128xi32, #tpu.memory_space<vmem>>
        %dma_start3A_131 = arith.constant 0 : i32
        %dma_start3A_132 = arith.constant 0 : i32
        %dma_start3A_133 = tpu.memref_slice %arg3[%dma_start3A_131, %dma_start3A_132] : memref<10048x16xf32, #tpu.memory_space<hbm>> -> memref<10048x16xf32, #tpu.memory_space<hbm>>
        tpu.enqueue_indirect_dma source(%dma_start3A_133 : memref<10048x16xf32, #tpu.memory_space<hbm>>) target(%arg13 : memref<128x16xf32, #tpu.memory_space<vmem>>) offsets(%dma_start3A_130 : memref<128xi32, #tpu.memory_space<vmem>>) semaphore(%arg19 : memref<!tpu.dma_semaphore, #tpu.memory_space<semaphore_mem>>)
      } else {
      }
      %add3A_102 = arith.constant 2 : i32
      %add3A_103 = arith.addi %mul3A_38, %add3A_102 : i32
      %dma_wait3A_104 = arith.constant 0 : i32
      %dma_wait3A_105 = tpu.memref_slice %arg8[%add3A_103, %dma_wait3A_104] : memref<81x128xi32, #tpu.memory_space<vmem>> -> memref<1x128xi32, #tpu.memory_space<vmem>>
      %dma_wait3A_106 = tpu.memref_squeeze %dma_wait3A_105 : memref<1x128xi32, #tpu.memory_space<vmem>> -> memref<128xi32, #tpu.memory_space<vmem>>
      %dma_wait3A_107 = arith.constant 0 : i32
      %dma_wait3A_108 = arith.constant 0 : i32
      %dma_wait3A_109 = tpu.memref_slice %arg2[%dma_wait3A_107, %dma_wait3A_108] : memref<10048x80xf32, #tpu.memory_space<hbm>> -> memref<10048x80xf32, #tpu.memory_space<hbm>>
      tpu.wait_indirect_dma semaphore(%arg20 : memref<!tpu.dma_semaphore, #tpu.memory_space<semaphore_mem>>) src(%dma_wait3A_109 : memref<10048x80xf32, #tpu.memory_space<hbm>>) dst(%arg14 : memref<128x80xf32, #tpu.memory_space<vmem>>)
      %dma_wait3A_110 = arith.constant 0 : i32
      %dma_wait3A_111 = tpu.memref_slice %arg9[%add3A_103, %dma_wait3A_110] : memref<81x128xi32, #tpu.memory_space<vmem>> -> memref<1x128xi32, #tpu.memory_space<vmem>>
      %dma_wait3A_112 = tpu.memref_squeeze %dma_wait3A_111 : memref<1x128xi32, #tpu.memory_space<vmem>> -> memref<128xi32, #tpu.memory_space<vmem>>
      %dma_wait3A_113 = arith.constant 0 : i32
      %dma_wait3A_114 = arith.constant 0 : i32
      %dma_wait3A_115 = tpu.memref_slice %arg3[%dma_wait3A_113, %dma_wait3A_114] : memref<10048x16xf32, #tpu.memory_space<hbm>> -> memref<10048x16xf32, #tpu.memory_space<hbm>>
      tpu.wait_indirect_dma semaphore(%arg20 : memref<!tpu.dma_semaphore, #tpu.memory_space<semaphore_mem>>) src(%dma_wait3A_115 : memref<10048x16xf32, #tpu.memory_space<hbm>>) dst(%arg15 : memref<128x16xf32, #tpu.memory_space<vmem>>)
      %scan3A_116 = arith.constant 0 : i32
      %scan3A_117 = arith.constant 0 : i32
      %scan3A_118 = arith.constant 32 : i32
      %scan3A_119 = arith.addi %scan3A_117, %scan3A_118 : i32
      %scan3A_120 = arith.constant 1 : i32
      scf.for %scan3A_122 = %scan3A_117 to %scan3A_119 step %scan3A_120  : i32 {
        %mul3A_123 = arith.constant 4 : i32
        %mul3A_124 = arith.muli %mul3A_123, %scan3A_122 : i32
        %add3A_125 = arith.constant 0 : i32
        %add3A_126 = arith.addi %mul3A_124, %add3A_125 : i32
        %get3A = arith.index_cast %add3A_126 : i32 to index
        %get3A_127 = arith.constant 0 : index
        %get3A_128 = tpu.vector_load %arg15[%get3A, %get3A_127] {strides = array<i32>} : memref<128x16xf32, #tpu.memory_space<vmem>>, vector<1x16xf32>,
        %get3A_129 = vector.shape_cast %get3A_128 : vector<1x16xf32> to vector<16xf32>
        %get3A_130 = arith.index_cast %add3A_126 : i32 to index
        %get3A_131 = arith.constant 64 : index
        %get3A_132 = tpu.vector_load %arg14[%get3A_130, %get3A_131] {strides = array<i32>} : memref<128x80xf32, #tpu.memory_space<vmem>>, vector<1x16xf32>,
        %get3A_133 = vector.shape_cast %get3A_132 : vector<1x16xf32> to vector<16xf32>
        %add3A_134 = arith.addf %get3A_133, %get3A_129 : vector<16xf32>
        %mul3A_135 = arith.constant 2.000000e-01 : f32
        %mul3A_136 = vector.broadcast %mul3A_135 : f32 to vector<16xf32>
        %mul3A_137 = arith.mulf %mul3A_136, %add3A_134 : vector<16xf32>
        %max3A = arith.maximumf %add3A_134, %mul3A_137 : vector<16xf32>
        %exp3A = math.exp %max3A : vector<16xf32>
        %and3A = arith.constant 7 : i32
        %and3A_138 = vector.broadcast %and3A : i32 to vector<16xi32>
        %and3A_139 = arith.andi %iota3A, %and3A_138 : vector<16xi32>
        %broadcast_in_dim3A = vector.shape_cast %and3A_139 : vector<16xi32> to vector<16x1xi32>
        %gather3A = vector.shape_cast %broadcast_in_dim3A : vector<16x1xi32> to vector<16xi32>
        %gather3A_140 = tpu.dynamic_gather %exp3A[%gather3A] in [0] : vector<16xf32>, vector<16xi32> -> vector<16xf32>
        %get3A_141 = arith.index_cast %add3A_126 : i32 to index
        %get3A_142 = arith.constant 0 : index
        %get3A_143 = tpu.vector_load %arg14[%get3A_141, %get3A_142] {strides = array<i32>} : memref<128x80xf32, #tpu.memory_space<vmem>>, vector<1x16xf32>,
        %get3A_144 = vector.shape_cast %get3A_143 : vector<1x16xf32> to vector<16xf32>
        %mul3A_145 = arith.mulf %gather3A_140, %get3A_144 : vector<16xf32>
        %swap3A = arith.index_cast %add3A_126 : i32 to index
        %swap3A_146 = arith.constant 0 : index
        %swap3A_147 = tpu.vector_load %arg16[%swap3A, %swap3A_146] {strides = array<i32>} : memref<128x80xf32, #tpu.memory_space<vmem>>, vector<1x16xf32>,
        %swap3A_148 = vector.shape_cast %swap3A_147 : vector<1x16xf32> to vector<16xf32>
        %swap3A_149 = vector.shape_cast %mul3A_145 : vector<16xf32> to vector<1x16xf32>
        tpu.vector_store %arg16[%swap3A, %swap3A_146], %swap3A_149 {strides = array<i32>} : memref<128x80xf32, #tpu.memory_space<vmem>>, vector<1x16xf32>,
        %get3A_150 = arith.index_cast %add3A_126 : i32 to index
        %get3A_151 = arith.constant 16 : index
        %get3A_152 = tpu.vector_load %arg14[%get3A_150, %get3A_151] {strides = array<i32>} : memref<128x80xf32, #tpu.memory_space<vmem>>, vector<1x16xf32>,
        %get3A_153 = vector.shape_cast %get3A_152 : vector<1x16xf32> to vector<16xf32>
        %mul3A_154 = arith.mulf %gather3A_140, %get3A_153 : vector<16xf32>
        %swap3A_155 = arith.index_cast %add3A_126 : i32 to index
        %swap3A_156 = arith.constant 16 : index
        %swap3A_157 = tpu.vector_load %arg16[%swap3A_155, %swap3A_156] {strides = array<i32>} : memref<128x80xf32, #tpu.memory_space<vmem>>, vector<1x16xf32>,
        %swap3A_158 = vector.shape_cast %swap3A_157 : vector<1x16xf32> to vector<16xf32>
        %swap3A_159 = vector.shape_cast %mul3A_154 : vector<16xf32> to vector<1x16xf32>
        tpu.vector_store %arg16[%swap3A_155, %swap3A_156], %swap3A_159 {strides = array<i32>} : memref<128x80xf32, #tpu.memory_space<vmem>>, vector<1x16xf32>,
        %get3A_160 = arith.index_cast %add3A_126 : i32 to index
        %get3A_161 = arith.constant 32 : index
        %get3A_162 = tpu.vector_load %arg14[%get3A_160, %get3A_161] {strides = array<i32>} : memref<128x80xf32, #tpu.memory_space<vmem>>, vector<1x16xf32>,
        %get3A_163 = vector.shape_cast %get3A_162 : vector<1x16xf32> to vector<16xf32>
        %mul3A_164 = arith.mulf %gather3A_140, %get3A_163 : vector<16xf32>
        %swap3A_165 = arith.index_cast %add3A_126 : i32 to index
        %swap3A_166 = arith.constant 32 : index
        %swap3A_167 = tpu.vector_load %arg16[%swap3A_165, %swap3A_166] {strides = array<i32>} : memref<128x80xf32, #tpu.memory_space<vmem>>, vector<1x16xf32>,
        %swap3A_168 = vector.shape_cast %swap3A_167 : vector<1x16xf32> to vector<16xf32>
        %swap3A_169 = vector.shape_cast %mul3A_164 : vector<16xf32> to vector<1x16xf32>
        tpu.vector_store %arg16[%swap3A_165, %swap3A_166], %swap3A_169 {strides = array<i32>} : memref<128x80xf32, #tpu.memory_space<vmem>>, vector<1x16xf32>,
        %get3A_170 = arith.index_cast %add3A_126 : i32 to index
        %get3A_171 = arith.constant 48 : index
        %get3A_172 = tpu.vector_load %arg14[%get3A_170, %get3A_171] {strides = array<i32>} : memref<128x80xf32, #tpu.memory_space<vmem>>, vector<1x16xf32>,
        %get3A_173 = vector.shape_cast %get3A_172 : vector<1x16xf32> to vector<16xf32>
        %mul3A_174 = arith.mulf %gather3A_140, %get3A_173 : vector<16xf32>
        %swap3A_175 = arith.index_cast %add3A_126 : i32 to index
        %swap3A_176 = arith.constant 48 : index
        %swap3A_177 = tpu.vector_load %arg16[%swap3A_175, %swap3A_176] {strides = array<i32>} : memref<128x80xf32, #tpu.memory_space<vmem>>, vector<1x16xf32>,
        %swap3A_178 = vector.shape_cast %swap3A_177 : vector<1x16xf32> to vector<16xf32>
        %swap3A_179 = vector.shape_cast %mul3A_174 : vector<16xf32> to vector<1x16xf32>
        tpu.vector_store %arg16[%swap3A_175, %swap3A_176], %swap3A_179 {strides = array<i32>} : memref<128x80xf32, #tpu.memory_space<vmem>>, vector<1x16xf32>,
        %swap3A_180 = arith.index_cast %add3A_126 : i32 to index
        %swap3A_181 = arith.constant 64 : index
        %swap3A_182 = tpu.vector_load %arg16[%swap3A_180, %swap3A_181] {strides = array<i32>} : memref<128x80xf32, #tpu.memory_space<vmem>>, vector<1x16xf32>,
        %swap3A_183 = vector.shape_cast %swap3A_182 : vector<1x16xf32> to vector<16xf32>
        %swap3A_184 = vector.shape_cast %exp3A : vector<16xf32> to vector<1x16xf32>
        tpu.vector_store %arg16[%swap3A_180, %swap3A_181], %swap3A_184 {strides = array<i32>} : memref<128x80xf32, #tpu.memory_space<vmem>>, vector<1x16xf32>,
        %mul3A_185 = arith.constant 4 : i32
        %mul3A_186 = arith.muli %mul3A_185, %scan3A_122 : i32
        %add3A_187 = arith.constant 1 : i32
        %add3A_188 = arith.addi %mul3A_186, %add3A_187 : i32
        %get3A_189 = arith.index_cast %add3A_188 : i32 to index
        %get3A_190 = arith.constant 0 : index
        %get3A_191 = tpu.vector_load %arg15[%get3A_189, %get3A_190] {strides = array<i32>} : memref<128x16xf32, #tpu.memory_space<vmem>>, vector<1x16xf32>,
        %get3A_192 = vector.shape_cast %get3A_191 : vector<1x16xf32> to vector<16xf32>
        %get3A_193 = arith.index_cast %add3A_188 : i32 to index
        %get3A_194 = arith.constant 64 : index
        %get3A_195 = tpu.vector_load %arg14[%get3A_193, %get3A_194] {strides = array<i32>} : memref<128x80xf32, #tpu.memory_space<vmem>>, vector<1x16xf32>,
        %get3A_196 = vector.shape_cast %get3A_195 : vector<1x16xf32> to vector<16xf32>
        %add3A_197 = arith.addf %get3A_196, %get3A_192 : vector<16xf32>
        %mul3A_198 = arith.constant 2.000000e-01 : f32
        %mul3A_199 = vector.broadcast %mul3A_198 : f32 to vector<16xf32>
        %mul3A_200 = arith.mulf %mul3A_199, %add3A_197 : vector<16xf32>
        %max3A_201 = arith.maximumf %add3A_197, %mul3A_200 : vector<16xf32>
        %exp3A_202 = math.exp %max3A_201 : vector<16xf32>
        %and3A_203 = arith.constant 7 : i32
        %and3A_204 = vector.broadcast %and3A_203 : i32 to vector<16xi32>
        %and3A_205 = arith.andi %iota3A, %and3A_204 : vector<16xi32>
        %broadcast_in_dim3A_206 = vector.shape_cast %and3A_205 : vector<16xi32> to vector<16x1xi32>
        %gather3A_207 = vector.shape_cast %broadcast_in_dim3A_206 : vector<16x1xi32> to vector<16xi32>
        %gather3A_208 = tpu.dynamic_gather %exp3A_202[%gather3A_207] in [0] : vector<16xf32>, vector<16xi32> -> vector<16xf32>
        %get3A_209 = arith.index_cast %add3A_188 : i32 to index
        %get3A_210 = arith.constant 0 : index
        %get3A_211 = tpu.vector_load %arg14[%get3A_209, %get3A_210] {strides = array<i32>} : memref<128x80xf32, #tpu.memory_space<vmem>>, vector<1x16xf32>,
        %get3A_212 = vector.shape_cast %get3A_211 : vector<1x16xf32> to vector<16xf32>
        %mul3A_213 = arith.mulf %gather3A_208, %get3A_212 : vector<16xf32>
        %swap3A_214 = arith.index_cast %add3A_188 : i32 to index
        %swap3A_215 = arith.constant 0 : index
        %swap3A_216 = tpu.vector_load %arg16[%swap3A_214, %swap3A_215] {strides = array<i32>} : memref<128x80xf32, #tpu.memory_space<vmem>>, vector<1x16xf32>,
        %swap3A_217 = vector.shape_cast %swap3A_216 : vector<1x16xf32> to vector<16xf32>
        %swap3A_218 = vector.shape_cast %mul3A_213 : vector<16xf32> to vector<1x16xf32>
        tpu.vector_store %arg16[%swap3A_214, %swap3A_215], %swap3A_218 {strides = array<i32>} : memref<128x80xf32, #tpu.memory_space<vmem>>, vector<1x16xf32>,
        %get3A_219 = arith.index_cast %add3A_188 : i32 to index
        %get3A_220 = arith.constant 16 : index
        %get3A_221 = tpu.vector_load %arg14[%get3A_219, %get3A_220] {strides = array<i32>} : memref<128x80xf32, #tpu.memory_space<vmem>>, vector<1x16xf32>,
        %get3A_222 = vector.shape_cast %get3A_221 : vector<1x16xf32> to vector<16xf32>
        %mul3A_223 = arith.mulf %gather3A_208, %get3A_222 : vector<16xf32>
        %swap3A_224 = arith.index_cast %add3A_188 : i32 to index
        %swap3A_225 = arith.constant 16 : index
        %swap3A_226 = tpu.vector_load %arg16[%swap3A_224, %swap3A_225] {strides = array<i32>} : memref<128x80xf32, #tpu.memory_space<vmem>>, vector<1x16xf32>,
        %swap3A_227 = vector.shape_cast %swap3A_226 : vector<1x16xf32> to vector<16xf32>
        %swap3A_228 = vector.shape_cast %mul3A_223 : vector<16xf32> to vector<1x16xf32>
        tpu.vector_store %arg16[%swap3A_224, %swap3A_225], %swap3A_228 {strides = array<i32>} : memref<128x80xf32, #tpu.memory_space<vmem>>, vector<1x16xf32>,
        %get3A_229 = arith.index_cast %add3A_188 : i32 to index
        %get3A_230 = arith.constant 32 : index
        %get3A_231 = tpu.vector_load %arg14[%get3A_229, %get3A_230] {strides = array<i32>} : memref<128x80xf32, #tpu.memory_space<vmem>>, vector<1x16xf32>,
        %get3A_232 = vector.shape_cast %get3A_231 : vector<1x16xf32> to vector<16xf32>
        %mul3A_233 = arith.mulf %gather3A_208, %get3A_232 : vector<16xf32>
        %swap3A_234 = arith.index_cast %add3A_188 : i32 to index
        %swap3A_235 = arith.constant 32 : index
        %swap3A_236 = tpu.vector_load %arg16[%swap3A_234, %swap3A_235] {strides = array<i32>} : memref<128x80xf32, #tpu.memory_space<vmem>>, vector<1x16xf32>,
        %swap3A_237 = vector.shape_cast %swap3A_236 : vector<1x16xf32> to vector<16xf32>
        %swap3A_238 = vector.shape_cast %mul3A_233 : vector<16xf32> to vector<1x16xf32>
        tpu.vector_store %arg16[%swap3A_234, %swap3A_235], %swap3A_238 {strides = array<i32>} : memref<128x80xf32, #tpu.memory_space<vmem>>, vector<1x16xf32>,
        %get3A_239 = arith.index_cast %add3A_188 : i32 to index
        %get3A_240 = arith.constant 48 : index
        %get3A_241 = tpu.vector_load %arg14[%get3A_239, %get3A_240] {strides = array<i32>} : memref<128x80xf32, #tpu.memory_space<vmem>>, vector<1x16xf32>,
        %get3A_242 = vector.shape_cast %get3A_241 : vector<1x16xf32> to vector<16xf32>
        %mul3A_243 = arith.mulf %gather3A_208, %get3A_242 : vector<16xf32>
        %swap3A_244 = arith.index_cast %add3A_188 : i32 to index
        %swap3A_245 = arith.constant 48 : index
        %swap3A_246 = tpu.vector_load %arg16[%swap3A_244, %swap3A_245] {strides = array<i32>} : memref<128x80xf32, #tpu.memory_space<vmem>>, vector<1x16xf32>,
        %swap3A_247 = vector.shape_cast %swap3A_246 : vector<1x16xf32> to vector<16xf32>
        %swap3A_248 = vector.shape_cast %mul3A_243 : vector<16xf32> to vector<1x16xf32>
        tpu.vector_store %arg16[%swap3A_244, %swap3A_245], %swap3A_248 {strides = array<i32>} : memref<128x80xf32, #tpu.memory_space<vmem>>, vector<1x16xf32>,
        %swap3A_249 = arith.index_cast %add3A_188 : i32 to index
        %swap3A_250 = arith.constant 64 : index
        %swap3A_251 = tpu.vector_load %arg16[%swap3A_249, %swap3A_250] {strides = array<i32>} : memref<128x80xf32, #tpu.memory_space<vmem>>, vector<1x16xf32>,
        %swap3A_252 = vector.shape_cast %swap3A_251 : vector<1x16xf32> to vector<16xf32>
        %swap3A_253 = vector.shape_cast %exp3A_202 : vector<16xf32> to vector<1x16xf32>
        tpu.vector_store %arg16[%swap3A_249, %swap3A_250], %swap3A_253 {strides = array<i32>} : memref<128x80xf32, #tpu.memory_space<vmem>>, vector<1x16xf32>,
        %mul3A_254 = arith.constant 4 : i32
        %mul3A_255 = arith.muli %mul3A_254, %scan3A_122 : i32
        %add3A_256 = arith.constant 2 : i32
        %add3A_257 = arith.addi %mul3A_255, %add3A_256 : i32
        %get3A_258 = arith.index_cast %add3A_257 : i32 to index
        %get3A_259 = arith.constant 0 : index
        %get3A_260 = tpu.vector_load %arg15[%get3A_258, %get3A_259] {strides = array<i32>} : memref<128x16xf32, #tpu.memory_space<vmem>>, vector<1x16xf32>,
        %get3A_261 = vector.shape_cast %get3A_260 : vector<1x16xf32> to vector<16xf32>
        %get3A_262 = arith.index_cast %add3A_257 : i32 to index
        %get3A_263 = arith.constant 64 : index
        %get3A_264 = tpu.vector_load %arg14[%get3A_262, %get3A_263] {strides = array<i32>} : memref<128x80xf32, #tpu.memory_space<vmem>>, vector<1x16xf32>,
        %get3A_265 = vector.shape_cast %get3A_264 : vector<1x16xf32> to vector<16xf32>
        %add3A_266 = arith.addf %get3A_265, %get3A_261 : vector<16xf32>
        %mul3A_267 = arith.constant 2.000000e-01 : f32
        %mul3A_268 = vector.broadcast %mul3A_267 : f32 to vector<16xf32>
        %mul3A_269 = arith.mulf %mul3A_268, %add3A_266 : vector<16xf32>
        %max3A_270 = arith.maximumf %add3A_266, %mul3A_269 : vector<16xf32>
        %exp3A_271 = math.exp %max3A_270 : vector<16xf32>
        %and3A_272 = arith.constant 7 : i32
        %and3A_273 = vector.broadcast %and3A_272 : i32 to vector<16xi32>
        %and3A_274 = arith.andi %iota3A, %and3A_273 : vector<16xi32>
        %broadcast_in_dim3A_275 = vector.shape_cast %and3A_274 : vector<16xi32> to vector<16x1xi32>
        %gather3A_276 = vector.shape_cast %broadcast_in_dim3A_275 : vector<16x1xi32> to vector<16xi32>
        %gather3A_277 = tpu.dynamic_gather %exp3A_271[%gather3A_276] in [0] : vector<16xf32>, vector<16xi32> -> vector<16xf32>
        %get3A_278 = arith.index_cast %add3A_257 : i32 to index
        %get3A_279 = arith.constant 0 : index
        %get3A_280 = tpu.vector_load %arg14[%get3A_278, %get3A_279] {strides = array<i32>} : memref<128x80xf32, #tpu.memory_space<vmem>>, vector<1x16xf32>,
        %get3A_281 = vector.shape_cast %get3A_280 : vector<1x16xf32> to vector<16xf32>
        %mul3A_282 = arith.mulf %gather3A_277, %get3A_281 : vector<16xf32>
        %swap3A_283 = arith.index_cast %add3A_257 : i32 to index
        %swap3A_284 = arith.constant 0 : index
        %swap3A_285 = tpu.vector_load %arg16[%swap3A_283, %swap3A_284] {strides = array<i32>} : memref<128x80xf32, #tpu.memory_space<vmem>>, vector<1x16xf32>,
        %swap3A_286 = vector.shape_cast %swap3A_285 : vector<1x16xf32> to vector<16xf32>
        %swap3A_287 = vector.shape_cast %mul3A_282 : vector<16xf32> to vector<1x16xf32>
        tpu.vector_store %arg16[%swap3A_283, %swap3A_284], %swap3A_287 {strides = array<i32>} : memref<128x80xf32, #tpu.memory_space<vmem>>, vector<1x16xf32>,
        %get3A_288 = arith.index_cast %add3A_257 : i32 to index
        %get3A_289 = arith.constant 16 : index
        %get3A_290 = tpu.vector_load %arg14[%get3A_288, %get3A_289] {strides = array<i32>} : memref<128x80xf32, #tpu.memory_space<vmem>>, vector<1x16xf32>,
        %get3A_291 = vector.shape_cast %get3A_290 : vector<1x16xf32> to vector<16xf32>
        %mul3A_292 = arith.mulf %gather3A_277, %get3A_291 : vector<16xf32>
        %swap3A_293 = arith.index_cast %add3A_257 : i32 to index
        %swap3A_294 = arith.constant 16 : index
        %swap3A_295 = tpu.vector_load %arg16[%swap3A_293, %swap3A_294] {strides = array<i32>} : memref<128x80xf32, #tpu.memory_space<vmem>>, vector<1x16xf32>,
        %swap3A_296 = vector.shape_cast %swap3A_295 : vector<1x16xf32> to vector<16xf32>
        %swap3A_297 = vector.shape_cast %mul3A_292 : vector<16xf32> to vector<1x16xf32>
        tpu.vector_store %arg16[%swap3A_293, %swap3A_294], %swap3A_297 {strides = array<i32>} : memref<128x80xf32, #tpu.memory_space<vmem>>, vector<1x16xf32>,
        %get3A_298 = arith.index_cast %add3A_257 : i32 to index
        %get3A_299 = arith.constant 32 : index
        %get3A_300 = tpu.vector_load %arg14[%get3A_298, %get3A_299] {strides = array<i32>} : memref<128x80xf32, #tpu.memory_space<vmem>>, vector<1x16xf32>,
        %get3A_301 = vector.shape_cast %get3A_300 : vector<1x16xf32> to vector<16xf32>
        %mul3A_302 = arith.mulf %gather3A_277, %get3A_301 : vector<16xf32>
        %swap3A_303 = arith.index_cast %add3A_257 : i32 to index
        %swap3A_304 = arith.constant 32 : index
        %swap3A_305 = tpu.vector_load %arg16[%swap3A_303, %swap3A_304] {strides = array<i32>} : memref<128x80xf32, #tpu.memory_space<vmem>>, vector<1x16xf32>,
        %swap3A_306 = vector.shape_cast %swap3A_305 : vector<1x16xf32> to vector<16xf32>
        %swap3A_307 = vector.shape_cast %mul3A_302 : vector<16xf32> to vector<1x16xf32>
        tpu.vector_store %arg16[%swap3A_303, %swap3A_304], %swap3A_307 {strides = array<i32>} : memref<128x80xf32, #tpu.memory_space<vmem>>, vector<1x16xf32>,
        %get3A_308 = arith.index_cast %add3A_257 : i32 to index
        %get3A_309 = arith.constant 48 : index
        %get3A_310 = tpu.vector_load %arg14[%get3A_308, %get3A_309] {strides = array<i32>} : memref<128x80xf32, #tpu.memory_space<vmem>>, vector<1x16xf32>,
        %get3A_311 = vector.shape_cast %get3A_310 : vector<1x16xf32> to vector<16xf32>
        %mul3A_312 = arith.mulf %gather3A_277, %get3A_311 : vector<16xf32>
        %swap3A_313 = arith.index_cast %add3A_257 : i32 to index
        %swap3A_314 = arith.constant 48 : index
        %swap3A_315 = tpu.vector_load %arg16[%swap3A_313, %swap3A_314] {strides = array<i32>} : memref<128x80xf32, #tpu.memory_space<vmem>>, vector<1x16xf32>,
        %swap3A_316 = vector.shape_cast %swap3A_315 : vector<1x16xf32> to vector<16xf32>
        %swap3A_317 = vector.shape_cast %mul3A_312 : vector<16xf32> to vector<1x16xf32>
        tpu.vector_store %arg16[%swap3A_313, %swap3A_314], %swap3A_317 {strides = array<i32>} : memref<128x80xf32, #tpu.memory_space<vmem>>, vector<1x16xf32>,
        %swap3A_318 = arith.index_cast %add3A_257 : i32 to index
        %swap3A_319 = arith.constant 64 : index
        %swap3A_320 = tpu.vector_load %arg16[%swap3A_318, %swap3A_319] {strides = array<i32>} : memref<128x80xf32, #tpu.memory_space<vmem>>, vector<1x16xf32>,
        %swap3A_321 = vector.shape_cast %swap3A_320 : vector<1x16xf32> to vector<16xf32>
        %swap3A_322 = vector.shape_cast %exp3A_271 : vector<16xf32> to vector<1x16xf32>
        tpu.vector_store %arg16[%swap3A_318, %swap3A_319], %swap3A_322 {strides = array<i32>} : memref<128x80xf32, #tpu.memory_space<vmem>>, vector<1x16xf32>,
        %mul3A_323 = arith.constant 4 : i32
        %mul3A_324 = arith.muli %mul3A_323, %scan3A_122 : i32
        %add3A_325 = arith.constant 3 : i32
        %add3A_326 = arith.addi %mul3A_324, %add3A_325 : i32
        %get3A_327 = arith.index_cast %add3A_326 : i32 to index
        %get3A_328 = arith.constant 0 : index
        %get3A_329 = tpu.vector_load %arg15[%get3A_327, %get3A_328] {strides = array<i32>} : memref<128x16xf32, #tpu.memory_space<vmem>>, vector<1x16xf32>,
        %get3A_330 = vector.shape_cast %get3A_329 : vector<1x16xf32> to vector<16xf32>
        %get3A_331 = arith.index_cast %add3A_326 : i32 to index
        %get3A_332 = arith.constant 64 : index
        %get3A_333 = tpu.vector_load %arg14[%get3A_331, %get3A_332] {strides = array<i32>} : memref<128x80xf32, #tpu.memory_space<vmem>>, vector<1x16xf32>,
        %get3A_334 = vector.shape_cast %get3A_333 : vector<1x16xf32> to vector<16xf32>
        %add3A_335 = arith.addf %get3A_334, %get3A_330 : vector<16xf32>
        %mul3A_336 = arith.constant 2.000000e-01 : f32
        %mul3A_337 = vector.broadcast %mul3A_336 : f32 to vector<16xf32>
        %mul3A_338 = arith.mulf %mul3A_337, %add3A_335 : vector<16xf32>
        %max3A_339 = arith.maximumf %add3A_335, %mul3A_338 : vector<16xf32>
        %exp3A_340 = math.exp %max3A_339 : vector<16xf32>
        %and3A_341 = arith.constant 7 : i32
        %and3A_342 = vector.broadcast %and3A_341 : i32 to vector<16xi32>
        %and3A_343 = arith.andi %iota3A, %and3A_342 : vector<16xi32>
        %broadcast_in_dim3A_344 = vector.shape_cast %and3A_343 : vector<16xi32> to vector<16x1xi32>
        %gather3A_345 = vector.shape_cast %broadcast_in_dim3A_344 : vector<16x1xi32> to vector<16xi32>
        %gather3A_346 = tpu.dynamic_gather %exp3A_340[%gather3A_345] in [0] : vector<16xf32>, vector<16xi32> -> vector<16xf32>
        %get3A_347 = arith.index_cast %add3A_326 : i32 to index
        %get3A_348 = arith.constant 0 : index
        %get3A_349 = tpu.vector_load %arg14[%get3A_347, %get3A_348] {strides = array<i32>} : memref<128x80xf32, #tpu.memory_space<vmem>>, vector<1x16xf32>,
        %get3A_350 = vector.shape_cast %get3A_349 : vector<1x16xf32> to vector<16xf32>
        %mul3A_351 = arith.mulf %gather3A_346, %get3A_350 : vector<16xf32>
        %swap3A_352 = arith.index_cast %add3A_326 : i32 to index
        %swap3A_353 = arith.constant 0 : index
        %swap3A_354 = tpu.vector_load %arg16[%swap3A_352, %swap3A_353] {strides = array<i32>} : memref<128x80xf32, #tpu.memory_space<vmem>>, vector<1x16xf32>,
        %swap3A_355 = vector.shape_cast %swap3A_354 : vector<1x16xf32> to vector<16xf32>
        %swap3A_356 = vector.shape_cast %mul3A_351 : vector<16xf32> to vector<1x16xf32>
        tpu.vector_store %arg16[%swap3A_352, %swap3A_353], %swap3A_356 {strides = array<i32>} : memref<128x80xf32, #tpu.memory_space<vmem>>, vector<1x16xf32>,
        %get3A_357 = arith.index_cast %add3A_326 : i32 to index
        %get3A_358 = arith.constant 16 : index
        %get3A_359 = tpu.vector_load %arg14[%get3A_357, %get3A_358] {strides = array<i32>} : memref<128x80xf32, #tpu.memory_space<vmem>>, vector<1x16xf32>,
        %get3A_360 = vector.shape_cast %get3A_359 : vector<1x16xf32> to vector<16xf32>
        %mul3A_361 = arith.mulf %gather3A_346, %get3A_360 : vector<16xf32>
        %swap3A_362 = arith.index_cast %add3A_326 : i32 to index
        %swap3A_363 = arith.constant 16 : index
        %swap3A_364 = tpu.vector_load %arg16[%swap3A_362, %swap3A_363] {strides = array<i32>} : memref<128x80xf32, #tpu.memory_space<vmem>>, vector<1x16xf32>,
        %swap3A_365 = vector.shape_cast %swap3A_364 : vector<1x16xf32> to vector<16xf32>
        %swap3A_366 = vector.shape_cast %mul3A_361 : vector<16xf32> to vector<1x16xf32>
        tpu.vector_store %arg16[%swap3A_362, %swap3A_363], %swap3A_366 {strides = array<i32>} : memref<128x80xf32, #tpu.memory_space<vmem>>, vector<1x16xf32>,
        %get3A_367 = arith.index_cast %add3A_326 : i32 to index
        %get3A_368 = arith.constant 32 : index
        %get3A_369 = tpu.vector_load %arg14[%get3A_367, %get3A_368] {strides = array<i32>} : memref<128x80xf32, #tpu.memory_space<vmem>>, vector<1x16xf32>,
        %get3A_370 = vector.shape_cast %get3A_369 : vector<1x16xf32> to vector<16xf32>
        %mul3A_371 = arith.mulf %gather3A_346, %get3A_370 : vector<16xf32>
        %swap3A_372 = arith.index_cast %add3A_326 : i32 to index
        %swap3A_373 = arith.constant 32 : index
        %swap3A_374 = tpu.vector_load %arg16[%swap3A_372, %swap3A_373] {strides = array<i32>} : memref<128x80xf32, #tpu.memory_space<vmem>>, vector<1x16xf32>,
        %swap3A_375 = vector.shape_cast %swap3A_374 : vector<1x16xf32> to vector<16xf32>
        %swap3A_376 = vector.shape_cast %mul3A_371 : vector<16xf32> to vector<1x16xf32>
        tpu.vector_store %arg16[%swap3A_372, %swap3A_373], %swap3A_376 {strides = array<i32>} : memref<128x80xf32, #tpu.memory_space<vmem>>, vector<1x16xf32>,
        %get3A_377 = arith.index_cast %add3A_326 : i32 to index
        %get3A_378 = arith.constant 48 : index
        %get3A_379 = tpu.vector_load %arg14[%get3A_377, %get3A_378] {strides = array<i32>} : memref<128x80xf32, #tpu.memory_space<vmem>>, vector<1x16xf32>,
        %get3A_380 = vector.shape_cast %get3A_379 : vector<1x16xf32> to vector<16xf32>
        %mul3A_381 = arith.mulf %gather3A_346, %get3A_380 : vector<16xf32>
        %swap3A_382 = arith.index_cast %add3A_326 : i32 to index
        %swap3A_383 = arith.constant 48 : index
        %swap3A_384 = tpu.vector_load %arg16[%swap3A_382, %swap3A_383] {strides = array<i32>} : memref<128x80xf32, #tpu.memory_space<vmem>>, vector<1x16xf32>,
        %swap3A_385 = vector.shape_cast %swap3A_384 : vector<1x16xf32> to vector<16xf32>
        %swap3A_386 = vector.shape_cast %mul3A_381 : vector<16xf32> to vector<1x16xf32>
        tpu.vector_store %arg16[%swap3A_382, %swap3A_383], %swap3A_386 {strides = array<i32>} : memref<128x80xf32, #tpu.memory_space<vmem>>, vector<1x16xf32>,
        %swap3A_387 = arith.index_cast %add3A_326 : i32 to index
        %swap3A_388 = arith.constant 64 : index
        %swap3A_389 = tpu.vector_load %arg16[%swap3A_387, %swap3A_388] {strides = array<i32>} : memref<128x80xf32, #tpu.memory_space<vmem>>, vector<1x16xf32>,
        %swap3A_390 = vector.shape_cast %swap3A_389 : vector<1x16xf32> to vector<16xf32>
        %swap3A_391 = vector.shape_cast %exp3A_340 : vector<16xf32> to vector<1x16xf32>
        tpu.vector_store %arg16[%swap3A_387, %swap3A_388], %swap3A_391 {strides = array<i32>} : memref<128x80xf32, #tpu.memory_space<vmem>>, vector<1x16xf32>,
      }
      %scan3A_121 = arith.constant 32 : i32
      "tpu.region"() ({
        %run_scoped3A = tpu.sem_alloc : memref<!tpu.dma_semaphore, #tpu.memory_space<semaphore_mem>>
        %dma_start3A_122 = arith.constant 0 : i32
        %dma_start3A_123 = tpu.memref_slice %arg9[%add3A_103, %dma_start3A_122] : memref<81x128xi32, #tpu.memory_space<vmem>> -> memref<1x128xi32, #tpu.memory_space<vmem>>
        %dma_start3A_124 = tpu.memref_squeeze %dma_start3A_123 : memref<1x128xi32, #tpu.memory_space<vmem>> -> memref<128xi32, #tpu.memory_space<vmem>>
        %dma_start3A_125 = arith.constant 0 : i32
        %dma_start3A_126 = arith.constant 0 : i32
        %dma_start3A_127 = tpu.memref_slice %arg17[%dma_start3A_125, %dma_start3A_126] : memref<10048x80xf32, #tpu.memory_space<vmem_shared>> -> memref<10048x80xf32, #tpu.memory_space<vmem_shared>>
        tpu.enqueue_indirect_dma source(%arg16 : memref<128x80xf32, #tpu.memory_space<vmem>>) target(%dma_start3A_127 : memref<10048x80xf32, #tpu.memory_space<vmem_shared>>) offsets(%dma_start3A_124 : memref<128xi32, #tpu.memory_space<vmem>>) semaphore(%run_scoped3A : memref<!tpu.dma_semaphore, #tpu.memory_space<semaphore_mem>>) {add = true}
        %dma_wait3A_128 = arith.constant 0 : i32
        %dma_wait3A_129 = tpu.memref_slice %arg9[%add3A_103, %dma_wait3A_128] : memref<81x128xi32, #tpu.memory_space<vmem>> -> memref<1x128xi32, #tpu.memory_space<vmem>>
        %dma_wait3A_130 = tpu.memref_squeeze %dma_wait3A_129 : memref<1x128xi32, #tpu.memory_space<vmem>> -> memref<128xi32, #tpu.memory_space<vmem>>
        %dma_wait3A_131 = arith.constant 0 : i32
        %dma_wait3A_132 = arith.constant 0 : i32
        %dma_wait3A_133 = tpu.memref_slice %arg17[%dma_wait3A_131, %dma_wait3A_132] : memref<10048x80xf32, #tpu.memory_space<vmem_shared>> -> memref<10048x80xf32, #tpu.memory_space<vmem_shared>>
        tpu.wait_indirect_dma semaphore(%run_scoped3A : memref<!tpu.dma_semaphore, #tpu.memory_space<semaphore_mem>>) src(%arg16 : memref<128x80xf32, #tpu.memory_space<vmem>>) dst(%dma_wait3A_133 : memref<10048x80xf32, #tpu.memory_space<vmem_shared>>)
        tpu.yield
      }) : () -> ()
    }
    %scan3A_34 = arith.constant 27 : i32
    %barrier3A_35 = arith.constant 0 : index
    tpu.barrier barrier_id(%barrier3A_35)
    "tpu.region"() ({
      %run_scoped3A = tpu.sem_alloc : memref<!tpu.dma_semaphore, #tpu.memory_space<semaphore_mem>>
      %dma_start3A_36 = arith.constant 0 : i32
      %dma_start3A_37 = tpu.memref_slice %arg7[%arg0, %mul3A_2, %dma_start3A_36] : memref<2x10048x80xf32, #tpu.memory_space<hbm>> -> memref<1x628x80xf32, #tpu.memory_space<hbm>>
      %dma_start3A_38 = tpu.memref_squeeze %dma_start3A_37 : memref<1x628x80xf32, #tpu.memory_space<hbm>> -> memref<628x80xf32, #tpu.memory_space<hbm>>
      %dma_start3A_39 = arith.constant 0 : i32
      %dma_start3A_40 = tpu.memref_slice %arg17[%mul3A_2, %dma_start3A_39] : memref<10048x80xf32, #tpu.memory_space<vmem_shared>> -> memref<628x80xf32, #tpu.memory_space<vmem_shared>>
      tpu.enqueue_dma source(%dma_start3A_40 : memref<628x80xf32, #tpu.memory_space<vmem_shared>>) target(%dma_start3A_38 : memref<628x80xf32, #tpu.memory_space<hbm>>) target_semaphore(%run_scoped3A : memref<!tpu.dma_semaphore, #tpu.memory_space<semaphore_mem>>)
      %dma_wait3A = arith.constant 0 : i32
      %dma_wait3A_41 = tpu.memref_slice %arg7[%arg0, %mul3A_2, %dma_wait3A] : memref<2x10048x80xf32, #tpu.memory_space<hbm>> -> memref<1x628x80xf32, #tpu.memory_space<hbm>>
      %dma_wait3A_42 = tpu.memref_squeeze %dma_wait3A_41 : memref<1x628x80xf32, #tpu.memory_space<hbm>> -> memref<628x80xf32, #tpu.memory_space<hbm>>
      %dma_wait3A_43 = arith.constant 0 : i32
      %dma_wait3A_44 = tpu.memref_slice %arg17[%mul3A_2, %dma_wait3A_43] : memref<10048x80xf32, #tpu.memory_space<vmem_shared>> -> memref<628x80xf32, #tpu.memory_space<vmem_shared>>
      tpu.wait_dma2 semaphore(%run_scoped3A : memref<!tpu.dma_semaphore, #tpu.memory_space<semaphore_mem>>) src(%dma_wait3A_44 : memref<628x80xf32, #tpu.memory_space<vmem_shared>>) dst(%dma_wait3A_42 : memref<628x80xf32, #tpu.memory_space<hbm>>)
      tpu.yield
    }) : () -> ()
    return
  }
}

#map = affine_map<(d0, d1) -> (0, 0)>
#map1 = affine_map<(d0, d1) -> (0, 0, 0)>
module attributes {stable_mosaic.version = 14 : i64} {
  func.func @_edge_body(%arg0: i32, %arg1: i32, %arg2: memref<10048x80xf32, #tpu.memory_space<hbm>>, %arg3: memref<10048x16xf32, #tpu.memory_space<hbm>>, %arg4: memref<32x81x128xi32, #tpu.memory_space<hbm>>, %arg5: memref<32x81x128xi32, #tpu.memory_space<hbm>>, %arg6: memref<10048x80xf32, #tpu.memory_space<hbm>>, %arg7: memref<2x10048x80xf32, #tpu.memory_space<hbm>>, %arg8: memref<81x128xi32, #tpu.memory_space<vmem>>, %arg9: memref<81x128xi32, #tpu.memory_space<vmem>>, %arg10: memref<128x80xf32, #tpu.memory_space<vmem>>, %arg11: memref<128x16xf32, #tpu.memory_space<vmem>>, %arg12: memref<128x80xf32, #tpu.memory_space<vmem>>, %arg13: memref<128x16xf32, #tpu.memory_space<vmem>>, %arg14: memref<128x80xf32, #tpu.memory_space<vmem>>, %arg15: memref<128x16xf32, #tpu.memory_space<vmem>>, %arg16: memref<128x80xf32, #tpu.memory_space<vmem>>, %arg17: memref<10048x80xf32, #tpu.memory_space<vmem_shared>>, %arg18: memref<!tpu.dma_semaphore, #tpu.memory_space<semaphore_mem>>, %arg19: memref<!tpu.dma_semaphore, #tpu.memory_space<semaphore_mem>>, %arg20: memref<!tpu.dma_semaphore, #tpu.memory_space<semaphore_mem>>) attributes {dimension_semantics = [#tpu.dimension_semantics<core_parallel>, #tpu.dimension_semantics<subcore_parallel>], iteration_bounds = array<i64: 2, 16>, scalar_prefetch = 0 : i64, scratch_operands = 13 : i64, tpu.core_type = #tpu.core_type<sc_vector_subcore>, window_params = [{transform_indices = #map}, {transform_indices = #map}, {transform_indices = #map1}, {transform_indices = #map1}, {transform_indices = #map}, {transform_indices = #map1}]} {
    %mul3A = arith.constant 2 : i32
    %mul3A_0 = arith.muli %arg1, %mul3A : i32
    %add3A = arith.addi %mul3A_0, %arg0 : i32
    %mul3A_1 = arith.constant 628 : i32
    %mul3A_2 = arith.muli %arg1, %mul3A_1 : i32
    "tpu.region"() ({
      %run_scoped3A = tpu.sem_alloc : memref<!tpu.dma_semaphore, #tpu.memory_space<semaphore_mem>>
      %dma_start3A_36 = arith.constant 0 : i32
      %dma_start3A_37 = tpu.memref_slice %arg17[%mul3A_2, %dma_start3A_36] : memref<10048x80xf32, #tpu.memory_space<vmem_shared>> -> memref<628x80xf32, #tpu.memory_space<vmem_shared>>
      %dma_start3A_38 = arith.constant 0 : i32
      %dma_start3A_39 = tpu.memref_slice %arg6[%mul3A_2, %dma_start3A_38] : memref<10048x80xf32, #tpu.memory_space<hbm>> -> memref<628x80xf32, #tpu.memory_space<hbm>>
      tpu.enqueue_dma source(%dma_start3A_39 : memref<628x80xf32, #tpu.memory_space<hbm>>) target(%dma_start3A_37 : memref<628x80xf32, #tpu.memory_space<vmem_shared>>) target_semaphore(%run_scoped3A : memref<!tpu.dma_semaphore, #tpu.memory_space<semaphore_mem>>)
      %dma_wait3A = arith.constant 0 : i32
      %dma_wait3A_40 = tpu.memref_slice %arg17[%mul3A_2, %dma_wait3A] : memref<10048x80xf32, #tpu.memory_space<vmem_shared>> -> memref<628x80xf32, #tpu.memory_space<vmem_shared>>
      %dma_wait3A_41 = arith.constant 0 : i32
      %dma_wait3A_42 = tpu.memref_slice %arg6[%mul3A_2, %dma_wait3A_41] : memref<10048x80xf32, #tpu.memory_space<hbm>> -> memref<628x80xf32, #tpu.memory_space<hbm>>
      tpu.wait_dma2 semaphore(%run_scoped3A : memref<!tpu.dma_semaphore, #tpu.memory_space<semaphore_mem>>) src(%dma_wait3A_42 : memref<628x80xf32, #tpu.memory_space<hbm>>) dst(%dma_wait3A_40 : memref<628x80xf32, #tpu.memory_space<vmem_shared>>)
      tpu.yield
    }) : () -> ()
    "tpu.region"() ({
      %run_scoped3A = tpu.sem_alloc : memref<!tpu.dma_semaphore, #tpu.memory_space<semaphore_mem>>
      %dma_start3A_36 = arith.constant 0 : i32
      %dma_start3A_37 = arith.constant 0 : i32
      %dma_start3A_38 = tpu.memref_slice %arg4[%add3A, %dma_start3A_36, %dma_start3A_37] : memref<32x81x128xi32, #tpu.memory_space<hbm>> -> memref<1x81x128xi32, #tpu.memory_space<hbm>>
      %dma_start3A_39 = tpu.memref_squeeze %dma_start3A_38 : memref<1x81x128xi32, #tpu.memory_space<hbm>> -> memref<81x128xi32, #tpu.memory_space<hbm>>
      %dma_start3A_40 = arith.constant 0 : i32
      %dma_start3A_41 = arith.constant 0 : i32
      %dma_start3A_42 = tpu.memref_slice %arg4[%add3A, %dma_start3A_40, %dma_start3A_41] : memref<32x81x128xi32, #tpu.memory_space<hbm>> -> memref<1x81x128xi32, #tpu.memory_space<hbm>>
      %dma_start3A_43 = tpu.memref_squeeze %dma_start3A_42 : memref<1x81x128xi32, #tpu.memory_space<hbm>> -> memref<81x128xi32, #tpu.memory_space<hbm>>
      tpu.enqueue_dma source(%dma_start3A_43 : memref<81x128xi32, #tpu.memory_space<hbm>>) target(%arg8 : memref<81x128xi32, #tpu.memory_space<vmem>>) target_semaphore(%run_scoped3A : memref<!tpu.dma_semaphore, #tpu.memory_space<semaphore_mem>>)
      %dma_wait3A = arith.constant 0 : i32
      %dma_wait3A_44 = arith.constant 0 : i32
      %dma_wait3A_45 = tpu.memref_slice %arg4[%add3A, %dma_wait3A, %dma_wait3A_44] : memref<32x81x128xi32, #tpu.memory_space<hbm>> -> memref<1x81x128xi32, #tpu.memory_space<hbm>>
      %dma_wait3A_46 = tpu.memref_squeeze %dma_wait3A_45 : memref<1x81x128xi32, #tpu.memory_space<hbm>> -> memref<81x128xi32, #tpu.memory_space<hbm>>
      %dma_wait3A_47 = arith.constant 0 : i32
      %dma_wait3A_48 = arith.constant 0 : i32
      %dma_wait3A_49 = tpu.memref_slice %arg4[%add3A, %dma_wait3A_47, %dma_wait3A_48] : memref<32x81x128xi32, #tpu.memory_space<hbm>> -> memref<1x81x128xi32, #tpu.memory_space<hbm>>
      %dma_wait3A_50 = tpu.memref_squeeze %dma_wait3A_49 : memref<1x81x128xi32, #tpu.memory_space<hbm>> -> memref<81x128xi32, #tpu.memory_space<hbm>>
      tpu.wait_dma2 semaphore(%run_scoped3A : memref<!tpu.dma_semaphore, #tpu.memory_space<semaphore_mem>>) src(%dma_wait3A_50 : memref<81x128xi32, #tpu.memory_space<hbm>>) dst(%arg8 : memref<81x128xi32, #tpu.memory_space<vmem>>)
      tpu.yield
    }) : () -> ()
    "tpu.region"() ({
      %run_scoped3A = tpu.sem_alloc : memref<!tpu.dma_semaphore, #tpu.memory_space<semaphore_mem>>
      %dma_start3A_36 = arith.constant 0 : i32
      %dma_start3A_37 = arith.constant 0 : i32
      %dma_start3A_38 = tpu.memref_slice %arg5[%add3A, %dma_start3A_36, %dma_start3A_37] : memref<32x81x128xi32, #tpu.memory_space<hbm>> -> memref<1x81x128xi32, #tpu.memory_space<hbm>>
      %dma_start3A_39 = tpu.memref_squeeze %dma_start3A_38 : memref<1x81x128xi32, #tpu.memory_space<hbm>> -> memref<81x128xi32, #tpu.memory_space<hbm>>
      %dma_start3A_40 = arith.constant 0 : i32
      %dma_start3A_41 = arith.constant 0 : i32
      %dma_start3A_42 = tpu.memref_slice %arg5[%add3A, %dma_start3A_40, %dma_start3A_41] : memref<32x81x128xi32, #tpu.memory_space<hbm>> -> memref<1x81x128xi32, #tpu.memory_space<hbm>>
      %dma_start3A_43 = tpu.memref_squeeze %dma_start3A_42 : memref<1x81x128xi32, #tpu.memory_space<hbm>> -> memref<81x128xi32, #tpu.memory_space<hbm>>
      tpu.enqueue_dma source(%dma_start3A_43 : memref<81x128xi32, #tpu.memory_space<hbm>>) target(%arg9 : memref<81x128xi32, #tpu.memory_space<vmem>>) target_semaphore(%run_scoped3A : memref<!tpu.dma_semaphore, #tpu.memory_space<semaphore_mem>>)
      %dma_wait3A = arith.constant 0 : i32
      %dma_wait3A_44 = arith.constant 0 : i32
      %dma_wait3A_45 = tpu.memref_slice %arg5[%add3A, %dma_wait3A, %dma_wait3A_44] : memref<32x81x128xi32, #tpu.memory_space<hbm>> -> memref<1x81x128xi32, #tpu.memory_space<hbm>>
      %dma_wait3A_46 = tpu.memref_squeeze %dma_wait3A_45 : memref<1x81x128xi32, #tpu.memory_space<hbm>> -> memref<81x128xi32, #tpu.memory_space<hbm>>
      %dma_wait3A_47 = arith.constant 0 : i32
      %dma_wait3A_48 = arith.constant 0 : i32
      %dma_wait3A_49 = tpu.memref_slice %arg5[%add3A, %dma_wait3A_47, %dma_wait3A_48] : memref<32x81x128xi32, #tpu.memory_space<hbm>> -> memref<1x81x128xi32, #tpu.memory_space<hbm>>
      %dma_wait3A_50 = tpu.memref_squeeze %dma_wait3A_49 : memref<1x81x128xi32, #tpu.memory_space<hbm>> -> memref<81x128xi32, #tpu.memory_space<hbm>>
      tpu.wait_dma2 semaphore(%run_scoped3A : memref<!tpu.dma_semaphore, #tpu.memory_space<semaphore_mem>>) src(%dma_wait3A_50 : memref<81x128xi32, #tpu.memory_space<hbm>>) dst(%arg9 : memref<81x128xi32, #tpu.memory_space<vmem>>)
      tpu.yield
    }) : () -> ()
    %barrier3A = arith.constant 0 : index
    tpu.barrier barrier_id(%barrier3A)
    %iota3A = tpu.iota {dimensions = array<i32: 0>} : vector<16xi32>
    %dma_start3A = arith.constant 0 : i32
    %dma_start3A_3 = arith.constant 0 : i32
    %dma_start3A_4 = tpu.memref_slice %arg8[%dma_start3A, %dma_start3A_3] : memref<81x128xi32, #tpu.memory_space<vmem>> -> memref<1x128xi32, #tpu.memory_space<vmem>>
    %dma_start3A_5 = tpu.memref_squeeze %dma_start3A_4 : memref<1x128xi32, #tpu.memory_space<vmem>> -> memref<128xi32, #tpu.memory_space<vmem>>
    %dma_start3A_6 = arith.constant 0 : i32
    %dma_start3A_7 = arith.constant 0 : i32
    %dma_start3A_8 = tpu.memref_slice %arg2[%dma_start3A_6, %dma_start3A_7] : memref<10048x80xf32, #tpu.memory_space<hbm>> -> memref<10048x80xf32, #tpu.memory_space<hbm>>
    tpu.enqueue_indirect_dma source(%dma_start3A_8 : memref<10048x80xf32, #tpu.memory_space<hbm>>) target(%arg10 : memref<128x80xf32, #tpu.memory_space<vmem>>) offsets(%dma_start3A_5 : memref<128xi32, #tpu.memory_space<vmem>>) semaphore(%arg18 : memref<!tpu.dma_semaphore, #tpu.memory_space<semaphore_mem>>)
    %dma_start3A_9 = arith.constant 0 : i32
    %dma_start3A_10 = arith.constant 0 : i32
    %dma_start3A_11 = tpu.memref_slice %arg9[%dma_start3A_9, %dma_start3A_10] : memref<81x128xi32, #tpu.memory_space<vmem>> -> memref<1x128xi32, #tpu.memory_space<vmem>>
    %dma_start3A_12 = tpu.memref_squeeze %dma_start3A_11 : memref<1x128xi32, #tpu.memory_space<vmem>> -> memref<128xi32, #tpu.memory_space<vmem>>
    %dma_start3A_13 = arith.constant 0 : i32
    %dma_start3A_14 = arith.constant 0 : i32
    %dma_start3A_15 = tpu.memref_slice %arg3[%dma_start3A_13, %dma_start3A_14] : memref<10048x16xf32, #tpu.memory_space<hbm>> -> memref<10048x16xf32, #tpu.memory_space<hbm>>
    tpu.enqueue_indirect_dma source(%dma_start3A_15 : memref<10048x16xf32, #tpu.memory_space<hbm>>) target(%arg11 : memref<128x16xf32, #tpu.memory_space<vmem>>) offsets(%dma_start3A_12 : memref<128xi32, #tpu.memory_space<vmem>>) semaphore(%arg18 : memref<!tpu.dma_semaphore, #tpu.memory_space<semaphore_mem>>)
    %dma_start3A_16 = arith.constant 1 : i32
    %dma_start3A_17 = arith.constant 0 : i32
    %dma_start3A_18 = tpu.memref_slice %arg8[%dma_start3A_16, %dma_start3A_17] : memref<81x128xi32, #tpu.memory_space<vmem>> -> memref<1x128xi32, #tpu.memory_space<vmem>>
    %dma_start3A_19 = tpu.memref_squeeze %dma_start3A_18 : memref<1x128xi32, #tpu.memory_space<vmem>> -> memref<128xi32, #tpu.memory_space<vmem>>
    %dma_start3A_20 = arith.constant 0 : i32
    %dma_start3A_21 = arith.constant 0 : i32
    %dma_start3A_22 = tpu.memref_slice %arg2[%dma_start3A_20, %dma_start3A_21] : memref<10048x80xf32, #tpu.memory_space<hbm>> -> memref<10048x80xf32, #tpu.memory_space<hbm>>
    tpu.enqueue_indirect_dma source(%dma_start3A_22 : memref<10048x80xf32, #tpu.memory_space<hbm>>) target(%arg12 : memref<128x80xf32, #tpu.memory_space<vmem>>) offsets(%dma_start3A_19 : memref<128xi32, #tpu.memory_space<vmem>>) semaphore(%arg19 : memref<!tpu.dma_semaphore, #tpu.memory_space<semaphore_mem>>)
    %dma_start3A_23 = arith.constant 1 : i32
    %dma_start3A_24 = arith.constant 0 : i32
    %dma_start3A_25 = tpu.memref_slice %arg9[%dma_start3A_23, %dma_start3A_24] : memref<81x128xi32, #tpu.memory_space<vmem>> -> memref<1x128xi32, #tpu.memory_space<vmem>>
    %dma_start3A_26 = tpu.memref_squeeze %dma_start3A_25 : memref<1x128xi32, #tpu.memory_space<vmem>> -> memref<128xi32, #tpu.memory_space<vmem>>
    %dma_start3A_27 = arith.constant 0 : i32
    %dma_start3A_28 = arith.constant 0 : i32
    %dma_start3A_29 = tpu.memref_slice %arg3[%dma_start3A_27, %dma_start3A_28] : memref<10048x16xf32, #tpu.memory_space<hbm>> -> memref<10048x16xf32, #tpu.memory_space<hbm>>
    tpu.enqueue_indirect_dma source(%dma_start3A_29 : memref<10048x16xf32, #tpu.memory_space<hbm>>) target(%arg13 : memref<128x16xf32, #tpu.memory_space<vmem>>) offsets(%dma_start3A_26 : memref<128xi32, #tpu.memory_space<vmem>>) semaphore(%arg19 : memref<!tpu.dma_semaphore, #tpu.memory_space<semaphore_mem>>)
    %scan3A = arith.constant 0 : i32
    %scan3A_30 = arith.constant 0 : i32
    %scan3A_31 = arith.constant 27 : i32
    %scan3A_32 = arith.addi %scan3A_30, %scan3A_31 : i32
    %scan3A_33 = arith.constant 1 : i32
    scf.for %scan3A_36 = %scan3A_30 to %scan3A_32 step %scan3A_33  : i32 {
      %mul3A_37 = arith.constant 3 : i32
      %mul3A_38 = arith.muli %mul3A_37, %scan3A_36 : i32
      %add3A_39 = arith.constant 0 : i32
      %add3A_40 = arith.addi %mul3A_38, %add3A_39 : i32
      %add3A_41 = arith.constant 2 : i32
      %add3A_42 = arith.addi %add3A_40, %add3A_41 : i32
      %lt3A = arith.constant 81 : i32
      %lt3A_43 = arith.cmpi slt, %add3A_42, %lt3A : i32
      %convert_element_type3A = arith.extui %lt3A_43 : i1 to i32
      %cond3A = arith.constant 0 : i32
      %cond3A_44 = arith.cmpi ne, %convert_element_type3A, %cond3A : i32
      scf.if %cond3A_44 {
        %dma_start3A_122 = arith.constant 0 : i32
        %dma_start3A_123 = tpu.memref_slice %arg8[%add3A_42, %dma_start3A_122] : memref<81x128xi32, #tpu.memory_space<vmem>> -> memref<1x128xi32, #tpu.memory_space<vmem>>
        %dma_start3A_124 = tpu.memref_squeeze %dma_start3A_123 : memref<1x128xi32, #tpu.memory_space<vmem>> -> memref<128xi32, #tpu.memory_space<vmem>>
        %dma_start3A_125 = arith.constant 0 : i32
        %dma_start3A_126 = arith.constant 0 : i32
        %dma_start3A_127 = tpu.memref_slice %arg2[%dma_start3A_125, %dma_start3A_126] : memref<10048x80xf32, #tpu.memory_space<hbm>> -> memref<10048x80xf32, #tpu.memory_space<hbm>>
        tpu.enqueue_indirect_dma source(%dma_start3A_127 : memref<10048x80xf32, #tpu.memory_space<hbm>>) target(%arg14 : memref<128x80xf32, #tpu.memory_space<vmem>>) offsets(%dma_start3A_124 : memref<128xi32, #tpu.memory_space<vmem>>) semaphore(%arg20 : memref<!tpu.dma_semaphore, #tpu.memory_space<semaphore_mem>>)
        %dma_start3A_128 = arith.constant 0 : i32
        %dma_start3A_129 = tpu.memref_slice %arg9[%add3A_42, %dma_start3A_128] : memref<81x128xi32, #tpu.memory_space<vmem>> -> memref<1x128xi32, #tpu.memory_space<vmem>>
        %dma_start3A_130 = tpu.memref_squeeze %dma_start3A_129 : memref<1x128xi32, #tpu.memory_space<vmem>> -> memref<128xi32, #tpu.memory_space<vmem>>
        %dma_start3A_131 = arith.constant 0 : i32
        %dma_start3A_132 = arith.constant 0 : i32
        %dma_start3A_133 = tpu.memref_slice %arg3[%dma_start3A_131, %dma_start3A_132] : memref<10048x16xf32, #tpu.memory_space<hbm>> -> memref<10048x16xf32, #tpu.memory_space<hbm>>
        tpu.enqueue_indirect_dma source(%dma_start3A_133 : memref<10048x16xf32, #tpu.memory_space<hbm>>) target(%arg15 : memref<128x16xf32, #tpu.memory_space<vmem>>) offsets(%dma_start3A_130 : memref<128xi32, #tpu.memory_space<vmem>>) semaphore(%arg20 : memref<!tpu.dma_semaphore, #tpu.memory_space<semaphore_mem>>)
      } else {
      }
      %add3A_45 = arith.constant 0 : i32
      %add3A_46 = arith.addi %mul3A_38, %add3A_45 : i32
      %dma_wait3A = arith.constant 0 : i32
      %dma_wait3A_47 = tpu.memref_slice %arg8[%add3A_46, %dma_wait3A] : memref<81x128xi32, #tpu.memory_space<vmem>> -> memref<1x128xi32, #tpu.memory_space<vmem>>
      %dma_wait3A_48 = tpu.memref_squeeze %dma_wait3A_47 : memref<1x128xi32, #tpu.memory_space<vmem>> -> memref<128xi32, #tpu.memory_space<vmem>>
      %dma_wait3A_49 = arith.constant 0 : i32
      %dma_wait3A_50 = arith.constant 0 : i32
      %dma_wait3A_51 = tpu.memref_slice %arg2[%dma_wait3A_49, %dma_wait3A_50] : memref<10048x80xf32, #tpu.memory_space<hbm>> -> memref<10048x80xf32, #tpu.memory_space<hbm>>
      tpu.wait_indirect_dma semaphore(%arg18 : memref<!tpu.dma_semaphore, #tpu.memory_space<semaphore_mem>>) src(%dma_wait3A_51 : memref<10048x80xf32, #tpu.memory_space<hbm>>) dst(%arg10 : memref<128x80xf32, #tpu.memory_space<vmem>>)
      %dma_wait3A_52 = arith.constant 0 : i32
      %dma_wait3A_53 = tpu.memref_slice %arg9[%add3A_46, %dma_wait3A_52] : memref<81x128xi32, #tpu.memory_space<vmem>> -> memref<1x128xi32, #tpu.memory_space<vmem>>
      %dma_wait3A_54 = tpu.memref_squeeze %dma_wait3A_53 : memref<1x128xi32, #tpu.memory_space<vmem>> -> memref<128xi32, #tpu.memory_space<vmem>>
      %dma_wait3A_55 = arith.constant 0 : i32
      %dma_wait3A_56 = arith.constant 0 : i32
      %dma_wait3A_57 = tpu.memref_slice %arg3[%dma_wait3A_55, %dma_wait3A_56] : memref<10048x16xf32, #tpu.memory_space<hbm>> -> memref<10048x16xf32, #tpu.memory_space<hbm>>
      tpu.wait_indirect_dma semaphore(%arg18 : memref<!tpu.dma_semaphore, #tpu.memory_space<semaphore_mem>>) src(%dma_wait3A_57 : memref<10048x16xf32, #tpu.memory_space<hbm>>) dst(%arg11 : memref<128x16xf32, #tpu.memory_space<vmem>>)
      %scan3A_58 = arith.constant 0 : i32
      %scan3A_59 = arith.constant 0 : i32
      %scan3A_60 = arith.constant 32 : i32
      %scan3A_61 = arith.addi %scan3A_59, %scan3A_60 : i32
      %scan3A_62 = arith.constant 1 : i32
      scf.for %scan3A_122 = %scan3A_59 to %scan3A_61 step %scan3A_62  : i32 {
        %mul3A_123 = arith.constant 4 : i32
        %mul3A_124 = arith.muli %mul3A_123, %scan3A_122 : i32
        %add3A_125 = arith.constant 0 : i32
        %add3A_126 = arith.addi %mul3A_124, %add3A_125 : i32
        %get3A = arith.index_cast %add3A_126 : i32 to index
        %get3A_127 = arith.constant 0 : index
        %get3A_128 = tpu.vector_load %arg11[%get3A, %get3A_127] {strides = array<i32>} : memref<128x16xf32, #tpu.memory_space<vmem>>, vector<1x16xf32>,
        %get3A_129 = vector.shape_cast %get3A_128 : vector<1x16xf32> to vector<16xf32>
        %get3A_130 = arith.index_cast %add3A_126 : i32 to index
        %get3A_131 = arith.constant 64 : index
        %get3A_132 = tpu.vector_load %arg10[%get3A_130, %get3A_131] {strides = array<i32>} : memref<128x80xf32, #tpu.memory_space<vmem>>, vector<1x16xf32>,
        %get3A_133 = vector.shape_cast %get3A_132 : vector<1x16xf32> to vector<16xf32>
        %add3A_134 = arith.addf %get3A_133, %get3A_129 : vector<16xf32>
        %mul3A_135 = arith.constant 2.000000e-01 : f32
        %mul3A_136 = vector.broadcast %mul3A_135 : f32 to vector<16xf32>
        %mul3A_137 = arith.mulf %mul3A_136, %add3A_134 : vector<16xf32>
        %max3A = arith.maximumf %add3A_134, %mul3A_137 : vector<16xf32>
        %exp3A = math.exp %max3A : vector<16xf32>
        %and3A = arith.constant 0 : i32
        %and3A_138 = vector.broadcast %and3A : i32 to vector<16xi32>
        %and3A_139 = arith.andi %iota3A, %and3A_138 : vector<16xi32>
        %broadcast_in_dim3A = vector.shape_cast %and3A_139 : vector<16xi32> to vector<16x1xi32>
        %gather3A = vector.shape_cast %broadcast_in_dim3A : vector<16x1xi32> to vector<16xi32>
        %gather3A_140 = tpu.dynamic_gather %exp3A[%gather3A] in [0] : vector<16xf32>, vector<16xi32> -> vector<16xf32>
        %get3A_141 = arith.index_cast %add3A_126 : i32 to index
        %get3A_142 = arith.constant 0 : index
        %get3A_143 = tpu.vector_load %arg10[%get3A_141, %get3A_142] {strides = array<i32>} : memref<128x80xf32, #tpu.memory_space<vmem>>, vector<1x16xf32>,
        %get3A_144 = vector.shape_cast %get3A_143 : vector<1x16xf32> to vector<16xf32>
        %mul3A_145 = arith.mulf %gather3A_140, %get3A_144 : vector<16xf32>
        %swap3A = arith.index_cast %add3A_126 : i32 to index
        %swap3A_146 = arith.constant 0 : index
        %swap3A_147 = tpu.vector_load %arg16[%swap3A, %swap3A_146] {strides = array<i32>} : memref<128x80xf32, #tpu.memory_space<vmem>>, vector<1x16xf32>,
        %swap3A_148 = vector.shape_cast %swap3A_147 : vector<1x16xf32> to vector<16xf32>
        %swap3A_149 = vector.shape_cast %mul3A_145 : vector<16xf32> to vector<1x16xf32>
        tpu.vector_store %arg16[%swap3A, %swap3A_146], %swap3A_149 {strides = array<i32>} : memref<128x80xf32, #tpu.memory_space<vmem>>, vector<1x16xf32>,
        %get3A_150 = arith.index_cast %add3A_126 : i32 to index
        %get3A_151 = arith.constant 16 : index
        %get3A_152 = tpu.vector_load %arg10[%get3A_150, %get3A_151] {strides = array<i32>} : memref<128x80xf32, #tpu.memory_space<vmem>>, vector<1x16xf32>,
        %get3A_153 = vector.shape_cast %get3A_152 : vector<1x16xf32> to vector<16xf32>
        %mul3A_154 = arith.mulf %gather3A_140, %get3A_153 : vector<16xf32>
        %swap3A_155 = arith.index_cast %add3A_126 : i32 to index
        %swap3A_156 = arith.constant 16 : index
        %swap3A_157 = tpu.vector_load %arg16[%swap3A_155, %swap3A_156] {strides = array<i32>} : memref<128x80xf32, #tpu.memory_space<vmem>>, vector<1x16xf32>,
        %swap3A_158 = vector.shape_cast %swap3A_157 : vector<1x16xf32> to vector<16xf32>
        %swap3A_159 = vector.shape_cast %mul3A_154 : vector<16xf32> to vector<1x16xf32>
        tpu.vector_store %arg16[%swap3A_155, %swap3A_156], %swap3A_159 {strides = array<i32>} : memref<128x80xf32, #tpu.memory_space<vmem>>, vector<1x16xf32>,
        %get3A_160 = arith.index_cast %add3A_126 : i32 to index
        %get3A_161 = arith.constant 32 : index
        %get3A_162 = tpu.vector_load %arg10[%get3A_160, %get3A_161] {strides = array<i32>} : memref<128x80xf32, #tpu.memory_space<vmem>>, vector<1x16xf32>,
        %get3A_163 = vector.shape_cast %get3A_162 : vector<1x16xf32> to vector<16xf32>
        %mul3A_164 = arith.mulf %gather3A_140, %get3A_163 : vector<16xf32>
        %swap3A_165 = arith.index_cast %add3A_126 : i32 to index
        %swap3A_166 = arith.constant 32 : index
        %swap3A_167 = tpu.vector_load %arg16[%swap3A_165, %swap3A_166] {strides = array<i32>} : memref<128x80xf32, #tpu.memory_space<vmem>>, vector<1x16xf32>,
        %swap3A_168 = vector.shape_cast %swap3A_167 : vector<1x16xf32> to vector<16xf32>
        %swap3A_169 = vector.shape_cast %mul3A_164 : vector<16xf32> to vector<1x16xf32>
        tpu.vector_store %arg16[%swap3A_165, %swap3A_166], %swap3A_169 {strides = array<i32>} : memref<128x80xf32, #tpu.memory_space<vmem>>, vector<1x16xf32>,
        %get3A_170 = arith.index_cast %add3A_126 : i32 to index
        %get3A_171 = arith.constant 48 : index
        %get3A_172 = tpu.vector_load %arg10[%get3A_170, %get3A_171] {strides = array<i32>} : memref<128x80xf32, #tpu.memory_space<vmem>>, vector<1x16xf32>,
        %get3A_173 = vector.shape_cast %get3A_172 : vector<1x16xf32> to vector<16xf32>
        %mul3A_174 = arith.mulf %gather3A_140, %get3A_173 : vector<16xf32>
        %swap3A_175 = arith.index_cast %add3A_126 : i32 to index
        %swap3A_176 = arith.constant 48 : index
        %swap3A_177 = tpu.vector_load %arg16[%swap3A_175, %swap3A_176] {strides = array<i32>} : memref<128x80xf32, #tpu.memory_space<vmem>>, vector<1x16xf32>,
        %swap3A_178 = vector.shape_cast %swap3A_177 : vector<1x16xf32> to vector<16xf32>
        %swap3A_179 = vector.shape_cast %mul3A_174 : vector<16xf32> to vector<1x16xf32>
        tpu.vector_store %arg16[%swap3A_175, %swap3A_176], %swap3A_179 {strides = array<i32>} : memref<128x80xf32, #tpu.memory_space<vmem>>, vector<1x16xf32>,
        %swap3A_180 = arith.index_cast %add3A_126 : i32 to index
        %swap3A_181 = arith.constant 64 : index
        %swap3A_182 = tpu.vector_load %arg16[%swap3A_180, %swap3A_181] {strides = array<i32>} : memref<128x80xf32, #tpu.memory_space<vmem>>, vector<1x16xf32>,
        %swap3A_183 = vector.shape_cast %swap3A_182 : vector<1x16xf32> to vector<16xf32>
        %swap3A_184 = vector.shape_cast %exp3A : vector<16xf32> to vector<1x16xf32>
        tpu.vector_store %arg16[%swap3A_180, %swap3A_181], %swap3A_184 {strides = array<i32>} : memref<128x80xf32, #tpu.memory_space<vmem>>, vector<1x16xf32>,
        %mul3A_185 = arith.constant 4 : i32
        %mul3A_186 = arith.muli %mul3A_185, %scan3A_122 : i32
        %add3A_187 = arith.constant 1 : i32
        %add3A_188 = arith.addi %mul3A_186, %add3A_187 : i32
        %get3A_189 = arith.index_cast %add3A_188 : i32 to index
        %get3A_190 = arith.constant 0 : index
        %get3A_191 = tpu.vector_load %arg11[%get3A_189, %get3A_190] {strides = array<i32>} : memref<128x16xf32, #tpu.memory_space<vmem>>, vector<1x16xf32>,
        %get3A_192 = vector.shape_cast %get3A_191 : vector<1x16xf32> to vector<16xf32>
        %get3A_193 = arith.index_cast %add3A_188 : i32 to index
        %get3A_194 = arith.constant 64 : index
        %get3A_195 = tpu.vector_load %arg10[%get3A_193, %get3A_194] {strides = array<i32>} : memref<128x80xf32, #tpu.memory_space<vmem>>, vector<1x16xf32>,
        %get3A_196 = vector.shape_cast %get3A_195 : vector<1x16xf32> to vector<16xf32>
        %add3A_197 = arith.addf %get3A_196, %get3A_192 : vector<16xf32>
        %mul3A_198 = arith.constant 2.000000e-01 : f32
        %mul3A_199 = vector.broadcast %mul3A_198 : f32 to vector<16xf32>
        %mul3A_200 = arith.mulf %mul3A_199, %add3A_197 : vector<16xf32>
        %max3A_201 = arith.maximumf %add3A_197, %mul3A_200 : vector<16xf32>
        %exp3A_202 = math.exp %max3A_201 : vector<16xf32>
        %and3A_203 = arith.constant 0 : i32
        %and3A_204 = vector.broadcast %and3A_203 : i32 to vector<16xi32>
        %and3A_205 = arith.andi %iota3A, %and3A_204 : vector<16xi32>
        %broadcast_in_dim3A_206 = vector.shape_cast %and3A_205 : vector<16xi32> to vector<16x1xi32>
        %gather3A_207 = vector.shape_cast %broadcast_in_dim3A_206 : vector<16x1xi32> to vector<16xi32>
        %gather3A_208 = tpu.dynamic_gather %exp3A_202[%gather3A_207] in [0] : vector<16xf32>, vector<16xi32> -> vector<16xf32>
        %get3A_209 = arith.index_cast %add3A_188 : i32 to index
        %get3A_210 = arith.constant 0 : index
        %get3A_211 = tpu.vector_load %arg10[%get3A_209, %get3A_210] {strides = array<i32>} : memref<128x80xf32, #tpu.memory_space<vmem>>, vector<1x16xf32>,
        %get3A_212 = vector.shape_cast %get3A_211 : vector<1x16xf32> to vector<16xf32>
        %mul3A_213 = arith.mulf %gather3A_208, %get3A_212 : vector<16xf32>
        %swap3A_214 = arith.index_cast %add3A_188 : i32 to index
        %swap3A_215 = arith.constant 0 : index
        %swap3A_216 = tpu.vector_load %arg16[%swap3A_214, %swap3A_215] {strides = array<i32>} : memref<128x80xf32, #tpu.memory_space<vmem>>, vector<1x16xf32>,
        %swap3A_217 = vector.shape_cast %swap3A_216 : vector<1x16xf32> to vector<16xf32>
        %swap3A_218 = vector.shape_cast %mul3A_213 : vector<16xf32> to vector<1x16xf32>
        tpu.vector_store %arg16[%swap3A_214, %swap3A_215], %swap3A_218 {strides = array<i32>} : memref<128x80xf32, #tpu.memory_space<vmem>>, vector<1x16xf32>,
        %get3A_219 = arith.index_cast %add3A_188 : i32 to index
        %get3A_220 = arith.constant 16 : index
        %get3A_221 = tpu.vector_load %arg10[%get3A_219, %get3A_220] {strides = array<i32>} : memref<128x80xf32, #tpu.memory_space<vmem>>, vector<1x16xf32>,
        %get3A_222 = vector.shape_cast %get3A_221 : vector<1x16xf32> to vector<16xf32>
        %mul3A_223 = arith.mulf %gather3A_208, %get3A_222 : vector<16xf32>
        %swap3A_224 = arith.index_cast %add3A_188 : i32 to index
        %swap3A_225 = arith.constant 16 : index
        %swap3A_226 = tpu.vector_load %arg16[%swap3A_224, %swap3A_225] {strides = array<i32>} : memref<128x80xf32, #tpu.memory_space<vmem>>, vector<1x16xf32>,
        %swap3A_227 = vector.shape_cast %swap3A_226 : vector<1x16xf32> to vector<16xf32>
        %swap3A_228 = vector.shape_cast %mul3A_223 : vector<16xf32> to vector<1x16xf32>
        tpu.vector_store %arg16[%swap3A_224, %swap3A_225], %swap3A_228 {strides = array<i32>} : memref<128x80xf32, #tpu.memory_space<vmem>>, vector<1x16xf32>,
        %get3A_229 = arith.index_cast %add3A_188 : i32 to index
        %get3A_230 = arith.constant 32 : index
        %get3A_231 = tpu.vector_load %arg10[%get3A_229, %get3A_230] {strides = array<i32>} : memref<128x80xf32, #tpu.memory_space<vmem>>, vector<1x16xf32>,
        %get3A_232 = vector.shape_cast %get3A_231 : vector<1x16xf32> to vector<16xf32>
        %mul3A_233 = arith.mulf %gather3A_208, %get3A_232 : vector<16xf32>
        %swap3A_234 = arith.index_cast %add3A_188 : i32 to index
        %swap3A_235 = arith.constant 32 : index
        %swap3A_236 = tpu.vector_load %arg16[%swap3A_234, %swap3A_235] {strides = array<i32>} : memref<128x80xf32, #tpu.memory_space<vmem>>, vector<1x16xf32>,
        %swap3A_237 = vector.shape_cast %swap3A_236 : vector<1x16xf32> to vector<16xf32>
        %swap3A_238 = vector.shape_cast %mul3A_233 : vector<16xf32> to vector<1x16xf32>
        tpu.vector_store %arg16[%swap3A_234, %swap3A_235], %swap3A_238 {strides = array<i32>} : memref<128x80xf32, #tpu.memory_space<vmem>>, vector<1x16xf32>,
        %get3A_239 = arith.index_cast %add3A_188 : i32 to index
        %get3A_240 = arith.constant 48 : index
        %get3A_241 = tpu.vector_load %arg10[%get3A_239, %get3A_240] {strides = array<i32>} : memref<128x80xf32, #tpu.memory_space<vmem>>, vector<1x16xf32>,
        %get3A_242 = vector.shape_cast %get3A_241 : vector<1x16xf32> to vector<16xf32>
        %mul3A_243 = arith.mulf %gather3A_208, %get3A_242 : vector<16xf32>
        %swap3A_244 = arith.index_cast %add3A_188 : i32 to index
        %swap3A_245 = arith.constant 48 : index
        %swap3A_246 = tpu.vector_load %arg16[%swap3A_244, %swap3A_245] {strides = array<i32>} : memref<128x80xf32, #tpu.memory_space<vmem>>, vector<1x16xf32>,
        %swap3A_247 = vector.shape_cast %swap3A_246 : vector<1x16xf32> to vector<16xf32>
        %swap3A_248 = vector.shape_cast %mul3A_243 : vector<16xf32> to vector<1x16xf32>
        tpu.vector_store %arg16[%swap3A_244, %swap3A_245], %swap3A_248 {strides = array<i32>} : memref<128x80xf32, #tpu.memory_space<vmem>>, vector<1x16xf32>,
        %swap3A_249 = arith.index_cast %add3A_188 : i32 to index
        %swap3A_250 = arith.constant 64 : index
        %swap3A_251 = tpu.vector_load %arg16[%swap3A_249, %swap3A_250] {strides = array<i32>} : memref<128x80xf32, #tpu.memory_space<vmem>>, vector<1x16xf32>,
        %swap3A_252 = vector.shape_cast %swap3A_251 : vector<1x16xf32> to vector<16xf32>
        %swap3A_253 = vector.shape_cast %exp3A_202 : vector<16xf32> to vector<1x16xf32>
        tpu.vector_store %arg16[%swap3A_249, %swap3A_250], %swap3A_253 {strides = array<i32>} : memref<128x80xf32, #tpu.memory_space<vmem>>, vector<1x16xf32>,
        %mul3A_254 = arith.constant 4 : i32
        %mul3A_255 = arith.muli %mul3A_254, %scan3A_122 : i32
        %add3A_256 = arith.constant 2 : i32
        %add3A_257 = arith.addi %mul3A_255, %add3A_256 : i32
        %get3A_258 = arith.index_cast %add3A_257 : i32 to index
        %get3A_259 = arith.constant 0 : index
        %get3A_260 = tpu.vector_load %arg11[%get3A_258, %get3A_259] {strides = array<i32>} : memref<128x16xf32, #tpu.memory_space<vmem>>, vector<1x16xf32>,
        %get3A_261 = vector.shape_cast %get3A_260 : vector<1x16xf32> to vector<16xf32>
        %get3A_262 = arith.index_cast %add3A_257 : i32 to index
        %get3A_263 = arith.constant 64 : index
        %get3A_264 = tpu.vector_load %arg10[%get3A_262, %get3A_263] {strides = array<i32>} : memref<128x80xf32, #tpu.memory_space<vmem>>, vector<1x16xf32>,
        %get3A_265 = vector.shape_cast %get3A_264 : vector<1x16xf32> to vector<16xf32>
        %add3A_266 = arith.addf %get3A_265, %get3A_261 : vector<16xf32>
        %mul3A_267 = arith.constant 2.000000e-01 : f32
        %mul3A_268 = vector.broadcast %mul3A_267 : f32 to vector<16xf32>
        %mul3A_269 = arith.mulf %mul3A_268, %add3A_266 : vector<16xf32>
        %max3A_270 = arith.maximumf %add3A_266, %mul3A_269 : vector<16xf32>
        %exp3A_271 = math.exp %max3A_270 : vector<16xf32>
        %and3A_272 = arith.constant 0 : i32
        %and3A_273 = vector.broadcast %and3A_272 : i32 to vector<16xi32>
        %and3A_274 = arith.andi %iota3A, %and3A_273 : vector<16xi32>
        %broadcast_in_dim3A_275 = vector.shape_cast %and3A_274 : vector<16xi32> to vector<16x1xi32>
        %gather3A_276 = vector.shape_cast %broadcast_in_dim3A_275 : vector<16x1xi32> to vector<16xi32>
        %gather3A_277 = tpu.dynamic_gather %exp3A_271[%gather3A_276] in [0] : vector<16xf32>, vector<16xi32> -> vector<16xf32>
        %get3A_278 = arith.index_cast %add3A_257 : i32 to index
        %get3A_279 = arith.constant 0 : index
        %get3A_280 = tpu.vector_load %arg10[%get3A_278, %get3A_279] {strides = array<i32>} : memref<128x80xf32, #tpu.memory_space<vmem>>, vector<1x16xf32>,
        %get3A_281 = vector.shape_cast %get3A_280 : vector<1x16xf32> to vector<16xf32>
        %mul3A_282 = arith.mulf %gather3A_277, %get3A_281 : vector<16xf32>
        %swap3A_283 = arith.index_cast %add3A_257 : i32 to index
        %swap3A_284 = arith.constant 0 : index
        %swap3A_285 = tpu.vector_load %arg16[%swap3A_283, %swap3A_284] {strides = array<i32>} : memref<128x80xf32, #tpu.memory_space<vmem>>, vector<1x16xf32>,
        %swap3A_286 = vector.shape_cast %swap3A_285 : vector<1x16xf32> to vector<16xf32>
        %swap3A_287 = vector.shape_cast %mul3A_282 : vector<16xf32> to vector<1x16xf32>
        tpu.vector_store %arg16[%swap3A_283, %swap3A_284], %swap3A_287 {strides = array<i32>} : memref<128x80xf32, #tpu.memory_space<vmem>>, vector<1x16xf32>,
        %get3A_288 = arith.index_cast %add3A_257 : i32 to index
        %get3A_289 = arith.constant 16 : index
        %get3A_290 = tpu.vector_load %arg10[%get3A_288, %get3A_289] {strides = array<i32>} : memref<128x80xf32, #tpu.memory_space<vmem>>, vector<1x16xf32>,
        %get3A_291 = vector.shape_cast %get3A_290 : vector<1x16xf32> to vector<16xf32>
        %mul3A_292 = arith.mulf %gather3A_277, %get3A_291 : vector<16xf32>
        %swap3A_293 = arith.index_cast %add3A_257 : i32 to index
        %swap3A_294 = arith.constant 16 : index
        %swap3A_295 = tpu.vector_load %arg16[%swap3A_293, %swap3A_294] {strides = array<i32>} : memref<128x80xf32, #tpu.memory_space<vmem>>, vector<1x16xf32>,
        %swap3A_296 = vector.shape_cast %swap3A_295 : vector<1x16xf32> to vector<16xf32>
        %swap3A_297 = vector.shape_cast %mul3A_292 : vector<16xf32> to vector<1x16xf32>
        tpu.vector_store %arg16[%swap3A_293, %swap3A_294], %swap3A_297 {strides = array<i32>} : memref<128x80xf32, #tpu.memory_space<vmem>>, vector<1x16xf32>,
        %get3A_298 = arith.index_cast %add3A_257 : i32 to index
        %get3A_299 = arith.constant 32 : index
        %get3A_300 = tpu.vector_load %arg10[%get3A_298, %get3A_299] {strides = array<i32>} : memref<128x80xf32, #tpu.memory_space<vmem>>, vector<1x16xf32>,
        %get3A_301 = vector.shape_cast %get3A_300 : vector<1x16xf32> to vector<16xf32>
        %mul3A_302 = arith.mulf %gather3A_277, %get3A_301 : vector<16xf32>
        %swap3A_303 = arith.index_cast %add3A_257 : i32 to index
        %swap3A_304 = arith.constant 32 : index
        %swap3A_305 = tpu.vector_load %arg16[%swap3A_303, %swap3A_304] {strides = array<i32>} : memref<128x80xf32, #tpu.memory_space<vmem>>, vector<1x16xf32>,
        %swap3A_306 = vector.shape_cast %swap3A_305 : vector<1x16xf32> to vector<16xf32>
        %swap3A_307 = vector.shape_cast %mul3A_302 : vector<16xf32> to vector<1x16xf32>
        tpu.vector_store %arg16[%swap3A_303, %swap3A_304], %swap3A_307 {strides = array<i32>} : memref<128x80xf32, #tpu.memory_space<vmem>>, vector<1x16xf32>,
        %get3A_308 = arith.index_cast %add3A_257 : i32 to index
        %get3A_309 = arith.constant 48 : index
        %get3A_310 = tpu.vector_load %arg10[%get3A_308, %get3A_309] {strides = array<i32>} : memref<128x80xf32, #tpu.memory_space<vmem>>, vector<1x16xf32>,
        %get3A_311 = vector.shape_cast %get3A_310 : vector<1x16xf32> to vector<16xf32>
        %mul3A_312 = arith.mulf %gather3A_277, %get3A_311 : vector<16xf32>
        %swap3A_313 = arith.index_cast %add3A_257 : i32 to index
        %swap3A_314 = arith.constant 48 : index
        %swap3A_315 = tpu.vector_load %arg16[%swap3A_313, %swap3A_314] {strides = array<i32>} : memref<128x80xf32, #tpu.memory_space<vmem>>, vector<1x16xf32>,
        %swap3A_316 = vector.shape_cast %swap3A_315 : vector<1x16xf32> to vector<16xf32>
        %swap3A_317 = vector.shape_cast %mul3A_312 : vector<16xf32> to vector<1x16xf32>
        tpu.vector_store %arg16[%swap3A_313, %swap3A_314], %swap3A_317 {strides = array<i32>} : memref<128x80xf32, #tpu.memory_space<vmem>>, vector<1x16xf32>,
        %swap3A_318 = arith.index_cast %add3A_257 : i32 to index
        %swap3A_319 = arith.constant 64 : index
        %swap3A_320 = tpu.vector_load %arg16[%swap3A_318, %swap3A_319] {strides = array<i32>} : memref<128x80xf32, #tpu.memory_space<vmem>>, vector<1x16xf32>,
        %swap3A_321 = vector.shape_cast %swap3A_320 : vector<1x16xf32> to vector<16xf32>
        %swap3A_322 = vector.shape_cast %exp3A_271 : vector<16xf32> to vector<1x16xf32>
        tpu.vector_store %arg16[%swap3A_318, %swap3A_319], %swap3A_322 {strides = array<i32>} : memref<128x80xf32, #tpu.memory_space<vmem>>, vector<1x16xf32>,
        %mul3A_323 = arith.constant 4 : i32
        %mul3A_324 = arith.muli %mul3A_323, %scan3A_122 : i32
        %add3A_325 = arith.constant 3 : i32
        %add3A_326 = arith.addi %mul3A_324, %add3A_325 : i32
        %get3A_327 = arith.index_cast %add3A_326 : i32 to index
        %get3A_328 = arith.constant 0 : index
        %get3A_329 = tpu.vector_load %arg11[%get3A_327, %get3A_328] {strides = array<i32>} : memref<128x16xf32, #tpu.memory_space<vmem>>, vector<1x16xf32>,
        %get3A_330 = vector.shape_cast %get3A_329 : vector<1x16xf32> to vector<16xf32>
        %get3A_331 = arith.index_cast %add3A_326 : i32 to index
        %get3A_332 = arith.constant 64 : index
        %get3A_333 = tpu.vector_load %arg10[%get3A_331, %get3A_332] {strides = array<i32>} : memref<128x80xf32, #tpu.memory_space<vmem>>, vector<1x16xf32>,
        %get3A_334 = vector.shape_cast %get3A_333 : vector<1x16xf32> to vector<16xf32>
        %add3A_335 = arith.addf %get3A_334, %get3A_330 : vector<16xf32>
        %mul3A_336 = arith.constant 2.000000e-01 : f32
        %mul3A_337 = vector.broadcast %mul3A_336 : f32 to vector<16xf32>
        %mul3A_338 = arith.mulf %mul3A_337, %add3A_335 : vector<16xf32>
        %max3A_339 = arith.maximumf %add3A_335, %mul3A_338 : vector<16xf32>
        %exp3A_340 = math.exp %max3A_339 : vector<16xf32>
        %and3A_341 = arith.constant 0 : i32
        %and3A_342 = vector.broadcast %and3A_341 : i32 to vector<16xi32>
        %and3A_343 = arith.andi %iota3A, %and3A_342 : vector<16xi32>
        %broadcast_in_dim3A_344 = vector.shape_cast %and3A_343 : vector<16xi32> to vector<16x1xi32>
        %gather3A_345 = vector.shape_cast %broadcast_in_dim3A_344 : vector<16x1xi32> to vector<16xi32>
        %gather3A_346 = tpu.dynamic_gather %exp3A_340[%gather3A_345] in [0] : vector<16xf32>, vector<16xi32> -> vector<16xf32>
        %get3A_347 = arith.index_cast %add3A_326 : i32 to index
        %get3A_348 = arith.constant 0 : index
        %get3A_349 = tpu.vector_load %arg10[%get3A_347, %get3A_348] {strides = array<i32>} : memref<128x80xf32, #tpu.memory_space<vmem>>, vector<1x16xf32>,
        %get3A_350 = vector.shape_cast %get3A_349 : vector<1x16xf32> to vector<16xf32>
        %mul3A_351 = arith.mulf %gather3A_346, %get3A_350 : vector<16xf32>
        %swap3A_352 = arith.index_cast %add3A_326 : i32 to index
        %swap3A_353 = arith.constant 0 : index
        %swap3A_354 = tpu.vector_load %arg16[%swap3A_352, %swap3A_353] {strides = array<i32>} : memref<128x80xf32, #tpu.memory_space<vmem>>, vector<1x16xf32>,
        %swap3A_355 = vector.shape_cast %swap3A_354 : vector<1x16xf32> to vector<16xf32>
        %swap3A_356 = vector.shape_cast %mul3A_351 : vector<16xf32> to vector<1x16xf32>
        tpu.vector_store %arg16[%swap3A_352, %swap3A_353], %swap3A_356 {strides = array<i32>} : memref<128x80xf32, #tpu.memory_space<vmem>>, vector<1x16xf32>,
        %get3A_357 = arith.index_cast %add3A_326 : i32 to index
        %get3A_358 = arith.constant 16 : index
        %get3A_359 = tpu.vector_load %arg10[%get3A_357, %get3A_358] {strides = array<i32>} : memref<128x80xf32, #tpu.memory_space<vmem>>, vector<1x16xf32>,
        %get3A_360 = vector.shape_cast %get3A_359 : vector<1x16xf32> to vector<16xf32>
        %mul3A_361 = arith.mulf %gather3A_346, %get3A_360 : vector<16xf32>
        %swap3A_362 = arith.index_cast %add3A_326 : i32 to index
        %swap3A_363 = arith.constant 16 : index
        %swap3A_364 = tpu.vector_load %arg16[%swap3A_362, %swap3A_363] {strides = array<i32>} : memref<128x80xf32, #tpu.memory_space<vmem>>, vector<1x16xf32>,
        %swap3A_365 = vector.shape_cast %swap3A_364 : vector<1x16xf32> to vector<16xf32>
        %swap3A_366 = vector.shape_cast %mul3A_361 : vector<16xf32> to vector<1x16xf32>
        tpu.vector_store %arg16[%swap3A_362, %swap3A_363], %swap3A_366 {strides = array<i32>} : memref<128x80xf32, #tpu.memory_space<vmem>>, vector<1x16xf32>,
        %get3A_367 = arith.index_cast %add3A_326 : i32 to index
        %get3A_368 = arith.constant 32 : index
        %get3A_369 = tpu.vector_load %arg10[%get3A_367, %get3A_368] {strides = array<i32>} : memref<128x80xf32, #tpu.memory_space<vmem>>, vector<1x16xf32>,
        %get3A_370 = vector.shape_cast %get3A_369 : vector<1x16xf32> to vector<16xf32>
        %mul3A_371 = arith.mulf %gather3A_346, %get3A_370 : vector<16xf32>
        %swap3A_372 = arith.index_cast %add3A_326 : i32 to index
        %swap3A_373 = arith.constant 32 : index
        %swap3A_374 = tpu.vector_load %arg16[%swap3A_372, %swap3A_373] {strides = array<i32>} : memref<128x80xf32, #tpu.memory_space<vmem>>, vector<1x16xf32>,
        %swap3A_375 = vector.shape_cast %swap3A_374 : vector<1x16xf32> to vector<16xf32>
        %swap3A_376 = vector.shape_cast %mul3A_371 : vector<16xf32> to vector<1x16xf32>
        tpu.vector_store %arg16[%swap3A_372, %swap3A_373], %swap3A_376 {strides = array<i32>} : memref<128x80xf32, #tpu.memory_space<vmem>>, vector<1x16xf32>,
        %get3A_377 = arith.index_cast %add3A_326 : i32 to index
        %get3A_378 = arith.constant 48 : index
        %get3A_379 = tpu.vector_load %arg10[%get3A_377, %get3A_378] {strides = array<i32>} : memref<128x80xf32, #tpu.memory_space<vmem>>, vector<1x16xf32>,
        %get3A_380 = vector.shape_cast %get3A_379 : vector<1x16xf32> to vector<16xf32>
        %mul3A_381 = arith.mulf %gather3A_346, %get3A_380 : vector<16xf32>
        %swap3A_382 = arith.index_cast %add3A_326 : i32 to index
        %swap3A_383 = arith.constant 48 : index
        %swap3A_384 = tpu.vector_load %arg16[%swap3A_382, %swap3A_383] {strides = array<i32>} : memref<128x80xf32, #tpu.memory_space<vmem>>, vector<1x16xf32>,
        %swap3A_385 = vector.shape_cast %swap3A_384 : vector<1x16xf32> to vector<16xf32>
        %swap3A_386 = vector.shape_cast %mul3A_381 : vector<16xf32> to vector<1x16xf32>
        tpu.vector_store %arg16[%swap3A_382, %swap3A_383], %swap3A_386 {strides = array<i32>} : memref<128x80xf32, #tpu.memory_space<vmem>>, vector<1x16xf32>,
        %swap3A_387 = arith.index_cast %add3A_326 : i32 to index
        %swap3A_388 = arith.constant 64 : index
        %swap3A_389 = tpu.vector_load %arg16[%swap3A_387, %swap3A_388] {strides = array<i32>} : memref<128x80xf32, #tpu.memory_space<vmem>>, vector<1x16xf32>,
        %swap3A_390 = vector.shape_cast %swap3A_389 : vector<1x16xf32> to vector<16xf32>
        %swap3A_391 = vector.shape_cast %exp3A_340 : vector<16xf32> to vector<1x16xf32>
        tpu.vector_store %arg16[%swap3A_387, %swap3A_388], %swap3A_391 {strides = array<i32>} : memref<128x80xf32, #tpu.memory_space<vmem>>, vector<1x16xf32>,
      }
      %scan3A_63 = arith.constant 32 : i32
      "tpu.region"() ({
        %run_scoped3A = tpu.sem_alloc : memref<!tpu.dma_semaphore, #tpu.memory_space<semaphore_mem>>
        %dma_start3A_122 = arith.constant 0 : i32
        %dma_start3A_123 = tpu.memref_slice %arg9[%add3A_46, %dma_start3A_122] : memref<81x128xi32, #tpu.memory_space<vmem>> -> memref<1x128xi32, #tpu.memory_space<vmem>>
        %dma_start3A_124 = tpu.memref_squeeze %dma_start3A_123 : memref<1x128xi32, #tpu.memory_space<vmem>> -> memref<128xi32, #tpu.memory_space<vmem>>
        %dma_start3A_125 = arith.constant 0 : i32
        %dma_start3A_126 = arith.constant 0 : i32
        %dma_start3A_127 = tpu.memref_slice %arg17[%dma_start3A_125, %dma_start3A_126] : memref<10048x80xf32, #tpu.memory_space<vmem_shared>> -> memref<10048x80xf32, #tpu.memory_space<vmem_shared>>
        tpu.enqueue_indirect_dma source(%arg16 : memref<128x80xf32, #tpu.memory_space<vmem>>) target(%dma_start3A_127 : memref<10048x80xf32, #tpu.memory_space<vmem_shared>>) offsets(%dma_start3A_124 : memref<128xi32, #tpu.memory_space<vmem>>) semaphore(%run_scoped3A : memref<!tpu.dma_semaphore, #tpu.memory_space<semaphore_mem>>) {add = true}
        %dma_wait3A_128 = arith.constant 0 : i32
        %dma_wait3A_129 = tpu.memref_slice %arg9[%add3A_46, %dma_wait3A_128] : memref<81x128xi32, #tpu.memory_space<vmem>> -> memref<1x128xi32, #tpu.memory_space<vmem>>
        %dma_wait3A_130 = tpu.memref_squeeze %dma_wait3A_129 : memref<1x128xi32, #tpu.memory_space<vmem>> -> memref<128xi32, #tpu.memory_space<vmem>>
        %dma_wait3A_131 = arith.constant 0 : i32
        %dma_wait3A_132 = arith.constant 0 : i32
        %dma_wait3A_133 = tpu.memref_slice %arg17[%dma_wait3A_131, %dma_wait3A_132] : memref<10048x80xf32, #tpu.memory_space<vmem_shared>> -> memref<10048x80xf32, #tpu.memory_space<vmem_shared>>
        tpu.wait_indirect_dma semaphore(%run_scoped3A : memref<!tpu.dma_semaphore, #tpu.memory_space<semaphore_mem>>) src(%arg16 : memref<128x80xf32, #tpu.memory_space<vmem>>) dst(%dma_wait3A_133 : memref<10048x80xf32, #tpu.memory_space<vmem_shared>>)
        tpu.yield
      }) : () -> ()
      %add3A_64 = arith.constant 1 : i32
      %add3A_65 = arith.addi %mul3A_38, %add3A_64 : i32
      %add3A_66 = arith.constant 2 : i32
      %add3A_67 = arith.addi %add3A_65, %add3A_66 : i32
      %lt3A_68 = arith.constant 81 : i32
      %lt3A_69 = arith.cmpi slt, %add3A_67, %lt3A_68 : i32
      %convert_element_type3A_70 = arith.extui %lt3A_69 : i1 to i32
      %cond3A_71 = arith.constant 0 : i32
      %cond3A_72 = arith.cmpi ne, %convert_element_type3A_70, %cond3A_71 : i32
      scf.if %cond3A_72 {
        %dma_start3A_122 = arith.constant 0 : i32
        %dma_start3A_123 = tpu.memref_slice %arg8[%add3A_67, %dma_start3A_122] : memref<81x128xi32, #tpu.memory_space<vmem>> -> memref<1x128xi32, #tpu.memory_space<vmem>>
        %dma_start3A_124 = tpu.memref_squeeze %dma_start3A_123 : memref<1x128xi32, #tpu.memory_space<vmem>> -> memref<128xi32, #tpu.memory_space<vmem>>
        %dma_start3A_125 = arith.constant 0 : i32
        %dma_start3A_126 = arith.constant 0 : i32
        %dma_start3A_127 = tpu.memref_slice %arg2[%dma_start3A_125, %dma_start3A_126] : memref<10048x80xf32, #tpu.memory_space<hbm>> -> memref<10048x80xf32, #tpu.memory_space<hbm>>
        tpu.enqueue_indirect_dma source(%dma_start3A_127 : memref<10048x80xf32, #tpu.memory_space<hbm>>) target(%arg10 : memref<128x80xf32, #tpu.memory_space<vmem>>) offsets(%dma_start3A_124 : memref<128xi32, #tpu.memory_space<vmem>>) semaphore(%arg18 : memref<!tpu.dma_semaphore, #tpu.memory_space<semaphore_mem>>)
        %dma_start3A_128 = arith.constant 0 : i32
        %dma_start3A_129 = tpu.memref_slice %arg9[%add3A_67, %dma_start3A_128] : memref<81x128xi32, #tpu.memory_space<vmem>> -> memref<1x128xi32, #tpu.memory_space<vmem>>
        %dma_start3A_130 = tpu.memref_squeeze %dma_start3A_129 : memref<1x128xi32, #tpu.memory_space<vmem>> -> memref<128xi32, #tpu.memory_space<vmem>>
        %dma_start3A_131 = arith.constant 0 : i32
        %dma_start3A_132 = arith.constant 0 : i32
        %dma_start3A_133 = tpu.memref_slice %arg3[%dma_start3A_131, %dma_start3A_132] : memref<10048x16xf32, #tpu.memory_space<hbm>> -> memref<10048x16xf32, #tpu.memory_space<hbm>>
        tpu.enqueue_indirect_dma source(%dma_start3A_133 : memref<10048x16xf32, #tpu.memory_space<hbm>>) target(%arg11 : memref<128x16xf32, #tpu.memory_space<vmem>>) offsets(%dma_start3A_130 : memref<128xi32, #tpu.memory_space<vmem>>) semaphore(%arg18 : memref<!tpu.dma_semaphore, #tpu.memory_space<semaphore_mem>>)
      } else {
      }
      %add3A_73 = arith.constant 1 : i32
      %add3A_74 = arith.addi %mul3A_38, %add3A_73 : i32
      %dma_wait3A_75 = arith.constant 0 : i32
      %dma_wait3A_76 = tpu.memref_slice %arg8[%add3A_74, %dma_wait3A_75] : memref<81x128xi32, #tpu.memory_space<vmem>> -> memref<1x128xi32, #tpu.memory_space<vmem>>
      %dma_wait3A_77 = tpu.memref_squeeze %dma_wait3A_76 : memref<1x128xi32, #tpu.memory_space<vmem>> -> memref<128xi32, #tpu.memory_space<vmem>>
      %dma_wait3A_78 = arith.constant 0 : i32
      %dma_wait3A_79 = arith.constant 0 : i32
      %dma_wait3A_80 = tpu.memref_slice %arg2[%dma_wait3A_78, %dma_wait3A_79] : memref<10048x80xf32, #tpu.memory_space<hbm>> -> memref<10048x80xf32, #tpu.memory_space<hbm>>
      tpu.wait_indirect_dma semaphore(%arg19 : memref<!tpu.dma_semaphore, #tpu.memory_space<semaphore_mem>>) src(%dma_wait3A_80 : memref<10048x80xf32, #tpu.memory_space<hbm>>) dst(%arg12 : memref<128x80xf32, #tpu.memory_space<vmem>>)
      %dma_wait3A_81 = arith.constant 0 : i32
      %dma_wait3A_82 = tpu.memref_slice %arg9[%add3A_74, %dma_wait3A_81] : memref<81x128xi32, #tpu.memory_space<vmem>> -> memref<1x128xi32, #tpu.memory_space<vmem>>
      %dma_wait3A_83 = tpu.memref_squeeze %dma_wait3A_82 : memref<1x128xi32, #tpu.memory_space<vmem>> -> memref<128xi32, #tpu.memory_space<vmem>>
      %dma_wait3A_84 = arith.constant 0 : i32
      %dma_wait3A_85 = arith.constant 0 : i32
      %dma_wait3A_86 = tpu.memref_slice %arg3[%dma_wait3A_84, %dma_wait3A_85] : memref<10048x16xf32, #tpu.memory_space<hbm>> -> memref<10048x16xf32, #tpu.memory_space<hbm>>
      tpu.wait_indirect_dma semaphore(%arg19 : memref<!tpu.dma_semaphore, #tpu.memory_space<semaphore_mem>>) src(%dma_wait3A_86 : memref<10048x16xf32, #tpu.memory_space<hbm>>) dst(%arg13 : memref<128x16xf32, #tpu.memory_space<vmem>>)
      %scan3A_87 = arith.constant 0 : i32
      %scan3A_88 = arith.constant 0 : i32
      %scan3A_89 = arith.constant 32 : i32
      %scan3A_90 = arith.addi %scan3A_88, %scan3A_89 : i32
      %scan3A_91 = arith.constant 1 : i32
      scf.for %scan3A_122 = %scan3A_88 to %scan3A_90 step %scan3A_91  : i32 {
        %mul3A_123 = arith.constant 4 : i32
        %mul3A_124 = arith.muli %mul3A_123, %scan3A_122 : i32
        %add3A_125 = arith.constant 0 : i32
        %add3A_126 = arith.addi %mul3A_124, %add3A_125 : i32
        %get3A = arith.index_cast %add3A_126 : i32 to index
        %get3A_127 = arith.constant 0 : index
        %get3A_128 = tpu.vector_load %arg13[%get3A, %get3A_127] {strides = array<i32>} : memref<128x16xf32, #tpu.memory_space<vmem>>, vector<1x16xf32>,
        %get3A_129 = vector.shape_cast %get3A_128 : vector<1x16xf32> to vector<16xf32>
        %get3A_130 = arith.index_cast %add3A_126 : i32 to index
        %get3A_131 = arith.constant 64 : index
        %get3A_132 = tpu.vector_load %arg12[%get3A_130, %get3A_131] {strides = array<i32>} : memref<128x80xf32, #tpu.memory_space<vmem>>, vector<1x16xf32>,
        %get3A_133 = vector.shape_cast %get3A_132 : vector<1x16xf32> to vector<16xf32>
        %add3A_134 = arith.addf %get3A_133, %get3A_129 : vector<16xf32>
        %mul3A_135 = arith.constant 2.000000e-01 : f32
        %mul3A_136 = vector.broadcast %mul3A_135 : f32 to vector<16xf32>
        %mul3A_137 = arith.mulf %mul3A_136, %add3A_134 : vector<16xf32>
        %max3A = arith.maximumf %add3A_134, %mul3A_137 : vector<16xf32>
        %exp3A = math.exp %max3A : vector<16xf32>
        %and3A = arith.constant 0 : i32
        %and3A_138 = vector.broadcast %and3A : i32 to vector<16xi32>
        %and3A_139 = arith.andi %iota3A, %and3A_138 : vector<16xi32>
        %broadcast_in_dim3A = vector.shape_cast %and3A_139 : vector<16xi32> to vector<16x1xi32>
        %gather3A = vector.shape_cast %broadcast_in_dim3A : vector<16x1xi32> to vector<16xi32>
        %gather3A_140 = tpu.dynamic_gather %exp3A[%gather3A] in [0] : vector<16xf32>, vector<16xi32> -> vector<16xf32>
        %get3A_141 = arith.index_cast %add3A_126 : i32 to index
        %get3A_142 = arith.constant 0 : index
        %get3A_143 = tpu.vector_load %arg12[%get3A_141, %get3A_142] {strides = array<i32>} : memref<128x80xf32, #tpu.memory_space<vmem>>, vector<1x16xf32>,
        %get3A_144 = vector.shape_cast %get3A_143 : vector<1x16xf32> to vector<16xf32>
        %mul3A_145 = arith.mulf %gather3A_140, %get3A_144 : vector<16xf32>
        %swap3A = arith.index_cast %add3A_126 : i32 to index
        %swap3A_146 = arith.constant 0 : index
        %swap3A_147 = tpu.vector_load %arg16[%swap3A, %swap3A_146] {strides = array<i32>} : memref<128x80xf32, #tpu.memory_space<vmem>>, vector<1x16xf32>,
        %swap3A_148 = vector.shape_cast %swap3A_147 : vector<1x16xf32> to vector<16xf32>
        %swap3A_149 = vector.shape_cast %mul3A_145 : vector<16xf32> to vector<1x16xf32>
        tpu.vector_store %arg16[%swap3A, %swap3A_146], %swap3A_149 {strides = array<i32>} : memref<128x80xf32, #tpu.memory_space<vmem>>, vector<1x16xf32>,
        %get3A_150 = arith.index_cast %add3A_126 : i32 to index
        %get3A_151 = arith.constant 16 : index
        %get3A_152 = tpu.vector_load %arg12[%get3A_150, %get3A_151] {strides = array<i32>} : memref<128x80xf32, #tpu.memory_space<vmem>>, vector<1x16xf32>,
        %get3A_153 = vector.shape_cast %get3A_152 : vector<1x16xf32> to vector<16xf32>
        %mul3A_154 = arith.mulf %gather3A_140, %get3A_153 : vector<16xf32>
        %swap3A_155 = arith.index_cast %add3A_126 : i32 to index
        %swap3A_156 = arith.constant 16 : index
        %swap3A_157 = tpu.vector_load %arg16[%swap3A_155, %swap3A_156] {strides = array<i32>} : memref<128x80xf32, #tpu.memory_space<vmem>>, vector<1x16xf32>,
        %swap3A_158 = vector.shape_cast %swap3A_157 : vector<1x16xf32> to vector<16xf32>
        %swap3A_159 = vector.shape_cast %mul3A_154 : vector<16xf32> to vector<1x16xf32>
        tpu.vector_store %arg16[%swap3A_155, %swap3A_156], %swap3A_159 {strides = array<i32>} : memref<128x80xf32, #tpu.memory_space<vmem>>, vector<1x16xf32>,
        %get3A_160 = arith.index_cast %add3A_126 : i32 to index
        %get3A_161 = arith.constant 32 : index
        %get3A_162 = tpu.vector_load %arg12[%get3A_160, %get3A_161] {strides = array<i32>} : memref<128x80xf32, #tpu.memory_space<vmem>>, vector<1x16xf32>,
        %get3A_163 = vector.shape_cast %get3A_162 : vector<1x16xf32> to vector<16xf32>
        %mul3A_164 = arith.mulf %gather3A_140, %get3A_163 : vector<16xf32>
        %swap3A_165 = arith.index_cast %add3A_126 : i32 to index
        %swap3A_166 = arith.constant 32 : index
        %swap3A_167 = tpu.vector_load %arg16[%swap3A_165, %swap3A_166] {strides = array<i32>} : memref<128x80xf32, #tpu.memory_space<vmem>>, vector<1x16xf32>,
        %swap3A_168 = vector.shape_cast %swap3A_167 : vector<1x16xf32> to vector<16xf32>
        %swap3A_169 = vector.shape_cast %mul3A_164 : vector<16xf32> to vector<1x16xf32>
        tpu.vector_store %arg16[%swap3A_165, %swap3A_166], %swap3A_169 {strides = array<i32>} : memref<128x80xf32, #tpu.memory_space<vmem>>, vector<1x16xf32>,
        %get3A_170 = arith.index_cast %add3A_126 : i32 to index
        %get3A_171 = arith.constant 48 : index
        %get3A_172 = tpu.vector_load %arg12[%get3A_170, %get3A_171] {strides = array<i32>} : memref<128x80xf32, #tpu.memory_space<vmem>>, vector<1x16xf32>,
        %get3A_173 = vector.shape_cast %get3A_172 : vector<1x16xf32> to vector<16xf32>
        %mul3A_174 = arith.mulf %gather3A_140, %get3A_173 : vector<16xf32>
        %swap3A_175 = arith.index_cast %add3A_126 : i32 to index
        %swap3A_176 = arith.constant 48 : index
        %swap3A_177 = tpu.vector_load %arg16[%swap3A_175, %swap3A_176] {strides = array<i32>} : memref<128x80xf32, #tpu.memory_space<vmem>>, vector<1x16xf32>,
        %swap3A_178 = vector.shape_cast %swap3A_177 : vector<1x16xf32> to vector<16xf32>
        %swap3A_179 = vector.shape_cast %mul3A_174 : vector<16xf32> to vector<1x16xf32>
        tpu.vector_store %arg16[%swap3A_175, %swap3A_176], %swap3A_179 {strides = array<i32>} : memref<128x80xf32, #tpu.memory_space<vmem>>, vector<1x16xf32>,
        %swap3A_180 = arith.index_cast %add3A_126 : i32 to index
        %swap3A_181 = arith.constant 64 : index
        %swap3A_182 = tpu.vector_load %arg16[%swap3A_180, %swap3A_181] {strides = array<i32>} : memref<128x80xf32, #tpu.memory_space<vmem>>, vector<1x16xf32>,
        %swap3A_183 = vector.shape_cast %swap3A_182 : vector<1x16xf32> to vector<16xf32>
        %swap3A_184 = vector.shape_cast %exp3A : vector<16xf32> to vector<1x16xf32>
        tpu.vector_store %arg16[%swap3A_180, %swap3A_181], %swap3A_184 {strides = array<i32>} : memref<128x80xf32, #tpu.memory_space<vmem>>, vector<1x16xf32>,
        %mul3A_185 = arith.constant 4 : i32
        %mul3A_186 = arith.muli %mul3A_185, %scan3A_122 : i32
        %add3A_187 = arith.constant 1 : i32
        %add3A_188 = arith.addi %mul3A_186, %add3A_187 : i32
        %get3A_189 = arith.index_cast %add3A_188 : i32 to index
        %get3A_190 = arith.constant 0 : index
        %get3A_191 = tpu.vector_load %arg13[%get3A_189, %get3A_190] {strides = array<i32>} : memref<128x16xf32, #tpu.memory_space<vmem>>, vector<1x16xf32>,
        %get3A_192 = vector.shape_cast %get3A_191 : vector<1x16xf32> to vector<16xf32>
        %get3A_193 = arith.index_cast %add3A_188 : i32 to index
        %get3A_194 = arith.constant 64 : index
        %get3A_195 = tpu.vector_load %arg12[%get3A_193, %get3A_194] {strides = array<i32>} : memref<128x80xf32, #tpu.memory_space<vmem>>, vector<1x16xf32>,
        %get3A_196 = vector.shape_cast %get3A_195 : vector<1x16xf32> to vector<16xf32>
        %add3A_197 = arith.addf %get3A_196, %get3A_192 : vector<16xf32>
        %mul3A_198 = arith.constant 2.000000e-01 : f32
        %mul3A_199 = vector.broadcast %mul3A_198 : f32 to vector<16xf32>
        %mul3A_200 = arith.mulf %mul3A_199, %add3A_197 : vector<16xf32>
        %max3A_201 = arith.maximumf %add3A_197, %mul3A_200 : vector<16xf32>
        %exp3A_202 = math.exp %max3A_201 : vector<16xf32>
        %and3A_203 = arith.constant 0 : i32
        %and3A_204 = vector.broadcast %and3A_203 : i32 to vector<16xi32>
        %and3A_205 = arith.andi %iota3A, %and3A_204 : vector<16xi32>
        %broadcast_in_dim3A_206 = vector.shape_cast %and3A_205 : vector<16xi32> to vector<16x1xi32>
        %gather3A_207 = vector.shape_cast %broadcast_in_dim3A_206 : vector<16x1xi32> to vector<16xi32>
        %gather3A_208 = tpu.dynamic_gather %exp3A_202[%gather3A_207] in [0] : vector<16xf32>, vector<16xi32> -> vector<16xf32>
        %get3A_209 = arith.index_cast %add3A_188 : i32 to index
        %get3A_210 = arith.constant 0 : index
        %get3A_211 = tpu.vector_load %arg12[%get3A_209, %get3A_210] {strides = array<i32>} : memref<128x80xf32, #tpu.memory_space<vmem>>, vector<1x16xf32>,
        %get3A_212 = vector.shape_cast %get3A_211 : vector<1x16xf32> to vector<16xf32>
        %mul3A_213 = arith.mulf %gather3A_208, %get3A_212 : vector<16xf32>
        %swap3A_214 = arith.index_cast %add3A_188 : i32 to index
        %swap3A_215 = arith.constant 0 : index
        %swap3A_216 = tpu.vector_load %arg16[%swap3A_214, %swap3A_215] {strides = array<i32>} : memref<128x80xf32, #tpu.memory_space<vmem>>, vector<1x16xf32>,
        %swap3A_217 = vector.shape_cast %swap3A_216 : vector<1x16xf32> to vector<16xf32>
        %swap3A_218 = vector.shape_cast %mul3A_213 : vector<16xf32> to vector<1x16xf32>
        tpu.vector_store %arg16[%swap3A_214, %swap3A_215], %swap3A_218 {strides = array<i32>} : memref<128x80xf32, #tpu.memory_space<vmem>>, vector<1x16xf32>,
        %get3A_219 = arith.index_cast %add3A_188 : i32 to index
        %get3A_220 = arith.constant 16 : index
        %get3A_221 = tpu.vector_load %arg12[%get3A_219, %get3A_220] {strides = array<i32>} : memref<128x80xf32, #tpu.memory_space<vmem>>, vector<1x16xf32>,
        %get3A_222 = vector.shape_cast %get3A_221 : vector<1x16xf32> to vector<16xf32>
        %mul3A_223 = arith.mulf %gather3A_208, %get3A_222 : vector<16xf32>
        %swap3A_224 = arith.index_cast %add3A_188 : i32 to index
        %swap3A_225 = arith.constant 16 : index
        %swap3A_226 = tpu.vector_load %arg16[%swap3A_224, %swap3A_225] {strides = array<i32>} : memref<128x80xf32, #tpu.memory_space<vmem>>, vector<1x16xf32>,
        %swap3A_227 = vector.shape_cast %swap3A_226 : vector<1x16xf32> to vector<16xf32>
        %swap3A_228 = vector.shape_cast %mul3A_223 : vector<16xf32> to vector<1x16xf32>
        tpu.vector_store %arg16[%swap3A_224, %swap3A_225], %swap3A_228 {strides = array<i32>} : memref<128x80xf32, #tpu.memory_space<vmem>>, vector<1x16xf32>,
        %get3A_229 = arith.index_cast %add3A_188 : i32 to index
        %get3A_230 = arith.constant 32 : index
        %get3A_231 = tpu.vector_load %arg12[%get3A_229, %get3A_230] {strides = array<i32>} : memref<128x80xf32, #tpu.memory_space<vmem>>, vector<1x16xf32>,
        %get3A_232 = vector.shape_cast %get3A_231 : vector<1x16xf32> to vector<16xf32>
        %mul3A_233 = arith.mulf %gather3A_208, %get3A_232 : vector<16xf32>
        %swap3A_234 = arith.index_cast %add3A_188 : i32 to index
        %swap3A_235 = arith.constant 32 : index
        %swap3A_236 = tpu.vector_load %arg16[%swap3A_234, %swap3A_235] {strides = array<i32>} : memref<128x80xf32, #tpu.memory_space<vmem>>, vector<1x16xf32>,
        %swap3A_237 = vector.shape_cast %swap3A_236 : vector<1x16xf32> to vector<16xf32>
        %swap3A_238 = vector.shape_cast %mul3A_233 : vector<16xf32> to vector<1x16xf32>
        tpu.vector_store %arg16[%swap3A_234, %swap3A_235], %swap3A_238 {strides = array<i32>} : memref<128x80xf32, #tpu.memory_space<vmem>>, vector<1x16xf32>,
        %get3A_239 = arith.index_cast %add3A_188 : i32 to index
        %get3A_240 = arith.constant 48 : index
        %get3A_241 = tpu.vector_load %arg12[%get3A_239, %get3A_240] {strides = array<i32>} : memref<128x80xf32, #tpu.memory_space<vmem>>, vector<1x16xf32>,
        %get3A_242 = vector.shape_cast %get3A_241 : vector<1x16xf32> to vector<16xf32>
        %mul3A_243 = arith.mulf %gather3A_208, %get3A_242 : vector<16xf32>
        %swap3A_244 = arith.index_cast %add3A_188 : i32 to index
        %swap3A_245 = arith.constant 48 : index
        %swap3A_246 = tpu.vector_load %arg16[%swap3A_244, %swap3A_245] {strides = array<i32>} : memref<128x80xf32, #tpu.memory_space<vmem>>, vector<1x16xf32>,
        %swap3A_247 = vector.shape_cast %swap3A_246 : vector<1x16xf32> to vector<16xf32>
        %swap3A_248 = vector.shape_cast %mul3A_243 : vector<16xf32> to vector<1x16xf32>
        tpu.vector_store %arg16[%swap3A_244, %swap3A_245], %swap3A_248 {strides = array<i32>} : memref<128x80xf32, #tpu.memory_space<vmem>>, vector<1x16xf32>,
        %swap3A_249 = arith.index_cast %add3A_188 : i32 to index
        %swap3A_250 = arith.constant 64 : index
        %swap3A_251 = tpu.vector_load %arg16[%swap3A_249, %swap3A_250] {strides = array<i32>} : memref<128x80xf32, #tpu.memory_space<vmem>>, vector<1x16xf32>,
        %swap3A_252 = vector.shape_cast %swap3A_251 : vector<1x16xf32> to vector<16xf32>
        %swap3A_253 = vector.shape_cast %exp3A_202 : vector<16xf32> to vector<1x16xf32>
        tpu.vector_store %arg16[%swap3A_249, %swap3A_250], %swap3A_253 {strides = array<i32>} : memref<128x80xf32, #tpu.memory_space<vmem>>, vector<1x16xf32>,
        %mul3A_254 = arith.constant 4 : i32
        %mul3A_255 = arith.muli %mul3A_254, %scan3A_122 : i32
        %add3A_256 = arith.constant 2 : i32
        %add3A_257 = arith.addi %mul3A_255, %add3A_256 : i32
        %get3A_258 = arith.index_cast %add3A_257 : i32 to index
        %get3A_259 = arith.constant 0 : index
        %get3A_260 = tpu.vector_load %arg13[%get3A_258, %get3A_259] {strides = array<i32>} : memref<128x16xf32, #tpu.memory_space<vmem>>, vector<1x16xf32>,
        %get3A_261 = vector.shape_cast %get3A_260 : vector<1x16xf32> to vector<16xf32>
        %get3A_262 = arith.index_cast %add3A_257 : i32 to index
        %get3A_263 = arith.constant 64 : index
        %get3A_264 = tpu.vector_load %arg12[%get3A_262, %get3A_263] {strides = array<i32>} : memref<128x80xf32, #tpu.memory_space<vmem>>, vector<1x16xf32>,
        %get3A_265 = vector.shape_cast %get3A_264 : vector<1x16xf32> to vector<16xf32>
        %add3A_266 = arith.addf %get3A_265, %get3A_261 : vector<16xf32>
        %mul3A_267 = arith.constant 2.000000e-01 : f32
        %mul3A_268 = vector.broadcast %mul3A_267 : f32 to vector<16xf32>
        %mul3A_269 = arith.mulf %mul3A_268, %add3A_266 : vector<16xf32>
        %max3A_270 = arith.maximumf %add3A_266, %mul3A_269 : vector<16xf32>
        %exp3A_271 = math.exp %max3A_270 : vector<16xf32>
        %and3A_272 = arith.constant 0 : i32
        %and3A_273 = vector.broadcast %and3A_272 : i32 to vector<16xi32>
        %and3A_274 = arith.andi %iota3A, %and3A_273 : vector<16xi32>
        %broadcast_in_dim3A_275 = vector.shape_cast %and3A_274 : vector<16xi32> to vector<16x1xi32>
        %gather3A_276 = vector.shape_cast %broadcast_in_dim3A_275 : vector<16x1xi32> to vector<16xi32>
        %gather3A_277 = tpu.dynamic_gather %exp3A_271[%gather3A_276] in [0] : vector<16xf32>, vector<16xi32> -> vector<16xf32>
        %get3A_278 = arith.index_cast %add3A_257 : i32 to index
        %get3A_279 = arith.constant 0 : index
        %get3A_280 = tpu.vector_load %arg12[%get3A_278, %get3A_279] {strides = array<i32>} : memref<128x80xf32, #tpu.memory_space<vmem>>, vector<1x16xf32>,
        %get3A_281 = vector.shape_cast %get3A_280 : vector<1x16xf32> to vector<16xf32>
        %mul3A_282 = arith.mulf %gather3A_277, %get3A_281 : vector<16xf32>
        %swap3A_283 = arith.index_cast %add3A_257 : i32 to index
        %swap3A_284 = arith.constant 0 : index
        %swap3A_285 = tpu.vector_load %arg16[%swap3A_283, %swap3A_284] {strides = array<i32>} : memref<128x80xf32, #tpu.memory_space<vmem>>, vector<1x16xf32>,
        %swap3A_286 = vector.shape_cast %swap3A_285 : vector<1x16xf32> to vector<16xf32>
        %swap3A_287 = vector.shape_cast %mul3A_282 : vector<16xf32> to vector<1x16xf32>
        tpu.vector_store %arg16[%swap3A_283, %swap3A_284], %swap3A_287 {strides = array<i32>} : memref<128x80xf32, #tpu.memory_space<vmem>>, vector<1x16xf32>,
        %get3A_288 = arith.index_cast %add3A_257 : i32 to index
        %get3A_289 = arith.constant 16 : index
        %get3A_290 = tpu.vector_load %arg12[%get3A_288, %get3A_289] {strides = array<i32>} : memref<128x80xf32, #tpu.memory_space<vmem>>, vector<1x16xf32>,
        %get3A_291 = vector.shape_cast %get3A_290 : vector<1x16xf32> to vector<16xf32>
        %mul3A_292 = arith.mulf %gather3A_277, %get3A_291 : vector<16xf32>
        %swap3A_293 = arith.index_cast %add3A_257 : i32 to index
        %swap3A_294 = arith.constant 16 : index
        %swap3A_295 = tpu.vector_load %arg16[%swap3A_293, %swap3A_294] {strides = array<i32>} : memref<128x80xf32, #tpu.memory_space<vmem>>, vector<1x16xf32>,
        %swap3A_296 = vector.shape_cast %swap3A_295 : vector<1x16xf32> to vector<16xf32>
        %swap3A_297 = vector.shape_cast %mul3A_292 : vector<16xf32> to vector<1x16xf32>
        tpu.vector_store %arg16[%swap3A_293, %swap3A_294], %swap3A_297 {strides = array<i32>} : memref<128x80xf32, #tpu.memory_space<vmem>>, vector<1x16xf32>,
        %get3A_298 = arith.index_cast %add3A_257 : i32 to index
        %get3A_299 = arith.constant 32 : index
        %get3A_300 = tpu.vector_load %arg12[%get3A_298, %get3A_299] {strides = array<i32>} : memref<128x80xf32, #tpu.memory_space<vmem>>, vector<1x16xf32>,
        %get3A_301 = vector.shape_cast %get3A_300 : vector<1x16xf32> to vector<16xf32>
        %mul3A_302 = arith.mulf %gather3A_277, %get3A_301 : vector<16xf32>
        %swap3A_303 = arith.index_cast %add3A_257 : i32 to index
        %swap3A_304 = arith.constant 32 : index
        %swap3A_305 = tpu.vector_load %arg16[%swap3A_303, %swap3A_304] {strides = array<i32>} : memref<128x80xf32, #tpu.memory_space<vmem>>, vector<1x16xf32>,
        %swap3A_306 = vector.shape_cast %swap3A_305 : vector<1x16xf32> to vector<16xf32>
        %swap3A_307 = vector.shape_cast %mul3A_302 : vector<16xf32> to vector<1x16xf32>
        tpu.vector_store %arg16[%swap3A_303, %swap3A_304], %swap3A_307 {strides = array<i32>} : memref<128x80xf32, #tpu.memory_space<vmem>>, vector<1x16xf32>,
        %get3A_308 = arith.index_cast %add3A_257 : i32 to index
        %get3A_309 = arith.constant 48 : index
        %get3A_310 = tpu.vector_load %arg12[%get3A_308, %get3A_309] {strides = array<i32>} : memref<128x80xf32, #tpu.memory_space<vmem>>, vector<1x16xf32>,
        %get3A_311 = vector.shape_cast %get3A_310 : vector<1x16xf32> to vector<16xf32>
        %mul3A_312 = arith.mulf %gather3A_277, %get3A_311 : vector<16xf32>
        %swap3A_313 = arith.index_cast %add3A_257 : i32 to index
        %swap3A_314 = arith.constant 48 : index
        %swap3A_315 = tpu.vector_load %arg16[%swap3A_313, %swap3A_314] {strides = array<i32>} : memref<128x80xf32, #tpu.memory_space<vmem>>, vector<1x16xf32>,
        %swap3A_316 = vector.shape_cast %swap3A_315 : vector<1x16xf32> to vector<16xf32>
        %swap3A_317 = vector.shape_cast %mul3A_312 : vector<16xf32> to vector<1x16xf32>
        tpu.vector_store %arg16[%swap3A_313, %swap3A_314], %swap3A_317 {strides = array<i32>} : memref<128x80xf32, #tpu.memory_space<vmem>>, vector<1x16xf32>,
        %swap3A_318 = arith.index_cast %add3A_257 : i32 to index
        %swap3A_319 = arith.constant 64 : index
        %swap3A_320 = tpu.vector_load %arg16[%swap3A_318, %swap3A_319] {strides = array<i32>} : memref<128x80xf32, #tpu.memory_space<vmem>>, vector<1x16xf32>,
        %swap3A_321 = vector.shape_cast %swap3A_320 : vector<1x16xf32> to vector<16xf32>
        %swap3A_322 = vector.shape_cast %exp3A_271 : vector<16xf32> to vector<1x16xf32>
        tpu.vector_store %arg16[%swap3A_318, %swap3A_319], %swap3A_322 {strides = array<i32>} : memref<128x80xf32, #tpu.memory_space<vmem>>, vector<1x16xf32>,
        %mul3A_323 = arith.constant 4 : i32
        %mul3A_324 = arith.muli %mul3A_323, %scan3A_122 : i32
        %add3A_325 = arith.constant 3 : i32
        %add3A_326 = arith.addi %mul3A_324, %add3A_325 : i32
        %get3A_327 = arith.index_cast %add3A_326 : i32 to index
        %get3A_328 = arith.constant 0 : index
        %get3A_329 = tpu.vector_load %arg13[%get3A_327, %get3A_328] {strides = array<i32>} : memref<128x16xf32, #tpu.memory_space<vmem>>, vector<1x16xf32>,
        %get3A_330 = vector.shape_cast %get3A_329 : vector<1x16xf32> to vector<16xf32>
        %get3A_331 = arith.index_cast %add3A_326 : i32 to index
        %get3A_332 = arith.constant 64 : index
        %get3A_333 = tpu.vector_load %arg12[%get3A_331, %get3A_332] {strides = array<i32>} : memref<128x80xf32, #tpu.memory_space<vmem>>, vector<1x16xf32>,
        %get3A_334 = vector.shape_cast %get3A_333 : vector<1x16xf32> to vector<16xf32>
        %add3A_335 = arith.addf %get3A_334, %get3A_330 : vector<16xf32>
        %mul3A_336 = arith.constant 2.000000e-01 : f32
        %mul3A_337 = vector.broadcast %mul3A_336 : f32 to vector<16xf32>
        %mul3A_338 = arith.mulf %mul3A_337, %add3A_335 : vector<16xf32>
        %max3A_339 = arith.maximumf %add3A_335, %mul3A_338 : vector<16xf32>
        %exp3A_340 = math.exp %max3A_339 : vector<16xf32>
        %and3A_341 = arith.constant 0 : i32
        %and3A_342 = vector.broadcast %and3A_341 : i32 to vector<16xi32>
        %and3A_343 = arith.andi %iota3A, %and3A_342 : vector<16xi32>
        %broadcast_in_dim3A_344 = vector.shape_cast %and3A_343 : vector<16xi32> to vector<16x1xi32>
        %gather3A_345 = vector.shape_cast %broadcast_in_dim3A_344 : vector<16x1xi32> to vector<16xi32>
        %gather3A_346 = tpu.dynamic_gather %exp3A_340[%gather3A_345] in [0] : vector<16xf32>, vector<16xi32> -> vector<16xf32>
        %get3A_347 = arith.index_cast %add3A_326 : i32 to index
        %get3A_348 = arith.constant 0 : index
        %get3A_349 = tpu.vector_load %arg12[%get3A_347, %get3A_348] {strides = array<i32>} : memref<128x80xf32, #tpu.memory_space<vmem>>, vector<1x16xf32>,
        %get3A_350 = vector.shape_cast %get3A_349 : vector<1x16xf32> to vector<16xf32>
        %mul3A_351 = arith.mulf %gather3A_346, %get3A_350 : vector<16xf32>
        %swap3A_352 = arith.index_cast %add3A_326 : i32 to index
        %swap3A_353 = arith.constant 0 : index
        %swap3A_354 = tpu.vector_load %arg16[%swap3A_352, %swap3A_353] {strides = array<i32>} : memref<128x80xf32, #tpu.memory_space<vmem>>, vector<1x16xf32>,
        %swap3A_355 = vector.shape_cast %swap3A_354 : vector<1x16xf32> to vector<16xf32>
        %swap3A_356 = vector.shape_cast %mul3A_351 : vector<16xf32> to vector<1x16xf32>
        tpu.vector_store %arg16[%swap3A_352, %swap3A_353], %swap3A_356 {strides = array<i32>} : memref<128x80xf32, #tpu.memory_space<vmem>>, vector<1x16xf32>,
        %get3A_357 = arith.index_cast %add3A_326 : i32 to index
        %get3A_358 = arith.constant 16 : index
        %get3A_359 = tpu.vector_load %arg12[%get3A_357, %get3A_358] {strides = array<i32>} : memref<128x80xf32, #tpu.memory_space<vmem>>, vector<1x16xf32>,
        %get3A_360 = vector.shape_cast %get3A_359 : vector<1x16xf32> to vector<16xf32>
        %mul3A_361 = arith.mulf %gather3A_346, %get3A_360 : vector<16xf32>
        %swap3A_362 = arith.index_cast %add3A_326 : i32 to index
        %swap3A_363 = arith.constant 16 : index
        %swap3A_364 = tpu.vector_load %arg16[%swap3A_362, %swap3A_363] {strides = array<i32>} : memref<128x80xf32, #tpu.memory_space<vmem>>, vector<1x16xf32>,
        %swap3A_365 = vector.shape_cast %swap3A_364 : vector<1x16xf32> to vector<16xf32>
        %swap3A_366 = vector.shape_cast %mul3A_361 : vector<16xf32> to vector<1x16xf32>
        tpu.vector_store %arg16[%swap3A_362, %swap3A_363], %swap3A_366 {strides = array<i32>} : memref<128x80xf32, #tpu.memory_space<vmem>>, vector<1x16xf32>,
        %get3A_367 = arith.index_cast %add3A_326 : i32 to index
        %get3A_368 = arith.constant 32 : index
        %get3A_369 = tpu.vector_load %arg12[%get3A_367, %get3A_368] {strides = array<i32>} : memref<128x80xf32, #tpu.memory_space<vmem>>, vector<1x16xf32>,
        %get3A_370 = vector.shape_cast %get3A_369 : vector<1x16xf32> to vector<16xf32>
        %mul3A_371 = arith.mulf %gather3A_346, %get3A_370 : vector<16xf32>
        %swap3A_372 = arith.index_cast %add3A_326 : i32 to index
        %swap3A_373 = arith.constant 32 : index
        %swap3A_374 = tpu.vector_load %arg16[%swap3A_372, %swap3A_373] {strides = array<i32>} : memref<128x80xf32, #tpu.memory_space<vmem>>, vector<1x16xf32>,
        %swap3A_375 = vector.shape_cast %swap3A_374 : vector<1x16xf32> to vector<16xf32>
        %swap3A_376 = vector.shape_cast %mul3A_371 : vector<16xf32> to vector<1x16xf32>
        tpu.vector_store %arg16[%swap3A_372, %swap3A_373], %swap3A_376 {strides = array<i32>} : memref<128x80xf32, #tpu.memory_space<vmem>>, vector<1x16xf32>,
        %get3A_377 = arith.index_cast %add3A_326 : i32 to index
        %get3A_378 = arith.constant 48 : index
        %get3A_379 = tpu.vector_load %arg12[%get3A_377, %get3A_378] {strides = array<i32>} : memref<128x80xf32, #tpu.memory_space<vmem>>, vector<1x16xf32>,
        %get3A_380 = vector.shape_cast %get3A_379 : vector<1x16xf32> to vector<16xf32>
        %mul3A_381 = arith.mulf %gather3A_346, %get3A_380 : vector<16xf32>
        %swap3A_382 = arith.index_cast %add3A_326 : i32 to index
        %swap3A_383 = arith.constant 48 : index
        %swap3A_384 = tpu.vector_load %arg16[%swap3A_382, %swap3A_383] {strides = array<i32>} : memref<128x80xf32, #tpu.memory_space<vmem>>, vector<1x16xf32>,
        %swap3A_385 = vector.shape_cast %swap3A_384 : vector<1x16xf32> to vector<16xf32>
        %swap3A_386 = vector.shape_cast %mul3A_381 : vector<16xf32> to vector<1x16xf32>
        tpu.vector_store %arg16[%swap3A_382, %swap3A_383], %swap3A_386 {strides = array<i32>} : memref<128x80xf32, #tpu.memory_space<vmem>>, vector<1x16xf32>,
        %swap3A_387 = arith.index_cast %add3A_326 : i32 to index
        %swap3A_388 = arith.constant 64 : index
        %swap3A_389 = tpu.vector_load %arg16[%swap3A_387, %swap3A_388] {strides = array<i32>} : memref<128x80xf32, #tpu.memory_space<vmem>>, vector<1x16xf32>,
        %swap3A_390 = vector.shape_cast %swap3A_389 : vector<1x16xf32> to vector<16xf32>
        %swap3A_391 = vector.shape_cast %exp3A_340 : vector<16xf32> to vector<1x16xf32>
        tpu.vector_store %arg16[%swap3A_387, %swap3A_388], %swap3A_391 {strides = array<i32>} : memref<128x80xf32, #tpu.memory_space<vmem>>, vector<1x16xf32>,
      }
      %scan3A_92 = arith.constant 32 : i32
      "tpu.region"() ({
        %run_scoped3A = tpu.sem_alloc : memref<!tpu.dma_semaphore, #tpu.memory_space<semaphore_mem>>
        %dma_start3A_122 = arith.constant 0 : i32
        %dma_start3A_123 = tpu.memref_slice %arg9[%add3A_74, %dma_start3A_122] : memref<81x128xi32, #tpu.memory_space<vmem>> -> memref<1x128xi32, #tpu.memory_space<vmem>>
        %dma_start3A_124 = tpu.memref_squeeze %dma_start3A_123 : memref<1x128xi32, #tpu.memory_space<vmem>> -> memref<128xi32, #tpu.memory_space<vmem>>
        %dma_start3A_125 = arith.constant 0 : i32
        %dma_start3A_126 = arith.constant 0 : i32
        %dma_start3A_127 = tpu.memref_slice %arg17[%dma_start3A_125, %dma_start3A_126] : memref<10048x80xf32, #tpu.memory_space<vmem_shared>> -> memref<10048x80xf32, #tpu.memory_space<vmem_shared>>
        tpu.enqueue_indirect_dma source(%arg16 : memref<128x80xf32, #tpu.memory_space<vmem>>) target(%dma_start3A_127 : memref<10048x80xf32, #tpu.memory_space<vmem_shared>>) offsets(%dma_start3A_124 : memref<128xi32, #tpu.memory_space<vmem>>) semaphore(%run_scoped3A : memref<!tpu.dma_semaphore, #tpu.memory_space<semaphore_mem>>) {add = true}
        %dma_wait3A_128 = arith.constant 0 : i32
        %dma_wait3A_129 = tpu.memref_slice %arg9[%add3A_74, %dma_wait3A_128] : memref<81x128xi32, #tpu.memory_space<vmem>> -> memref<1x128xi32, #tpu.memory_space<vmem>>
        %dma_wait3A_130 = tpu.memref_squeeze %dma_wait3A_129 : memref<1x128xi32, #tpu.memory_space<vmem>> -> memref<128xi32, #tpu.memory_space<vmem>>
        %dma_wait3A_131 = arith.constant 0 : i32
        %dma_wait3A_132 = arith.constant 0 : i32
        %dma_wait3A_133 = tpu.memref_slice %arg17[%dma_wait3A_131, %dma_wait3A_132] : memref<10048x80xf32, #tpu.memory_space<vmem_shared>> -> memref<10048x80xf32, #tpu.memory_space<vmem_shared>>
        tpu.wait_indirect_dma semaphore(%run_scoped3A : memref<!tpu.dma_semaphore, #tpu.memory_space<semaphore_mem>>) src(%arg16 : memref<128x80xf32, #tpu.memory_space<vmem>>) dst(%dma_wait3A_133 : memref<10048x80xf32, #tpu.memory_space<vmem_shared>>)
        tpu.yield
      }) : () -> ()
      %add3A_93 = arith.constant 2 : i32
      %add3A_94 = arith.addi %mul3A_38, %add3A_93 : i32
      %add3A_95 = arith.constant 2 : i32
      %add3A_96 = arith.addi %add3A_94, %add3A_95 : i32
      %lt3A_97 = arith.constant 81 : i32
      %lt3A_98 = arith.cmpi slt, %add3A_96, %lt3A_97 : i32
      %convert_element_type3A_99 = arith.extui %lt3A_98 : i1 to i32
      %cond3A_100 = arith.constant 0 : i32
      %cond3A_101 = arith.cmpi ne, %convert_element_type3A_99, %cond3A_100 : i32
      scf.if %cond3A_101 {
        %dma_start3A_122 = arith.constant 0 : i32
        %dma_start3A_123 = tpu.memref_slice %arg8[%add3A_96, %dma_start3A_122] : memref<81x128xi32, #tpu.memory_space<vmem>> -> memref<1x128xi32, #tpu.memory_space<vmem>>
        %dma_start3A_124 = tpu.memref_squeeze %dma_start3A_123 : memref<1x128xi32, #tpu.memory_space<vmem>> -> memref<128xi32, #tpu.memory_space<vmem>>
        %dma_start3A_125 = arith.constant 0 : i32
        %dma_start3A_126 = arith.constant 0 : i32
        %dma_start3A_127 = tpu.memref_slice %arg2[%dma_start3A_125, %dma_start3A_126] : memref<10048x80xf32, #tpu.memory_space<hbm>> -> memref<10048x80xf32, #tpu.memory_space<hbm>>
        tpu.enqueue_indirect_dma source(%dma_start3A_127 : memref<10048x80xf32, #tpu.memory_space<hbm>>) target(%arg12 : memref<128x80xf32, #tpu.memory_space<vmem>>) offsets(%dma_start3A_124 : memref<128xi32, #tpu.memory_space<vmem>>) semaphore(%arg19 : memref<!tpu.dma_semaphore, #tpu.memory_space<semaphore_mem>>)
        %dma_start3A_128 = arith.constant 0 : i32
        %dma_start3A_129 = tpu.memref_slice %arg9[%add3A_96, %dma_start3A_128] : memref<81x128xi32, #tpu.memory_space<vmem>> -> memref<1x128xi32, #tpu.memory_space<vmem>>
        %dma_start3A_130 = tpu.memref_squeeze %dma_start3A_129 : memref<1x128xi32, #tpu.memory_space<vmem>> -> memref<128xi32, #tpu.memory_space<vmem>>
        %dma_start3A_131 = arith.constant 0 : i32
        %dma_start3A_132 = arith.constant 0 : i32
        %dma_start3A_133 = tpu.memref_slice %arg3[%dma_start3A_131, %dma_start3A_132] : memref<10048x16xf32, #tpu.memory_space<hbm>> -> memref<10048x16xf32, #tpu.memory_space<hbm>>
        tpu.enqueue_indirect_dma source(%dma_start3A_133 : memref<10048x16xf32, #tpu.memory_space<hbm>>) target(%arg13 : memref<128x16xf32, #tpu.memory_space<vmem>>) offsets(%dma_start3A_130 : memref<128xi32, #tpu.memory_space<vmem>>) semaphore(%arg19 : memref<!tpu.dma_semaphore, #tpu.memory_space<semaphore_mem>>)
      } else {
      }
      %add3A_102 = arith.constant 2 : i32
      %add3A_103 = arith.addi %mul3A_38, %add3A_102 : i32
      %dma_wait3A_104 = arith.constant 0 : i32
      %dma_wait3A_105 = tpu.memref_slice %arg8[%add3A_103, %dma_wait3A_104] : memref<81x128xi32, #tpu.memory_space<vmem>> -> memref<1x128xi32, #tpu.memory_space<vmem>>
      %dma_wait3A_106 = tpu.memref_squeeze %dma_wait3A_105 : memref<1x128xi32, #tpu.memory_space<vmem>> -> memref<128xi32, #tpu.memory_space<vmem>>
      %dma_wait3A_107 = arith.constant 0 : i32
      %dma_wait3A_108 = arith.constant 0 : i32
      %dma_wait3A_109 = tpu.memref_slice %arg2[%dma_wait3A_107, %dma_wait3A_108] : memref<10048x80xf32, #tpu.memory_space<hbm>> -> memref<10048x80xf32, #tpu.memory_space<hbm>>
      tpu.wait_indirect_dma semaphore(%arg20 : memref<!tpu.dma_semaphore, #tpu.memory_space<semaphore_mem>>) src(%dma_wait3A_109 : memref<10048x80xf32, #tpu.memory_space<hbm>>) dst(%arg14 : memref<128x80xf32, #tpu.memory_space<vmem>>)
      %dma_wait3A_110 = arith.constant 0 : i32
      %dma_wait3A_111 = tpu.memref_slice %arg9[%add3A_103, %dma_wait3A_110] : memref<81x128xi32, #tpu.memory_space<vmem>> -> memref<1x128xi32, #tpu.memory_space<vmem>>
      %dma_wait3A_112 = tpu.memref_squeeze %dma_wait3A_111 : memref<1x128xi32, #tpu.memory_space<vmem>> -> memref<128xi32, #tpu.memory_space<vmem>>
      %dma_wait3A_113 = arith.constant 0 : i32
      %dma_wait3A_114 = arith.constant 0 : i32
      %dma_wait3A_115 = tpu.memref_slice %arg3[%dma_wait3A_113, %dma_wait3A_114] : memref<10048x16xf32, #tpu.memory_space<hbm>> -> memref<10048x16xf32, #tpu.memory_space<hbm>>
      tpu.wait_indirect_dma semaphore(%arg20 : memref<!tpu.dma_semaphore, #tpu.memory_space<semaphore_mem>>) src(%dma_wait3A_115 : memref<10048x16xf32, #tpu.memory_space<hbm>>) dst(%arg15 : memref<128x16xf32, #tpu.memory_space<vmem>>)
      %scan3A_116 = arith.constant 0 : i32
      %scan3A_117 = arith.constant 0 : i32
      %scan3A_118 = arith.constant 32 : i32
      %scan3A_119 = arith.addi %scan3A_117, %scan3A_118 : i32
      %scan3A_120 = arith.constant 1 : i32
      scf.for %scan3A_122 = %scan3A_117 to %scan3A_119 step %scan3A_120  : i32 {
        %mul3A_123 = arith.constant 4 : i32
        %mul3A_124 = arith.muli %mul3A_123, %scan3A_122 : i32
        %add3A_125 = arith.constant 0 : i32
        %add3A_126 = arith.addi %mul3A_124, %add3A_125 : i32
        %get3A = arith.index_cast %add3A_126 : i32 to index
        %get3A_127 = arith.constant 0 : index
        %get3A_128 = tpu.vector_load %arg15[%get3A, %get3A_127] {strides = array<i32>} : memref<128x16xf32, #tpu.memory_space<vmem>>, vector<1x16xf32>,
        %get3A_129 = vector.shape_cast %get3A_128 : vector<1x16xf32> to vector<16xf32>
        %get3A_130 = arith.index_cast %add3A_126 : i32 to index
        %get3A_131 = arith.constant 64 : index
        %get3A_132 = tpu.vector_load %arg14[%get3A_130, %get3A_131] {strides = array<i32>} : memref<128x80xf32, #tpu.memory_space<vmem>>, vector<1x16xf32>,
        %get3A_133 = vector.shape_cast %get3A_132 : vector<1x16xf32> to vector<16xf32>
        %add3A_134 = arith.addf %get3A_133, %get3A_129 : vector<16xf32>
        %mul3A_135 = arith.constant 2.000000e-01 : f32
        %mul3A_136 = vector.broadcast %mul3A_135 : f32 to vector<16xf32>
        %mul3A_137 = arith.mulf %mul3A_136, %add3A_134 : vector<16xf32>
        %max3A = arith.maximumf %add3A_134, %mul3A_137 : vector<16xf32>
        %exp3A = math.exp %max3A : vector<16xf32>
        %and3A = arith.constant 0 : i32
        %and3A_138 = vector.broadcast %and3A : i32 to vector<16xi32>
        %and3A_139 = arith.andi %iota3A, %and3A_138 : vector<16xi32>
        %broadcast_in_dim3A = vector.shape_cast %and3A_139 : vector<16xi32> to vector<16x1xi32>
        %gather3A = vector.shape_cast %broadcast_in_dim3A : vector<16x1xi32> to vector<16xi32>
        %gather3A_140 = tpu.dynamic_gather %exp3A[%gather3A] in [0] : vector<16xf32>, vector<16xi32> -> vector<16xf32>
        %get3A_141 = arith.index_cast %add3A_126 : i32 to index
        %get3A_142 = arith.constant 0 : index
        %get3A_143 = tpu.vector_load %arg14[%get3A_141, %get3A_142] {strides = array<i32>} : memref<128x80xf32, #tpu.memory_space<vmem>>, vector<1x16xf32>,
        %get3A_144 = vector.shape_cast %get3A_143 : vector<1x16xf32> to vector<16xf32>
        %mul3A_145 = arith.mulf %gather3A_140, %get3A_144 : vector<16xf32>
        %swap3A = arith.index_cast %add3A_126 : i32 to index
        %swap3A_146 = arith.constant 0 : index
        %swap3A_147 = tpu.vector_load %arg16[%swap3A, %swap3A_146] {strides = array<i32>} : memref<128x80xf32, #tpu.memory_space<vmem>>, vector<1x16xf32>,
        %swap3A_148 = vector.shape_cast %swap3A_147 : vector<1x16xf32> to vector<16xf32>
        %swap3A_149 = vector.shape_cast %mul3A_145 : vector<16xf32> to vector<1x16xf32>
        tpu.vector_store %arg16[%swap3A, %swap3A_146], %swap3A_149 {strides = array<i32>} : memref<128x80xf32, #tpu.memory_space<vmem>>, vector<1x16xf32>,
        %get3A_150 = arith.index_cast %add3A_126 : i32 to index
        %get3A_151 = arith.constant 16 : index
        %get3A_152 = tpu.vector_load %arg14[%get3A_150, %get3A_151] {strides = array<i32>} : memref<128x80xf32, #tpu.memory_space<vmem>>, vector<1x16xf32>,
        %get3A_153 = vector.shape_cast %get3A_152 : vector<1x16xf32> to vector<16xf32>
        %mul3A_154 = arith.mulf %gather3A_140, %get3A_153 : vector<16xf32>
        %swap3A_155 = arith.index_cast %add3A_126 : i32 to index
        %swap3A_156 = arith.constant 16 : index
        %swap3A_157 = tpu.vector_load %arg16[%swap3A_155, %swap3A_156] {strides = array<i32>} : memref<128x80xf32, #tpu.memory_space<vmem>>, vector<1x16xf32>,
        %swap3A_158 = vector.shape_cast %swap3A_157 : vector<1x16xf32> to vector<16xf32>
        %swap3A_159 = vector.shape_cast %mul3A_154 : vector<16xf32> to vector<1x16xf32>
        tpu.vector_store %arg16[%swap3A_155, %swap3A_156], %swap3A_159 {strides = array<i32>} : memref<128x80xf32, #tpu.memory_space<vmem>>, vector<1x16xf32>,
        %get3A_160 = arith.index_cast %add3A_126 : i32 to index
        %get3A_161 = arith.constant 32 : index
        %get3A_162 = tpu.vector_load %arg14[%get3A_160, %get3A_161] {strides = array<i32>} : memref<128x80xf32, #tpu.memory_space<vmem>>, vector<1x16xf32>,
        %get3A_163 = vector.shape_cast %get3A_162 : vector<1x16xf32> to vector<16xf32>
        %mul3A_164 = arith.mulf %gather3A_140, %get3A_163 : vector<16xf32>
        %swap3A_165 = arith.index_cast %add3A_126 : i32 to index
        %swap3A_166 = arith.constant 32 : index
        %swap3A_167 = tpu.vector_load %arg16[%swap3A_165, %swap3A_166] {strides = array<i32>} : memref<128x80xf32, #tpu.memory_space<vmem>>, vector<1x16xf32>,
        %swap3A_168 = vector.shape_cast %swap3A_167 : vector<1x16xf32> to vector<16xf32>
        %swap3A_169 = vector.shape_cast %mul3A_164 : vector<16xf32> to vector<1x16xf32>
        tpu.vector_store %arg16[%swap3A_165, %swap3A_166], %swap3A_169 {strides = array<i32>} : memref<128x80xf32, #tpu.memory_space<vmem>>, vector<1x16xf32>,
        %get3A_170 = arith.index_cast %add3A_126 : i32 to index
        %get3A_171 = arith.constant 48 : index
        %get3A_172 = tpu.vector_load %arg14[%get3A_170, %get3A_171] {strides = array<i32>} : memref<128x80xf32, #tpu.memory_space<vmem>>, vector<1x16xf32>,
        %get3A_173 = vector.shape_cast %get3A_172 : vector<1x16xf32> to vector<16xf32>
        %mul3A_174 = arith.mulf %gather3A_140, %get3A_173 : vector<16xf32>
        %swap3A_175 = arith.index_cast %add3A_126 : i32 to index
        %swap3A_176 = arith.constant 48 : index
        %swap3A_177 = tpu.vector_load %arg16[%swap3A_175, %swap3A_176] {strides = array<i32>} : memref<128x80xf32, #tpu.memory_space<vmem>>, vector<1x16xf32>,
        %swap3A_178 = vector.shape_cast %swap3A_177 : vector<1x16xf32> to vector<16xf32>
        %swap3A_179 = vector.shape_cast %mul3A_174 : vector<16xf32> to vector<1x16xf32>
        tpu.vector_store %arg16[%swap3A_175, %swap3A_176], %swap3A_179 {strides = array<i32>} : memref<128x80xf32, #tpu.memory_space<vmem>>, vector<1x16xf32>,
        %swap3A_180 = arith.index_cast %add3A_126 : i32 to index
        %swap3A_181 = arith.constant 64 : index
        %swap3A_182 = tpu.vector_load %arg16[%swap3A_180, %swap3A_181] {strides = array<i32>} : memref<128x80xf32, #tpu.memory_space<vmem>>, vector<1x16xf32>,
        %swap3A_183 = vector.shape_cast %swap3A_182 : vector<1x16xf32> to vector<16xf32>
        %swap3A_184 = vector.shape_cast %exp3A : vector<16xf32> to vector<1x16xf32>
        tpu.vector_store %arg16[%swap3A_180, %swap3A_181], %swap3A_184 {strides = array<i32>} : memref<128x80xf32, #tpu.memory_space<vmem>>, vector<1x16xf32>,
        %mul3A_185 = arith.constant 4 : i32
        %mul3A_186 = arith.muli %mul3A_185, %scan3A_122 : i32
        %add3A_187 = arith.constant 1 : i32
        %add3A_188 = arith.addi %mul3A_186, %add3A_187 : i32
        %get3A_189 = arith.index_cast %add3A_188 : i32 to index
        %get3A_190 = arith.constant 0 : index
        %get3A_191 = tpu.vector_load %arg15[%get3A_189, %get3A_190] {strides = array<i32>} : memref<128x16xf32, #tpu.memory_space<vmem>>, vector<1x16xf32>,
        %get3A_192 = vector.shape_cast %get3A_191 : vector<1x16xf32> to vector<16xf32>
        %get3A_193 = arith.index_cast %add3A_188 : i32 to index
        %get3A_194 = arith.constant 64 : index
        %get3A_195 = tpu.vector_load %arg14[%get3A_193, %get3A_194] {strides = array<i32>} : memref<128x80xf32, #tpu.memory_space<vmem>>, vector<1x16xf32>,
        %get3A_196 = vector.shape_cast %get3A_195 : vector<1x16xf32> to vector<16xf32>
        %add3A_197 = arith.addf %get3A_196, %get3A_192 : vector<16xf32>
        %mul3A_198 = arith.constant 2.000000e-01 : f32
        %mul3A_199 = vector.broadcast %mul3A_198 : f32 to vector<16xf32>
        %mul3A_200 = arith.mulf %mul3A_199, %add3A_197 : vector<16xf32>
        %max3A_201 = arith.maximumf %add3A_197, %mul3A_200 : vector<16xf32>
        %exp3A_202 = math.exp %max3A_201 : vector<16xf32>
        %and3A_203 = arith.constant 0 : i32
        %and3A_204 = vector.broadcast %and3A_203 : i32 to vector<16xi32>
        %and3A_205 = arith.andi %iota3A, %and3A_204 : vector<16xi32>
        %broadcast_in_dim3A_206 = vector.shape_cast %and3A_205 : vector<16xi32> to vector<16x1xi32>
        %gather3A_207 = vector.shape_cast %broadcast_in_dim3A_206 : vector<16x1xi32> to vector<16xi32>
        %gather3A_208 = tpu.dynamic_gather %exp3A_202[%gather3A_207] in [0] : vector<16xf32>, vector<16xi32> -> vector<16xf32>
        %get3A_209 = arith.index_cast %add3A_188 : i32 to index
        %get3A_210 = arith.constant 0 : index
        %get3A_211 = tpu.vector_load %arg14[%get3A_209, %get3A_210] {strides = array<i32>} : memref<128x80xf32, #tpu.memory_space<vmem>>, vector<1x16xf32>,
        %get3A_212 = vector.shape_cast %get3A_211 : vector<1x16xf32> to vector<16xf32>
        %mul3A_213 = arith.mulf %gather3A_208, %get3A_212 : vector<16xf32>
        %swap3A_214 = arith.index_cast %add3A_188 : i32 to index
        %swap3A_215 = arith.constant 0 : index
        %swap3A_216 = tpu.vector_load %arg16[%swap3A_214, %swap3A_215] {strides = array<i32>} : memref<128x80xf32, #tpu.memory_space<vmem>>, vector<1x16xf32>,
        %swap3A_217 = vector.shape_cast %swap3A_216 : vector<1x16xf32> to vector<16xf32>
        %swap3A_218 = vector.shape_cast %mul3A_213 : vector<16xf32> to vector<1x16xf32>
        tpu.vector_store %arg16[%swap3A_214, %swap3A_215], %swap3A_218 {strides = array<i32>} : memref<128x80xf32, #tpu.memory_space<vmem>>, vector<1x16xf32>,
        %get3A_219 = arith.index_cast %add3A_188 : i32 to index
        %get3A_220 = arith.constant 16 : index
        %get3A_221 = tpu.vector_load %arg14[%get3A_219, %get3A_220] {strides = array<i32>} : memref<128x80xf32, #tpu.memory_space<vmem>>, vector<1x16xf32>,
        %get3A_222 = vector.shape_cast %get3A_221 : vector<1x16xf32> to vector<16xf32>
        %mul3A_223 = arith.mulf %gather3A_208, %get3A_222 : vector<16xf32>
        %swap3A_224 = arith.index_cast %add3A_188 : i32 to index
        %swap3A_225 = arith.constant 16 : index
        %swap3A_226 = tpu.vector_load %arg16[%swap3A_224, %swap3A_225] {strides = array<i32>} : memref<128x80xf32, #tpu.memory_space<vmem>>, vector<1x16xf32>,
        %swap3A_227 = vector.shape_cast %swap3A_226 : vector<1x16xf32> to vector<16xf32>
        %swap3A_228 = vector.shape_cast %mul3A_223 : vector<16xf32> to vector<1x16xf32>
        tpu.vector_store %arg16[%swap3A_224, %swap3A_225], %swap3A_228 {strides = array<i32>} : memref<128x80xf32, #tpu.memory_space<vmem>>, vector<1x16xf32>,
        %get3A_229 = arith.index_cast %add3A_188 : i32 to index
        %get3A_230 = arith.constant 32 : index
        %get3A_231 = tpu.vector_load %arg14[%get3A_229, %get3A_230] {strides = array<i32>} : memref<128x80xf32, #tpu.memory_space<vmem>>, vector<1x16xf32>,
        %get3A_232 = vector.shape_cast %get3A_231 : vector<1x16xf32> to vector<16xf32>
        %mul3A_233 = arith.mulf %gather3A_208, %get3A_232 : vector<16xf32>
        %swap3A_234 = arith.index_cast %add3A_188 : i32 to index
        %swap3A_235 = arith.constant 32 : index
        %swap3A_236 = tpu.vector_load %arg16[%swap3A_234, %swap3A_235] {strides = array<i32>} : memref<128x80xf32, #tpu.memory_space<vmem>>, vector<1x16xf32>,
        %swap3A_237 = vector.shape_cast %swap3A_236 : vector<1x16xf32> to vector<16xf32>
        %swap3A_238 = vector.shape_cast %mul3A_233 : vector<16xf32> to vector<1x16xf32>
        tpu.vector_store %arg16[%swap3A_234, %swap3A_235], %swap3A_238 {strides = array<i32>} : memref<128x80xf32, #tpu.memory_space<vmem>>, vector<1x16xf32>,
        %get3A_239 = arith.index_cast %add3A_188 : i32 to index
        %get3A_240 = arith.constant 48 : index
        %get3A_241 = tpu.vector_load %arg14[%get3A_239, %get3A_240] {strides = array<i32>} : memref<128x80xf32, #tpu.memory_space<vmem>>, vector<1x16xf32>,
        %get3A_242 = vector.shape_cast %get3A_241 : vector<1x16xf32> to vector<16xf32>
        %mul3A_243 = arith.mulf %gather3A_208, %get3A_242 : vector<16xf32>
        %swap3A_244 = arith.index_cast %add3A_188 : i32 to index
        %swap3A_245 = arith.constant 48 : index
        %swap3A_246 = tpu.vector_load %arg16[%swap3A_244, %swap3A_245] {strides = array<i32>} : memref<128x80xf32, #tpu.memory_space<vmem>>, vector<1x16xf32>,
        %swap3A_247 = vector.shape_cast %swap3A_246 : vector<1x16xf32> to vector<16xf32>
        %swap3A_248 = vector.shape_cast %mul3A_243 : vector<16xf32> to vector<1x16xf32>
        tpu.vector_store %arg16[%swap3A_244, %swap3A_245], %swap3A_248 {strides = array<i32>} : memref<128x80xf32, #tpu.memory_space<vmem>>, vector<1x16xf32>,
        %swap3A_249 = arith.index_cast %add3A_188 : i32 to index
        %swap3A_250 = arith.constant 64 : index
        %swap3A_251 = tpu.vector_load %arg16[%swap3A_249, %swap3A_250] {strides = array<i32>} : memref<128x80xf32, #tpu.memory_space<vmem>>, vector<1x16xf32>,
        %swap3A_252 = vector.shape_cast %swap3A_251 : vector<1x16xf32> to vector<16xf32>
        %swap3A_253 = vector.shape_cast %exp3A_202 : vector<16xf32> to vector<1x16xf32>
        tpu.vector_store %arg16[%swap3A_249, %swap3A_250], %swap3A_253 {strides = array<i32>} : memref<128x80xf32, #tpu.memory_space<vmem>>, vector<1x16xf32>,
        %mul3A_254 = arith.constant 4 : i32
        %mul3A_255 = arith.muli %mul3A_254, %scan3A_122 : i32
        %add3A_256 = arith.constant 2 : i32
        %add3A_257 = arith.addi %mul3A_255, %add3A_256 : i32
        %get3A_258 = arith.index_cast %add3A_257 : i32 to index
        %get3A_259 = arith.constant 0 : index
        %get3A_260 = tpu.vector_load %arg15[%get3A_258, %get3A_259] {strides = array<i32>} : memref<128x16xf32, #tpu.memory_space<vmem>>, vector<1x16xf32>,
        %get3A_261 = vector.shape_cast %get3A_260 : vector<1x16xf32> to vector<16xf32>
        %get3A_262 = arith.index_cast %add3A_257 : i32 to index
        %get3A_263 = arith.constant 64 : index
        %get3A_264 = tpu.vector_load %arg14[%get3A_262, %get3A_263] {strides = array<i32>} : memref<128x80xf32, #tpu.memory_space<vmem>>, vector<1x16xf32>,
        %get3A_265 = vector.shape_cast %get3A_264 : vector<1x16xf32> to vector<16xf32>
        %add3A_266 = arith.addf %get3A_265, %get3A_261 : vector<16xf32>
        %mul3A_267 = arith.constant 2.000000e-01 : f32
        %mul3A_268 = vector.broadcast %mul3A_267 : f32 to vector<16xf32>
        %mul3A_269 = arith.mulf %mul3A_268, %add3A_266 : vector<16xf32>
        %max3A_270 = arith.maximumf %add3A_266, %mul3A_269 : vector<16xf32>
        %exp3A_271 = math.exp %max3A_270 : vector<16xf32>
        %and3A_272 = arith.constant 0 : i32
        %and3A_273 = vector.broadcast %and3A_272 : i32 to vector<16xi32>
        %and3A_274 = arith.andi %iota3A, %and3A_273 : vector<16xi32>
        %broadcast_in_dim3A_275 = vector.shape_cast %and3A_274 : vector<16xi32> to vector<16x1xi32>
        %gather3A_276 = vector.shape_cast %broadcast_in_dim3A_275 : vector<16x1xi32> to vector<16xi32>
        %gather3A_277 = tpu.dynamic_gather %exp3A_271[%gather3A_276] in [0] : vector<16xf32>, vector<16xi32> -> vector<16xf32>
        %get3A_278 = arith.index_cast %add3A_257 : i32 to index
        %get3A_279 = arith.constant 0 : index
        %get3A_280 = tpu.vector_load %arg14[%get3A_278, %get3A_279] {strides = array<i32>} : memref<128x80xf32, #tpu.memory_space<vmem>>, vector<1x16xf32>,
        %get3A_281 = vector.shape_cast %get3A_280 : vector<1x16xf32> to vector<16xf32>
        %mul3A_282 = arith.mulf %gather3A_277, %get3A_281 : vector<16xf32>
        %swap3A_283 = arith.index_cast %add3A_257 : i32 to index
        %swap3A_284 = arith.constant 0 : index
        %swap3A_285 = tpu.vector_load %arg16[%swap3A_283, %swap3A_284] {strides = array<i32>} : memref<128x80xf32, #tpu.memory_space<vmem>>, vector<1x16xf32>,
        %swap3A_286 = vector.shape_cast %swap3A_285 : vector<1x16xf32> to vector<16xf32>
        %swap3A_287 = vector.shape_cast %mul3A_282 : vector<16xf32> to vector<1x16xf32>
        tpu.vector_store %arg16[%swap3A_283, %swap3A_284], %swap3A_287 {strides = array<i32>} : memref<128x80xf32, #tpu.memory_space<vmem>>, vector<1x16xf32>,
        %get3A_288 = arith.index_cast %add3A_257 : i32 to index
        %get3A_289 = arith.constant 16 : index
        %get3A_290 = tpu.vector_load %arg14[%get3A_288, %get3A_289] {strides = array<i32>} : memref<128x80xf32, #tpu.memory_space<vmem>>, vector<1x16xf32>,
        %get3A_291 = vector.shape_cast %get3A_290 : vector<1x16xf32> to vector<16xf32>
        %mul3A_292 = arith.mulf %gather3A_277, %get3A_291 : vector<16xf32>
        %swap3A_293 = arith.index_cast %add3A_257 : i32 to index
        %swap3A_294 = arith.constant 16 : index
        %swap3A_295 = tpu.vector_load %arg16[%swap3A_293, %swap3A_294] {strides = array<i32>} : memref<128x80xf32, #tpu.memory_space<vmem>>, vector<1x16xf32>,
        %swap3A_296 = vector.shape_cast %swap3A_295 : vector<1x16xf32> to vector<16xf32>
        %swap3A_297 = vector.shape_cast %mul3A_292 : vector<16xf32> to vector<1x16xf32>
        tpu.vector_store %arg16[%swap3A_293, %swap3A_294], %swap3A_297 {strides = array<i32>} : memref<128x80xf32, #tpu.memory_space<vmem>>, vector<1x16xf32>,
        %get3A_298 = arith.index_cast %add3A_257 : i32 to index
        %get3A_299 = arith.constant 32 : index
        %get3A_300 = tpu.vector_load %arg14[%get3A_298, %get3A_299] {strides = array<i32>} : memref<128x80xf32, #tpu.memory_space<vmem>>, vector<1x16xf32>,
        %get3A_301 = vector.shape_cast %get3A_300 : vector<1x16xf32> to vector<16xf32>
        %mul3A_302 = arith.mulf %gather3A_277, %get3A_301 : vector<16xf32>
        %swap3A_303 = arith.index_cast %add3A_257 : i32 to index
        %swap3A_304 = arith.constant 32 : index
        %swap3A_305 = tpu.vector_load %arg16[%swap3A_303, %swap3A_304] {strides = array<i32>} : memref<128x80xf32, #tpu.memory_space<vmem>>, vector<1x16xf32>,
        %swap3A_306 = vector.shape_cast %swap3A_305 : vector<1x16xf32> to vector<16xf32>
        %swap3A_307 = vector.shape_cast %mul3A_302 : vector<16xf32> to vector<1x16xf32>
        tpu.vector_store %arg16[%swap3A_303, %swap3A_304], %swap3A_307 {strides = array<i32>} : memref<128x80xf32, #tpu.memory_space<vmem>>, vector<1x16xf32>,
        %get3A_308 = arith.index_cast %add3A_257 : i32 to index
        %get3A_309 = arith.constant 48 : index
        %get3A_310 = tpu.vector_load %arg14[%get3A_308, %get3A_309] {strides = array<i32>} : memref<128x80xf32, #tpu.memory_space<vmem>>, vector<1x16xf32>,
        %get3A_311 = vector.shape_cast %get3A_310 : vector<1x16xf32> to vector<16xf32>
        %mul3A_312 = arith.mulf %gather3A_277, %get3A_311 : vector<16xf32>
        %swap3A_313 = arith.index_cast %add3A_257 : i32 to index
        %swap3A_314 = arith.constant 48 : index
        %swap3A_315 = tpu.vector_load %arg16[%swap3A_313, %swap3A_314] {strides = array<i32>} : memref<128x80xf32, #tpu.memory_space<vmem>>, vector<1x16xf32>,
        %swap3A_316 = vector.shape_cast %swap3A_315 : vector<1x16xf32> to vector<16xf32>
        %swap3A_317 = vector.shape_cast %mul3A_312 : vector<16xf32> to vector<1x16xf32>
        tpu.vector_store %arg16[%swap3A_313, %swap3A_314], %swap3A_317 {strides = array<i32>} : memref<128x80xf32, #tpu.memory_space<vmem>>, vector<1x16xf32>,
        %swap3A_318 = arith.index_cast %add3A_257 : i32 to index
        %swap3A_319 = arith.constant 64 : index
        %swap3A_320 = tpu.vector_load %arg16[%swap3A_318, %swap3A_319] {strides = array<i32>} : memref<128x80xf32, #tpu.memory_space<vmem>>, vector<1x16xf32>,
        %swap3A_321 = vector.shape_cast %swap3A_320 : vector<1x16xf32> to vector<16xf32>
        %swap3A_322 = vector.shape_cast %exp3A_271 : vector<16xf32> to vector<1x16xf32>
        tpu.vector_store %arg16[%swap3A_318, %swap3A_319], %swap3A_322 {strides = array<i32>} : memref<128x80xf32, #tpu.memory_space<vmem>>, vector<1x16xf32>,
        %mul3A_323 = arith.constant 4 : i32
        %mul3A_324 = arith.muli %mul3A_323, %scan3A_122 : i32
        %add3A_325 = arith.constant 3 : i32
        %add3A_326 = arith.addi %mul3A_324, %add3A_325 : i32
        %get3A_327 = arith.index_cast %add3A_326 : i32 to index
        %get3A_328 = arith.constant 0 : index
        %get3A_329 = tpu.vector_load %arg15[%get3A_327, %get3A_328] {strides = array<i32>} : memref<128x16xf32, #tpu.memory_space<vmem>>, vector<1x16xf32>,
        %get3A_330 = vector.shape_cast %get3A_329 : vector<1x16xf32> to vector<16xf32>
        %get3A_331 = arith.index_cast %add3A_326 : i32 to index
        %get3A_332 = arith.constant 64 : index
        %get3A_333 = tpu.vector_load %arg14[%get3A_331, %get3A_332] {strides = array<i32>} : memref<128x80xf32, #tpu.memory_space<vmem>>, vector<1x16xf32>,
        %get3A_334 = vector.shape_cast %get3A_333 : vector<1x16xf32> to vector<16xf32>
        %add3A_335 = arith.addf %get3A_334, %get3A_330 : vector<16xf32>
        %mul3A_336 = arith.constant 2.000000e-01 : f32
        %mul3A_337 = vector.broadcast %mul3A_336 : f32 to vector<16xf32>
        %mul3A_338 = arith.mulf %mul3A_337, %add3A_335 : vector<16xf32>
        %max3A_339 = arith.maximumf %add3A_335, %mul3A_338 : vector<16xf32>
        %exp3A_340 = math.exp %max3A_339 : vector<16xf32>
        %and3A_341 = arith.constant 0 : i32
        %and3A_342 = vector.broadcast %and3A_341 : i32 to vector<16xi32>
        %and3A_343 = arith.andi %iota3A, %and3A_342 : vector<16xi32>
        %broadcast_in_dim3A_344 = vector.shape_cast %and3A_343 : vector<16xi32> to vector<16x1xi32>
        %gather3A_345 = vector.shape_cast %broadcast_in_dim3A_344 : vector<16x1xi32> to vector<16xi32>
        %gather3A_346 = tpu.dynamic_gather %exp3A_340[%gather3A_345] in [0] : vector<16xf32>, vector<16xi32> -> vector<16xf32>
        %get3A_347 = arith.index_cast %add3A_326 : i32 to index
        %get3A_348 = arith.constant 0 : index
        %get3A_349 = tpu.vector_load %arg14[%get3A_347, %get3A_348] {strides = array<i32>} : memref<128x80xf32, #tpu.memory_space<vmem>>, vector<1x16xf32>,
        %get3A_350 = vector.shape_cast %get3A_349 : vector<1x16xf32> to vector<16xf32>
        %mul3A_351 = arith.mulf %gather3A_346, %get3A_350 : vector<16xf32>
        %swap3A_352 = arith.index_cast %add3A_326 : i32 to index
        %swap3A_353 = arith.constant 0 : index
        %swap3A_354 = tpu.vector_load %arg16[%swap3A_352, %swap3A_353] {strides = array<i32>} : memref<128x80xf32, #tpu.memory_space<vmem>>, vector<1x16xf32>,
        %swap3A_355 = vector.shape_cast %swap3A_354 : vector<1x16xf32> to vector<16xf32>
        %swap3A_356 = vector.shape_cast %mul3A_351 : vector<16xf32> to vector<1x16xf32>
        tpu.vector_store %arg16[%swap3A_352, %swap3A_353], %swap3A_356 {strides = array<i32>} : memref<128x80xf32, #tpu.memory_space<vmem>>, vector<1x16xf32>,
        %get3A_357 = arith.index_cast %add3A_326 : i32 to index
        %get3A_358 = arith.constant 16 : index
        %get3A_359 = tpu.vector_load %arg14[%get3A_357, %get3A_358] {strides = array<i32>} : memref<128x80xf32, #tpu.memory_space<vmem>>, vector<1x16xf32>,
        %get3A_360 = vector.shape_cast %get3A_359 : vector<1x16xf32> to vector<16xf32>
        %mul3A_361 = arith.mulf %gather3A_346, %get3A_360 : vector<16xf32>
        %swap3A_362 = arith.index_cast %add3A_326 : i32 to index
        %swap3A_363 = arith.constant 16 : index
        %swap3A_364 = tpu.vector_load %arg16[%swap3A_362, %swap3A_363] {strides = array<i32>} : memref<128x80xf32, #tpu.memory_space<vmem>>, vector<1x16xf32>,
        %swap3A_365 = vector.shape_cast %swap3A_364 : vector<1x16xf32> to vector<16xf32>
        %swap3A_366 = vector.shape_cast %mul3A_361 : vector<16xf32> to vector<1x16xf32>
        tpu.vector_store %arg16[%swap3A_362, %swap3A_363], %swap3A_366 {strides = array<i32>} : memref<128x80xf32, #tpu.memory_space<vmem>>, vector<1x16xf32>,
        %get3A_367 = arith.index_cast %add3A_326 : i32 to index
        %get3A_368 = arith.constant 32 : index
        %get3A_369 = tpu.vector_load %arg14[%get3A_367, %get3A_368] {strides = array<i32>} : memref<128x80xf32, #tpu.memory_space<vmem>>, vector<1x16xf32>,
        %get3A_370 = vector.shape_cast %get3A_369 : vector<1x16xf32> to vector<16xf32>
        %mul3A_371 = arith.mulf %gather3A_346, %get3A_370 : vector<16xf32>
        %swap3A_372 = arith.index_cast %add3A_326 : i32 to index
        %swap3A_373 = arith.constant 32 : index
        %swap3A_374 = tpu.vector_load %arg16[%swap3A_372, %swap3A_373] {strides = array<i32>} : memref<128x80xf32, #tpu.memory_space<vmem>>, vector<1x16xf32>,
        %swap3A_375 = vector.shape_cast %swap3A_374 : vector<1x16xf32> to vector<16xf32>
        %swap3A_376 = vector.shape_cast %mul3A_371 : vector<16xf32> to vector<1x16xf32>
        tpu.vector_store %arg16[%swap3A_372, %swap3A_373], %swap3A_376 {strides = array<i32>} : memref<128x80xf32, #tpu.memory_space<vmem>>, vector<1x16xf32>,
        %get3A_377 = arith.index_cast %add3A_326 : i32 to index
        %get3A_378 = arith.constant 48 : index
        %get3A_379 = tpu.vector_load %arg14[%get3A_377, %get3A_378] {strides = array<i32>} : memref<128x80xf32, #tpu.memory_space<vmem>>, vector<1x16xf32>,
        %get3A_380 = vector.shape_cast %get3A_379 : vector<1x16xf32> to vector<16xf32>
        %mul3A_381 = arith.mulf %gather3A_346, %get3A_380 : vector<16xf32>
        %swap3A_382 = arith.index_cast %add3A_326 : i32 to index
        %swap3A_383 = arith.constant 48 : index
        %swap3A_384 = tpu.vector_load %arg16[%swap3A_382, %swap3A_383] {strides = array<i32>} : memref<128x80xf32, #tpu.memory_space<vmem>>, vector<1x16xf32>,
        %swap3A_385 = vector.shape_cast %swap3A_384 : vector<1x16xf32> to vector<16xf32>
        %swap3A_386 = vector.shape_cast %mul3A_381 : vector<16xf32> to vector<1x16xf32>
        tpu.vector_store %arg16[%swap3A_382, %swap3A_383], %swap3A_386 {strides = array<i32>} : memref<128x80xf32, #tpu.memory_space<vmem>>, vector<1x16xf32>,
        %swap3A_387 = arith.index_cast %add3A_326 : i32 to index
        %swap3A_388 = arith.constant 64 : index
        %swap3A_389 = tpu.vector_load %arg16[%swap3A_387, %swap3A_388] {strides = array<i32>} : memref<128x80xf32, #tpu.memory_space<vmem>>, vector<1x16xf32>,
        %swap3A_390 = vector.shape_cast %swap3A_389 : vector<1x16xf32> to vector<16xf32>
        %swap3A_391 = vector.shape_cast %exp3A_340 : vector<16xf32> to vector<1x16xf32>
        tpu.vector_store %arg16[%swap3A_387, %swap3A_388], %swap3A_391 {strides = array<i32>} : memref<128x80xf32, #tpu.memory_space<vmem>>, vector<1x16xf32>,
      }
      %scan3A_121 = arith.constant 32 : i32
      "tpu.region"() ({
        %run_scoped3A = tpu.sem_alloc : memref<!tpu.dma_semaphore, #tpu.memory_space<semaphore_mem>>
        %dma_start3A_122 = arith.constant 0 : i32
        %dma_start3A_123 = tpu.memref_slice %arg9[%add3A_103, %dma_start3A_122] : memref<81x128xi32, #tpu.memory_space<vmem>> -> memref<1x128xi32, #tpu.memory_space<vmem>>
        %dma_start3A_124 = tpu.memref_squeeze %dma_start3A_123 : memref<1x128xi32, #tpu.memory_space<vmem>> -> memref<128xi32, #tpu.memory_space<vmem>>
        %dma_start3A_125 = arith.constant 0 : i32
        %dma_start3A_126 = arith.constant 0 : i32
        %dma_start3A_127 = tpu.memref_slice %arg17[%dma_start3A_125, %dma_start3A_126] : memref<10048x80xf32, #tpu.memory_space<vmem_shared>> -> memref<10048x80xf32, #tpu.memory_space<vmem_shared>>
        tpu.enqueue_indirect_dma source(%arg16 : memref<128x80xf32, #tpu.memory_space<vmem>>) target(%dma_start3A_127 : memref<10048x80xf32, #tpu.memory_space<vmem_shared>>) offsets(%dma_start3A_124 : memref<128xi32, #tpu.memory_space<vmem>>) semaphore(%run_scoped3A : memref<!tpu.dma_semaphore, #tpu.memory_space<semaphore_mem>>) {add = true}
        %dma_wait3A_128 = arith.constant 0 : i32
        %dma_wait3A_129 = tpu.memref_slice %arg9[%add3A_103, %dma_wait3A_128] : memref<81x128xi32, #tpu.memory_space<vmem>> -> memref<1x128xi32, #tpu.memory_space<vmem>>
        %dma_wait3A_130 = tpu.memref_squeeze %dma_wait3A_129 : memref<1x128xi32, #tpu.memory_space<vmem>> -> memref<128xi32, #tpu.memory_space<vmem>>
        %dma_wait3A_131 = arith.constant 0 : i32
        %dma_wait3A_132 = arith.constant 0 : i32
        %dma_wait3A_133 = tpu.memref_slice %arg17[%dma_wait3A_131, %dma_wait3A_132] : memref<10048x80xf32, #tpu.memory_space<vmem_shared>> -> memref<10048x80xf32, #tpu.memory_space<vmem_shared>>
        tpu.wait_indirect_dma semaphore(%run_scoped3A : memref<!tpu.dma_semaphore, #tpu.memory_space<semaphore_mem>>) src(%arg16 : memref<128x80xf32, #tpu.memory_space<vmem>>) dst(%dma_wait3A_133 : memref<10048x80xf32, #tpu.memory_space<vmem_shared>>)
        tpu.yield
      }) : () -> ()
    }
    %scan3A_34 = arith.constant 27 : i32
    %barrier3A_35 = arith.constant 0 : index
    tpu.barrier barrier_id(%barrier3A_35)
    "tpu.region"() ({
      %run_scoped3A = tpu.sem_alloc : memref<!tpu.dma_semaphore, #tpu.memory_space<semaphore_mem>>
      %dma_start3A_36 = arith.constant 0 : i32
      %dma_start3A_37 = tpu.memref_slice %arg7[%arg0, %mul3A_2, %dma_start3A_36] : memref<2x10048x80xf32, #tpu.memory_space<hbm>> -> memref<1x628x80xf32, #tpu.memory_space<hbm>>
      %dma_start3A_38 = tpu.memref_squeeze %dma_start3A_37 : memref<1x628x80xf32, #tpu.memory_space<hbm>> -> memref<628x80xf32, #tpu.memory_space<hbm>>
      %dma_start3A_39 = arith.constant 0 : i32
      %dma_start3A_40 = tpu.memref_slice %arg17[%mul3A_2, %dma_start3A_39] : memref<10048x80xf32, #tpu.memory_space<vmem_shared>> -> memref<628x80xf32, #tpu.memory_space<vmem_shared>>
      tpu.enqueue_dma source(%dma_start3A_40 : memref<628x80xf32, #tpu.memory_space<vmem_shared>>) target(%dma_start3A_38 : memref<628x80xf32, #tpu.memory_space<hbm>>) target_semaphore(%run_scoped3A : memref<!tpu.dma_semaphore, #tpu.memory_space<semaphore_mem>>)
      %dma_wait3A = arith.constant 0 : i32
      %dma_wait3A_41 = tpu.memref_slice %arg7[%arg0, %mul3A_2, %dma_wait3A] : memref<2x10048x80xf32, #tpu.memory_space<hbm>> -> memref<1x628x80xf32, #tpu.memory_space<hbm>>
      %dma_wait3A_42 = tpu.memref_squeeze %dma_wait3A_41 : memref<1x628x80xf32, #tpu.memory_space<hbm>> -> memref<628x80xf32, #tpu.memory_space<hbm>>
      %dma_wait3A_43 = arith.constant 0 : i32
      %dma_wait3A_44 = tpu.memref_slice %arg17[%mul3A_2, %dma_wait3A_43] : memref<10048x80xf32, #tpu.memory_space<vmem_shared>> -> memref<628x80xf32, #tpu.memory_space<vmem_shared>>
      tpu.wait_dma2 semaphore(%run_scoped3A : memref<!tpu.dma_semaphore, #tpu.memory_space<semaphore_mem>>) src(%dma_wait3A_44 : memref<628x80xf32, #tpu.memory_space<vmem_shared>>) dst(%dma_wait3A_42 : memref<628x80xf32, #tpu.memory_space<hbm>>)
      tpu.yield
    }) : () -> ()
    return
  }
}

module attributes {stable_mosaic.version = 14 : i64} {
  func.func @_prep1(%arg0: memref<10048x128xf32, #tpu.memory_space<vmem>>, %arg1: memref<128x80xf32, #tpu.memory_space<vmem>>, %arg2: memref<128x16xf32, #tpu.memory_space<vmem>>, %arg3: memref<10048x80xf32, #tpu.memory_space<vmem>>, %arg4: memref<10048x16xf32, #tpu.memory_space<vmem>>) attributes {dimension_semantics = [], scalar_prefetch = 0 : i64, scratch_operands = 0 : i64, tpu.core_type = #tpu.core_type<tc>} {
    %get3A = arith.constant 0 : index
    %get3A_0 = arith.constant 0 : index
    %get3A_1 = vector.load %arg0[%get3A, %get3A_0] : memref<10048x128xf32, #tpu.memory_space<vmem>>, vector<10048x128xf32>
    %get3A_2 = arith.constant 0 : index
    %get3A_3 = arith.constant 0 : index
    %get3A_4 = vector.load %arg1[%get3A_2, %get3A_3] : memref<128x80xf32, #tpu.memory_space<vmem>>, vector<128x80xf32>
    %dot_general3A = arith.constant dense<0.000000e+00> : vector<10048x80xf32>
    %dot_general3A_5 = tpu.matmul %get3A_1, %get3A_4, %dot_general3A {dimension_numbers = #tpu.dot_dimension_numbers<[1], [0], [0], [1], [0, 0, 1, 1], [], []>, transpose_lhs_hint = false} : vector<10048x128xf32>, vector<128x80xf32>, vector<10048x80xf32> -> vector<10048x80xf32>
    %swap3A = arith.constant 0 : index
    %swap3A_6 = arith.constant 0 : index
    %swap3A_7 = vector.load %arg3[%swap3A, %swap3A_6] : memref<10048x80xf32, #tpu.memory_space<vmem>>, vector<10048x80xf32>
    tpu.vector_store %arg3[%swap3A, %swap3A_6], %dot_general3A_5 {strides = array<i32>} : memref<10048x80xf32, #tpu.memory_space<vmem>>, vector<10048x80xf32>,
    %get3A_8 = arith.constant 0 : index
    %get3A_9 = arith.constant 0 : index
    %get3A_10 = vector.load %arg2[%get3A_8, %get3A_9] : memref<128x16xf32, #tpu.memory_space<vmem>>, vector<128x16xf32>
    %dot_general3A_11 = arith.constant dense<0.000000e+00> : vector<10048x16xf32>
    %dot_general3A_12 = tpu.matmul %get3A_1, %get3A_10, %dot_general3A_11 {dimension_numbers = #tpu.dot_dimension_numbers<[1], [0], [0], [1], [0, 0, 1, 1], [], []>, transpose_lhs_hint = false} : vector<10048x128xf32>, vector<128x16xf32>, vector<10048x16xf32> -> vector<10048x16xf32>
    %swap3A_13 = arith.constant 0 : index
    %swap3A_14 = arith.constant 0 : index
    %swap3A_15 = vector.load %arg4[%swap3A_13, %swap3A_14] : memref<10048x16xf32, #tpu.memory_space<vmem>>, vector<10048x16xf32>
    tpu.vector_store %arg4[%swap3A_13, %swap3A_14], %dot_general3A_12 {strides = array<i32>} : memref<10048x16xf32, #tpu.memory_space<vmem>>, vector<10048x16xf32>,
    return
  }
}

module attributes {stable_mosaic.version = 14 : i64} {
  func.func @_prep2(%arg0: memref<2x10048x80xf32, #tpu.memory_space<vmem>>, %arg1: memref<1x64xf32, #tpu.memory_space<vmem>>, %arg2: memref<16x64xf32, #tpu.memory_space<vmem>>, %arg3: memref<64x80xf32, #tpu.memory_space<vmem>>, %arg4: memref<64x16xf32, #tpu.memory_space<vmem>>, %arg5: memref<10048x80xf32, #tpu.memory_space<vmem>>, %arg6: memref<10048x16xf32, #tpu.memory_space<vmem>>) attributes {dimension_semantics = [], scalar_prefetch = 0 : i64, scratch_operands = 0 : i64, tpu.core_type = #tpu.core_type<tc>} {
    %get3A = arith.constant 0 : index
    %get3A_0 = arith.constant 0 : index
    %get3A_1 = arith.constant 0 : index
    %get3A_2 = vector.load %arg0[%get3A, %get3A_0, %get3A_1] : memref<2x10048x80xf32, #tpu.memory_space<vmem>>, vector<1x10048x80xf32>
    %get3A_3 = vector.shape_cast %get3A_2 : vector<1x10048x80xf32> to vector<10048x80xf32>
    %get3A_4 = arith.constant 1 : index
    %get3A_5 = arith.constant 0 : index
    %get3A_6 = arith.constant 0 : index
    %get3A_7 = vector.load %arg0[%get3A_4, %get3A_5, %get3A_6] : memref<2x10048x80xf32, #tpu.memory_space<vmem>>, vector<1x10048x80xf32>
    %get3A_8 = vector.shape_cast %get3A_7 : vector<1x10048x80xf32> to vector<10048x80xf32>
    %add3A = arith.addf %get3A_3, %get3A_8 : vector<10048x80xf32>
    %slice3A = vector.extract_strided_slice %add3A {offsets = [0, 64], sizes = [10048, 16], strides = [1, 1]} : vector<10048x80xf32> to vector<10048x16xf32>
    %get3A_9 = arith.constant 0 : index
    %get3A_10 = arith.constant 0 : index
    %get3A_11 = vector.load %arg2[%get3A_9, %get3A_10] : memref<16x64xf32, #tpu.memory_space<vmem>>, vector<16x64xf32>
    %dot_general3A = arith.constant dense<0.000000e+00> : vector<10048x64xf32>
    %dot_general3A_12 = tpu.matmul %slice3A, %get3A_11, %dot_general3A {dimension_numbers = #tpu.dot_dimension_numbers<[1], [0], [0], [1], [0, 0, 1, 1], [], []>, transpose_lhs_hint = false} : vector<10048x16xf32>, vector<16x64xf32>, vector<10048x64xf32> -> vector<10048x64xf32>
    %slice3A_13 = vector.extract_strided_slice %add3A {offsets = [0, 0], sizes = [10048, 64], strides = [1, 1]} : vector<10048x80xf32> to vector<10048x64xf32>
    %add3A_14 = arith.constant 1.000000e-16 : f32
    %add3A_15 = vector.broadcast %add3A_14 : f32 to vector<10048x64xf32>
    %add3A_16 = arith.addf %dot_general3A_12, %add3A_15 : vector<10048x64xf32>
    %div3A = arith.divf %slice3A_13, %add3A_16 : vector<10048x64xf32>
    %get3A_17 = arith.constant 0 : index
    %get3A_18 = arith.constant 0 : index
    %get3A_19 = vector.load %arg1[%get3A_17, %get3A_18] : memref<1x64xf32, #tpu.memory_space<vmem>>, vector<1x64xf32>
    %add3A_20 = vector.broadcast %get3A_19 : vector<1x64xf32> to vector<10048x64xf32>
    %add3A_21 = arith.addf %div3A, %add3A_20 : vector<10048x64xf32>
    %max3A = arith.constant 0.000000e+00 : f32
    %max3A_22 = vector.broadcast %max3A : f32 to vector<10048x64xf32>
    %max3A_23 = arith.maximumf %add3A_21, %max3A_22 : vector<10048x64xf32>
    %get3A_24 = arith.constant 0 : index
    %get3A_25 = arith.constant 0 : index
    %get3A_26 = vector.load %arg3[%get3A_24, %get3A_25] : memref<64x80xf32, #tpu.memory_space<vmem>>, vector<64x80xf32>
    %dot_general3A_27 = arith.constant dense<0.000000e+00> : vector<10048x80xf32>
    %dot_general3A_28 = tpu.matmul %max3A_23, %get3A_26, %dot_general3A_27 {dimension_numbers = #tpu.dot_dimension_numbers<[1], [0], [0], [1], [0, 0, 1, 1], [], []>, transpose_lhs_hint = false} : vector<10048x64xf32>, vector<64x80xf32>, vector<10048x80xf32> -> vector<10048x80xf32>
    %swap3A = arith.constant 0 : index
    %swap3A_29 = arith.constant 0 : index
    %swap3A_30 = vector.load %arg5[%swap3A, %swap3A_29] : memref<10048x80xf32, #tpu.memory_space<vmem>>, vector<10048x80xf32>
    tpu.vector_store %arg5[%swap3A, %swap3A_29], %dot_general3A_28 {strides = array<i32>} : memref<10048x80xf32, #tpu.memory_space<vmem>>, vector<10048x80xf32>,
    %get3A_31 = arith.constant 0 : index
    %get3A_32 = arith.constant 0 : index
    %get3A_33 = vector.load %arg4[%get3A_31, %get3A_32] : memref<64x16xf32, #tpu.memory_space<vmem>>, vector<64x16xf32>
    %dot_general3A_34 = arith.constant dense<0.000000e+00> : vector<10048x16xf32>
    %dot_general3A_35 = tpu.matmul %max3A_23, %get3A_33, %dot_general3A_34 {dimension_numbers = #tpu.dot_dimension_numbers<[1], [0], [0], [1], [0, 0, 1, 1], [], []>, transpose_lhs_hint = false} : vector<10048x64xf32>, vector<64x16xf32>, vector<10048x16xf32> -> vector<10048x16xf32>
    %swap3A_36 = arith.constant 0 : index
    %swap3A_37 = arith.constant 0 : index
    %swap3A_38 = vector.load %arg6[%swap3A_36, %swap3A_37] : memref<10048x16xf32, #tpu.memory_space<vmem>>, vector<10048x16xf32>
    tpu.vector_store %arg6[%swap3A_36, %swap3A_37], %dot_general3A_35 {strides = array<i32>} : memref<10048x16xf32, #tpu.memory_space<vmem>>, vector<10048x16xf32>,
    return
  }
}

module attributes {stable_mosaic.version = 14 : i64} {
  func.func @_fin(%arg0: memref<2x10048x80xf32, #tpu.memory_space<vmem>>, %arg1: memref<1x128xf32, #tpu.memory_space<vmem>>, %arg2: memref<16x64xf32, #tpu.memory_space<vmem>>, %arg3: memref<64x128xf32, #tpu.memory_space<vmem>>, %arg4: memref<10048x128xf32, #tpu.memory_space<vmem>>) attributes {dimension_semantics = [], scalar_prefetch = 0 : i64, scratch_operands = 0 : i64, tpu.core_type = #tpu.core_type<tc>} {
    %get3A = arith.constant 0 : index
    %get3A_0 = arith.constant 0 : index
    %get3A_1 = arith.constant 0 : index
    %get3A_2 = vector.load %arg0[%get3A, %get3A_0, %get3A_1] : memref<2x10048x80xf32, #tpu.memory_space<vmem>>, vector<1x10048x80xf32>
    %get3A_3 = vector.shape_cast %get3A_2 : vector<1x10048x80xf32> to vector<10048x80xf32>
    %get3A_4 = arith.constant 1 : index
    %get3A_5 = arith.constant 0 : index
    %get3A_6 = arith.constant 0 : index
    %get3A_7 = vector.load %arg0[%get3A_4, %get3A_5, %get3A_6] : memref<2x10048x80xf32, #tpu.memory_space<vmem>>, vector<1x10048x80xf32>
    %get3A_8 = vector.shape_cast %get3A_7 : vector<1x10048x80xf32> to vector<10048x80xf32>
    %add3A = arith.addf %get3A_3, %get3A_8 : vector<10048x80xf32>
    %slice3A = vector.extract_strided_slice %add3A {offsets = [0, 64], sizes = [10048, 16], strides = [1, 1]} : vector<10048x80xf32> to vector<10048x16xf32>
    %get3A_9 = arith.constant 0 : index
    %get3A_10 = arith.constant 0 : index
    %get3A_11 = vector.load %arg2[%get3A_9, %get3A_10] : memref<16x64xf32, #tpu.memory_space<vmem>>, vector<16x64xf32>
    %dot_general3A = arith.constant dense<0.000000e+00> : vector<10048x64xf32>
    %dot_general3A_12 = tpu.matmul %slice3A, %get3A_11, %dot_general3A {dimension_numbers = #tpu.dot_dimension_numbers<[1], [0], [0], [1], [0, 0, 1, 1], [], []>, transpose_lhs_hint = false} : vector<10048x16xf32>, vector<16x64xf32>, vector<10048x64xf32> -> vector<10048x64xf32>
    %slice3A_13 = vector.extract_strided_slice %add3A {offsets = [0, 0], sizes = [10048, 64], strides = [1, 1]} : vector<10048x80xf32> to vector<10048x64xf32>
    %add3A_14 = arith.constant 1.000000e-16 : f32
    %add3A_15 = vector.broadcast %add3A_14 : f32 to vector<10048x64xf32>
    %add3A_16 = arith.addf %dot_general3A_12, %add3A_15 : vector<10048x64xf32>
    %div3A = arith.divf %slice3A_13, %add3A_16 : vector<10048x64xf32>
    %get3A_17 = arith.constant 0 : index
    %get3A_18 = arith.constant 0 : index
    %get3A_19 = vector.load %arg3[%get3A_17, %get3A_18] : memref<64x128xf32, #tpu.memory_space<vmem>>, vector<64x128xf32>
    %dot_general3A_20 = arith.constant dense<0.000000e+00> : vector<10048x128xf32>
    %dot_general3A_21 = tpu.matmul %div3A, %get3A_19, %dot_general3A_20 {dimension_numbers = #tpu.dot_dimension_numbers<[1], [0], [0], [1], [0, 0, 1, 1], [], []>, transpose_lhs_hint = false} : vector<10048x64xf32>, vector<64x128xf32>, vector<10048x128xf32> -> vector<10048x128xf32>
    %get3A_22 = arith.constant 0 : index
    %get3A_23 = arith.constant 0 : index
    %get3A_24 = vector.load %arg1[%get3A_22, %get3A_23] : memref<1x128xf32, #tpu.memory_space<vmem>>, vector<1x128xf32>
    %add3A_25 = vector.broadcast %get3A_24 : vector<1x128xf32> to vector<10048x128xf32>
    %add3A_26 = arith.addf %dot_general3A_21, %add3A_25 : vector<10048x128xf32>
    %swap3A = arith.constant 0 : index
    %swap3A_27 = arith.constant 0 : index
    %swap3A_28 = vector.load %arg4[%swap3A, %swap3A_27] : memref<10048x128xf32, #tpu.memory_space<vmem>>, vector<10048x128xf32>
    tpu.vector_store %arg4[%swap3A, %swap3A_27], %add3A_26 {strides = array<i32>} : memref<10048x128xf32, #tpu.memory_space<vmem>>, vector<10048x128xf32>,
    return
  }
}

</mosaic_0001>

<sc_bundles>
// kernel: kernel.10.cloned.1.call-start
scs
__scs_entry_jumppad:
0x0: {  	(pc) =	sbr.rel $0x88, $3  }
0x1: {  	(tag) =	ssettag $0x0;
	lr =	simm.s32 $0x1  }
0x2: {  	[smem:$0x3F97] =	sst lr;
	_ =	strace $0xD0000000  }
0x3: {  	_ = 	snop  }
0x4: {  	_ = 	snop  }
0x5: {  	_ = 	snop  }
0x6: {  	_ = 	snop  }
0x7: {  	_ = 	snop  }
__scs_overlays_trampoline_lowered:
0x8: {  	[smem:$0x3FA6] =	sst s0  }
0x9: {  	[smem:$0x3FA7] =	sst s1  }
0xa: {  	[smem:$0x3FA8] =	sst s2  }
0xb: {  	[smem:$0x3FA9] =	sst s3  }
0xc: {  	[smem:$0x3FAA] =	sst s4  }
0xd: {  	[smem:$0x3FAB] =	sst s5  }
0xe: {  	[smem:$0x3FAC] =	sst s6  }
0xf: {  	[smem:$0x3FAD] =	sst s7  }
0x10: {  	[smem:$0x3FAE] =	sst s8  }
0x11: {  	[smem:$0x3FAF] =	sst s9;
	s0 =	simm.s32 @!p0 $0x0  }
0x12: {  	s1 =	sld [smem:$0x3F95];
	s0 =	simm.s32 @p0 $0x1  }
0x13: {  	[smem:$0x3FB0] =	sst s0;
	s0 =	simm.s32 @!p1 $0x0  }
0x14: {  	s2 =	sld [smem:$0x3F94];
	s0 =	simm.s32 @p1 $0x1  }
0x15: {  	[smem:$0x3FB1] =	sst s0;
	s0 =	simm.s32 @!p2 $0x0  }
0x16: {  	s3 =	sld [smem:$0x3FDB];
	s0 =	simm.s32 @p2 $0x1  }
0x17: {  	s4 =	simm.s32 $0x1BF5;
	[smem:$0x3FB3] =	sst s0  }
0x18: {  	s0 =	sld [smem:$0x3F96];
	_ =	swait.ge [sflag:s4], $0x0  }
0x19: {  	s7 =	sld [smem:$0x3F97]  }
0x1a: {  	s8 =	sadd.s32 $0xFFFFE003, lr  }
0x1b: {  	s9 =	sadd.s32 $0xFFFFFEF7, lr;
	s5 =	simm.s32 $0xFFFFFFFF;
	p2 =	slt.u32 s8, $0xFFFFF086  }
0x1c: {  	p1 =	slt.u32 s9, $0xF7A;
	s5 =	simm.s32 @!p2 $0x0  }
0x1d: {  	s5 =	simm.s32 @p1 $0x1;
	p0 =	seq.s32 s7, s2  }
0x1e: {  	s7 =	smul.u32 @!p0 $0xF7A, s2;
	p2 =	seq.s32 @!p0 s5, $0x0  }
0x1f: {  	s9 =	smul.u32 $0xF7A, s1;
	s8 =	simm.s32 @!p0 $0x1BF5;
	p2 =	por !p2, p0  }
0x20: {  	[sflag:s8] =	ssyncset.s32 @!p0 $0xFFFFF086;
	s6 =	sadd.s32 @!p0 s3, s7;
	s7 =	simm.s32 @!p0 $0x108  }
0x21: {  	s3 =	sadd.s32 s3, s9;
	s6 =	sadd.s32 @!p0 $0x88, s6;
	s7 =	simm.s32 @p2 $0x1082  }
0x22: {  	[simem:s7], [sflag:s8] =	dma.local @!p0 [hbm:s6], $0xF7A  }
0x23: {  	s9 =	sor.u32 $0xD0000000, s2;
	s6 =	simm.s32 $0x108;
	_ =	swait.ge @!p0 [sflag:s8], $0x0  }
0x24: {  	s3 =	sadd.s32 $0x88, s3;
	s6 =	simm.s32 @!p1 $0x1082;
	[sflag:s4] =	ssyncset.s32 $0xFFFFF086  }
0x25: {  	[simem:s6], [sflag:s4] =	dma.local [hbm:s3], $0xF7A  }
0x26: {  	[smem:$0x3F97] =	sst s1;
	(tag) =	ssettag s2;
	_ =	strace s9  }
0x27: {  	s1 =	sld [smem:$0x3FA7]  }
0x28: {  	s2 =	sld [smem:$0x3FA8]  }
0x29: {  	s4 =	sld [smem:$0x3FAA]  }
0x2a: {  	p0 =	seq.s32 s5, $0x0;
	s5 =	sld [smem:$0x3FAB]  }
0x2b: {  	s6 =	sld [smem:$0x3FAC]  }
0x2c: {  	s7 =	sld [smem:$0x3FAD]  }
0x2d: {  	s3 =	simm.s32 $0x108;
	s8 =	sld [smem:$0x3FAE]  }
0x2e: {  	s3 =	simm.s32 @!p0 $0x1082;
	s9 =	sld [smem:$0x3FAF]  }
0x2f: {  	lr =	sadd.s32 s0, s3;
	s0 =	sld [smem:$0x3FA6]  }
0x30: {  	s3 =	sld [smem:$0x3FA9]  }
0x31: {  	[smem:$0x3FB2] =	sst s10  }
0x32: {  	s10 =	sld [smem:$0x3FB0];
	_ =	sdelay $0x3  }
0x33: {  	p0 =	seq.s32 s10, $0x1;
	s10 =	sld [smem:$0x3FB2];
	_ =	sdelay $0x3  }
0x34: {  	[smem:$0x3FB2] =	sst s10  }
0x35: {  	s10 =	sld [smem:$0x3FB1];
	_ =	sdelay $0x3  }
0x36: {  	p1 =	seq.s32 s10, $0x1;
	s10 =	sld [smem:$0x3FB2];
	_ =	sdelay $0x3  }
0x37: {  	[smem:$0x3FB2] =	sst s10  }
0x38: {  	s10 =	sld [smem:$0x3FB3]  }
0x39: {  	_ = 	snop;
	(pc) =	sbr.ind lr, $3  }
0x3a: {  	_ = 	snop  }
0x3b: {  	_ = 	snop  }
0x3c: {  	p2 =	seq.s32 s10, $0x1;
	s10 =	sld [smem:$0x3FB2]  }
0x3d: {  	_ =	shalt  }
0x3e: {  	_ =	shalt  }
0x3f: {  	_ =	shalt  }
0x40: {  	_ =	shalt  }
0x41: {  	_ =	shalt  }
0x42: {  	_ =	shalt  }
0x43: {  	_ =	shalt  }
0x44: {  	_ =	shalt  }
0x45: {  	_ =	shalt  }
0x46: {  	_ =	shalt  }
0x47: {  	_ =	shalt  }
0x48: {  	_ =	shalt  }
0x49: {  	_ =	shalt  }
0x4a: {  	_ =	shalt  }
0x4b: {  	_ =	shalt  }
0x4c: {  	_ =	shalt  }
0x4d: {  	_ =	shalt  }
0x4e: {  	_ =	shalt  }
0x4f: {  	_ =	shalt  }
0x50: {  	_ =	shalt  }
0x51: {  	_ =	shalt  }
0x52: {  	_ =	shalt  }
0x53: {  	_ =	shalt  }
0x54: {  	_ =	shalt  }
0x55: {  	_ =	shalt  }
0x56: {  	_ =	shalt  }
0x57: {  	_ =	shalt  }
0x58: {  	_ =	shalt  }
0x59: {  	_ =	shalt  }
0x5a: {  	_ =	shalt  }
0x5b: {  	_ =	shalt  }
0x5c: {  	_ =	shalt  }
0x5d: {  	_ =	shalt  }
0x5e: {  	_ =	shalt  }
0x5f: {  	_ =	shalt  }
0x60: {  	_ =	shalt  }
0x61: {  	_ =	shalt  }
0x62: {  	_ =	shalt  }
0x63: {  	_ =	shalt  }
0x64: {  	_ =	shalt  }
0x65: {  	_ =	shalt  }
0x66: {  	_ =	shalt  }
0x67: {  	_ =	shalt  }
0x68: {  	_ =	shalt  }
0x69: {  	_ =	shalt  }
0x6a: {  	_ =	shalt  }
0x6b: {  	_ =	shalt  }
0x6c: {  	_ =	shalt  }
0x6d: {  	_ =	shalt  }
0x6e: {  	_ =	shalt  }
0x6f: {  	_ =	shalt  }
0x70: {  	_ =	shalt  }
0x71: {  	_ =	shalt  }
0x72: {  	_ =	shalt  }
0x73: {  	_ =	shalt  }
0x74: {  	_ =	shalt  }
0x75: {  	_ =	shalt  }
0x76: {  	_ =	shalt  }
0x77: {  	_ =	shalt  }
0x78: {  	_ =	shalt  }
0x79: {  	_ =	shalt  }
0x7a: {  	_ =	shalt  }
0x7b: {  	_ =	shalt  }
0x7c: {  	_ =	shalt  }
0x7d: {  	_ =	shalt  }
0x7e: {  	_ =	shalt  }
0x7f: {  	_ =	shalt  }
0x80: {  	_ =	shalt  }
0x81: {  	_ =	shalt  }
0x82: {  	_ =	shalt  }
0x83: {  	_ =	shalt  }
0x84: {  	_ =	shalt  }
0x85: {  	_ =	shalt  }
0x86: {  	_ =	shalt  }
0x87: {  	_ =	shalt  }
.Lfunc_end0:
.L_simem_size_0:
called_computation.1_lowered:
.L_overlay_start_0:
0x88: {  	s2 =	sld [smem:$0x3FD9]  }
0x89: {  	s3 =	sld [smem:$0x3FFE];
	_ =	sdelay $0x1  }
0x8a: {  	s1 =	srdreg.scid  }
0x8b: {  	s0 =	sand.u32 $0x1, s1  }
0x8c: {  	s17 =	sshll.u32 s0, $0xA;
	s2 =	sadd.s32 s3, s2  }
0x8d: {  	s2 =	sadd.s32 s2, s17  }
0x8e: {  	[smem:$0x3FBE] =	sst s2  }
0x8f: {  	_ = 	snop  }
0x90: {  	s2 =	sld [smem:$0x3FD0];
	(tm) =	ssettm $0x1  }
0x91: {  	s18 =	sld [smem:$0x3FFB];
	_ =	sdelay $0x3  }
0x92: {  	_ =	strace s18  }
0x93: {  	s3 =	sld [smem:$0x3FFC];
	_ =	sdelay $0x3  }
0x94: {  	_ =	strace s3  }
0x95: {  	s3 =	sld [smem:$0x3FFD];
	_ =	sdelay $0x3  }
0x96: {  	_ =	strace s3  }
0x97: {  	_ =	strace $0x8FFFFFFF  }
0x98: {  	s19 =	sld [smem:$0x3FDB];
	_ =	sdelay $0x1  }
0x99: {  	s4 =	simm.s32 $_scs_section_size  }
0x9a: {  	s5 =	simm.s32 $_size__tile_overlayer_lowered;
	s6 =	simm.s32 $_tile_overlayer_lowered  }
0x9b: {  	s22 =	simm.s32 $0x1BFF;
	s21 =	sshll.u32 s6, $0x1;
	s3 =	sadd.s32 s4, s19  }
0x9c: {  	s7 =	simm.s32 $0x0;
	s20 =	sshll.u32 s5, $0x1;
	s5 =	sadd.s32 s21, s3  }
0x9d: {  	[timem:s7], [sflag:s22] =	dma.local [hbm:s5], s20  }
0x9e: {  	_ =	swait.ge [sflag:s22], s20  }
0x9f: {  	s4 =	ssub.s32 $0x0, s20;
	[sflag:s22] =	ssyncset.done $0x0  }
0xa0: {  	[sflag:s22] =	ssyncadd.s32 s4;
	_ =	sdelay $0x1  }
0xa1: {  	s23 =	simm.s32 $0x1B8B  }
0xa2: {  	_ =	swait.ge [sflag:s23], $0x1  }
0xa3: {  	[sflag:s23] =	ssyncset.done $0x0  }
0xa4: {  	s25 =	simm.s32 $0x1B8E;
	s24 =	sld [smem:$0x3FFE];
	[sflag:s23] =	ssyncadd.s32 $0xFFFFFFFF  }
0xa5: {  	s26 =	simm.s32 $execute0_lowered;
	[smem:$0x3FD2] =	sst s25  }
0xa6: {  	s5 =	sshll.u32 s26, $0x1;
	_ =	strace $0x80000049;
	[dreg:$0x1] =	wrdreg $0xFFFFFFFF  }
0xa7: {  	s28 =	simm.s32 $_size_execute0_lowered;
	s3 =	sadd.s32 s3, s5;
	[dreg:$0x0] =	wrdreg $0x0  }
0xa8: {  	s5 =	sshll.u32 s28, $0x1;
	[dreg:$0x2] =	wrdreg s3  }
0xa9: {  	[dreg:$0x3] =	wrdreg s5  }
0xaa: {  	[dreg:$0x4] =	wrdreg $0xC0  }
0xab: {  	_ =	task [dreg:s7], $0x5FFFF  }
0xac: {  	[dreg:$0x1] =	wrdreg $0xFFFFFFFF  }
0xad: {  	[dreg:$0x0] =	wrdreg $0x60  }
0xae: {  	[dreg:$0x2] =	wrdreg s2  }
0xaf: {  	[dreg:$0x3] =	wrdreg s24  }
0xb0: {  	[dreg:$0x4] =	wrdreg $0x109000  }
0xb1: {  	[dreg:$0x5] =	wrdreg $0x9  }
0xb2: {  	_ =	task.clear_ibuf [dreg:s7], $0x6FFFF;
	_ =	strace $0x90000049  }
0xb3: {  	s29 =	simm.s32 $0x9;
	_ =	strace $0x8000004B  }
0xb4: {  	_ =	swait.ge [sflag:s29], $0x1  }
0xb5: {  	[sflag:s29] =	ssyncadd.s32 $0xFFFFFFFF  }
0xb6: {  	_ =	strace $0x9000004B  }
0xb7: {  	_ =	sfence  }
0xb8: {  	s30 =	sld [smem:$0x0];
	_ =	sdelay $0x2  }
0xb9: {  	s31 =	sshll.u32 s1, $0xD;
	s1 =	sshrl.u32 s1, $0x2  }
0xba: {  	s3 =	sand.u32 $0x4000, s31;
	s1 =	sadd.s32 s1, s30  }
0xbb: {  	s0 =	sor.u32 s3, s0;
	s1 =	sshll.u32 s1, $0x11  }
0xbc: {  	s0 =	sor.u32 s1, s0  }
0xbd: {  	s0 =	sadd.s32 $0x8F2B, s0  }
0xbe: {  	[sflag:s0] =	ssyncadd.remote.s32 $0x1  }
0xbf: {  	_ =	sfence.sel $0xFFFF  }
0xc0: {  	[dreg:$0x0] =	wrdreg $0xFFFFFFFF;
	(pc) =	sbr.abs _section_cstart, $3  }
0xc1: {  	[dreg:$0x1] =	wrdreg $0xFFFFFFFF  }
0xc2: {  	_ =	task.clear_ibuf [dreg:s7], $0x2FFFF;
	_ =	strace $0x9FFFFFFF  }
0xc3: {  	(tm) =	ssettm $0x7FFFFFFF  }
tec
execute0_lowered:
.L_overlay_start_1:
0x0: {  	(tag) =	ssettag $0x1  }
0x1: {  	s1 =	rddreg [dreg:$0x0]  }
0x2: {  	s0 =	srdreg.scid;
	s6 =	rddreg [dreg:$0x1]  }
0x3: {  	s13 =	stileid.u32;
	s3 =	rddreg [dreg:$0x2];
	s4 =	simm.s32 $0x0  }
0x4: {  	s14 =	simm.s32 $0x2880;
	s15 =	simm.s32 $0x80;
	s19 =	simm.s32 $0x2900  }
0x5: {  	s20 =	simm.s32 $0xA900;
	s21 =	simm.s32 $0xB100;
	s22 =	simm.s32 $0xD900  }
0x6: {  	s23 =	simm.s32 $0x1;
	s24 =	simm.s32 $0xE100;
	s25 =	simm.s32 $0x2  }
0x7: {  	s26 =	simm.s32 $0x3;
	s28 =	simm.s32 $0x0;
	s0 =	sand.u32 $0x1, s0  }
0x8: {  	s2 =	sshll.u32 s13, $0x1;
	s7 =	smul.u32 $0xC440, s13;
	[smem:$0x7FF] =	sst s4  }
0x9: {  	s5 =	sadd.s32 $0x1400, s6;
	s31 =	sshll.u32 s13, $0x6;
	s13 =	simm.s32 $0x4  }
0xa: {  	s2 =	sor.u32 s0, s2;
	s8 =	smul.u32 $0xC4400, s0;
	_ =	strace $0x8000004A  }
0xb: {  	s0 =	ssub.s32 $0x2, s0;
	s2 =	smul.u32 $0x510, s2;
	s9 =	sshrl.u32 s7, $0x3  }
0xc: {  	s10 =	sshrl.u32 s0, $0x1;
	s12 =	sadd.s32 s7, s3;
	s8 =	sadd.s32 s7, s8  }
0xd: {  	s9 =	sadd.s32 s9, s6;
	s0 =	ssub.s32 s0, s10;
	s7 =	sor.u32 $0x1C04, s31  }
0xe: {  	s12 =	sshrl.u32 s12, $0x3;
	s2 =	sadd.s32 s2, s6;
	s8 =	sshrl.u32 s8, $0x3  }
0xf: {  	s11 =	sadd.s32 s8, s6;
	s6 =	sadd.s32 $0x1A800, s9;
	s8 =	sadd.s32 $0x10600, s2  }
0x10: {  	v0 =	vimm.s32 $0x0;
	s9 =	sadd.s32 $0x6400, s2;
	s10 =	sadd.s32 $0x33200, s11;
	s11 =	smax.u32 s0, $0x1  }
.LBB2_1:
0x11: {  	[spmem:s12], [sflag:s7] =	dma.local [hbm:s6], $0x1888  }
0x12: {  	_ =	swait.ge [sflag:s13], $0x1888  }
0x13: {  	[sflag:s13] =	ssyncset.done $0x0  }
0x14: {  	[sflag:s13] =	ssyncadd.s32 $0xFFFFE778  }
0x15: {  	[tilespmem:s4], [sflag:$0x4] =	stream.linear.gather [hbm4b:s8+s4], $0x2880, $0x38;
	[tilespmem:$0x1CD40] =	vst v63  }
0x16: {  	_ =	swait.ge [sflag:s13], $0x2880  }
0x17: {  	[sflag:s13] =	ssyncset.done $0x0  }
0x18: {  	[sflag:s13] =	ssyncadd.s32 $0xFFFFD780  }
0x19: {  	[tilespmem:s14], [sflag:$0x4] =	stream.linear.gather [hbm4b:s9+s4], $0x2880, $0x38;
	[tilespmem:$0x1CD40] =	vst v63  }
0x1a: {  	_ =	swait.ge [sflag:s13], $0x2880  }
0x1b: {  	[sflag:s13] =	ssyncset.done $0x0  }
0x1c: {  	[sflag:s13] =	ssyncadd.s32 $0xFFFFD780  }
0x1d: {  	s0 =	simm.s32 $0x5100;
	[bflag:$0x0] =	sbarrier.arrive $0xFFFF  }
0x1e: {  	[tilespmem:s0], [sflag:$0x1] =	stream.indirect.gather [hbm4b:s1+s15], $0x50, s4, s15, $0xb8;
	[tilespmem:$0x1CD40] =	vst v63  }
0x1f: {  	s30 =	simm.s32 $0x7900  }
0x20: {  	[tilespmem:s30], [sflag:$0x1] =	stream.indirect.gather [hbm4b:s5+s15], $0x10, s14, s15, $0xb8;
	[tilespmem:$0x1CD40] =	vst v63  }
0x21: {  	s31 =	simm.s32 $0x8100  }
0x22: {  	[tilespmem:s31], [sflag:$0x2] =	stream.indirect.gather [hbm4b:s1+s15], $0x50, s15, s15, $0xb8;
	[tilespmem:$0x1CD40] =	vst v63  }
0x23: {  	s29 =	simm.s32 $0x0  }
0x24: {  	[tilespmem:s20], [sflag:$0x2] =	stream.indirect.gather [hbm4b:s5+s15], $0x10, s19, s15, $0xb8;
	[tilespmem:$0x1CD40] =	vst v63  }
.LBB2_2:
0x25: {  	s0 =	smul.u32 $0x3, s29;
	_ =	sdelay $0x1  }
0x26: {  	s0 =	sadd.s32 $0x2, s0  }
0x27: {  	s30 =	sshll.u32 s0, $0x7  }
0x28: {  	[tilespmem:s21], [sflag:$0x3] =	stream.indirect.gather [hbm4b:s1+s15], $0x50, s30, s15, $0xb8;
	[tilespmem:$0x1CD40] =	vst v63  }
0x29: {  	s0 =	sadd.s32 $0x2880, s30  }
0x2a: {  	[tilespmem:s22], [sflag:$0x3] =	stream.indirect.gather [hbm4b:s5+s15], $0x10, s0, s15, $0xb8;
	[tilespmem:$0x1CD40] =	vst v63  }
0x2b: {  	_ =	swait.ge [sflag:s23], $0x2800  }
0x2c: {  	[sflag:s23] =	ssyncset.done $0x0  }
0x2d: {  	[sflag:s23] =	ssyncadd.s32 $0xFFFFD800  }
0x2e: {  	_ =	swait.ge [sflag:s23], $0x800  }
0x2f: {  	[sflag:s23] =	ssyncset.done $0x0  }
0x30: {  	s31 =	simm.s32 $0x0;
	[sflag:s23] =	ssyncadd.s32 $0xFFFFF800  }
0x31: {  	s0 =	simm.s32 $0x7920;
	v1 =	vld [tilespmem:s31+$0x5140]  }
0x32: {  	v2 =	vld [tilespmem:s0+$0xFFFFFFE0];
	_ =	sdelay $0x4  }
0x33: {  	v1 =	vadd.f32 v1, v2;
	_ =	sdelay $0x1  }
0x34: {  	v2 =	vmul.f32 $2.000000030e-01, v1;
	_ =	sdelay $0x1  }
0x35: {  	v1 =	vmax.f32 v1, v2  }
0x36: {  	v1 =	vmul.f32 $1.442695020e+00, v1;
	_ =	sdelay $0x1  }
0x37: {  	(erf) = vpow2.f32 v1;
	_ =	sdelay $0x6  }
0x38: {  	v1 =	vld [tilespmem:s31+$0x5110]  }
0x39: {  	v2 =	vld [tilespmem:s31+$0x5100]  }
0x3a: {  	v3 =	vld [tilespmem:s31+$0x5130];
	v4 =	vpop (erf)  }
0x3b: {  	v5 =	vld [tilespmem:s31+$0x5120];
	v6 =	vperm.xlane v4, v0;
	_ =	sdelay $0x1  }
0x3c: {  	v1 =	vmul.f32 v1, v6  }
0x3d: {  	[tilespmem:s31+$0xE140] =	vst v4;
	v2 =	vmul.f32 v2, v6  }
0x3e: {  	v3 =	vmul.f32 v3, v6;
	[tilespmem:s31+$0xE110] =	vst v1  }
0x3f: {  	v1 =	vmul.f32 v5, v6;
	[tilespmem:s31+$0xE100] =	vst v2  }
0x40: {  	[tilespmem:s31+$0xE130] =	vst v3  }
0x41: {  	[tilespmem:s31+$0xE120] =	vst v1;
	v1 =	vld [tilespmem:s31+$0x5190]  }
0x42: {  	v2 =	vld [tilespmem:s0+$0xFFFFFFF0];
	_ =	sdelay $0x4  }
0x43: {  	v1 =	vadd.f32 v1, v2;
	_ =	sdelay $0x1  }
0x44: {  	v2 =	vmul.f32 $2.000000030e-01, v1;
	_ =	sdelay $0x1  }
0x45: {  	v1 =	vmax.f32 v1, v2  }
0x46: {  	v1 =	vmul.f32 $1.442695020e+00, v1;
	_ =	sdelay $0x1  }
0x47: {  	(erf) = vpow2.f32 v1;
	_ =	sdelay $0x6  }
0x48: {  	v1 =	vld [tilespmem:s31+$0x5150]  }
0x49: {  	v2 =	vld [tilespmem:s31+$0x5180]  }
0x4a: {  	v3 =	vld [tilespmem:s31+$0x5160];
	v58 =	vpop (erf)  }
0x4b: {  	v59 =	vld [tilespmem:s31+$0x5170];
	v60 =	vperm.xlane v58, v0;
	_ =	sdelay $0x1  }
0x4c: {  	v1 =	vmul.f32 v1, v60  }
0x4d: {  	[tilespmem:s31+$0xE190] =	vst v58;
	v2 =	vmul.f32 v2, v60  }
0x4e: {  	v3 =	vmul.f32 v3, v60;
	[tilespmem:s31+$0xE150] =	vst v1  }
0x4f: {  	v1 =	vmul.f32 v59, v60;
	[tilespmem:s31+$0xE180] =	vst v2  }
0x50: {  	[tilespmem:s31+$0xE160] =	vst v3  }
0x51: {  	[tilespmem:s31+$0xE170] =	vst v1;
	v1 =	vld [tilespmem:s31+$0x51E0]  }
0x52: {  	v2 =	vld [tilespmem:s0+$0x0];
	_ =	sdelay $0x4  }
0x53: {  	v1 =	vadd.f32 v1, v2;
	_ =	sdelay $0x1  }
0x54: {  	v2 =	vmul.f32 $2.000000030e-01, v1;
	_ =	sdelay $0x1  }
0x55: {  	v1 =	vmax.f32 v1, v2  }
0x56: {  	v1 =	vmul.f32 $1.442695020e+00, v1;
	_ =	sdelay $0x1  }
0x57: {  	(erf) = vpow2.f32 v1;
	_ =	sdelay $0x6  }
0x58: {  	v1 =	vld [tilespmem:s31+$0x51A0]  }
0x59: {  	v2 =	vld [tilespmem:s31+$0x51C0]  }
0x5a: {  	v3 =	vld [tilespmem:s31+$0x51D0];
	v61 =	vpop (erf)  }
0x5b: {  	v62 =	vld [tilespmem:s31+$0x51B0];
	v63 =	vperm.xlane v61, v0;
	_ =	sdelay $0x1  }
0x5c: {  	v1 =	vmul.f32 v1, v63  }
0x5d: {  	[tilespmem:s31+$0xE1E0] =	vst v61;
	v2 =	vmul.f32 v2, v63  }
0x5e: {  	v3 =	vmul.f32 v3, v63;
	[tilespmem:s31+$0xE1A0] =	vst v1  }
0x5f: {  	v1 =	vmul.f32 v62, v63;
	[tilespmem:s31+$0xE1C0] =	vst v2  }
0x60: {  	[tilespmem:s31+$0xE1D0] =	vst v3  }
0x61: {  	[tilespmem:s31+$0xE1B0] =	vst v1;
	v1 =	vld [tilespmem:s31+$0x5230]  }
0x62: {  	v2 =	vld [tilespmem:s0+$0x10];
	_ =	sdelay $0x4  }
0x63: {  	v1 =	vadd.f32 v1, v2;
	_ =	sdelay $0x1  }
0x64: {  	v2 =	vmul.f32 $2.000000030e-01, v1;
	_ =	sdelay $0x1  }
0x65: {  	v1 =	vmax.f32 v1, v2  }
0x66: {  	v1 =	vmul.f32 $1.442695020e+00, v1;
	_ =	sdelay $0x1  }
0x67: {  	s2 =	simm.s32 $0x500;
	(erf) = vpow2.f32 v1  }
.LBB2_3:
0x68: {  	_ =	sdelay $0x1  }
0x69: {  	p0 =	sne.s32 s2, $0x9B00  }
0x6a: {  	s0 =	sadd.s32 $0x40, s0;
	s16 =	smov.u32 s2;
	s2 =	sadd.s32 $0x500, s2  }
0x6b: {  	v1 =	vld [tilespmem:s31+$0x5220]  }
0x6c: {  	v2 =	vld [tilespmem:s31+$0x5200]  }
0x6d: {  	v3 =	vld [tilespmem:s31+$0x51F0]  }
0x6e: {  	v4 =	vld [tilespmem:s31+$0x5210]  }
0x6f: {  	v5 =	vpop (erf)  }
0x70: {  	v6 =	vperm.xlane v5, v0;
	[tilespmem:s31+$0xE230] =	vst v5;
	_ =	sdelay $0x1  }
0x71: {  	v3 =	vmul.f32 v3, v6;
	v2 =	vmul.f32 v2, v6  }
0x72: {  	v4 =	vmul.f32 v4, v6;
	v1 =	vmul.f32 v1, v6  }
0x73: {  	[tilespmem:s31+$0xE1F0] =	vst v3  }
0x74: {  	[tilespmem:s31+$0xE200] =	vst v2  }
0x75: {  	s16 =	sshra.s32 s16, $0x2;
	[tilespmem:s31+$0xE220] =	vst v1  }
0x76: {  	v1 =	vld [tilespmem:s16+$0x5140];
	[tilespmem:s31+$0xE210] =	vst v4;
	s31 =	smov.u32 s16  }
0x77: {  	v2 =	vld [tilespmem:s0+$0xFFFFFFE0];
	_ =	sdelay $0x4  }
0x78: {  	v1 =	vadd.f32 v1, v2;
	_ =	sdelay $0x1  }
0x79: {  	v2 =	vmul.f32 $2.000000030e-01, v1;
	_ =	sdelay $0x1  }
0x7a: {  	v1 =	vmax.f32 v1, v2  }
0x7b: {  	v1 =	vmul.f32 $1.442695020e+00, v1;
	_ =	sdelay $0x1  }
0x7c: {  	(erf) = vpow2.f32 v1;
	_ =	sdelay $0x4  }
0x7d: {  	v1 =	vld [tilespmem:s31+$0x5130]  }
0x7e: {  	v2 =	vld [tilespmem:s31+$0x5110]  }
0x7f: {  	v3 =	vld [tilespmem:s31+$0x5100]  }
0x80: {  	v4 =	vld [tilespmem:s31+$0x5120]  }
0x81: {  	v5 =	vpop (erf)  }
0x82: {  	v6 =	vperm.xlane v5, v0;
	_ =	sdelay $0x1  }
0x83: {  	v3 =	vmul.f32 v3, v6;
	v2 =	vmul.f32 v2, v6  }
0x84: {  	v1 =	vmul.f32 v1, v6;
	v4 =	vmul.f32 v4, v6;
	[tilespmem:s31+$0xE140] =	vst v5  }
0x85: {  	[tilespmem:s31+$0xE110] =	vst v2  }
0x86: {  	[tilespmem:s31+$0xE100] =	vst v3  }
0x87: {  	[tilespmem:s31+$0xE130] =	vst v1  }
0x88: {  	[tilespmem:s31+$0xE120] =	vst v4;
	v1 =	vld [tilespmem:s31+$0x5190]  }
0x89: {  	v2 =	vld [tilespmem:s0+$0xFFFFFFF0];
	_ =	sdelay $0x4  }
0x8a: {  	v1 =	vadd.f32 v1, v2;
	_ =	sdelay $0x1  }
0x8b: {  	v2 =	vmul.f32 $2.000000030e-01, v1;
	_ =	sdelay $0x1  }
0x8c: {  	v1 =	vmax.f32 v1, v2  }
0x8d: {  	v1 =	vmul.f32 $1.442695020e+00, v1;
	_ =	sdelay $0x1  }
0x8e: {  	(erf) = vpow2.f32 v1;
	_ =	sdelay $0x4  }
0x8f: {  	v1 =	vld [tilespmem:s31+$0x5180]  }
0x90: {  	v2 =	vld [tilespmem:s31+$0x5160]  }
0x91: {  	v3 =	vld [tilespmem:s31+$0x5150]  }
0x92: {  	v4 =	vld [tilespmem:s31+$0x5170]  }
0x93: {  	v5 =	vpop (erf)  }
0x94: {  	v6 =	vperm.xlane v5, v0;
	[tilespmem:s31+$0xE190] =	vst v5;
	_ =	sdelay $0x1  }
0x95: {  	v3 =	vmul.f32 v3, v6;
	v2 =	vmul.f32 v2, v6  }
0x96: {  	v1 =	vmul.f32 v1, v6;
	v4 =	vmul.f32 v4, v6  }
0x97: {  	[tilespmem:s31+$0xE150] =	vst v3  }
0x98: {  	[tilespmem:s31+$0xE180] =	vst v1  }
0x99: {  	[tilespmem:s31+$0xE160] =	vst v2  }
0x9a: {  	[tilespmem:s31+$0xE170] =	vst v4;
	v1 =	vld [tilespmem:s31+$0x51E0]  }
0x9b: {  	v2 =	vld [tilespmem:s0+$0x0];
	_ =	sdelay $0x4  }
0x9c: {  	v1 =	vadd.f32 v1, v2;
	_ =	sdelay $0x1  }
0x9d: {  	v2 =	vmul.f32 $2.000000030e-01, v1;
	_ =	sdelay $0x1  }
0x9e: {  	v1 =	vmax.f32 v1, v2  }
0x9f: {  	v1 =	vmul.f32 $1.442695020e+00, v1;
	_ =	sdelay $0x1  }
0xa0: {  	(erf) = vpow2.f32 v1;
	_ =	sdelay $0x4  }
0xa1: {  	v1 =	vld [tilespmem:s31+$0x51D0]  }
0xa2: {  	v2 =	vld [tilespmem:s31+$0x51B0]  }
0xa3: {  	v3 =	vld [tilespmem:s31+$0x51A0]  }
0xa4: {  	v4 =	vld [tilespmem:s31+$0x51C0]  }
0xa5: {  	v5 =	vpop (erf)  }
0xa6: {  	v6 =	vperm.xlane v5, v0;
	[tilespmem:s31+$0xE1E0] =	vst v5;
	_ =	sdelay $0x1  }
0xa7: {  	v3 =	vmul.f32 v3, v6;
	v2 =	vmul.f32 v2, v6  }
0xa8: {  	v1 =	vmul.f32 v1, v6;
	v4 =	vmul.f32 v4, v6  }
0xa9: {  	[tilespmem:s31+$0xE1A0] =	vst v3  }
0xaa: {  	[tilespmem:s31+$0xE1C0] =	vst v4  }
0xab: {  	[tilespmem:s31+$0xE1D0] =	vst v1  }
0xac: {  	[tilespmem:s31+$0xE1B0] =	vst v2;
	v1 =	vld [tilespmem:s31+$0x5230]  }
0xad: {  	v2 =	vld [tilespmem:s0+$0x10];
	_ =	sdelay $0x4  }
0xae: {  	v1 =	vadd.f32 v1, v2;
	_ =	sdelay $0x1  }
0xaf: {  	v2 =	vmul.f32 $2.000000030e-01, v1  }
.Ltmp0:
0xb0: {  	(pc) =	sbr.rel @p0 .LBB2_3-.Ltmp0, $3  }
0xb1: {  	v1 =	vmax.f32 v1, v2  }
0xb2: {  	v1 =	vmul.f32 $1.442695020e+00, v1;
	_ =	sdelay $0x1  }
0xb3: {  	(erf) = vpow2.f32 v1  }
0xb4: {  	_ =	sdelay $0x5  }
0xb5: {  	v1 =	vld [tilespmem:s31+$0x51F0]  }
0xb6: {  	v2 =	vld [tilespmem:s31+$0x5200]  }
0xb7: {  	v3 =	vld [tilespmem:s31+$0x5220];
	v4 =	vpop (erf)  }
0xb8: {  	v5 =	vld [tilespmem:s31+$0x5210];
	v6 =	vperm.xlane v4, v0;
	_ =	sdelay $0x1  }
0xb9: {  	v1 =	vmul.f32 v1, v6  }
0xba: {  	[tilespmem:s31+$0xE230] =	vst v4;
	v2 =	vmul.f32 v2, v6  }
0xbb: {  	s0 =	smul.u32 $0x600, s29;
	v3 =	vmul.f32 v3, v6;
	[tilespmem:s31+$0xE1F0] =	vst v1  }
0xbc: {  	v1 =	vmul.f32 v5, v6;
	[tilespmem:s31+$0xE200] =	vst v2  }
0xbd: {  	s2 =	sshra.s32 s0, $0x2;
	[tilespmem:s31+$0xE220] =	vst v3  }
0xbe: {  	p0 =	seq.s32 s29, $0x1A;
	s0 =	sadd.s32 $0x2880, s2;
	[tilespmem:s31+$0xE210] =	vst v1  }
0xbf: {  	[spmem:s3] =	stream.indirect.scatter.add.f32 [tilespmem:s24], [sflag:$0x4], $0x50, s0, s15, $0xb8;
	[tilespmem:$0x1CD40] =	vst v63  }
0xc0: {  	s31 =	smul.u32 @!p0 $0x180, s29;
	_ =	swait.ge [sflag:s13], $0x2800  }
0xc1: {  	s16 =	simm.s32 @!p0 $0x80;
	[sflag:s13] =	ssyncset.done $0x0  }
0xc2: {  	s17 =	simm.s32 @!p0 $0x5100;
	s0 =	sadd.s32 @!p0 $0x180, s31;
	[sflag:s13] =	ssyncadd.s32 $0xFFFFD800  }
0xc3: {  	[tilespmem:s17], [sflag:$0x1] =	stream.indirect.gather @!p0 [hbm4b:s1+s16], $0x50, s0, s16, $0xb8;
	[tilespmem:$0x1CD40] =	vst v63  }
0xc4: {  	s0 =	sadd.s32 @!p0 $0x2A00, s31;
	s17 =	simm.s32 @!p0 $0x7900  }
0xc5: {  	[tilespmem:s17], [sflag:$0x1] =	stream.indirect.gather @!p0 [hbm4b:s5+s16], $0x10, s0, s16, $0xb8;
	[tilespmem:$0x1CD40] =	vst v63  }
0xc6: {  	_ =	swait.ge [sflag:s25], $0x2800  }
0xc7: {  	[sflag:s25] =	ssyncset.done $0x0  }
0xc8: {  	[sflag:s25] =	ssyncadd.s32 $0xFFFFD800  }
0xc9: {  	_ =	swait.ge [sflag:s25], $0x800  }
0xca: {  	[sflag:s25] =	ssyncset.done $0x0  }
0xcb: {  	s0 =	simm.s32 $0x0;
	[sflag:s25] =	ssyncadd.s32 $0xFFFFF800  }
0xcc: {  	s16 =	simm.s32 $0xA920;
	v1 =	vld [tilespmem:s0+$0x8140]  }
0xcd: {  	v2 =	vld [tilespmem:s16+$0xFFFFFFE0];
	_ =	sdelay $0x4  }
0xce: {  	v1 =	vadd.f32 v1, v2;
	_ =	sdelay $0x1  }
0xcf: {  	v2 =	vmul.f32 $2.000000030e-01, v1;
	_ =	sdelay $0x1  }
0xd0: {  	v1 =	vmax.f32 v1, v2  }
0xd1: {  	v1 =	vmul.f32 $1.442695020e+00, v1;
	_ =	sdelay $0x1  }
0xd2: {  	(erf) = vpow2.f32 v1;
	_ =	sdelay $0x6  }
0xd3: {  	v1 =	vld [tilespmem:s0+$0x8110]  }
0xd4: {  	v2 =	vld [tilespmem:s0+$0x8100]  }
0xd5: {  	v3 =	vld [tilespmem:s0+$0x8130];
	v55 =	vpop (erf)  }
0xd6: {  	v56 =	vld [tilespmem:s0+$0x8120];
	v57 =	vperm.xlane v55, v0;
	_ =	sdelay $0x1  }
0xd7: {  	v1 =	vmul.f32 v1, v57  }
0xd8: {  	[tilespmem:s0+$0xE140] =	vst v55;
	v2 =	vmul.f32 v2, v57  }
0xd9: {  	v3 =	vmul.f32 v3, v57;
	[tilespmem:s0+$0xE110] =	vst v1  }
0xda: {  	v1 =	vmul.f32 v56, v57;
	[tilespmem:s0+$0xE100] =	vst v2  }
0xdb: {  	[tilespmem:s0+$0xE130] =	vst v3  }
0xdc: {  	[tilespmem:s0+$0xE120] =	vst v1;
	v1 =	vld [tilespmem:s0+$0x8190]  }
0xdd: {  	v2 =	vld [tilespmem:s16+$0xFFFFFFF0];
	_ =	sdelay $0x4  }
0xde: {  	v1 =	vadd.f32 v1, v2;
	_ =	sdelay $0x1  }
0xdf: {  	v2 =	vmul.f32 $2.000000030e-01, v1;
	_ =	sdelay $0x1  }
0xe0: {  	v1 =	vmax.f32 v1, v2  }
0xe1: {  	v1 =	vmul.f32 $1.442695020e+00, v1;
	_ =	sdelay $0x1  }
0xe2: {  	(erf) = vpow2.f32 v1;
	_ =	sdelay $0x6  }
0xe3: {  	v1 =	vld [tilespmem:s0+$0x8150]  }
0xe4: {  	v2 =	vld [tilespmem:s0+$0x8180]  }
0xe5: {  	v3 =	vld [tilespmem:s0+$0x8160];
	v58 =	vpop (erf)  }
0xe6: {  	v59 =	vld [tilespmem:s0+$0x8170];
	v60 =	vperm.xlane v58, v0;
	_ =	sdelay $0x1  }
0xe7: {  	v1 =	vmul.f32 v1, v60  }
0xe8: {  	[tilespmem:s0+$0xE190] =	vst v58;
	v2 =	vmul.f32 v2, v60  }
0xe9: {  	v3 =	vmul.f32 v3, v60;
	[tilespmem:s0+$0xE150] =	vst v1  }
0xea: {  	v1 =	vmul.f32 v59, v60;
	[tilespmem:s0+$0xE180] =	vst v2  }
0xeb: {  	[tilespmem:s0+$0xE160] =	vst v3  }
0xec: {  	[tilespmem:s0+$0xE170] =	vst v1;
	v1 =	vld [tilespmem:s0+$0x81E0]  }
0xed: {  	v2 =	vld [tilespmem:s16+$0x0];
	_ =	sdelay $0x4  }
0xee: {  	v1 =	vadd.f32 v1, v2;
	_ =	sdelay $0x1  }
0xef: {  	v2 =	vmul.f32 $2.000000030e-01, v1;
	_ =	sdelay $0x1  }
0xf0: {  	v1 =	vmax.f32 v1, v2  }
0xf1: {  	v1 =	vmul.f32 $1.442695020e+00, v1;
	_ =	sdelay $0x1  }
0xf2: {  	(erf) = vpow2.f32 v1;
	_ =	sdelay $0x6  }
0xf3: {  	v1 =	vld [tilespmem:s0+$0x81A0]  }
0xf4: {  	v2 =	vld [tilespmem:s0+$0x81C0]  }
0xf5: {  	v3 =	vld [tilespmem:s0+$0x81D0];
	v61 =	vpop (erf)  }
0xf6: {  	v62 =	vld [tilespmem:s0+$0x81B0];
	v63 =	vperm.xlane v61, v0;
	_ =	sdelay $0x1  }
0xf7: {  	v1 =	vmul.f32 v1, v63  }
0xf8: {  	[tilespmem:s0+$0xE1E0] =	vst v61;
	v2 =	vmul.f32 v2, v63  }
0xf9: {  	v3 =	vmul.f32 v3, v63;
	[tilespmem:s0+$0xE1A0] =	vst v1  }
0xfa: {  	v1 =	vmul.f32 v62, v63;
	[tilespmem:s0+$0xE1C0] =	vst v2  }
0xfb: {  	[tilespmem:s0+$0xE1D0] =	vst v3  }
0xfc: {  	[tilespmem:s0+$0xE1B0] =	vst v1;
	v1 =	vld [tilespmem:s0+$0x8230]  }
0xfd: {  	v2 =	vld [tilespmem:s16+$0x10];
	_ =	sdelay $0x4  }
0xfe: {  	v1 =	vadd.f32 v1, v2;
	_ =	sdelay $0x1  }
0xff: {  	v2 =	vmul.f32 $2.000000030e-01, v1;
	_ =	sdelay $0x1  }
0x100: {  	v1 =	vmax.f32 v1, v2  }
0x101: {  	v1 =	vmul.f32 $1.442695020e+00, v1;
	_ =	sdelay $0x1  }
0x102: {  	s17 =	simm.s32 $0x500;
	(erf) = vpow2.f32 v1  }
.LBB2_5:
0x103: {  	_ =	sdelay $0x1  }
0x104: {  	p1 =	sne.s32 s17, $0x9B00  }
0x105: {  	s16 =	sadd.s32 $0x40, s16;
	s18 =	smov.u32 s17;
	s17 =	sadd.s32 $0x500, s17  }
0x106: {  	v1 =	vld [tilespmem:s0+$0x8220]  }
0x107: {  	v2 =	vld [tilespmem:s0+$0x8200]  }
0x108: {  	v3 =	vld [tilespmem:s0+$0x81F0]  }
0x109: {  	v4 =	vld [tilespmem:s0+$0x8210]  }
0x10a: {  	v5 =	vpop (erf)  }
0x10b: {  	v6 =	vperm.xlane v5, v0;
	[tilespmem:s0+$0xE230] =	vst v5;
	_ =	sdelay $0x1  }
0x10c: {  	v3 =	vmul.f32 v3, v6;
	v2 =	vmul.f32 v2, v6  }
0x10d: {  	v4 =	vmul.f32 v4, v6;
	v1 =	vmul.f32 v1, v6  }
0x10e: {  	[tilespmem:s0+$0xE1F0] =	vst v3  }
0x10f: {  	[tilespmem:s0+$0xE200] =	vst v2  }
0x110: {  	s18 =	sshra.s32 s18, $0x2;
	[tilespmem:s0+$0xE220] =	vst v1  }
0x111: {  	v1 =	vld [tilespmem:s18+$0x8140];
	[tilespmem:s0+$0xE210] =	vst v4;
	s0 =	smov.u32 s18  }
0x112: {  	v2 =	vld [tilespmem:s16+$0xFFFFFFE0];
	_ =	sdelay $0x4  }
0x113: {  	v1 =	vadd.f32 v1, v2;
	_ =	sdelay $0x1  }
0x114: {  	v2 =	vmul.f32 $2.000000030e-01, v1;
	_ =	sdelay $0x1  }
0x115: {  	v1 =	vmax.f32 v1, v2  }
0x116: {  	v1 =	vmul.f32 $1.442695020e+00, v1;
	_ =	sdelay $0x1  }
0x117: {  	(erf) = vpow2.f32 v1;
	_ =	sdelay $0x4  }
0x118: {  	v1 =	vld [tilespmem:s0+$0x8130]  }
0x119: {  	v2 =	vld [tilespmem:s0+$0x8110]  }
0x11a: {  	v3 =	vld [tilespmem:s0+$0x8100]  }
0x11b: {  	v4 =	vld [tilespmem:s0+$0x8120]  }
0x11c: {  	v5 =	vpop (erf)  }
0x11d: {  	v6 =	vperm.xlane v5, v0;
	_ =	sdelay $0x1  }
0x11e: {  	v3 =	vmul.f32 v3, v6;
	v2 =	vmul.f32 v2, v6  }
0x11f: {  	v1 =	vmul.f32 v1, v6;
	v4 =	vmul.f32 v4, v6;
	[tilespmem:s0+$0xE140] =	vst v5  }
0x120: {  	[tilespmem:s0+$0xE110] =	vst v2  }
0x121: {  	[tilespmem:s0+$0xE100] =	vst v3  }
0x122: {  	[tilespmem:s0+$0xE130] =	vst v1  }
0x123: {  	[tilespmem:s0+$0xE120] =	vst v4;
	v1 =	vld [tilespmem:s0+$0x8190]  }
0x124: {  	v2 =	vld [tilespmem:s16+$0xFFFFFFF0];
	_ =	sdelay $0x4  }
0x125: {  	v1 =	vadd.f32 v1, v2;
	_ =	sdelay $0x1  }
0x126: {  	v2 =	vmul.f32 $2.000000030e-01, v1;
	_ =	sdelay $0x1  }
0x127: {  	v1 =	vmax.f32 v1, v2  }
0x128: {  	v1 =	vmul.f32 $1.442695020e+00, v1;
	_ =	sdelay $0x1  }
0x129: {  	(erf) = vpow2.f32 v1;
	_ =	sdelay $0x4  }
0x12a: {  	v1 =	vld [tilespmem:s0+$0x8180]  }
0x12b: {  	v2 =	vld [tilespmem:s0+$0x8160]  }
0x12c: {  	v3 =	vld [tilespmem:s0+$0x8150]  }
0x12d: {  	v4 =	vld [tilespmem:s0+$0x8170]  }
0x12e: {  	v5 =	vpop (erf)  }
0x12f: {  	v6 =	vperm.xlane v5, v0;
	[tilespmem:s0+$0xE190] =	vst v5;
	_ =	sdelay $0x1  }
0x130: {  	v3 =	vmul.f32 v3, v6;
	v2 =	vmul.f32 v2, v6  }
0x131: {  	v1 =	vmul.f32 v1, v6;
	v4 =	vmul.f32 v4, v6  }
0x132: {  	[tilespmem:s0+$0xE150] =	vst v3  }
0x133: {  	[tilespmem:s0+$0xE180] =	vst v1  }
0x134: {  	[tilespmem:s0+$0xE160] =	vst v2  }
0x135: {  	[tilespmem:s0+$0xE170] =	vst v4;
	v1 =	vld [tilespmem:s0+$0x81E0]  }
0x136: {  	v2 =	vld [tilespmem:s16+$0x0];
	_ =	sdelay $0x4  }
0x137: {  	v1 =	vadd.f32 v1, v2;
	_ =	sdelay $0x1  }
0x138: {  	v2 =	vmul.f32 $2.000000030e-01, v1;
	_ =	sdelay $0x1  }
0x139: {  	v1 =	vmax.f32 v1, v2  }
0x13a: {  	v1 =	vmul.f32 $1.442695020e+00, v1;
	_ =	sdelay $0x1  }
0x13b: {  	(erf) = vpow2.f32 v1;
	_ =	sdelay $0x4  }
0x13c: {  	v1 =	vld [tilespmem:s0+$0x81D0]  }
0x13d: {  	v2 =	vld [tilespmem:s0+$0x81B0]  }
0x13e: {  	v3 =	vld [tilespmem:s0+$0x81A0]  }
0x13f: {  	v4 =	vld [tilespmem:s0+$0x81C0]  }
0x140: {  	v5 =	vpop (erf)  }
0x141: {  	v6 =	vperm.xlane v5, v0;
	[tilespmem:s0+$0xE1E0] =	vst v5;
	_ =	sdelay $0x1  }
0x142: {  	v3 =	vmul.f32 v3, v6;
	v2 =	vmul.f32 v2, v6  }
0x143: {  	v1 =	vmul.f32 v1, v6;
	v4 =	vmul.f32 v4, v6  }
0x144: {  	[tilespmem:s0+$0xE1A0] =	vst v3  }
0x145: {  	[tilespmem:s0+$0xE1C0] =	vst v4  }
0x146: {  	[tilespmem:s0+$0xE1D0] =	vst v1  }
0x147: {  	[tilespmem:s0+$0xE1B0] =	vst v2;
	v1 =	vld [tilespmem:s0+$0x8230]  }
0x148: {  	v2 =	vld [tilespmem:s16+$0x10];
	_ =	sdelay $0x4  }
0x149: {  	v1 =	vadd.f32 v1, v2;
	_ =	sdelay $0x1  }
0x14a: {  	v2 =	vmul.f32 $2.000000030e-01, v1  }
.Ltmp1:
0x14b: {  	(pc) =	sbr.rel @p1 .LBB2_5-.Ltmp1, $3  }
0x14c: {  	v1 =	vmax.f32 v1, v2  }
0x14d: {  	v1 =	vmul.f32 $1.442695020e+00, v1;
	_ =	sdelay $0x1  }
0x14e: {  	(erf) = vpow2.f32 v1  }
0x14f: {  	_ =	sdelay $0x5  }
0x150: {  	v1 =	vld [tilespmem:s0+$0x81F0]  }
0x151: {  	v2 =	vld [tilespmem:s0+$0x8200]  }
0x152: {  	v3 =	vld [tilespmem:s0+$0x8220];
	v4 =	vpop (erf)  }
0x153: {  	v5 =	vld [tilespmem:s0+$0x8210];
	v6 =	vperm.xlane v4, v0;
	_ =	sdelay $0x1  }
0x154: {  	v1 =	vmul.f32 v1, v6  }
0x155: {  	[tilespmem:s0+$0xE230] =	vst v4;
	v2 =	vmul.f32 v2, v6  }
0x156: {  	v3 =	vmul.f32 v3, v6;
	[tilespmem:s0+$0xE1F0] =	vst v1  }
0x157: {  	v1 =	vmul.f32 v5, v6;
	[tilespmem:s0+$0xE200] =	vst v2  }
0x158: {  	[tilespmem:s0+$0xE220] =	vst v3  }
0x159: {  	s18 =	sadd.s32 $0x2900, s2;
	[tilespmem:s0+$0xE210] =	vst v1  }
0x15a: {  	[spmem:s3] =	stream.indirect.scatter.add.f32 [tilespmem:s24], [sflag:$0x4], $0x50, s18, s15, $0xb8;
	[tilespmem:$0x1CD40] =	vst v63  }
0x15b: {  	_ =	swait.ge [sflag:s13], $0x2800  }
0x15c: {  	s2 =	simm.s32 @!p0 $0x80;
	[sflag:s13] =	ssyncset.done $0x0  }
0x15d: {  	s16 =	simm.s32 @!p0 $0x8100;
	s0 =	sadd.s32 @!p0 $0x200, s31;
	[sflag:s13] =	ssyncadd.s32 $0xFFFFD800  }
0x15e: {  	[tilespmem:s16], [sflag:$0x2] =	stream.indirect.gather @!p0 [hbm4b:s1+s2], $0x50, s0, s2, $0xb8;
	[tilespmem:$0x1CD40] =	vst v63  }
0x15f: {  	s0 =	sadd.s32 @!p0 $0x2A80, s31;
	s16 =	simm.s32 @!p0 $0xA900  }
0x160: {  	[tilespmem:s16], [sflag:$0x2] =	stream.indirect.gather @!p0 [hbm4b:s5+s2], $0x10, s0, s2, $0xb8;
	[tilespmem:$0x1CD40] =	vst v63  }
0x161: {  	_ =	swait.ge [sflag:s26], $0x2800  }
0x162: {  	[sflag:s26] =	ssyncset.done $0x0  }
0x163: {  	[sflag:s26] =	ssyncadd.s32 $0xFFFFD800  }
0x164: {  	_ =	swait.ge [sflag:s26], $0x800  }
0x165: {  	[sflag:s26] =	ssyncset.done $0x0  }
0x166: {  	s2 =	simm.s32 $0x0;
	[sflag:s26] =	ssyncadd.s32 $0xFFFFF800  }
0x167: {  	s0 =	simm.s32 $0xD920;
	v1 =	vld [tilespmem:s2+$0xB140]  }
0x168: {  	v2 =	vld [tilespmem:s0+$0xFFFFFFE0];
	_ =	sdelay $0x4  }
0x169: {  	v1 =	vadd.f32 v1, v2;
	_ =	sdelay $0x1  }
0x16a: {  	v2 =	vmul.f32 $2.000000030e-01, v1;
	_ =	sdelay $0x1  }
0x16b: {  	v1 =	vmax.f32 v1, v2  }
0x16c: {  	v1 =	vmul.f32 $1.442695020e+00, v1;
	_ =	sdelay $0x1  }
0x16d: {  	(erf) = vpow2.f32 v1;
	_ =	sdelay $0x6  }
0x16e: {  	v1 =	vld [tilespmem:s2+$0xB110]  }
0x16f: {  	v2 =	vld [tilespmem:s2+$0xB100]  }
0x170: {  	v3 =	vld [tilespmem:s2+$0xB130];
	v55 =	vpop (erf)  }
0x171: {  	v56 =	vld [tilespmem:s2+$0xB120];
	v57 =	vperm.xlane v55, v0;
	_ =	sdelay $0x1  }
0x172: {  	v1 =	vmul.f32 v1, v57  }
0x173: {  	[tilespmem:s2+$0xE140] =	vst v55;
	v2 =	vmul.f32 v2, v57  }
0x174: {  	v3 =	vmul.f32 v3, v57;
	[tilespmem:s2+$0xE110] =	vst v1  }
0x175: {  	v1 =	vmul.f32 v56, v57;
	[tilespmem:s2+$0xE100] =	vst v2  }
0x176: {  	[tilespmem:s2+$0xE130] =	vst v3  }
0x177: {  	[tilespmem:s2+$0xE120] =	vst v1;
	v1 =	vld [tilespmem:s2+$0xB190]  }
0x178: {  	v2 =	vld [tilespmem:s0+$0xFFFFFFF0];
	_ =	sdelay $0x4  }
0x179: {  	v1 =	vadd.f32 v1, v2;
	_ =	sdelay $0x1  }
0x17a: {  	v2 =	vmul.f32 $2.000000030e-01, v1;
	_ =	sdelay $0x1  }
0x17b: {  	v1 =	vmax.f32 v1, v2  }
0x17c: {  	v1 =	vmul.f32 $1.442695020e+00, v1;
	_ =	sdelay $0x1  }
0x17d: {  	(erf) = vpow2.f32 v1;
	_ =	sdelay $0x6  }
0x17e: {  	v1 =	vld [tilespmem:s2+$0xB150]  }
0x17f: {  	v2 =	vld [tilespmem:s2+$0xB180]  }
0x180: {  	v3 =	vld [tilespmem:s2+$0xB160];
	v58 =	vpop (erf)  }
0x181: {  	v59 =	vld [tilespmem:s2+$0xB170];
	v60 =	vperm.xlane v58, v0;
	_ =	sdelay $0x1  }
0x182: {  	v1 =	vmul.f32 v1, v60  }
0x183: {  	[tilespmem:s2+$0xE190] =	vst v58;
	v2 =	vmul.f32 v2, v60  }
0x184: {  	v3 =	vmul.f32 v3, v60;
	[tilespmem:s2+$0xE150] =	vst v1  }
0x185: {  	v1 =	vmul.f32 v59, v60;
	[tilespmem:s2+$0xE180] =	vst v2  }
0x186: {  	[tilespmem:s2+$0xE160] =	vst v3  }
0x187: {  	[tilespmem:s2+$0xE170] =	vst v1;
	v1 =	vld [tilespmem:s2+$0xB1E0]  }
0x188: {  	v2 =	vld [tilespmem:s0+$0x0];
	_ =	sdelay $0x4  }
0x189: {  	v1 =	vadd.f32 v1, v2;
	_ =	sdelay $0x1  }
0x18a: {  	v2 =	vmul.f32 $2.000000030e-01, v1;
	_ =	sdelay $0x1  }
0x18b: {  	v1 =	vmax.f32 v1, v2  }
0x18c: {  	v1 =	vmul.f32 $1.442695020e+00, v1;
	_ =	sdelay $0x1  }
0x18d: {  	(erf) = vpow2.f32 v1;
	_ =	sdelay $0x6  }
0x18e: {  	v1 =	vld [tilespmem:s2+$0xB1A0]  }
0x18f: {  	v2 =	vld [tilespmem:s2+$0xB1C0]  }
0x190: {  	v3 =	vld [tilespmem:s2+$0xB1D0];
	v61 =	vpop (erf)  }
0x191: {  	v62 =	vld [tilespmem:s2+$0xB1B0];
	v63 =	vperm.xlane v61, v0;
	_ =	sdelay $0x1  }
0x192: {  	v1 =	vmul.f32 v1, v63  }
0x193: {  	[tilespmem:s2+$0xE1E0] =	vst v61;
	v2 =	vmul.f32 v2, v63  }
0x194: {  	v3 =	vmul.f32 v3, v63;
	[tilespmem:s2+$0xE1A0] =	vst v1  }
0x195: {  	v1 =	vmul.f32 v62, v63;
	[tilespmem:s2+$0xE1C0] =	vst v2  }
0x196: {  	[tilespmem:s2+$0xE1D0] =	vst v3  }
0x197: {  	[tilespmem:s2+$0xE1B0] =	vst v1;
	v1 =	vld [tilespmem:s2+$0xB230]  }
0x198: {  	v2 =	vld [tilespmem:s0+$0x10];
	_ =	sdelay $0x4  }
0x199: {  	v1 =	vadd.f32 v1, v2;
	_ =	sdelay $0x1  }
0x19a: {  	v2 =	vmul.f32 $2.000000030e-01, v1;
	_ =	sdelay $0x1  }
0x19b: {  	v1 =	vmax.f32 v1, v2  }
0x19c: {  	v1 =	vmul.f32 $1.442695020e+00, v1;
	_ =	sdelay $0x1  }
0x19d: {  	s16 =	simm.s32 $0x500;
	(erf) = vpow2.f32 v1  }
.LBB2_7:
0x19e: {  	_ =	sdelay $0x1  }
0x19f: {  	p0 =	sne.s32 s16, $0x9B00  }
0x1a0: {  	s0 =	sadd.s32 $0x40, s0;
	s17 =	smov.u32 s16;
	s16 =	sadd.s32 $0x500, s16  }
0x1a1: {  	v1 =	vld [tilespmem:s2+$0xB220]  }
0x1a2: {  	v2 =	vld [tilespmem:s2+$0xB200]  }
0x1a3: {  	v3 =	vld [tilespmem:s2+$0xB1F0]  }
0x1a4: {  	v4 =	vld [tilespmem:s2+$0xB210]  }
0x1a5: {  	v5 =	vpop (erf)  }
0x1a6: {  	v6 =	vperm.xlane v5, v0;
	[tilespmem:s2+$0xE230] =	vst v5;
	_ =	sdelay $0x1  }
0x1a7: {  	v3 =	vmul.f32 v3, v6;
	v2 =	vmul.f32 v2, v6  }
0x1a8: {  	v4 =	vmul.f32 v4, v6;
	v1 =	vmul.f32 v1, v6  }
0x1a9: {  	[tilespmem:s2+$0xE1F0] =	vst v3  }
0x1aa: {  	[tilespmem:s2+$0xE200] =	vst v2  }
0x1ab: {  	s17 =	sshra.s32 s17, $0x2;
	[tilespmem:s2+$0xE220] =	vst v1  }
0x1ac: {  	v1 =	vld [tilespmem:s17+$0xB140];
	[tilespmem:s2+$0xE210] =	vst v4;
	s2 =	smov.u32 s17  }
0x1ad: {  	v2 =	vld [tilespmem:s0+$0xFFFFFFE0];
	_ =	sdelay $0x4  }
0x1ae: {  	v1 =	vadd.f32 v1, v2;
	_ =	sdelay $0x1  }
0x1af: {  	v2 =	vmul.f32 $2.000000030e-01, v1;
	_ =	sdelay $0x1  }
0x1b0: {  	v1 =	vmax.f32 v1, v2  }
0x1b1: {  	v1 =	vmul.f32 $1.442695020e+00, v1;
	_ =	sdelay $0x1  }
0x1b2: {  	(erf) = vpow2.f32 v1;
	_ =	sdelay $0x4  }
0x1b3: {  	v1 =	vld [tilespmem:s2+$0xB130]  }
0x1b4: {  	v2 =	vld [tilespmem:s2+$0xB110]  }
0x1b5: {  	v3 =	vld [tilespmem:s2+$0xB100]  }
0x1b6: {  	v4 =	vld [tilespmem:s2+$0xB120]  }
0x1b7: {  	v5 =	vpop (erf)  }
0x1b8: {  	v6 =	vperm.xlane v5, v0;
	_ =	sdelay $0x1  }
0x1b9: {  	v3 =	vmul.f32 v3, v6;
	v2 =	vmul.f32 v2, v6  }
0x1ba: {  	v1 =	vmul.f32 v1, v6;
	v4 =	vmul.f32 v4, v6;
	[tilespmem:s2+$0xE140] =	vst v5  }
0x1bb: {  	[tilespmem:s2+$0xE110] =	vst v2  }
0x1bc: {  	[tilespmem:s2+$0xE100] =	vst v3  }
0x1bd: {  	[tilespmem:s2+$0xE130] =	vst v1  }
0x1be: {  	[tilespmem:s2+$0xE120] =	vst v4;
	v1 =	vld [tilespmem:s2+$0xB190]  }
0x1bf: {  	v2 =	vld [tilespmem:s0+$0xFFFFFFF0];
	_ =	sdelay $0x4  }
0x1c0: {  	v1 =	vadd.f32 v1, v2;
	_ =	sdelay $0x1  }
0x1c1: {  	v2 =	vmul.f32 $2.000000030e-01, v1;
	_ =	sdelay $0x1  }
0x1c2: {  	v1 =	vmax.f32 v1, v2  }
0x1c3: {  	v1 =	vmul.f32 $1.442695020e+00, v1;
	_ =	sdelay $0x1  }
0x1c4: {  	(erf) = vpow2.f32 v1;
	_ =	sdelay $0x4  }
0x1c5: {  	v1 =	vld [tilespmem:s2+$0xB180]  }
0x1c6: {  	v2 =	vld [tilespmem:s2+$0xB160]  }
0x1c7: {  	v3 =	vld [tilespmem:s2+$0xB150]  }
0x1c8: {  	v4 =	vld [tilespmem:s2+$0xB170]  }
0x1c9: {  	v5 =	vpop (erf)  }
0x1ca: {  	v6 =	vperm.xlane v5, v0;
	[tilespmem:s2+$0xE190] =	vst v5;
	_ =	sdelay $0x1  }
0x1cb: {  	v3 =	vmul.f32 v3, v6;
	v2 =	vmul.f32 v2, v6  }
0x1cc: {  	v1 =	vmul.f32 v1, v6;
	v4 =	vmul.f32 v4, v6  }
0x1cd: {  	[tilespmem:s2+$0xE150] =	vst v3  }
0x1ce: {  	[tilespmem:s2+$0xE180] =	vst v1  }
0x1cf: {  	[tilespmem:s2+$0xE160] =	vst v2  }
0x1d0: {  	[tilespmem:s2+$0xE170] =	vst v4;
	v1 =	vld [tilespmem:s2+$0xB1E0]  }
0x1d1: {  	v2 =	vld [tilespmem:s0+$0x0];
	_ =	sdelay $0x4  }
0x1d2: {  	v1 =	vadd.f32 v1, v2;
	_ =	sdelay $0x1  }
0x1d3: {  	v2 =	vmul.f32 $2.000000030e-01, v1;
	_ =	sdelay $0x1  }
0x1d4: {  	v1 =	vmax.f32 v1, v2  }
0x1d5: {  	v1 =	vmul.f32 $1.442695020e+00, v1;
	_ =	sdelay $0x1  }
0x1d6: {  	(erf) = vpow2.f32 v1;
	_ =	sdelay $0x4  }
0x1d7: {  	v1 =	vld [tilespmem:s2+$0xB1D0]  }
0x1d8: {  	v2 =	vld [tilespmem:s2+$0xB1B0]  }
0x1d9: {  	v3 =	vld [tilespmem:s2+$0xB1A0]  }
0x1da: {  	v4 =	vld [tilespmem:s2+$0xB1C0]  }
0x1db: {  	v5 =	vpop (erf)  }
0x1dc: {  	v6 =	vperm.xlane v5, v0;
	[tilespmem:s2+$0xE1E0] =	vst v5;
	_ =	sdelay $0x1  }
0x1dd: {  	v3 =	vmul.f32 v3, v6;
	v2 =	vmul.f32 v2, v6  }
0x1de: {  	v1 =	vmul.f32 v1, v6;
	v4 =	vmul.f32 v4, v6  }
0x1df: {  	[tilespmem:s2+$0xE1A0] =	vst v3  }
0x1e0: {  	[tilespmem:s2+$0xE1C0] =	vst v4  }
0x1e1: {  	[tilespmem:s2+$0xE1D0] =	vst v1  }
0x1e2: {  	[tilespmem:s2+$0xE1B0] =	vst v2;
	v1 =	vld [tilespmem:s2+$0xB230]  }
0x1e3: {  	v2 =	vld [tilespmem:s0+$0x10];
	_ =	sdelay $0x4  }
0x1e4: {  	v1 =	vadd.f32 v1, v2;
	_ =	sdelay $0x1  }
0x1e5: {  	v2 =	vmul.f32 $2.000000030e-01, v1  }
.Ltmp2:
0x1e6: {  	(pc) =	sbr.rel @p0 .LBB2_7-.Ltmp2, $3  }
0x1e7: {  	v1 =	vmax.f32 v1, v2  }
0x1e8: {  	v1 =	vmul.f32 $1.442695020e+00, v1;
	_ =	sdelay $0x1  }
0x1e9: {  	(erf) = vpow2.f32 v1  }
0x1ea: {  	_ =	sdelay $0x5  }
0x1eb: {  	v1 =	vld [tilespmem:s2+$0xB1F0]  }
0x1ec: {  	v2 =	vld [tilespmem:s2+$0xB200]  }
0x1ed: {  	v3 =	vld [tilespmem:s2+$0xB220];
	v4 =	vpop (erf)  }
0x1ee: {  	v5 =	vld [tilespmem:s2+$0xB210];
	v6 =	vperm.xlane v4, v0;
	_ =	sdelay $0x1  }
0x1ef: {  	v1 =	vmul.f32 v1, v6  }
0x1f0: {  	[tilespmem:s2+$0xE230] =	vst v4;
	v2 =	vmul.f32 v2, v6  }
0x1f1: {  	v3 =	vmul.f32 v3, v6;
	[tilespmem:s2+$0xE1F0] =	vst v1  }
0x1f2: {  	s29 =	sadd.s32 $0x1, s29;
	v1 =	vmul.f32 v5, v6;
	[tilespmem:s2+$0xE200] =	vst v2  }
0x1f3: {  	s0 =	sand.u32 $0x3FFFFF80, s30;
	p0 =	sne.s32 s29, $0x1B;
	[tilespmem:s2+$0xE220] =	vst v3  }
.Ltmp3:
0x1f4: {  	s0 =	sadd.s32 $0x2880, s0;
	[tilespmem:s2+$0xE210] =	vst v1;
	(pc) =	sbr.rel @p0 .LBB2_2-.Ltmp3, $4  }
0x1f5: {  	[spmem:s3] =	stream.indirect.scatter.add.f32 [tilespmem:s24], [sflag:$0x4], $0x50, s0, s15, $0xb8;
	[tilespmem:$0x1CD40] =	vst v63  }
0x1f6: {  	_ =	swait.ge [sflag:s13], $0x2800  }
0x1f7: {  	[sflag:s13] =	ssyncset.done $0x0  }
0x1f8: {  	[sflag:s13] =	ssyncadd.s32 $0xFFFFD800  }
0x1f9: {  	s28 =	sadd.s32 $0x1, s28  }
0x1fa: {  	p0 =	sne.s32 s28, s11  }
.Ltmp4:
0x1fb: {  	[bflag:$0x0] =	sbarrier.arrive $0xFFFF;
	(pc) =	sbr.rel @p0 .LBB2_1-.Ltmp4, $4  }
0x1fc: {  	[hbm:s10], [sflag:s7] =	dma.local [spmem:s12], $0x1888  }
0x1fd: {  	_ =	swait.ge [sflag:s13], $0x1888  }
0x1fe: {  	[sflag:s13] =	ssyncset.done $0x0  }
0x1ff: {  	[sflag:s13] =	ssyncadd.s32 $0xFFFFE778  }
0x200: {  	_ =	sfence.sel $0x180000  }
0x201: {  	[bflag:$0x0] =	sbarrier.arrive $0xFFFF  }
0x202: {  	_ =	strace $0x9000004A  }
0x203: {  	s0 =	stileid.u32;
	[bflag:$0x2] =	sbarrier.arrive $0xFFFF  }
0x204: {  	p0 =	sne.s32 s0, $0x0;
	s0 =	rddreg [dreg:$0x3]  }
0x205: {  	s0 =	sadd.s32 @!p0 $0x100000, s0  }
0x206: {  	[sflag:s0] =	ssyncadd.tile.s32 @!p0 $0x1;
	_ =	shalt  }
.Lfunc_end2:
_tile_overlayer_lowered:
.L_overlay_start_2:
0x207: {  	(tag) =	ssettag $0x2  }
0x208: {  	s0 =	rddreg [dreg:$0x0];
	s2 =	stileid.u32  }
0x209: {  	s1 =	rddreg [dreg:$0x1];
	p0 =	sne.s32 s2, $0x0  }
0x20a: {  	s3 =	rddreg [dreg:$0x2];
	[bflag:$0x3] =	sbarrier.arrive $0xFFFF;
	s2 =	simm.s32 @!p0 $0x1C04  }
0x20b: {  	[timem:s3], [sflag:s2] =	dma.local @!p0 [hbm:s0], s1  }
0x20c: {  	s0 =	simm.s32 @!p0 $0x4  }
0x20d: {  	_ =	swait.ge @!p0 [sflag:s0], s1  }
0x20e: {  	s1 =	ssub.s32 @!p0 $0x0, s1;
	[sflag:s0] =	ssyncset.done @!p0 $0x0  }
0x20f: {  	[sflag:s0] =	ssyncadd.s32 @!p0 s1  }
0x210: {  	[bflag:$0x3] =	sbarrier.arrive $0xFFFF  }
0x211: {  	_ =	shalt  }

// kernel: kernel.7.cloned.1.call-start
scs
__scs_entry_jumppad:
0x0: {  	(pc) =	sbr.rel $0x88, $3  }
0x1: {  	(tag) =	ssettag $0x0;
	lr =	simm.s32 $0x1  }
0x2: {  	[smem:$0x3F97] =	sst lr;
	_ =	strace $0xD0000000  }
0x3: {  	_ = 	snop  }
0x4: {  	_ = 	snop  }
0x5: {  	_ = 	snop  }
0x6: {  	_ = 	snop  }
0x7: {  	_ = 	snop  }
__scs_overlays_trampoline_lowered:
0x8: {  	[smem:$0x3FA6] =	sst s0  }
0x9: {  	[smem:$0x3FA7] =	sst s1  }
0xa: {  	[smem:$0x3FA8] =	sst s2  }
0xb: {  	[smem:$0x3FA9] =	sst s3  }
0xc: {  	[smem:$0x3FAA] =	sst s4  }
0xd: {  	[smem:$0x3FAB] =	sst s5  }
0xe: {  	[smem:$0x3FAC] =	sst s6  }
0xf: {  	[smem:$0x3FAD] =	sst s7  }
0x10: {  	[smem:$0x3FAE] =	sst s8  }
0x11: {  	[smem:$0x3FAF] =	sst s9;
	s0 =	simm.s32 @!p0 $0x0  }
0x12: {  	s1 =	sld [smem:$0x3F95];
	s0 =	simm.s32 @p0 $0x1  }
0x13: {  	[smem:$0x3FB0] =	sst s0;
	s0 =	simm.s32 @!p1 $0x0  }
0x14: {  	s2 =	sld [smem:$0x3F94];
	s0 =	simm.s32 @p1 $0x1  }
0x15: {  	[smem:$0x3FB1] =	sst s0;
	s0 =	simm.s32 @!p2 $0x0  }
0x16: {  	s3 =	sld [smem:$0x3FDB];
	s0 =	simm.s32 @p2 $0x1  }
0x17: {  	s4 =	simm.s32 $0x1BF5;
	[smem:$0x3FB3] =	sst s0  }
0x18: {  	s0 =	sld [smem:$0x3F96];
	_ =	swait.ge [sflag:s4], $0x0  }
0x19: {  	s7 =	sld [smem:$0x3F97]  }
0x1a: {  	s8 =	sadd.s32 $0xFFFFE003, lr  }
0x1b: {  	s9 =	sadd.s32 $0xFFFFFEF7, lr;
	s5 =	simm.s32 $0xFFFFFFFF;
	p2 =	slt.u32 s8, $0xFFFFF086  }
0x1c: {  	p1 =	slt.u32 s9, $0xF7A;
	s5 =	simm.s32 @!p2 $0x0  }
0x1d: {  	s5 =	simm.s32 @p1 $0x1;
	p0 =	seq.s32 s7, s2  }
0x1e: {  	s7 =	smul.u32 @!p0 $0xF7A, s2;
	p2 =	seq.s32 @!p0 s5, $0x0  }
0x1f: {  	s9 =	smul.u32 $0xF7A, s1;
	s8 =	simm.s32 @!p0 $0x1BF5;
	p2 =	por !p2, p0  }
0x20: {  	[sflag:s8] =	ssyncset.s32 @!p0 $0xFFFFF086;
	s6 =	sadd.s32 @!p0 s3, s7;
	s7 =	simm.s32 @!p0 $0x108  }
0x21: {  	s3 =	sadd.s32 s3, s9;
	s6 =	sadd.s32 @!p0 $0x88, s6;
	s7 =	simm.s32 @p2 $0x1082  }
0x22: {  	[simem:s7], [sflag:s8] =	dma.local @!p0 [hbm:s6], $0xF7A  }
0x23: {  	s9 =	sor.u32 $0xD0000000, s2;
	s6 =	simm.s32 $0x108;
	_ =	swait.ge @!p0 [sflag:s8], $0x0  }
0x24: {  	s3 =	sadd.s32 $0x88, s3;
	s6 =	simm.s32 @!p1 $0x1082;
	[sflag:s4] =	ssyncset.s32 $0xFFFFF086  }
0x25: {  	[simem:s6], [sflag:s4] =	dma.local [hbm:s3], $0xF7A  }
0x26: {  	[smem:$0x3F97] =	sst s1;
	(tag) =	ssettag s2;
	_ =	strace s9  }
0x27: {  	s1 =	sld [smem:$0x3FA7]  }
0x28: {  	s2 =	sld [smem:$0x3FA8]  }
0x29: {  	s4 =	sld [smem:$0x3FAA]  }
0x2a: {  	p0 =	seq.s32 s5, $0x0;
	s5 =	sld [smem:$0x3FAB]  }
0x2b: {  	s6 =	sld [smem:$0x3FAC]  }
0x2c: {  	s7 =	sld [smem:$0x3FAD]  }
0x2d: {  	s3 =	simm.s32 $0x108;
	s8 =	sld [smem:$0x3FAE]  }
0x2e: {  	s3 =	simm.s32 @!p0 $0x1082;
	s9 =	sld [smem:$0x3FAF]  }
0x2f: {  	lr =	sadd.s32 s0, s3;
	s0 =	sld [smem:$0x3FA6]  }
0x30: {  	s3 =	sld [smem:$0x3FA9]  }
0x31: {  	[smem:$0x3FB2] =	sst s10  }
0x32: {  	s10 =	sld [smem:$0x3FB0];
	_ =	sdelay $0x3  }
0x33: {  	p0 =	seq.s32 s10, $0x1;
	s10 =	sld [smem:$0x3FB2];
	_ =	sdelay $0x3  }
0x34: {  	[smem:$0x3FB2] =	sst s10  }
0x35: {  	s10 =	sld [smem:$0x3FB1];
	_ =	sdelay $0x3  }
0x36: {  	p1 =	seq.s32 s10, $0x1;
	s10 =	sld [smem:$0x3FB2];
	_ =	sdelay $0x3  }
0x37: {  	[smem:$0x3FB2] =	sst s10  }
0x38: {  	s10 =	sld [smem:$0x3FB3]  }
0x39: {  	_ = 	snop;
	(pc) =	sbr.ind lr, $3  }
0x3a: {  	_ = 	snop  }
0x3b: {  	_ = 	snop  }
0x3c: {  	p2 =	seq.s32 s10, $0x1;
	s10 =	sld [smem:$0x3FB2]  }
0x3d: {  	_ =	shalt  }
0x3e: {  	_ =	shalt  }
0x3f: {  	_ =	shalt  }
0x40: {  	_ =	shalt  }
0x41: {  	_ =	shalt  }
0x42: {  	_ =	shalt  }
0x43: {  	_ =	shalt  }
0x44: {  	_ =	shalt  }
0x45: {  	_ =	shalt  }
0x46: {  	_ =	shalt  }
0x47: {  	_ =	shalt  }
0x48: {  	_ =	shalt  }
0x49: {  	_ =	shalt  }
0x4a: {  	_ =	shalt  }
0x4b: {  	_ =	shalt  }
0x4c: {  	_ =	shalt  }
0x4d: {  	_ =	shalt  }
0x4e: {  	_ =	shalt  }
0x4f: {  	_ =	shalt  }
0x50: {  	_ =	shalt  }
0x51: {  	_ =	shalt  }
0x52: {  	_ =	shalt  }
0x53: {  	_ =	shalt  }
0x54: {  	_ =	shalt  }
0x55: {  	_ =	shalt  }
0x56: {  	_ =	shalt  }
0x57: {  	_ =	shalt  }
0x58: {  	_ =	shalt  }
0x59: {  	_ =	shalt  }
0x5a: {  	_ =	shalt  }
0x5b: {  	_ =	shalt  }
0x5c: {  	_ =	shalt  }
0x5d: {  	_ =	shalt  }
0x5e: {  	_ =	shalt  }
0x5f: {  	_ =	shalt  }
0x60: {  	_ =	shalt  }
0x61: {  	_ =	shalt  }
0x62: {  	_ =	shalt  }
0x63: {  	_ =	shalt  }
0x64: {  	_ =	shalt  }
0x65: {  	_ =	shalt  }
0x66: {  	_ =	shalt  }
0x67: {  	_ =	shalt  }
0x68: {  	_ =	shalt  }
0x69: {  	_ =	shalt  }
0x6a: {  	_ =	shalt  }
0x6b: {  	_ =	shalt  }
0x6c: {  	_ =	shalt  }
0x6d: {  	_ =	shalt  }
0x6e: {  	_ =	shalt  }
0x6f: {  	_ =	shalt  }
0x70: {  	_ =	shalt  }
0x71: {  	_ =	shalt  }
0x72: {  	_ =	shalt  }
0x73: {  	_ =	shalt  }
0x74: {  	_ =	shalt  }
0x75: {  	_ =	shalt  }
0x76: {  	_ =	shalt  }
0x77: {  	_ =	shalt  }
0x78: {  	_ =	shalt  }
0x79: {  	_ =	shalt  }
0x7a: {  	_ =	shalt  }
0x7b: {  	_ =	shalt  }
0x7c: {  	_ =	shalt  }
0x7d: {  	_ =	shalt  }
0x7e: {  	_ =	shalt  }
0x7f: {  	_ =	shalt  }
0x80: {  	_ =	shalt  }
0x81: {  	_ =	shalt  }
0x82: {  	_ =	shalt  }
0x83: {  	_ =	shalt  }
0x84: {  	_ =	shalt  }
0x85: {  	_ =	shalt  }
0x86: {  	_ =	shalt  }
0x87: {  	_ =	shalt  }
.Lfunc_end0:
.L_simem_size_0:
called_computation_lowered:
.L_overlay_start_0:
0x88: {  	s2 =	sld [smem:$0x3FD9]  }
0x89: {  	s3 =	sld [smem:$0x3FFE];
	_ =	sdelay $0x1  }
0x8a: {  	s1 =	srdreg.scid  }
0x8b: {  	s0 =	sand.u32 $0x1, s1  }
0x8c: {  	s17 =	sshll.u32 s0, $0xA;
	s2 =	sadd.s32 s3, s2  }
0x8d: {  	s2 =	sadd.s32 s2, s17  }
0x8e: {  	[smem:$0x3FBE] =	sst s2  }
0x8f: {  	_ = 	snop  }
0x90: {  	s2 =	sld [smem:$0x3FD0];
	(tm) =	ssettm $0x1  }
0x91: {  	s18 =	sld [smem:$0x3FFB];
	_ =	sdelay $0x3  }
0x92: {  	_ =	strace s18  }
0x93: {  	s3 =	sld [smem:$0x3FFC];
	_ =	sdelay $0x3  }
0x94: {  	_ =	strace s3  }
0x95: {  	s3 =	sld [smem:$0x3FFD];
	_ =	sdelay $0x3  }
0x96: {  	_ =	strace s3  }
0x97: {  	_ =	strace $0x8FFFFFFF  }
0x98: {  	s19 =	sld [smem:$0x3FDB];
	_ =	sdelay $0x1  }
0x99: {  	s4 =	simm.s32 $_scs_section_size  }
0x9a: {  	s5 =	simm.s32 $_size__tile_overlayer_lowered;
	s6 =	simm.s32 $_tile_overlayer_lowered  }
0x9b: {  	s22 =	simm.s32 $0x1BFF;
	s21 =	sshll.u32 s6, $0x1;
	s3 =	sadd.s32 s4, s19  }
0x9c: {  	s7 =	simm.s32 $0x0;
	s20 =	sshll.u32 s5, $0x1;
	s5 =	sadd.s32 s21, s3  }
0x9d: {  	[timem:s7], [sflag:s22] =	dma.local [hbm:s5], s20  }
0x9e: {  	_ =	swait.ge [sflag:s22], s20  }
0x9f: {  	s4 =	ssub.s32 $0x0, s20;
	[sflag:s22] =	ssyncset.done $0x0  }
0xa0: {  	[sflag:s22] =	ssyncadd.s32 s4;
	_ =	sdelay $0x1  }
0xa1: {  	s23 =	simm.s32 $0x1B8B  }
0xa2: {  	_ =	swait.ge [sflag:s23], $0x1  }
0xa3: {  	[sflag:s23] =	ssyncset.done $0x0  }
0xa4: {  	s25 =	simm.s32 $0x1B8E;
	s24 =	sld [smem:$0x3FFE];
	[sflag:s23] =	ssyncadd.s32 $0xFFFFFFFF  }
0xa5: {  	s26 =	simm.s32 $execute0_lowered;
	[smem:$0x3FD2] =	sst s25  }
0xa6: {  	s5 =	sshll.u32 s26, $0x1;
	_ =	strace $0x80000046;
	[dreg:$0x1] =	wrdreg $0xFFFFFFFF  }
0xa7: {  	s28 =	simm.s32 $_size_execute0_lowered;
	s3 =	sadd.s32 s3, s5;
	[dreg:$0x0] =	wrdreg $0x0  }
0xa8: {  	s5 =	sshll.u32 s28, $0x1;
	[dreg:$0x2] =	wrdreg s3  }
0xa9: {  	[dreg:$0x3] =	wrdreg s5  }
0xaa: {  	[dreg:$0x4] =	wrdreg $0xC0  }
0xab: {  	_ =	task [dreg:s7], $0x5FFFF  }
0xac: {  	[dreg:$0x1] =	wrdreg $0xFFFFFFFF  }
0xad: {  	[dreg:$0x0] =	wrdreg $0x60  }
0xae: {  	[dreg:$0x2] =	wrdreg s2  }
0xaf: {  	[dreg:$0x3] =	wrdreg s24  }
0xb0: {  	[dreg:$0x4] =	wrdreg $0x109000  }
0xb1: {  	[dreg:$0x5] =	wrdreg $0x9  }
0xb2: {  	_ =	task.clear_ibuf [dreg:s7], $0x6FFFF;
	_ =	strace $0x90000046  }
0xb3: {  	s29 =	simm.s32 $0x9;
	_ =	strace $0x80000048  }
0xb4: {  	_ =	swait.ge [sflag:s29], $0x1  }
0xb5: {  	[sflag:s29] =	ssyncadd.s32 $0xFFFFFFFF  }
0xb6: {  	_ =	strace $0x90000048  }
0xb7: {  	_ =	sfence  }
0xb8: {  	s30 =	sld [smem:$0x0];
	_ =	sdelay $0x2  }
0xb9: {  	s31 =	sshll.u32 s1, $0xD;
	s1 =	sshrl.u32 s1, $0x2  }
0xba: {  	s3 =	sand.u32 $0x4000, s31;
	s1 =	sadd.s32 s1, s30  }
0xbb: {  	s0 =	sor.u32 s3, s0;
	s1 =	sshll.u32 s1, $0x11  }
0xbc: {  	s0 =	sor.u32 s1, s0  }
0xbd: {  	s0 =	sadd.s32 $0x8F2B, s0  }
0xbe: {  	[sflag:s0] =	ssyncadd.remote.s32 $0x1  }
0xbf: {  	_ =	sfence.sel $0xFFFF  }
0xc0: {  	[dreg:$0x0] =	wrdreg $0xFFFFFFFF;
	(pc) =	sbr.abs _section_cstart, $3  }
0xc1: {  	[dreg:$0x1] =	wrdreg $0xFFFFFFFF  }
0xc2: {  	_ =	task.clear_ibuf [dreg:s7], $0x2FFFF;
	_ =	strace $0x9FFFFFFF  }
0xc3: {  	(tm) =	ssettm $0x7FFFFFFF  }
tec
execute0_lowered:
.L_overlay_start_1:
0x0: {  	(tag) =	ssettag $0x1  }
0x1: {  	s1 =	rddreg [dreg:$0x0]  }
0x2: {  	s0 =	srdreg.scid;
	s6 =	rddreg [dreg:$0x1]  }
0x3: {  	s13 =	stileid.u32;
	s3 =	rddreg [dreg:$0x2];
	s4 =	simm.s32 $0x0  }
0x4: {  	s14 =	simm.s32 $0x2880;
	s15 =	simm.s32 $0x80;
	s19 =	simm.s32 $0x2900  }
0x5: {  	s20 =	simm.s32 $0xA900;
	s21 =	simm.s32 $0xB100;
	s22 =	simm.s32 $0xD900  }
0x6: {  	s23 =	simm.s32 $0x1;
	s24 =	simm.s32 $0xE100;
	s25 =	simm.s32 $0x2  }
0x7: {  	s26 =	simm.s32 $0x3;
	s28 =	simm.s32 $0x0;
	s0 =	sand.u32 $0x1, s0  }
0x8: {  	s2 =	sshll.u32 s13, $0x1;
	s7 =	smul.u32 $0xC440, s13;
	[smem:$0x7FF] =	sst s4  }
0x9: {  	s5 =	sadd.s32 $0x1400, s6;
	s31 =	sshll.u32 s13, $0x6;
	s13 =	simm.s32 $0x4  }
0xa: {  	s2 =	sor.u32 s0, s2;
	s8 =	smul.u32 $0xC4400, s0;
	_ =	strace $0x80000047  }
0xb: {  	s0 =	ssub.s32 $0x2, s0;
	s2 =	smul.u32 $0x510, s2;
	s9 =	sshrl.u32 s7, $0x3  }
0xc: {  	s10 =	sshrl.u32 s0, $0x1;
	s12 =	sadd.s32 s7, s3;
	s8 =	sadd.s32 s7, s8  }
0xd: {  	s9 =	sadd.s32 s9, s6;
	s0 =	ssub.s32 s0, s10;
	s7 =	sor.u32 $0x1C04, s31  }
0xe: {  	s12 =	sshrl.u32 s12, $0x3;
	s2 =	sadd.s32 s2, s6;
	s8 =	sshrl.u32 s8, $0x3  }
0xf: {  	v0 =	vlaneseq.u32;
	s11 =	sadd.s32 s8, s6;
	s6 =	sadd.s32 $0x1A800, s9;
	s8 =	sadd.s32 $0x10600, s2  }
0x10: {  	v0 =	vand.u32 $0x7, v0;
	s9 =	sadd.s32 $0x6400, s2;
	s10 =	sadd.s32 $0x33200, s11;
	s11 =	smax.u32 s0, $0x1  }
.LBB2_1:
0x11: {  	[spmem:s12], [sflag:s7] =	dma.local [hbm:s6], $0x1888  }
0x12: {  	_ =	swait.ge [sflag:s13], $0x1888  }
0x13: {  	[sflag:s13] =	ssyncset.done $0x0  }
0x14: {  	[sflag:s13] =	ssyncadd.s32 $0xFFFFE778  }
0x15: {  	[tilespmem:s4], [sflag:$0x4] =	stream.linear.gather [hbm4b:s8+s4], $0x2880, $0x38;
	[tilespmem:$0x1CD40] =	vst v63  }
0x16: {  	_ =	swait.ge [sflag:s13], $0x2880  }
0x17: {  	[sflag:s13] =	ssyncset.done $0x0  }
0x18: {  	[sflag:s13] =	ssyncadd.s32 $0xFFFFD780  }
0x19: {  	[tilespmem:s14], [sflag:$0x4] =	stream.linear.gather [hbm4b:s9+s4], $0x2880, $0x38;
	[tilespmem:$0x1CD40] =	vst v63  }
0x1a: {  	_ =	swait.ge [sflag:s13], $0x2880  }
0x1b: {  	[sflag:s13] =	ssyncset.done $0x0  }
0x1c: {  	[sflag:s13] =	ssyncadd.s32 $0xFFFFD780  }
0x1d: {  	s0 =	simm.s32 $0x5100;
	[bflag:$0x0] =	sbarrier.arrive $0xFFFF  }
0x1e: {  	[tilespmem:s0], [sflag:$0x1] =	stream.indirect.gather [hbm4b:s1+s15], $0x50, s4, s15, $0xb8;
	[tilespmem:$0x1CD40] =	vst v63  }
0x1f: {  	s30 =	simm.s32 $0x7900  }
0x20: {  	[tilespmem:s30], [sflag:$0x1] =	stream.indirect.gather [hbm4b:s5+s15], $0x10, s14, s15, $0xb8;
	[tilespmem:$0x1CD40] =	vst v63  }
0x21: {  	s31 =	simm.s32 $0x8100  }
0x22: {  	[tilespmem:s31], [sflag:$0x2] =	stream.indirect.gather [hbm4b:s1+s15], $0x50, s15, s15, $0xb8;
	[tilespmem:$0x1CD40] =	vst v63  }
0x23: {  	s29 =	simm.s32 $0x0  }
0x24: {  	[tilespmem:s20], [sflag:$0x2] =	stream.indirect.gather [hbm4b:s5+s15], $0x10, s19, s15, $0xb8;
	[tilespmem:$0x1CD40] =	vst v63  }
.LBB2_2:
0x25: {  	s0 =	smul.u32 $0x3, s29;
	_ =	sdelay $0x1  }
0x26: {  	s0 =	sadd.s32 $0x2, s0  }
0x27: {  	s30 =	sshll.u32 s0, $0x7  }
0x28: {  	[tilespmem:s21], [sflag:$0x3] =	stream.indirect.gather [hbm4b:s1+s15], $0x50, s30, s15, $0xb8;
	[tilespmem:$0x1CD40] =	vst v63  }
0x29: {  	s0 =	sadd.s32 $0x2880, s30  }
0x2a: {  	[tilespmem:s22], [sflag:$0x3] =	stream.indirect.gather [hbm4b:s5+s15], $0x10, s0, s15, $0xb8;
	[tilespmem:$0x1CD40] =	vst v63  }
0x2b: {  	_ =	swait.ge [sflag:s23], $0x2800  }
0x2c: {  	[sflag:s23] =	ssyncset.done $0x0  }
0x2d: {  	[sflag:s23] =	ssyncadd.s32 $0xFFFFD800  }
0x2e: {  	_ =	swait.ge [sflag:s23], $0x800  }
0x2f: {  	[sflag:s23] =	ssyncset.done $0x0  }
0x30: {  	s31 =	simm.s32 $0x0;
	[sflag:s23] =	ssyncadd.s32 $0xFFFFF800  }
0x31: {  	s0 =	simm.s32 $0x7920;
	v1 =	vld [tilespmem:s31+$0x5140]  }
0x32: {  	v2 =	vld [tilespmem:s0+$0xFFFFFFE0];
	_ =	sdelay $0x4  }
0x33: {  	v1 =	vadd.f32 v1, v2;
	_ =	sdelay $0x1  }
0x34: {  	v2 =	vmul.f32 $2.000000030e-01, v1;
	_ =	sdelay $0x1  }
0x35: {  	v1 =	vmax.f32 v1, v2  }
0x36: {  	v1 =	vmul.f32 $1.442695020e+00, v1;
	_ =	sdelay $0x1  }
0x37: {  	(erf) = vpow2.f32 v1;
	_ =	sdelay $0x6  }
0x38: {  	v1 =	vld [tilespmem:s31+$0x5110]  }
0x39: {  	v2 =	vld [tilespmem:s31+$0x5100]  }
0x3a: {  	v3 =	vld [tilespmem:s31+$0x5130];
	v4 =	vpop (erf)  }
0x3b: {  	v5 =	vld [tilespmem:s31+$0x5120];
	v6 =	vperm.xlane v4, v0;
	_ =	sdelay $0x1  }
0x3c: {  	v1 =	vmul.f32 v1, v6  }
0x3d: {  	[tilespmem:s31+$0xE140] =	vst v4;
	v2 =	vmul.f32 v2, v6  }
0x3e: {  	v3 =	vmul.f32 v3, v6;
	[tilespmem:s31+$0xE110] =	vst v1  }
0x3f: {  	v1 =	vmul.f32 v5, v6;
	[tilespmem:s31+$0xE100] =	vst v2  }
0x40: {  	[tilespmem:s31+$0xE130] =	vst v3  }
0x41: {  	[tilespmem:s31+$0xE120] =	vst v1;
	v1 =	vld [tilespmem:s31+$0x5190]  }
0x42: {  	v2 =	vld [tilespmem:s0+$0xFFFFFFF0];
	_ =	sdelay $0x4  }
0x43: {  	v1 =	vadd.f32 v1, v2;
	_ =	sdelay $0x1  }
0x44: {  	v2 =	vmul.f32 $2.000000030e-01, v1;
	_ =	sdelay $0x1  }
0x45: {  	v1 =	vmax.f32 v1, v2  }
0x46: {  	v1 =	vmul.f32 $1.442695020e+00, v1;
	_ =	sdelay $0x1  }
0x47: {  	(erf) = vpow2.f32 v1;
	_ =	sdelay $0x6  }
0x48: {  	v1 =	vld [tilespmem:s31+$0x5150]  }
0x49: {  	v2 =	vld [tilespmem:s31+$0x5180]  }
0x4a: {  	v3 =	vld [tilespmem:s31+$0x5160];
	v58 =	vpop (erf)  }
0x4b: {  	v59 =	vld [tilespmem:s31+$0x5170];
	v60 =	vperm.xlane v58, v0;
	_ =	sdelay $0x1  }
0x4c: {  	v1 =	vmul.f32 v1, v60  }
0x4d: {  	[tilespmem:s31+$0xE190] =	vst v58;
	v2 =	vmul.f32 v2, v60  }
0x4e: {  	v3 =	vmul.f32 v3, v60;
	[tilespmem:s31+$0xE150] =	vst v1  }
0x4f: {  	v1 =	vmul.f32 v59, v60;
	[tilespmem:s31+$0xE180] =	vst v2  }
0x50: {  	[tilespmem:s31+$0xE160] =	vst v3  }
0x51: {  	[tilespmem:s31+$0xE170] =	vst v1;
	v1 =	vld [tilespmem:s31+$0x51E0]  }
0x52: {  	v2 =	vld [tilespmem:s0+$0x0];
	_ =	sdelay $0x4  }
0x53: {  	v1 =	vadd.f32 v1, v2;
	_ =	sdelay $0x1  }
0x54: {  	v2 =	vmul.f32 $2.000000030e-01, v1;
	_ =	sdelay $0x1  }
0x55: {  	v1 =	vmax.f32 v1, v2  }
0x56: {  	v1 =	vmul.f32 $1.442695020e+00, v1;
	_ =	sdelay $0x1  }
0x57: {  	(erf) = vpow2.f32 v1;
	_ =	sdelay $0x6  }
0x58: {  	v1 =	vld [tilespmem:s31+$0x51A0]  }
0x59: {  	v2 =	vld [tilespmem:s31+$0x51C0]  }
0x5a: {  	v3 =	vld [tilespmem:s31+$0x51D0];
	v61 =	vpop (erf)  }
0x5b: {  	v62 =	vld [tilespmem:s31+$0x51B0];
	v63 =	vperm.xlane v61, v0;
	_ =	sdelay $0x1  }
0x5c: {  	v1 =	vmul.f32 v1, v63  }
0x5d: {  	[tilespmem:s31+$0xE1E0] =	vst v61;
	v2 =	vmul.f32 v2, v63  }
0x5e: {  	v3 =	vmul.f32 v3, v63;
	[tilespmem:s31+$0xE1A0] =	vst v1  }
0x5f: {  	v1 =	vmul.f32 v62, v63;
	[tilespmem:s31+$0xE1C0] =	vst v2  }
0x60: {  	[tilespmem:s31+$0xE1D0] =	vst v3  }
0x61: {  	[tilespmem:s31+$0xE1B0] =	vst v1;
	v1 =	vld [tilespmem:s31+$0x5230]  }
0x62: {  	v2 =	vld [tilespmem:s0+$0x10];
	_ =	sdelay $0x4  }
0x63: {  	v1 =	vadd.f32 v1, v2;
	_ =	sdelay $0x1  }
0x64: {  	v2 =	vmul.f32 $2.000000030e-01, v1;
	_ =	sdelay $0x1  }
0x65: {  	v1 =	vmax.f32 v1, v2  }
0x66: {  	v1 =	vmul.f32 $1.442695020e+00, v1;
	_ =	sdelay $0x1  }
0x67: {  	s2 =	simm.s32 $0x500;
	(erf) = vpow2.f32 v1  }
.LBB2_3:
0x68: {  	_ =	sdelay $0x1  }
0x69: {  	p0 =	sne.s32 s2, $0x9B00  }
0x6a: {  	s0 =	sadd.s32 $0x40, s0;
	s16 =	smov.u32 s2;
	s2 =	sadd.s32 $0x500, s2  }
0x6b: {  	v1 =	vld [tilespmem:s31+$0x5220]  }
0x6c: {  	v2 =	vld [tilespmem:s31+$0x5200]  }
0x6d: {  	v3 =	vld [tilespmem:s31+$0x51F0]  }
0x6e: {  	v4 =	vld [tilespmem:s31+$0x5210]  }
0x6f: {  	v5 =	vpop (erf)  }
0x70: {  	v6 =	vperm.xlane v5, v0;
	[tilespmem:s31+$0xE230] =	vst v5;
	_ =	sdelay $0x1  }
0x71: {  	v3 =	vmul.f32 v3, v6;
	v2 =	vmul.f32 v2, v6  }
0x72: {  	v4 =	vmul.f32 v4, v6;
	v1 =	vmul.f32 v1, v6  }
0x73: {  	[tilespmem:s31+$0xE1F0] =	vst v3  }
0x74: {  	[tilespmem:s31+$0xE200] =	vst v2  }
0x75: {  	s16 =	sshra.s32 s16, $0x2;
	[tilespmem:s31+$0xE220] =	vst v1  }
0x76: {  	v1 =	vld [tilespmem:s16+$0x5140];
	[tilespmem:s31+$0xE210] =	vst v4;
	s31 =	smov.u32 s16  }
0x77: {  	v2 =	vld [tilespmem:s0+$0xFFFFFFE0];
	_ =	sdelay $0x4  }
0x78: {  	v1 =	vadd.f32 v1, v2;
	_ =	sdelay $0x1  }
0x79: {  	v2 =	vmul.f32 $2.000000030e-01, v1;
	_ =	sdelay $0x1  }
0x7a: {  	v1 =	vmax.f32 v1, v2  }
0x7b: {  	v1 =	vmul.f32 $1.442695020e+00, v1;
	_ =	sdelay $0x1  }
0x7c: {  	(erf) = vpow2.f32 v1;
	_ =	sdelay $0x4  }
0x7d: {  	v1 =	vld [tilespmem:s31+$0x5130]  }
0x7e: {  	v2 =	vld [tilespmem:s31+$0x5110]  }
0x7f: {  	v3 =	vld [tilespmem:s31+$0x5100]  }
0x80: {  	v4 =	vld [tilespmem:s31+$0x5120]  }
0x81: {  	v5 =	vpop (erf)  }
0x82: {  	v6 =	vperm.xlane v5, v0;
	_ =	sdelay $0x1  }
0x83: {  	v3 =	vmul.f32 v3, v6;
	v2 =	vmul.f32 v2, v6  }
0x84: {  	v1 =	vmul.f32 v1, v6;
	v4 =	vmul.f32 v4, v6;
	[tilespmem:s31+$0xE140] =	vst v5  }
0x85: {  	[tilespmem:s31+$0xE110] =	vst v2  }
0x86: {  	[tilespmem:s31+$0xE100] =	vst v3  }
0x87: {  	[tilespmem:s31+$0xE130] =	vst v1  }
0x88: {  	[tilespmem:s31+$0xE120] =	vst v4;
	v1 =	vld [tilespmem:s31+$0x5190]  }
0x89: {  	v2 =	vld [tilespmem:s0+$0xFFFFFFF0];
	_ =	sdelay $0x4  }
0x8a: {  	v1 =	vadd.f32 v1, v2;
	_ =	sdelay $0x1  }
0x8b: {  	v2 =	vmul.f32 $2.000000030e-01, v1;
	_ =	sdelay $0x1  }
0x8c: {  	v1 =	vmax.f32 v1, v2  }
0x8d: {  	v1 =	vmul.f32 $1.442695020e+00, v1;
	_ =	sdelay $0x1  }
0x8e: {  	(erf) = vpow2.f32 v1;
	_ =	sdelay $0x4  }
0x8f: {  	v1 =	vld [tilespmem:s31+$0x5180]  }
0x90: {  	v2 =	vld [tilespmem:s31+$0x5160]  }
0x91: {  	v3 =	vld [tilespmem:s31+$0x5150]  }
0x92: {  	v4 =	vld [tilespmem:s31+$0x5170]  }
0x93: {  	v5 =	vpop (erf)  }
0x94: {  	v6 =	vperm.xlane v5, v0;
	[tilespmem:s31+$0xE190] =	vst v5;
	_ =	sdelay $0x1  }
0x95: {  	v3 =	vmul.f32 v3, v6;
	v2 =	vmul.f32 v2, v6  }
0x96: {  	v1 =	vmul.f32 v1, v6;
	v4 =	vmul.f32 v4, v6  }
0x97: {  	[tilespmem:s31+$0xE150] =	vst v3  }
0x98: {  	[tilespmem:s31+$0xE180] =	vst v1  }
0x99: {  	[tilespmem:s31+$0xE160] =	vst v2  }
0x9a: {  	[tilespmem:s31+$0xE170] =	vst v4;
	v1 =	vld [tilespmem:s31+$0x51E0]  }
0x9b: {  	v2 =	vld [tilespmem:s0+$0x0];
	_ =	sdelay $0x4  }
0x9c: {  	v1 =	vadd.f32 v1, v2;
	_ =	sdelay $0x1  }
0x9d: {  	v2 =	vmul.f32 $2.000000030e-01, v1;
	_ =	sdelay $0x1  }
0x9e: {  	v1 =	vmax.f32 v1, v2  }
0x9f: {  	v1 =	vmul.f32 $1.442695020e+00, v1;
	_ =	sdelay $0x1  }
0xa0: {  	(erf) = vpow2.f32 v1;
	_ =	sdelay $0x4  }
0xa1: {  	v1 =	vld [tilespmem:s31+$0x51D0]  }
0xa2: {  	v2 =	vld [tilespmem:s31+$0x51B0]  }
0xa3: {  	v3 =	vld [tilespmem:s31+$0x51A0]  }
0xa4: {  	v4 =	vld [tilespmem:s31+$0x51C0]  }
0xa5: {  	v5 =	vpop (erf)  }
0xa6: {  	v6 =	vperm.xlane v5, v0;
	[tilespmem:s31+$0xE1E0] =	vst v5;
	_ =	sdelay $0x1  }
0xa7: {  	v3 =	vmul.f32 v3, v6;
	v2 =	vmul.f32 v2, v6  }
0xa8: {  	v1 =	vmul.f32 v1, v6;
	v4 =	vmul.f32 v4, v6  }
0xa9: {  	[tilespmem:s31+$0xE1A0] =	vst v3  }
0xaa: {  	[tilespmem:s31+$0xE1C0] =	vst v4  }
0xab: {  	[tilespmem:s31+$0xE1D0] =	vst v1  }
0xac: {  	[tilespmem:s31+$0xE1B0] =	vst v2;
	v1 =	vld [tilespmem:s31+$0x5230]  }
0xad: {  	v2 =	vld [tilespmem:s0+$0x10];
	_ =	sdelay $0x4  }
0xae: {  	v1 =	vadd.f32 v1, v2;
	_ =	sdelay $0x1  }
0xaf: {  	v2 =	vmul.f32 $2.000000030e-01, v1  }
.Ltmp0:
0xb0: {  	(pc) =	sbr.rel @p0 .LBB2_3-.Ltmp0, $3  }
0xb1: {  	v1 =	vmax.f32 v1, v2  }
0xb2: {  	v1 =	vmul.f32 $1.442695020e+00, v1;
	_ =	sdelay $0x1  }
0xb3: {  	(erf) = vpow2.f32 v1  }
0xb4: {  	_ =	sdelay $0x5  }
0xb5: {  	v1 =	vld [tilespmem:s31+$0x51F0]  }
0xb6: {  	v2 =	vld [tilespmem:s31+$0x5200]  }
0xb7: {  	v3 =	vld [tilespmem:s31+$0x5220];
	v4 =	vpop (erf)  }
0xb8: {  	v5 =	vld [tilespmem:s31+$0x5210];
	v6 =	vperm.xlane v4, v0;
	_ =	sdelay $0x1  }
0xb9: {  	v1 =	vmul.f32 v1, v6  }
0xba: {  	[tilespmem:s31+$0xE230] =	vst v4;
	v2 =	vmul.f32 v2, v6  }
0xbb: {  	s0 =	smul.u32 $0x600, s29;
	v3 =	vmul.f32 v3, v6;
	[tilespmem:s31+$0xE1F0] =	vst v1  }
0xbc: {  	v1 =	vmul.f32 v5, v6;
	[tilespmem:s31+$0xE200] =	vst v2  }
0xbd: {  	s2 =	sshra.s32 s0, $0x2;
	[tilespmem:s31+$0xE220] =	vst v3  }
0xbe: {  	p0 =	seq.s32 s29, $0x1A;
	s0 =	sadd.s32 $0x2880, s2;
	[tilespmem:s31+$0xE210] =	vst v1  }
0xbf: {  	[spmem:s3] =	stream.indirect.scatter.add.f32 [tilespmem:s24], [sflag:$0x4], $0x50, s0, s15, $0xb8;
	[tilespmem:$0x1CD40] =	vst v63  }
0xc0: {  	s31 =	smul.u32 @!p0 $0x180, s29;
	_ =	swait.ge [sflag:s13], $0x2800  }
0xc1: {  	s16 =	simm.s32 @!p0 $0x80;
	[sflag:s13] =	ssyncset.done $0x0  }
0xc2: {  	s17 =	simm.s32 @!p0 $0x5100;
	s0 =	sadd.s32 @!p0 $0x180, s31;
	[sflag:s13] =	ssyncadd.s32 $0xFFFFD800  }
0xc3: {  	[tilespmem:s17], [sflag:$0x1] =	stream.indirect.gather @!p0 [hbm4b:s1+s16], $0x50, s0, s16, $0xb8;
	[tilespmem:$0x1CD40] =	vst v63  }
0xc4: {  	s0 =	sadd.s32 @!p0 $0x2A00, s31;
	s17 =	simm.s32 @!p0 $0x7900  }
0xc5: {  	[tilespmem:s17], [sflag:$0x1] =	stream.indirect.gather @!p0 [hbm4b:s5+s16], $0x10, s0, s16, $0xb8;
	[tilespmem:$0x1CD40] =	vst v63  }
0xc6: {  	_ =	swait.ge [sflag:s25], $0x2800  }
0xc7: {  	[sflag:s25] =	ssyncset.done $0x0  }
0xc8: {  	[sflag:s25] =	ssyncadd.s32 $0xFFFFD800  }
0xc9: {  	_ =	swait.ge [sflag:s25], $0x800  }
0xca: {  	[sflag:s25] =	ssyncset.done $0x0  }
0xcb: {  	s0 =	simm.s32 $0x0;
	[sflag:s25] =	ssyncadd.s32 $0xFFFFF800  }
0xcc: {  	s16 =	simm.s32 $0xA920;
	v1 =	vld [tilespmem:s0+$0x8140]  }
0xcd: {  	v2 =	vld [tilespmem:s16+$0xFFFFFFE0];
	_ =	sdelay $0x4  }
0xce: {  	v1 =	vadd.f32 v1, v2;
	_ =	sdelay $0x1  }
0xcf: {  	v2 =	vmul.f32 $2.000000030e-01, v1;
	_ =	sdelay $0x1  }
0xd0: {  	v1 =	vmax.f32 v1, v2  }
0xd1: {  	v1 =	vmul.f32 $1.442695020e+00, v1;
	_ =	sdelay $0x1  }
0xd2: {  	(erf) = vpow2.f32 v1;
	_ =	sdelay $0x6  }
0xd3: {  	v1 =	vld [tilespmem:s0+$0x8110]  }
0xd4: {  	v2 =	vld [tilespmem:s0+$0x8100]  }
0xd5: {  	v3 =	vld [tilespmem:s0+$0x8130];
	v55 =	vpop (erf)  }
0xd6: {  	v56 =	vld [tilespmem:s0+$0x8120];
	v57 =	vperm.xlane v55, v0;
	_ =	sdelay $0x1  }
0xd7: {  	v1 =	vmul.f32 v1, v57  }
0xd8: {  	[tilespmem:s0+$0xE140] =	vst v55;
	v2 =	vmul.f32 v2, v57  }
0xd9: {  	v3 =	vmul.f32 v3, v57;
	[tilespmem:s0+$0xE110] =	vst v1  }
0xda: {  	v1 =	vmul.f32 v56, v57;
	[tilespmem:s0+$0xE100] =	vst v2  }
0xdb: {  	[tilespmem:s0+$0xE130] =	vst v3  }
0xdc: {  	[tilespmem:s0+$0xE120] =	vst v1;
	v1 =	vld [tilespmem:s0+$0x8190]  }
0xdd: {  	v2 =	vld [tilespmem:s16+$0xFFFFFFF0];
	_ =	sdelay $0x4  }
0xde: {  	v1 =	vadd.f32 v1, v2;
	_ =	sdelay $0x1  }
0xdf: {  	v2 =	vmul.f32 $2.000000030e-01, v1;
	_ =	sdelay $0x1  }
0xe0: {  	v1 =	vmax.f32 v1, v2  }
0xe1: {  	v1 =	vmul.f32 $1.442695020e+00, v1;
	_ =	sdelay $0x1  }
0xe2: {  	(erf) = vpow2.f32 v1;
	_ =	sdelay $0x6  }
0xe3: {  	v1 =	vld [tilespmem:s0+$0x8150]  }
0xe4: {  	v2 =	vld [tilespmem:s0+$0x8180]  }
0xe5: {  	v3 =	vld [tilespmem:s0+$0x8160];
	v58 =	vpop (erf)  }
0xe6: {  	v59 =	vld [tilespmem:s0+$0x8170];
	v60 =	vperm.xlane v58, v0;
	_ =	sdelay $0x1  }
0xe7: {  	v1 =	vmul.f32 v1, v60  }
0xe8: {  	[tilespmem:s0+$0xE190] =	vst v58;
	v2 =	vmul.f32 v2, v60  }
0xe9: {  	v3 =	vmul.f32 v3, v60;
	[tilespmem:s0+$0xE150] =	vst v1  }
0xea: {  	v1 =	vmul.f32 v59, v60;
	[tilespmem:s0+$0xE180] =	vst v2  }
0xeb: {  	[tilespmem:s0+$0xE160] =	vst v3  }
0xec: {  	[tilespmem:s0+$0xE170] =	vst v1;
	v1 =	vld [tilespmem:s0+$0x81E0]  }
0xed: {  	v2 =	vld [tilespmem:s16+$0x0];
	_ =	sdelay $0x4  }
0xee: {  	v1 =	vadd.f32 v1, v2;
	_ =	sdelay $0x1  }
0xef: {  	v2 =	vmul.f32 $2.000000030e-01, v1;
	_ =	sdelay $0x1  }
0xf0: {  	v1 =	vmax.f32 v1, v2  }
0xf1: {  	v1 =	vmul.f32 $1.442695020e+00, v1;
	_ =	sdelay $0x1  }
0xf2: {  	(erf) = vpow2.f32 v1;
	_ =	sdelay $0x6  }
0xf3: {  	v1 =	vld [tilespmem:s0+$0x81A0]  }
0xf4: {  	v2 =	vld [tilespmem:s0+$0x81C0]  }
0xf5: {  	v3 =	vld [tilespmem:s0+$0x81D0];
	v61 =	vpop (erf)  }
0xf6: {  	v62 =	vld [tilespmem:s0+$0x81B0];
	v63 =	vperm.xlane v61, v0;
	_ =	sdelay $0x1  }
0xf7: {  	v1 =	vmul.f32 v1, v63  }
0xf8: {  	[tilespmem:s0+$0xE1E0] =	vst v61;
	v2 =	vmul.f32 v2, v63  }
0xf9: {  	v3 =	vmul.f32 v3, v63;
	[tilespmem:s0+$0xE1A0] =	vst v1  }
0xfa: {  	v1 =	vmul.f32 v62, v63;
	[tilespmem:s0+$0xE1C0] =	vst v2  }
0xfb: {  	[tilespmem:s0+$0xE1D0] =	vst v3  }
0xfc: {  	[tilespmem:s0+$0xE1B0] =	vst v1;
	v1 =	vld [tilespmem:s0+$0x8230]  }
0xfd: {  	v2 =	vld [tilespmem:s16+$0x10];
	_ =	sdelay $0x4  }
0xfe: {  	v1 =	vadd.f32 v1, v2;
	_ =	sdelay $0x1  }
0xff: {  	v2 =	vmul.f32 $2.000000030e-01, v1;
	_ =	sdelay $0x1  }
0x100: {  	v1 =	vmax.f32 v1, v2  }
0x101: {  	v1 =	vmul.f32 $1.442695020e+00, v1;
	_ =	sdelay $0x1  }
0x102: {  	s17 =	simm.s32 $0x500;
	(erf) = vpow2.f32 v1  }
.LBB2_5:
0x103: {  	_ =	sdelay $0x1  }
0x104: {  	p1 =	sne.s32 s17, $0x9B00  }
0x105: {  	s16 =	sadd.s32 $0x40, s16;
	s18 =	smov.u32 s17;
	s17 =	sadd.s32 $0x500, s17  }
0x106: {  	v1 =	vld [tilespmem:s0+$0x8220]  }
0x107: {  	v2 =	vld [tilespmem:s0+$0x8200]  }
0x108: {  	v3 =	vld [tilespmem:s0+$0x81F0]  }
0x109: {  	v4 =	vld [tilespmem:s0+$0x8210]  }
0x10a: {  	v5 =	vpop (erf)  }
0x10b: {  	v6 =	vperm.xlane v5, v0;
	[tilespmem:s0+$0xE230] =	vst v5;
	_ =	sdelay $0x1  }
0x10c: {  	v3 =	vmul.f32 v3, v6;
	v2 =	vmul.f32 v2, v6  }
0x10d: {  	v4 =	vmul.f32 v4, v6;
	v1 =	vmul.f32 v1, v6  }
0x10e: {  	[tilespmem:s0+$0xE1F0] =	vst v3  }
0x10f: {  	[tilespmem:s0+$0xE200] =	vst v2  }
0x110: {  	s18 =	sshra.s32 s18, $0x2;
	[tilespmem:s0+$0xE220] =	vst v1  }
0x111: {  	v1 =	vld [tilespmem:s18+$0x8140];
	[tilespmem:s0+$0xE210] =	vst v4;
	s0 =	smov.u32 s18  }
0x112: {  	v2 =	vld [tilespmem:s16+$0xFFFFFFE0];
	_ =	sdelay $0x4  }
0x113: {  	v1 =	vadd.f32 v1, v2;
	_ =	sdelay $0x1  }
0x114: {  	v2 =	vmul.f32 $2.000000030e-01, v1;
	_ =	sdelay $0x1  }
0x115: {  	v1 =	vmax.f32 v1, v2  }
0x116: {  	v1 =	vmul.f32 $1.442695020e+00, v1;
	_ =	sdelay $0x1  }
0x117: {  	(erf) = vpow2.f32 v1;
	_ =	sdelay $0x4  }
0x118: {  	v1 =	vld [tilespmem:s0+$0x8130]  }
0x119: {  	v2 =	vld [tilespmem:s0+$0x8110]  }
0x11a: {  	v3 =	vld [tilespmem:s0+$0x8100]  }
0x11b: {  	v4 =	vld [tilespmem:s0+$0x8120]  }
0x11c: {  	v5 =	vpop (erf)  }
0x11d: {  	v6 =	vperm.xlane v5, v0;
	_ =	sdelay $0x1  }
0x11e: {  	v3 =	vmul.f32 v3, v6;
	v2 =	vmul.f32 v2, v6  }
0x11f: {  	v1 =	vmul.f32 v1, v6;
	v4 =	vmul.f32 v4, v6;
	[tilespmem:s0+$0xE140] =	vst v5  }
0x120: {  	[tilespmem:s0+$0xE110] =	vst v2  }
0x121: {  	[tilespmem:s0+$0xE100] =	vst v3  }
0x122: {  	[tilespmem:s0+$0xE130] =	vst v1  }
0x123: {  	[tilespmem:s0+$0xE120] =	vst v4;
	v1 =	vld [tilespmem:s0+$0x8190]  }
0x124: {  	v2 =	vld [tilespmem:s16+$0xFFFFFFF0];
	_ =	sdelay $0x4  }
0x125: {  	v1 =	vadd.f32 v1, v2;
	_ =	sdelay $0x1  }
0x126: {  	v2 =	vmul.f32 $2.000000030e-01, v1;
	_ =	sdelay $0x1  }
0x127: {  	v1 =	vmax.f32 v1, v2  }
0x128: {  	v1 =	vmul.f32 $1.442695020e+00, v1;
	_ =	sdelay $0x1  }
0x129: {  	(erf) = vpow2.f32 v1;
	_ =	sdelay $0x4  }
0x12a: {  	v1 =	vld [tilespmem:s0+$0x8180]  }
0x12b: {  	v2 =	vld [tilespmem:s0+$0x8160]  }
0x12c: {  	v3 =	vld [tilespmem:s0+$0x8150]  }
0x12d: {  	v4 =	vld [tilespmem:s0+$0x8170]  }
0x12e: {  	v5 =	vpop (erf)  }
0x12f: {  	v6 =	vperm.xlane v5, v0;
	[tilespmem:s0+$0xE190] =	vst v5;
	_ =	sdelay $0x1  }
0x130: {  	v3 =	vmul.f32 v3, v6;
	v2 =	vmul.f32 v2, v6  }
0x131: {  	v1 =	vmul.f32 v1, v6;
	v4 =	vmul.f32 v4, v6  }
0x132: {  	[tilespmem:s0+$0xE150] =	vst v3  }
0x133: {  	[tilespmem:s0+$0xE180] =	vst v1  }
0x134: {  	[tilespmem:s0+$0xE160] =	vst v2  }
0x135: {  	[tilespmem:s0+$0xE170] =	vst v4;
	v1 =	vld [tilespmem:s0+$0x81E0]  }
0x136: {  	v2 =	vld [tilespmem:s16+$0x0];
	_ =	sdelay $0x4  }
0x137: {  	v1 =	vadd.f32 v1, v2;
	_ =	sdelay $0x1  }
0x138: {  	v2 =	vmul.f32 $2.000000030e-01, v1;
	_ =	sdelay $0x1  }
0x139: {  	v1 =	vmax.f32 v1, v2  }
0x13a: {  	v1 =	vmul.f32 $1.442695020e+00, v1;
	_ =	sdelay $0x1  }
0x13b: {  	(erf) = vpow2.f32 v1;
	_ =	sdelay $0x4  }
0x13c: {  	v1 =	vld [tilespmem:s0+$0x81D0]  }
0x13d: {  	v2 =	vld [tilespmem:s0+$0x81B0]  }
0x13e: {  	v3 =	vld [tilespmem:s0+$0x81A0]  }
0x13f: {  	v4 =	vld [tilespmem:s0+$0x81C0]  }
0x140: {  	v5 =	vpop (erf)  }
0x141: {  	v6 =	vperm.xlane v5, v0;
	[tilespmem:s0+$0xE1E0] =	vst v5;
	_ =	sdelay $0x1  }
0x142: {  	v3 =	vmul.f32 v3, v6;
	v2 =	vmul.f32 v2, v6  }
0x143: {  	v1 =	vmul.f32 v1, v6;
	v4 =	vmul.f32 v4, v6  }
0x144: {  	[tilespmem:s0+$0xE1A0] =	vst v3  }
0x145: {  	[tilespmem:s0+$0xE1C0] =	vst v4  }
0x146: {  	[tilespmem:s0+$0xE1D0] =	vst v1  }
0x147: {  	[tilespmem:s0+$0xE1B0] =	vst v2;
	v1 =	vld [tilespmem:s0+$0x8230]  }
0x148: {  	v2 =	vld [tilespmem:s16+$0x10];
	_ =	sdelay $0x4  }
0x149: {  	v1 =	vadd.f32 v1, v2;
	_ =	sdelay $0x1  }
0x14a: {  	v2 =	vmul.f32 $2.000000030e-01, v1  }
.Ltmp1:
0x14b: {  	(pc) =	sbr.rel @p1 .LBB2_5-.Ltmp1, $3  }
0x14c: {  	v1 =	vmax.f32 v1, v2  }
0x14d: {  	v1 =	vmul.f32 $1.442695020e+00, v1;
	_ =	sdelay $0x1  }
0x14e: {  	(erf) = vpow2.f32 v1  }
0x14f: {  	_ =	sdelay $0x5  }
0x150: {  	v1 =	vld [tilespmem:s0+$0x81F0]  }
0x151: {  	v2 =	vld [tilespmem:s0+$0x8200]  }
0x152: {  	v3 =	vld [tilespmem:s0+$0x8220];
	v4 =	vpop (erf)  }
0x153: {  	v5 =	vld [tilespmem:s0+$0x8210];
	v6 =	vperm.xlane v4, v0;
	_ =	sdelay $0x1  }
0x154: {  	v1 =	vmul.f32 v1, v6  }
0x155: {  	[tilespmem:s0+$0xE230] =	vst v4;
	v2 =	vmul.f32 v2, v6  }
0x156: {  	v3 =	vmul.f32 v3, v6;
	[tilespmem:s0+$0xE1F0] =	vst v1  }
0x157: {  	v1 =	vmul.f32 v5, v6;
	[tilespmem:s0+$0xE200] =	vst v2  }
0x158: {  	[tilespmem:s0+$0xE220] =	vst v3  }
0x159: {  	s18 =	sadd.s32 $0x2900, s2;
	[tilespmem:s0+$0xE210] =	vst v1  }
0x15a: {  	[spmem:s3] =	stream.indirect.scatter.add.f32 [tilespmem:s24], [sflag:$0x4], $0x50, s18, s15, $0xb8;
	[tilespmem:$0x1CD40] =	vst v63  }
0x15b: {  	_ =	swait.ge [sflag:s13], $0x2800  }
0x15c: {  	s2 =	simm.s32 @!p0 $0x80;
	[sflag:s13] =	ssyncset.done $0x0  }
0x15d: {  	s16 =	simm.s32 @!p0 $0x8100;
	s0 =	sadd.s32 @!p0 $0x200, s31;
	[sflag:s13] =	ssyncadd.s32 $0xFFFFD800  }
0x15e: {  	[tilespmem:s16], [sflag:$0x2] =	stream.indirect.gather @!p0 [hbm4b:s1+s2], $0x50, s0, s2, $0xb8;
	[tilespmem:$0x1CD40] =	vst v63  }
0x15f: {  	s0 =	sadd.s32 @!p0 $0x2A80, s31;
	s16 =	simm.s32 @!p0 $0xA900  }
0x160: {  	[tilespmem:s16], [sflag:$0x2] =	stream.indirect.gather @!p0 [hbm4b:s5+s2], $0x10, s0, s2, $0xb8;
	[tilespmem:$0x1CD40] =	vst v63  }
0x161: {  	_ =	swait.ge [sflag:s26], $0x2800  }
0x162: {  	[sflag:s26] =	ssyncset.done $0x0  }
0x163: {  	[sflag:s26] =	ssyncadd.s32 $0xFFFFD800  }
0x164: {  	_ =	swait.ge [sflag:s26], $0x800  }
0x165: {  	[sflag:s26] =	ssyncset.done $0x0  }
0x166: {  	s2 =	simm.s32 $0x0;
	[sflag:s26] =	ssyncadd.s32 $0xFFFFF800  }
0x167: {  	s0 =	simm.s32 $0xD920;
	v1 =	vld [tilespmem:s2+$0xB140]  }
0x168: {  	v2 =	vld [tilespmem:s0+$0xFFFFFFE0];
	_ =	sdelay $0x4  }
0x169: {  	v1 =	vadd.f32 v1, v2;
	_ =	sdelay $0x1  }
0x16a: {  	v2 =	vmul.f32 $2.000000030e-01, v1;
	_ =	sdelay $0x1  }
0x16b: {  	v1 =	vmax.f32 v1, v2  }
0x16c: {  	v1 =	vmul.f32 $1.442695020e+00, v1;
	_ =	sdelay $0x1  }
0x16d: {  	(erf) = vpow2.f32 v1;
	_ =	sdelay $0x6  }
0x16e: {  	v1 =	vld [tilespmem:s2+$0xB110]  }
0x16f: {  	v2 =	vld [tilespmem:s2+$0xB100]  }
0x170: {  	v3 =	vld [tilespmem:s2+$0xB130];
	v55 =	vpop (erf)  }
0x171: {  	v56 =	vld [tilespmem:s2+$0xB120];
	v57 =	vperm.xlane v55, v0;
	_ =	sdelay $0x1  }
0x172: {  	v1 =	vmul.f32 v1, v57  }
0x173: {  	[tilespmem:s2+$0xE140] =	vst v55;
	v2 =	vmul.f32 v2, v57  }
0x174: {  	v3 =	vmul.f32 v3, v57;
	[tilespmem:s2+$0xE110] =	vst v1  }
0x175: {  	v1 =	vmul.f32 v56, v57;
	[tilespmem:s2+$0xE100] =	vst v2  }
0x176: {  	[tilespmem:s2+$0xE130] =	vst v3  }
0x177: {  	[tilespmem:s2+$0xE120] =	vst v1;
	v1 =	vld [tilespmem:s2+$0xB190]  }
0x178: {  	v2 =	vld [tilespmem:s0+$0xFFFFFFF0];
	_ =	sdelay $0x4  }
0x179: {  	v1 =	vadd.f32 v1, v2;
	_ =	sdelay $0x1  }
0x17a: {  	v2 =	vmul.f32 $2.000000030e-01, v1;
	_ =	sdelay $0x1  }
0x17b: {  	v1 =	vmax.f32 v1, v2  }
0x17c: {  	v1 =	vmul.f32 $1.442695020e+00, v1;
	_ =	sdelay $0x1  }
0x17d: {  	(erf) = vpow2.f32 v1;
	_ =	sdelay $0x6  }
0x17e: {  	v1 =	vld [tilespmem:s2+$0xB150]  }
0x17f: {  	v2 =	vld [tilespmem:s2+$0xB180]  }
0x180: {  	v3 =	vld [tilespmem:s2+$0xB160];
	v58 =	vpop (erf)  }
0x181: {  	v59 =	vld [tilespmem:s2+$0xB170];
	v60 =	vperm.xlane v58, v0;
	_ =	sdelay $0x1  }
0x182: {  	v1 =	vmul.f32 v1, v60  }
0x183: {  	[tilespmem:s2+$0xE190] =	vst v58;
	v2 =	vmul.f32 v2, v60  }
0x184: {  	v3 =	vmul.f32 v3, v60;
	[tilespmem:s2+$0xE150] =	vst v1  }
0x185: {  	v1 =	vmul.f32 v59, v60;
	[tilespmem:s2+$0xE180] =	vst v2  }
0x186: {  	[tilespmem:s2+$0xE160] =	vst v3  }
0x187: {  	[tilespmem:s2+$0xE170] =	vst v1;
	v1 =	vld [tilespmem:s2+$0xB1E0]  }
0x188: {  	v2 =	vld [tilespmem:s0+$0x0];
	_ =	sdelay $0x4  }
0x189: {  	v1 =	vadd.f32 v1, v2;
	_ =	sdelay $0x1  }
0x18a: {  	v2 =	vmul.f32 $2.000000030e-01, v1;
	_ =	sdelay $0x1  }
0x18b: {  	v1 =	vmax.f32 v1, v2  }
0x18c: {  	v1 =	vmul.f32 $1.442695020e+00, v1;
	_ =	sdelay $0x1  }
0x18d: {  	(erf) = vpow2.f32 v1;
	_ =	sdelay $0x6  }
0x18e: {  	v1 =	vld [tilespmem:s2+$0xB1A0]  }
0x18f: {  	v2 =	vld [tilespmem:s2+$0xB1C0]  }
0x190: {  	v3 =	vld [tilespmem:s2+$0xB1D0];
	v61 =	vpop (erf)  }
0x191: {  	v62 =	vld [tilespmem:s2+$0xB1B0];
	v63 =	vperm.xlane v61, v0;
	_ =	sdelay $0x1  }
0x192: {  	v1 =	vmul.f32 v1, v63  }
0x193: {  	[tilespmem:s2+$0xE1E0] =	vst v61;
	v2 =	vmul.f32 v2, v63  }
0x194: {  	v3 =	vmul.f32 v3, v63;
	[tilespmem:s2+$0xE1A0] =	vst v1  }
0x195: {  	v1 =	vmul.f32 v62, v63;
	[tilespmem:s2+$0xE1C0] =	vst v2  }
0x196: {  	[tilespmem:s2+$0xE1D0] =	vst v3  }
0x197: {  	[tilespmem:s2+$0xE1B0] =	vst v1;
	v1 =	vld [tilespmem:s2+$0xB230]  }
0x198: {  	v2 =	vld [tilespmem:s0+$0x10];
	_ =	sdelay $0x4  }
0x199: {  	v1 =	vadd.f32 v1, v2;
	_ =	sdelay $0x1  }
0x19a: {  	v2 =	vmul.f32 $2.000000030e-01, v1;
	_ =	sdelay $0x1  }
0x19b: {  	v1 =	vmax.f32 v1, v2  }
0x19c: {  	v1 =	vmul.f32 $1.442695020e+00, v1;
	_ =	sdelay $0x1  }
0x19d: {  	s16 =	simm.s32 $0x500;
	(erf) = vpow2.f32 v1  }
.LBB2_7:
0x19e: {  	_ =	sdelay $0x1  }
0x19f: {  	p0 =	sne.s32 s16, $0x9B00  }
0x1a0: {  	s0 =	sadd.s32 $0x40, s0;
	s17 =	smov.u32 s16;
	s16 =	sadd.s32 $0x500, s16  }
0x1a1: {  	v1 =	vld [tilespmem:s2+$0xB220]  }
0x1a2: {  	v2 =	vld [tilespmem:s2+$0xB200]  }
0x1a3: {  	v3 =	vld [tilespmem:s2+$0xB1F0]  }
0x1a4: {  	v4 =	vld [tilespmem:s2+$0xB210]  }
0x1a5: {  	v5 =	vpop (erf)  }
0x1a6: {  	v6 =	vperm.xlane v5, v0;
	[tilespmem:s2+$0xE230] =	vst v5;
	_ =	sdelay $0x1  }
0x1a7: {  	v3 =	vmul.f32 v3, v6;
	v2 =	vmul.f32 v2, v6  }
0x1a8: {  	v4 =	vmul.f32 v4, v6;
	v1 =	vmul.f32 v1, v6  }
0x1a9: {  	[tilespmem:s2+$0xE1F0] =	vst v3  }
0x1aa: {  	[tilespmem:s2+$0xE200] =	vst v2  }
0x1ab: {  	s17 =	sshra.s32 s17, $0x2;
	[tilespmem:s2+$0xE220] =	vst v1  }
0x1ac: {  	v1 =	vld [tilespmem:s17+$0xB140];
	[tilespmem:s2+$0xE210] =	vst v4;
	s2 =	smov.u32 s17  }
0x1ad: {  	v2 =	vld [tilespmem:s0+$0xFFFFFFE0];
	_ =	sdelay $0x4  }
0x1ae: {  	v1 =	vadd.f32 v1, v2;
	_ =	sdelay $0x1  }
0x1af: {  	v2 =	vmul.f32 $2.000000030e-01, v1;
	_ =	sdelay $0x1  }
0x1b0: {  	v1 =	vmax.f32 v1, v2  }
0x1b1: {  	v1 =	vmul.f32 $1.442695020e+00, v1;
	_ =	sdelay $0x1  }
0x1b2: {  	(erf) = vpow2.f32 v1;
	_ =	sdelay $0x4  }
0x1b3: {  	v1 =	vld [tilespmem:s2+$0xB130]  }
0x1b4: {  	v2 =	vld [tilespmem:s2+$0xB110]  }
0x1b5: {  	v3 =	vld [tilespmem:s2+$0xB100]  }
0x1b6: {  	v4 =	vld [tilespmem:s2+$0xB120]  }
0x1b7: {  	v5 =	vpop (erf)  }
0x1b8: {  	v6 =	vperm.xlane v5, v0;
	_ =	sdelay $0x1  }
0x1b9: {  	v3 =	vmul.f32 v3, v6;
	v2 =	vmul.f32 v2, v6  }
0x1ba: {  	v1 =	vmul.f32 v1, v6;
	v4 =	vmul.f32 v4, v6;
	[tilespmem:s2+$0xE140] =	vst v5  }
0x1bb: {  	[tilespmem:s2+$0xE110] =	vst v2  }
0x1bc: {  	[tilespmem:s2+$0xE100] =	vst v3  }
0x1bd: {  	[tilespmem:s2+$0xE130] =	vst v1  }
0x1be: {  	[tilespmem:s2+$0xE120] =	vst v4;
	v1 =	vld [tilespmem:s2+$0xB190]  }
0x1bf: {  	v2 =	vld [tilespmem:s0+$0xFFFFFFF0];
	_ =	sdelay $0x4  }
0x1c0: {  	v1 =	vadd.f32 v1, v2;
	_ =	sdelay $0x1  }
0x1c1: {  	v2 =	vmul.f32 $2.000000030e-01, v1;
	_ =	sdelay $0x1  }
0x1c2: {  	v1 =	vmax.f32 v1, v2  }
0x1c3: {  	v1 =	vmul.f32 $1.442695020e+00, v1;
	_ =	sdelay $0x1  }
0x1c4: {  	(erf) = vpow2.f32 v1;
	_ =	sdelay $0x4  }
0x1c5: {  	v1 =	vld [tilespmem:s2+$0xB180]  }
0x1c6: {  	v2 =	vld [tilespmem:s2+$0xB160]  }
0x1c7: {  	v3 =	vld [tilespmem:s2+$0xB150]  }
0x1c8: {  	v4 =	vld [tilespmem:s2+$0xB170]  }
0x1c9: {  	v5 =	vpop (erf)  }
0x1ca: {  	v6 =	vperm.xlane v5, v0;
	[tilespmem:s2+$0xE190] =	vst v5;
	_ =	sdelay $0x1  }
0x1cb: {  	v3 =	vmul.f32 v3, v6;
	v2 =	vmul.f32 v2, v6  }
0x1cc: {  	v1 =	vmul.f32 v1, v6;
	v4 =	vmul.f32 v4, v6  }
0x1cd: {  	[tilespmem:s2+$0xE150] =	vst v3  }
0x1ce: {  	[tilespmem:s2+$0xE180] =	vst v1  }
0x1cf: {  	[tilespmem:s2+$0xE160] =	vst v2  }
0x1d0: {  	[tilespmem:s2+$0xE170] =	vst v4;
	v1 =	vld [tilespmem:s2+$0xB1E0]  }
0x1d1: {  	v2 =	vld [tilespmem:s0+$0x0];
	_ =	sdelay $0x4  }
0x1d2: {  	v1 =	vadd.f32 v1, v2;
	_ =	sdelay $0x1  }
0x1d3: {  	v2 =	vmul.f32 $2.000000030e-01, v1;
	_ =	sdelay $0x1  }
0x1d4: {  	v1 =	vmax.f32 v1, v2  }
0x1d5: {  	v1 =	vmul.f32 $1.442695020e+00, v1;
	_ =	sdelay $0x1  }
0x1d6: {  	(erf) = vpow2.f32 v1;
	_ =	sdelay $0x4  }
0x1d7: {  	v1 =	vld [tilespmem:s2+$0xB1D0]  }
0x1d8: {  	v2 =	vld [tilespmem:s2+$0xB1B0]  }
0x1d9: {  	v3 =	vld [tilespmem:s2+$0xB1A0]  }
0x1da: {  	v4 =	vld [tilespmem:s2+$0xB1C0]  }
0x1db: {  	v5 =	vpop (erf)  }
0x1dc: {  	v6 =	vperm.xlane v5, v0;
	[tilespmem:s2+$0xE1E0] =	vst v5;
	_ =	sdelay $0x1  }
0x1dd: {  	v3 =	vmul.f32 v3, v6;
	v2 =	vmul.f32 v2, v6  }
0x1de: {  	v1 =	vmul.f32 v1, v6;
	v4 =	vmul.f32 v4, v6  }
0x1df: {  	[tilespmem:s2+$0xE1A0] =	vst v3  }
0x1e0: {  	[tilespmem:s2+$0xE1C0] =	vst v4  }
0x1e1: {  	[tilespmem:s2+$0xE1D0] =	vst v1  }
0x1e2: {  	[tilespmem:s2+$0xE1B0] =	vst v2;
	v1 =	vld [tilespmem:s2+$0xB230]  }
0x1e3: {  	v2 =	vld [tilespmem:s0+$0x10];
	_ =	sdelay $0x4  }
0x1e4: {  	v1 =	vadd.f32 v1, v2;
	_ =	sdelay $0x1  }
0x1e5: {  	v2 =	vmul.f32 $2.000000030e-01, v1  }
.Ltmp2:
0x1e6: {  	(pc) =	sbr.rel @p0 .LBB2_7-.Ltmp2, $3  }
0x1e7: {  	v1 =	vmax.f32 v1, v2  }
0x1e8: {  	v1 =	vmul.f32 $1.442695020e+00, v1;
	_ =	sdelay $0x1  }
0x1e9: {  	(erf) = vpow2.f32 v1  }
0x1ea: {  	_ =	sdelay $0x5  }
0x1eb: {  	v1 =	vld [tilespmem:s2+$0xB1F0]  }
0x1ec: {  	v2 =	vld [tilespmem:s2+$0xB200]  }
0x1ed: {  	v3 =	vld [tilespmem:s2+$0xB220];
	v4 =	vpop (erf)  }
0x1ee: {  	v5 =	vld [tilespmem:s2+$0xB210];
	v6 =	vperm.xlane v4, v0;
	_ =	sdelay $0x1  }
0x1ef: {  	v1 =	vmul.f32 v1, v6  }
0x1f0: {  	[tilespmem:s2+$0xE230] =	vst v4;
	v2 =	vmul.f32 v2, v6  }
0x1f1: {  	v3 =	vmul.f32 v3, v6;
	[tilespmem:s2+$0xE1F0] =	vst v1  }
0x1f2: {  	s29 =	sadd.s32 $0x1, s29;
	v1 =	vmul.f32 v5, v6;
	[tilespmem:s2+$0xE200] =	vst v2  }
0x1f3: {  	s0 =	sand.u32 $0x3FFFFF80, s30;
	p0 =	sne.s32 s29, $0x1B;
	[tilespmem:s2+$0xE220] =	vst v3  }
.Ltmp3:
0x1f4: {  	s0 =	sadd.s32 $0x2880, s0;
	[tilespmem:s2+$0xE210] =	vst v1;
	(pc) =	sbr.rel @p0 .LBB2_2-.Ltmp3, $4  }
0x1f5: {  	[spmem:s3] =	stream.indirect.scatter.add.f32 [tilespmem:s24], [sflag:$0x4], $0x50, s0, s15, $0xb8;
	[tilespmem:$0x1CD40] =	vst v63  }
0x1f6: {  	_ =	swait.ge [sflag:s13], $0x2800  }
0x1f7: {  	[sflag:s13] =	ssyncset.done $0x0  }
0x1f8: {  	[sflag:s13] =	ssyncadd.s32 $0xFFFFD800  }
0x1f9: {  	s28 =	sadd.s32 $0x1, s28  }
0x1fa: {  	p0 =	sne.s32 s28, s11  }
.Ltmp4:
0x1fb: {  	[bflag:$0x0] =	sbarrier.arrive $0xFFFF;
	(pc) =	sbr.rel @p0 .LBB2_1-.Ltmp4, $4  }
0x1fc: {  	[hbm:s10], [sflag:s7] =	dma.local [spmem:s12], $0x1888  }
0x1fd: {  	_ =	swait.ge [sflag:s13], $0x1888  }
0x1fe: {  	[sflag:s13] =	ssyncset.done $0x0  }
0x1ff: {  	[sflag:s13] =	ssyncadd.s32 $0xFFFFE778  }
0x200: {  	_ =	sfence.sel $0x180000  }
0x201: {  	[bflag:$0x0] =	sbarrier.arrive $0xFFFF  }
0x202: {  	_ =	strace $0x90000047  }
0x203: {  	s0 =	stileid.u32;
	[bflag:$0x2] =	sbarrier.arrive $0xFFFF  }
0x204: {  	p0 =	sne.s32 s0, $0x0;
	s0 =	rddreg [dreg:$0x3]  }
0x205: {  	s0 =	sadd.s32 @!p0 $0x100000, s0  }
0x206: {  	[sflag:s0] =	ssyncadd.tile.s32 @!p0 $0x1;
	_ =	shalt  }
.Lfunc_end2:
_tile_overlayer_lowered:
.L_overlay_start_2:
0x207: {  	(tag) =	ssettag $0x2  }
0x208: {  	s0 =	rddreg [dreg:$0x0];
	s2 =	stileid.u32  }
0x209: {  	s1 =	rddreg [dreg:$0x1];
	p0 =	sne.s32 s2, $0x0  }
0x20a: {  	s3 =	rddreg [dreg:$0x2];
	[bflag:$0x3] =	sbarrier.arrive $0xFFFF;
	s2 =	simm.s32 @!p0 $0x1C04  }
0x20b: {  	[timem:s3], [sflag:s2] =	dma.local @!p0 [hbm:s0], s1  }
0x20c: {  	s0 =	simm.s32 @!p0 $0x4  }
0x20d: {  	_ =	swait.ge @!p0 [sflag:s0], s1  }
0x20e: {  	s1 =	ssub.s32 @!p0 $0x0, s1;
	[sflag:s0] =	ssyncset.done @!p0 $0x0  }
0x20f: {  	[sflag:s0] =	ssyncadd.s32 @!p0 s1  }
0x210: {  	[bflag:$0x3] =	sbarrier.arrive $0xFFFF  }
0x211: {  	_ =	shalt  }

</sc_bundles>
